<compile_context>
chip_gen: v7x
topology: tpu7x:2x2x1
jax: 0.10.2.dev20260603
libtpu: 0.0.44.dev20260713+nightly
codegen_flags: <defaults>
</compile_context>

<pallas_src>
import jax
import jax.numpy as jnp
from jax import lax
from jax.experimental import pallas as pl
from jax.experimental.pallas import tpu as pltpu
from jax.experimental.pallas import tpu_sc as plsc

N = 10000
E = 320000
D = 128
NC = 2
NS = 16
NW = NC * NS
S = 2
ES = E // S
CH = 40
CPW = ES // (CH * NW)
G = 5
PC = CPW // G
P = PC // 2
NP = 10112
RPT = NP // NS

_LOG2E = 1.4426950408889634
_LN2 = 0.6931471805599453


def _ssp_fast(v):
    p = jnp.exp2(v * _LOG2E)
    return (jnp.log2(1.0 + p) - 1.0) * _LN2



def _fmlp_body(ea, w1t, b1, w2t, b2, out):
    h = jnp.dot(ea[...].astype(jnp.bfloat16), w1t[...],
                preferred_element_type=jnp.float32) + b1[...]
    h = _ssp_fast(h)
    h = jnp.dot(h.astype(jnp.bfloat16), w2t[...],
                preferred_element_type=jnp.float32) + b2[...]
    out[...] = _ssp_fast(h)


def _xw_body(x, fc1t, out):
    out[...] = jnp.dot(x[...], fc1t[...], preferred_element_type=jnp.float32)


def _state_body(agg2, w1t, w2t, out):
    a = agg2[0] + agg2[1]
    h = _ssp_fast(jnp.dot(a, w1t[...], preferred_element_type=jnp.float32))
    out[...] = jnp.dot(h, w2t[...], preferred_element_type=jnp.float32)


def _filter_mlp_slab(edge_attr, w1t, b1, w2t, b2, slab):
    BE = 2000
    off = slab * (ES // BE)
    return pl.pallas_call(
        _fmlp_body,
        grid=(ES // BE,),
        in_specs=[
            pl.BlockSpec((BE, D), lambda i: (off + i, 0)),
            pl.BlockSpec((D, D), lambda i: (0, 0)),
            pl.BlockSpec((1, D), lambda i: (0, 0)),
            pl.BlockSpec((D, D), lambda i: (0, 0)),
            pl.BlockSpec((1, D), lambda i: (0, 0)),
        ],
        out_specs=pl.BlockSpec((BE, D), lambda i: (i, 0)),
        out_shape=jax.ShapeDtypeStruct((ES, D), jnp.float32),
    )(edge_attr, w1t, b1, w2t, b2)


def _xw(x, fc1t):
    BN = 1000
    return pl.pallas_call(
        _xw_body,
        grid=(N // BN,),
        in_specs=[
            pl.BlockSpec((BN, D), lambda i: (i, 0)),
            pl.BlockSpec((D, D), lambda i: (0, 0)),
        ],
        out_specs=pl.BlockSpec((BN, D), lambda i: (i, 0)),
        out_shape=jax.ShapeDtypeStruct((N, D), jnp.float32),
    )(x, fc1t)


def _state_mlp(agg2, w1t, w2t):
    BN = 1000
    return pl.pallas_call(
        _state_body,
        grid=(N // BN,),
        in_specs=[
            pl.BlockSpec((NC, BN, D), lambda i: (0, i, 0)),
            pl.BlockSpec((D, D), lambda i: (0, 0)),
            pl.BlockSpec((D, D), lambda i: (0, 0)),
        ],
        out_specs=pl.BlockSpec((BN, D), lambda i: (i, 0)),
        out_shape=jax.ShapeDtypeStruct((N, D), jnp.float32),
    )(agg2, w1t, w2t)



def _sc_body(xw_hbm, w_hbm, src_hbm, dst_hbm, prev_hbm, out_hbm,
             idx_s, idx_d, wb0, wb1, rb0, rb1, pb0, pb1,
             sg0, sg1, sw0, sw1, ss0, ss1, agg_sh):
    c = lax.axis_index("c")
    t = lax.axis_index("s")
    wid = c * NS + t
    wb = (wb0, wb1)
    rb = (rb0, rb1)
    pb = (pb0, pb1)
    sg = (sg0, sg1)
    sw = (sw0, sw1)
    ss = (ss0, ss1)

    pltpu.sync_copy(prev_hbm.at[c, pl.ds(t * RPT, RPT)],
                    agg_sh.at[pl.ds(t * RPT, RPT)])
    plsc.subcore_barrier()

    def mul(b):
        def mrow(r, u):
            for k in range(D // 16):
                sl = pl.ds(k * 16, 16)
                pb[b][r, sl] = rb[b][r, sl] * wb[b][r, sl]
            return u
        lax.fori_loop(0, CH, mrow, 0)

    def group(g, carry):
        pltpu.sync_copy(src_hbm.at[wid, g], idx_s)
        pltpu.sync_copy(dst_hbm.at[wid, g], idx_d)

        def start_gather(j, b):
            base = (wid * (ES // NW // 8) + (g * PC + j) * (CH // 8)) * 8
            pltpu.async_copy(w_hbm.at[pl.ds(base, CH)], wb[b], sw[b])
            pltpu.async_copy(xw_hbm.at[idx_s.at[j]], rb[b], sg[b])

        def wait_gather(b):
            pltpu.make_async_copy(w_hbm.at[pl.ds(0, CH)], wb[b], sw[b]).wait()
            pltpu.make_async_copy(xw_hbm.at[idx_s.at[0]], rb[b], sg[b]).wait()

        def start_scatter(j, b):
            pltpu.async_copy(pb[b], agg_sh.at[idx_d.at[j]], ss[b], add=True)

        def wait_scatter(b):
            pltpu.make_async_copy(pb[b], agg_sh.at[idx_d.at[0]], ss[b]).wait()

        def half(i, b, first, lastg):
            wait_gather(b)
            if not first:
                wait_scatter(b)
            mul(b)
            if not lastg:
                start_gather(i + 2, b)
            start_scatter(i, b)

        start_gather(0, 0)
        start_gather(1, 1)
        half(0, 0, True, False)
        half(1, 1, True, False)

        def steady(p, u):
            half(2 * p, 0, False, False)
            half(2 * p + 1, 1, False, False)
            return u
        lax.fori_loop(1, P - 1, steady, 0)
        half(2 * P - 2, 0, False, False)
        half(2 * P - 1, 1, False, True)
        half(2 * P, 0, False, True)
        wait_scatter(0)
        wait_scatter(1)
        return carry
    lax.fori_loop(0, G, group, 0)

    plsc.subcore_barrier()
    pltpu.sync_copy(agg_sh.at[pl.ds(t * RPT, RPT)],
                    out_hbm.at[c, pl.ds(t * RPT, RPT)])


def _scatter_slab(xw, w, srcs, dsts, prev):
    mesh = plsc.VectorSubcoreMesh(core_axis_name="c", subcore_axis_name="s")
    f = pl.kernel(
        _sc_body,
        out_type=jax.ShapeDtypeStruct((NC, NP, D), jnp.float32),
        mesh=mesh,
        scratch_types=[
            pltpu.VMEM((PC, CH), jnp.int32),
            pltpu.VMEM((PC, CH), jnp.int32),
            pltpu.VMEM((CH, D), jnp.float32),
            pltpu.VMEM((CH, D), jnp.float32),
            pltpu.VMEM((CH, D), jnp.float32),
            pltpu.VMEM((CH, D), jnp.float32),
            pltpu.VMEM((CH, D), jnp.float32),
            pltpu.VMEM((CH, D), jnp.float32),
            pltpu.SemaphoreType.DMA,
            pltpu.SemaphoreType.DMA,
            pltpu.SemaphoreType.DMA,
            pltpu.SemaphoreType.DMA,
            pltpu.SemaphoreType.DMA,
            pltpu.SemaphoreType.DMA,
            pltpu.VMEM_SHARED((NP, D), jnp.float32),
        ],
    )
    return f(xw, w, srcs, dsts, prev)


def kernel(x, edge_index, edge_attr, fc1_w, fmlp_w1, fmlp_b1, fmlp_w2,
           fmlp_b2, st_w1, st_w2):
    srcs = edge_index[0].astype(jnp.int32).reshape(S, NW, G, PC, CH)
    dsts = edge_index[1].astype(jnp.int32).reshape(S, NW, G, PC, CH)

    w1t = fmlp_w1.T.astype(jnp.bfloat16)
    w2t = fmlp_w2.T.astype(jnp.bfloat16)
    ws = [_filter_mlp_slab(edge_attr, w1t, fmlp_b1.reshape(1, D),
                           w2t, fmlp_b2.reshape(1, D), s) for s in range(S)]
    xw = _xw(x, fc1_w.T)
    agg = jnp.zeros((NC, NP, D), jnp.float32)
    for s in range(S):
        agg = _scatter_slab(xw, ws[s], srcs[s], dsts[s], agg)
    return _state_mlp(agg, st_w1.T, st_w2.T)

# --- scband reference (transcript-rebuilt; emitter-appended) ---
"""Pipeline reference for scband-interaction-block-59450937311948 (READ-ONLY COPY).

The authoritative reference and input builder live on the scoring server;
editing this copy changes nothing except your own understanding.
"""

import jax, jax.numpy as jnp
import numpy as np

N = 10000
E = 320000
D = 128  # hidden_channels == num_filters == 128


def _kaiming_uniform(key, shape):
    fan_in = shape[1]
    gain = np.sqrt(2.0)  # kaiming_uniform default a=sqrt(5)? torch default for kaiming_uniform_ is a=0 -> gain=sqrt(2)
    bound = gain * np.sqrt(3.0 / fan_in)
    return jax.random.uniform(key, shape, minval=-bound, maxval=bound, dtype=jnp.float32)


def setup_inputs(seed: int = 0) -> dict:
    key = jax.random.key(seed)
    ks = jax.random.split(key, 12)
    x = jax.random.normal(ks[0], (N, D), dtype=jnp.float32)
    edge_index = jax.random.randint(ks[1], (2, E), 0, N, dtype=jnp.int64)
    edge_attr = jax.random.normal(ks[2], (E, D), dtype=jnp.float32)
    # learned parameters
    fc1_w = _kaiming_uniform(ks[3], (D, D))      # CFConv.fc1 (no bias)
    fmlp_w1 = _kaiming_uniform(ks[4], (D, D))    # filter_mlp[0]
    fmlp_b1 = jnp.zeros((D,), dtype=jnp.float32)
    fmlp_w2 = _kaiming_uniform(ks[5], (D, D))    # filter_mlp[2]
    fmlp_b2 = jnp.zeros((D,), dtype=jnp.float32)
    st_w1 = _kaiming_uniform(ks[6], (D, D))      # StateMLP.fc1 (no bias)
    st_w2 = _kaiming_uniform(ks[7], (D, D))      # StateMLP.fc2 (no bias)
    return {
        "x": x,
        "edge_index": edge_index,
        "edge_attr": edge_attr,
        "fc1_w": fc1_w,
        "fmlp_w1": fmlp_w1,
        "fmlp_b1": fmlp_b1,
        "fmlp_w2": fmlp_w2,
        "fmlp_b2": fmlp_b2,
        "st_w1": st_w1,
        "st_w2": st_w2,
    }


def _ssp(v):
    # ShiftedSoftplus: softplus(x) - log(2)
    return jax.nn.softplus(v) - jnp.log(2.0)


def reference(x, edge_index, edge_attr, fc1_w, fmlp_w1, fmlp_b1, fmlp_w2, fmlp_b2, st_w1, st_w2):
    # filter_nn (filter_mlp): Linear -> SSP -> Linear -> SSP applied to edge_attr
    W = _ssp(edge_attr @ fmlp_w1.T + fmlp_b1)
    W = _ssp(W @ fmlp_w2.T + fmlp_b2)
    # CFConv propagate with aggr='add', flow source_to_target:
    # x_j = x[edge_index[0]], aggregated at edge_index[1]
    src = edge_index[0]
    dst = edge_index[1]
    x_j = jnp.take(x, src, axis=0)          # gather
    msg = (x_j @ fc1_w.T) * W               # message: fc1(x_j) * W
    agg = jax.ops.segment_sum(msg, dst, num_segments=x.shape[0])  # scatter-add
    # StateMLP: fc1 -> SSP -> fc2 (no biases)
    h = _ssp(agg @ st_w1.T) @ st_w2.T
    return h

if __name__ == "__main__":
    import jax
    _d = setup_inputs()
    print(jax.jit(kernel)(*tuple(_d.values())))

</pallas_src>

<mosaic_0001>
#map = affine_map<(d0, d1) -> (0, 0)>
#map1 = affine_map<(d0, d1) -> (0, 0, 0, 0)>
#map2 = affine_map<(d0, d1) -> (0, 0, 0)>
module attributes {stable_mosaic.version = 14 : i64} {
  func.func @_sc_body(%arg0: i32, %arg1: i32, %arg2: memref<10000x128xf32, #tpu.memory_space<hbm>>, %arg3: memref<160000x128xf32, #tpu.memory_space<hbm>>, %arg4: memref<32x5x25x40xi32, #tpu.memory_space<hbm>>, %arg5: memref<32x5x25x40xi32, #tpu.memory_space<hbm>>, %arg6: memref<2x10112x128xf32, #tpu.memory_space<hbm>>, %arg7: memref<2x10112x128xf32, #tpu.memory_space<hbm>>, %arg8: memref<25x40xi32, #tpu.memory_space<vmem>>, %arg9: memref<25x40xi32, #tpu.memory_space<vmem>>, %arg10: memref<40x128xf32, #tpu.memory_space<vmem>>, %arg11: memref<40x128xf32, #tpu.memory_space<vmem>>, %arg12: memref<40x128xf32, #tpu.memory_space<vmem>>, %arg13: memref<40x128xf32, #tpu.memory_space<vmem>>, %arg14: memref<40x128xf32, #tpu.memory_space<vmem>>, %arg15: memref<40x128xf32, #tpu.memory_space<vmem>>, %arg16: memref<!tpu.dma_semaphore, #tpu.memory_space<semaphore_mem>>, %arg17: memref<!tpu.dma_semaphore, #tpu.memory_space<semaphore_mem>>, %arg18: memref<!tpu.dma_semaphore, #tpu.memory_space<semaphore_mem>>, %arg19: memref<!tpu.dma_semaphore, #tpu.memory_space<semaphore_mem>>, %arg20: memref<!tpu.dma_semaphore, #tpu.memory_space<semaphore_mem>>, %arg21: memref<!tpu.dma_semaphore, #tpu.memory_space<semaphore_mem>>, %arg22: memref<10112x128xf32, #tpu.memory_space<vmem_shared>>) attributes {dimension_semantics = [#tpu.dimension_semantics<core_parallel>, #tpu.dimension_semantics<subcore_parallel>], iteration_bounds = array<i64: 2, 16>, scalar_prefetch = 0 : i64, scratch_operands = 15 : i64, tpu.core_type = #tpu.core_type<sc_vector_subcore>, window_params = [{transform_indices = #map}, {transform_indices = #map}, {transform_indices = #map1}, {transform_indices = #map1}, {transform_indices = #map2}, {transform_indices = #map2}]} {
    %mul3A = arith.constant 16 : i32
    %mul3A_0 = arith.muli %arg0, %mul3A : i32
    %add3A = arith.addi %mul3A_0, %arg1 : i32
    %mul3A_1 = arith.constant 632 : i32
    %mul3A_2 = arith.muli %arg1, %mul3A_1 : i32
    %mul3A_3 = arith.constant 632 : i32
    %mul3A_4 = arith.muli %arg1, %mul3A_3 : i32
    "tpu.region"() ({
      %run_scoped3A = tpu.sem_alloc : memref<!tpu.dma_semaphore, #tpu.memory_space<semaphore_mem>>
      %dma_start3A = arith.constant 0 : i32
      %dma_start3A_15 = tpu.memref_slice %arg22[%mul3A_4, %dma_start3A] : memref<10112x128xf32, #tpu.memory_space<vmem_shared>> -> memref<632x128xf32, #tpu.memory_space<vmem_shared>>
      %dma_start3A_16 = arith.constant 0 : i32
      %dma_start3A_17 = tpu.memref_slice %arg6[%arg0, %mul3A_2, %dma_start3A_16] : memref<2x10112x128xf32, #tpu.memory_space<hbm>> -> memref<1x632x128xf32, #tpu.memory_space<hbm>>
      %dma_start3A_18 = tpu.memref_squeeze %dma_start3A_17 : memref<1x632x128xf32, #tpu.memory_space<hbm>> -> memref<632x128xf32, #tpu.memory_space<hbm>>
      tpu.enqueue_dma source(%dma_start3A_18 : memref<632x128xf32, #tpu.memory_space<hbm>>) target(%dma_start3A_15 : memref<632x128xf32, #tpu.memory_space<vmem_shared>>) target_semaphore(%run_scoped3A : memref<!tpu.dma_semaphore, #tpu.memory_space<semaphore_mem>>)
      %dma_wait3A = arith.constant 0 : i32
      %dma_wait3A_19 = tpu.memref_slice %arg22[%mul3A_4, %dma_wait3A] : memref<10112x128xf32, #tpu.memory_space<vmem_shared>> -> memref<632x128xf32, #tpu.memory_space<vmem_shared>>
      %dma_wait3A_20 = arith.constant 0 : i32
      %dma_wait3A_21 = tpu.memref_slice %arg6[%arg0, %mul3A_2, %dma_wait3A_20] : memref<2x10112x128xf32, #tpu.memory_space<hbm>> -> memref<1x632x128xf32, #tpu.memory_space<hbm>>
      %dma_wait3A_22 = tpu.memref_squeeze %dma_wait3A_21 : memref<1x632x128xf32, #tpu.memory_space<hbm>> -> memref<632x128xf32, #tpu.memory_space<hbm>>
      tpu.wait_dma2 semaphore(%run_scoped3A : memref<!tpu.dma_semaphore, #tpu.memory_space<semaphore_mem>>) src(%dma_wait3A_22 : memref<632x128xf32, #tpu.memory_space<hbm>>) dst(%dma_wait3A_19 : memref<632x128xf32, #tpu.memory_space<vmem_shared>>)
      tpu.yield
    }) : () -> ()
    %barrier3A = arith.constant 0 : index
    tpu.barrier barrier_id(%barrier3A)
    %scan3A = arith.constant 0 : i32
    %scan3A_5 = arith.constant 0 : i32
    %scan3A_6 = arith.constant 5 : i32
    %scan3A_7 = arith.addi %scan3A_5, %scan3A_6 : i32
    %scan3A_8 = arith.constant 1 : i32
    scf.for %scan3A_15 = %scan3A_5 to %scan3A_7 step %scan3A_8  : i32 {
      "tpu.region"() ({
        %run_scoped3A = tpu.sem_alloc : memref<!tpu.dma_semaphore, #tpu.memory_space<semaphore_mem>>
        %dma_start3A_295 = arith.constant 0 : i32
        %dma_start3A_296 = arith.constant 0 : i32
        %dma_start3A_297 = tpu.memref_slice %arg4[%add3A, %scan3A_15, %dma_start3A_295, %dma_start3A_296] : memref<32x5x25x40xi32, #tpu.memory_space<hbm>> -> memref<1x1x25x40xi32, #tpu.memory_space<hbm>>
        %dma_start3A_298 = tpu.memref_squeeze %dma_start3A_297 : memref<1x1x25x40xi32, #tpu.memory_space<hbm>> -> memref<25x40xi32, #tpu.memory_space<hbm>>
        %dma_start3A_299 = arith.constant 0 : i32
        %dma_start3A_300 = arith.constant 0 : i32
        %dma_start3A_301 = tpu.memref_slice %arg4[%add3A, %scan3A_15, %dma_start3A_299, %dma_start3A_300] : memref<32x5x25x40xi32, #tpu.memory_space<hbm>> -> memref<1x1x25x40xi32, #tpu.memory_space<hbm>>
        %dma_start3A_302 = tpu.memref_squeeze %dma_start3A_301 : memref<1x1x25x40xi32, #tpu.memory_space<hbm>> -> memref<25x40xi32, #tpu.memory_space<hbm>>
        tpu.enqueue_dma source(%dma_start3A_302 : memref<25x40xi32, #tpu.memory_space<hbm>>) target(%arg8 : memref<25x40xi32, #tpu.memory_space<vmem>>) target_semaphore(%run_scoped3A : memref<!tpu.dma_semaphore, #tpu.memory_space<semaphore_mem>>)
        %dma_wait3A_303 = arith.constant 0 : i32
        %dma_wait3A_304 = arith.constant 0 : i32
        %dma_wait3A_305 = tpu.memref_slice %arg4[%add3A, %scan3A_15, %dma_wait3A_303, %dma_wait3A_304] : memref<32x5x25x40xi32, #tpu.memory_space<hbm>> -> memref<1x1x25x40xi32, #tpu.memory_space<hbm>>
        %dma_wait3A_306 = tpu.memref_squeeze %dma_wait3A_305 : memref<1x1x25x40xi32, #tpu.memory_space<hbm>> -> memref<25x40xi32, #tpu.memory_space<hbm>>
        %dma_wait3A_307 = arith.constant 0 : i32
        %dma_wait3A_308 = arith.constant 0 : i32
        %dma_wait3A_309 = tpu.memref_slice %arg4[%add3A, %scan3A_15, %dma_wait3A_307, %dma_wait3A_308] : memref<32x5x25x40xi32, #tpu.memory_space<hbm>> -> memref<1x1x25x40xi32, #tpu.memory_space<hbm>>
        %dma_wait3A_310 = tpu.memref_squeeze %dma_wait3A_309 : memref<1x1x25x40xi32, #tpu.memory_space<hbm>> -> memref<25x40xi32, #tpu.memory_space<hbm>>
        tpu.wait_dma2 semaphore(%run_scoped3A : memref<!tpu.dma_semaphore, #tpu.memory_space<semaphore_mem>>) src(%dma_wait3A_310 : memref<25x40xi32, #tpu.memory_space<hbm>>) dst(%arg8 : memref<25x40xi32, #tpu.memory_space<vmem>>)
        tpu.yield
      }) : () -> ()
      "tpu.region"() ({
        %run_scoped3A = tpu.sem_alloc : memref<!tpu.dma_semaphore, #tpu.memory_space<semaphore_mem>>
        %dma_start3A_295 = arith.constant 0 : i32
        %dma_start3A_296 = arith.constant 0 : i32
        %dma_start3A_297 = tpu.memref_slice %arg5[%add3A, %scan3A_15, %dma_start3A_295, %dma_start3A_296] : memref<32x5x25x40xi32, #tpu.memory_space<hbm>> -> memref<1x1x25x40xi32, #tpu.memory_space<hbm>>
        %dma_start3A_298 = tpu.memref_squeeze %dma_start3A_297 : memref<1x1x25x40xi32, #tpu.memory_space<hbm>> -> memref<25x40xi32, #tpu.memory_space<hbm>>
        %dma_start3A_299 = arith.constant 0 : i32
        %dma_start3A_300 = arith.constant 0 : i32
        %dma_start3A_301 = tpu.memref_slice %arg5[%add3A, %scan3A_15, %dma_start3A_299, %dma_start3A_300] : memref<32x5x25x40xi32, #tpu.memory_space<hbm>> -> memref<1x1x25x40xi32, #tpu.memory_space<hbm>>
        %dma_start3A_302 = tpu.memref_squeeze %dma_start3A_301 : memref<1x1x25x40xi32, #tpu.memory_space<hbm>> -> memref<25x40xi32, #tpu.memory_space<hbm>>
        tpu.enqueue_dma source(%dma_start3A_302 : memref<25x40xi32, #tpu.memory_space<hbm>>) target(%arg9 : memref<25x40xi32, #tpu.memory_space<vmem>>) target_semaphore(%run_scoped3A : memref<!tpu.dma_semaphore, #tpu.memory_space<semaphore_mem>>)
        %dma_wait3A_303 = arith.constant 0 : i32
        %dma_wait3A_304 = arith.constant 0 : i32
        %dma_wait3A_305 = tpu.memref_slice %arg5[%add3A, %scan3A_15, %dma_wait3A_303, %dma_wait3A_304] : memref<32x5x25x40xi32, #tpu.memory_space<hbm>> -> memref<1x1x25x40xi32, #tpu.memory_space<hbm>>
        %dma_wait3A_306 = tpu.memref_squeeze %dma_wait3A_305 : memref<1x1x25x40xi32, #tpu.memory_space<hbm>> -> memref<25x40xi32, #tpu.memory_space<hbm>>
        %dma_wait3A_307 = arith.constant 0 : i32
        %dma_wait3A_308 = arith.constant 0 : i32
        %dma_wait3A_309 = tpu.memref_slice %arg5[%add3A, %scan3A_15, %dma_wait3A_307, %dma_wait3A_308] : memref<32x5x25x40xi32, #tpu.memory_space<hbm>> -> memref<1x1x25x40xi32, #tpu.memory_space<hbm>>
        %dma_wait3A_310 = tpu.memref_squeeze %dma_wait3A_309 : memref<1x1x25x40xi32, #tpu.memory_space<hbm>> -> memref<25x40xi32, #tpu.memory_space<hbm>>
        tpu.wait_dma2 semaphore(%run_scoped3A : memref<!tpu.dma_semaphore, #tpu.memory_space<semaphore_mem>>) src(%dma_wait3A_310 : memref<25x40xi32, #tpu.memory_space<hbm>>) dst(%arg9 : memref<25x40xi32, #tpu.memory_space<vmem>>)
        tpu.yield
      }) : () -> ()
      %mul3A_16 = arith.constant 625 : i32
      %mul3A_17 = arith.muli %add3A, %mul3A_16 : i32
      %mul3A_18 = arith.constant 25 : i32
      %mul3A_19 = arith.muli %scan3A_15, %mul3A_18 : i32
      %add3A_20 = arith.constant 0 : i32
      %add3A_21 = arith.addi %mul3A_19, %add3A_20 : i32
      %mul3A_22 = arith.constant 5 : i32
      %mul3A_23 = arith.muli %add3A_21, %mul3A_22 : i32
      %add3A_24 = arith.addi %mul3A_17, %mul3A_23 : i32
      %mul3A_25 = arith.constant 8 : i32
      %mul3A_26 = arith.muli %add3A_24, %mul3A_25 : i32
      %dma_start3A = arith.constant 0 : i32
      %dma_start3A_27 = tpu.memref_slice %arg3[%mul3A_26, %dma_start3A] : memref<160000x128xf32, #tpu.memory_space<hbm>> -> memref<40x128xf32, #tpu.memory_space<hbm>>
      %dma_start3A_28 = arith.constant 0 : i32
      %dma_start3A_29 = tpu.memref_slice %arg3[%mul3A_26, %dma_start3A_28] : memref<160000x128xf32, #tpu.memory_space<hbm>> -> memref<40x128xf32, #tpu.memory_space<hbm>>
      tpu.enqueue_dma source(%dma_start3A_29 : memref<40x128xf32, #tpu.memory_space<hbm>>) target(%arg10 : memref<40x128xf32, #tpu.memory_space<vmem>>) target_semaphore(%arg18 : memref<!tpu.dma_semaphore, #tpu.memory_space<semaphore_mem>>)
      %dma_start3A_30 = arith.constant 0 : i32
      %dma_start3A_31 = arith.constant 0 : i32
      %dma_start3A_32 = tpu.memref_slice %arg8[%dma_start3A_30, %dma_start3A_31] : memref<25x40xi32, #tpu.memory_space<vmem>> -> memref<1x40xi32, #tpu.memory_space<vmem>>
      %dma_start3A_33 = tpu.memref_squeeze %dma_start3A_32 : memref<1x40xi32, #tpu.memory_space<vmem>> -> memref<40xi32, #tpu.memory_space<vmem>>
      %dma_start3A_34 = arith.constant 0 : i32
      %dma_start3A_35 = arith.constant 0 : i32
      %dma_start3A_36 = tpu.memref_slice %arg2[%dma_start3A_34, %dma_start3A_35] : memref<10000x128xf32, #tpu.memory_space<hbm>> -> memref<10000x128xf32, #tpu.memory_space<hbm>>
      tpu.enqueue_indirect_dma source(%dma_start3A_36 : memref<10000x128xf32, #tpu.memory_space<hbm>>) target(%arg12 : memref<40x128xf32, #tpu.memory_space<vmem>>) offsets(%dma_start3A_33 : memref<40xi32, #tpu.memory_space<vmem>>) semaphore(%arg16 : memref<!tpu.dma_semaphore, #tpu.memory_space<semaphore_mem>>)
      %mul3A_37 = arith.constant 625 : i32
      %mul3A_38 = arith.muli %add3A, %mul3A_37 : i32
      %mul3A_39 = arith.constant 25 : i32
      %mul3A_40 = arith.muli %scan3A_15, %mul3A_39 : i32
      %add3A_41 = arith.constant 1 : i32
      %add3A_42 = arith.addi %mul3A_40, %add3A_41 : i32
      %mul3A_43 = arith.constant 5 : i32
      %mul3A_44 = arith.muli %add3A_42, %mul3A_43 : i32
      %add3A_45 = arith.addi %mul3A_38, %mul3A_44 : i32
      %mul3A_46 = arith.constant 8 : i32
      %mul3A_47 = arith.muli %add3A_45, %mul3A_46 : i32
      %dma_start3A_48 = arith.constant 0 : i32
      %dma_start3A_49 = tpu.memref_slice %arg3[%mul3A_47, %dma_start3A_48] : memref<160000x128xf32, #tpu.memory_space<hbm>> -> memref<40x128xf32, #tpu.memory_space<hbm>>
      %dma_start3A_50 = arith.constant 0 : i32
      %dma_start3A_51 = tpu.memref_slice %arg3[%mul3A_47, %dma_start3A_50] : memref<160000x128xf32, #tpu.memory_space<hbm>> -> memref<40x128xf32, #tpu.memory_space<hbm>>
      tpu.enqueue_dma source(%dma_start3A_51 : memref<40x128xf32, #tpu.memory_space<hbm>>) target(%arg11 : memref<40x128xf32, #tpu.memory_space<vmem>>) target_semaphore(%arg19 : memref<!tpu.dma_semaphore, #tpu.memory_space<semaphore_mem>>)
      %dma_start3A_52 = arith.constant 1 : i32
      %dma_start3A_53 = arith.constant 0 : i32
      %dma_start3A_54 = tpu.memref_slice %arg8[%dma_start3A_52, %dma_start3A_53] : memref<25x40xi32, #tpu.memory_space<vmem>> -> memref<1x40xi32, #tpu.memory_space<vmem>>
      %dma_start3A_55 = tpu.memref_squeeze %dma_start3A_54 : memref<1x40xi32, #tpu.memory_space<vmem>> -> memref<40xi32, #tpu.memory_space<vmem>>
      %dma_start3A_56 = arith.constant 0 : i32
      %dma_start3A_57 = arith.constant 0 : i32
      %dma_start3A_58 = tpu.memref_slice %arg2[%dma_start3A_56, %dma_start3A_57] : memref<10000x128xf32, #tpu.memory_space<hbm>> -> memref<10000x128xf32, #tpu.memory_space<hbm>>
      tpu.enqueue_indirect_dma source(%dma_start3A_58 : memref<10000x128xf32, #tpu.memory_space<hbm>>) target(%arg13 : memref<40x128xf32, #tpu.memory_space<vmem>>) offsets(%dma_start3A_55 : memref<40xi32, #tpu.memory_space<vmem>>) semaphore(%arg17 : memref<!tpu.dma_semaphore, #tpu.memory_space<semaphore_mem>>)
      %dma_wait3A = arith.constant 0 : i32
      %dma_wait3A_59 = arith.constant 0 : i32
      %dma_wait3A_60 = tpu.memref_slice %arg3[%dma_wait3A, %dma_wait3A_59] : memref<160000x128xf32, #tpu.memory_space<hbm>> -> memref<40x128xf32, #tpu.memory_space<hbm>>
      %dma_wait3A_61 = arith.constant 0 : i32
      %dma_wait3A_62 = arith.constant 0 : i32
      %dma_wait3A_63 = tpu.memref_slice %arg3[%dma_wait3A_61, %dma_wait3A_62] : memref<160000x128xf32, #tpu.memory_space<hbm>> -> memref<40x128xf32, #tpu.memory_space<hbm>>
      tpu.wait_dma2 semaphore(%arg18 : memref<!tpu.dma_semaphore, #tpu.memory_space<semaphore_mem>>) src(%dma_wait3A_63 : memref<40x128xf32, #tpu.memory_space<hbm>>) dst(%arg10 : memref<40x128xf32, #tpu.memory_space<vmem>>)
      %dma_wait3A_64 = arith.constant 0 : i32
      %dma_wait3A_65 = arith.constant 0 : i32
      %dma_wait3A_66 = tpu.memref_slice %arg8[%dma_wait3A_64, %dma_wait3A_65] : memref<25x40xi32, #tpu.memory_space<vmem>> -> memref<1x40xi32, #tpu.memory_space<vmem>>
      %dma_wait3A_67 = tpu.memref_squeeze %dma_wait3A_66 : memref<1x40xi32, #tpu.memory_space<vmem>> -> memref<40xi32, #tpu.memory_space<vmem>>
      %dma_wait3A_68 = arith.constant 0 : i32
      %dma_wait3A_69 = arith.constant 0 : i32
      %dma_wait3A_70 = tpu.memref_slice %arg2[%dma_wait3A_68, %dma_wait3A_69] : memref<10000x128xf32, #tpu.memory_space<hbm>> -> memref<10000x128xf32, #tpu.memory_space<hbm>>
      tpu.wait_indirect_dma semaphore(%arg16 : memref<!tpu.dma_semaphore, #tpu.memory_space<semaphore_mem>>) src(%dma_wait3A_70 : memref<10000x128xf32, #tpu.memory_space<hbm>>) dst(%arg12 : memref<40x128xf32, #tpu.memory_space<vmem>>)
      %scan3A_71 = arith.constant 0 : i32
      %scan3A_72 = arith.constant 0 : i32
      %scan3A_73 = arith.constant 40 : i32
      %scan3A_74 = arith.addi %scan3A_72, %scan3A_73 : i32
      %scan3A_75 = arith.constant 1 : i32
      scf.for %scan3A_295 = %scan3A_72 to %scan3A_74 step %scan3A_75  : i32 {
        %get3A = arith.index_cast %scan3A_295 : i32 to index
        %get3A_296 = arith.constant 0 : index
        %get3A_297 = tpu.vector_load %arg12[%get3A, %get3A_296] {strides = array<i32>} : memref<40x128xf32, #tpu.memory_space<vmem>>, vector<1x16xf32>,
        %get3A_298 = vector.shape_cast %get3A_297 : vector<1x16xf32> to vector<16xf32>
        %get3A_299 = arith.index_cast %scan3A_295 : i32 to index
        %get3A_300 = arith.constant 0 : index
        %get3A_301 = tpu.vector_load %arg10[%get3A_299, %get3A_300] {strides = array<i32>} : memref<40x128xf32, #tpu.memory_space<vmem>>, vector<1x16xf32>,
        %get3A_302 = vector.shape_cast %get3A_301 : vector<1x16xf32> to vector<16xf32>
        %mul3A_303 = arith.mulf %get3A_298, %get3A_302 : vector<16xf32>
        %swap3A = arith.index_cast %scan3A_295 : i32 to index
        %swap3A_304 = arith.constant 0 : index
        %swap3A_305 = tpu.vector_load %arg14[%swap3A, %swap3A_304] {strides = array<i32>} : memref<40x128xf32, #tpu.memory_space<vmem>>, vector<1x16xf32>,
        %swap3A_306 = vector.shape_cast %swap3A_305 : vector<1x16xf32> to vector<16xf32>
        %swap3A_307 = vector.shape_cast %mul3A_303 : vector<16xf32> to vector<1x16xf32>
        tpu.vector_store %arg14[%swap3A, %swap3A_304], %swap3A_307 {strides = array<i32>} : memref<40x128xf32, #tpu.memory_space<vmem>>, vector<1x16xf32>,
        %get3A_308 = arith.index_cast %scan3A_295 : i32 to index
        %get3A_309 = arith.constant 16 : index
        %get3A_310 = tpu.vector_load %arg12[%get3A_308, %get3A_309] {strides = array<i32>} : memref<40x128xf32, #tpu.memory_space<vmem>>, vector<1x16xf32>,
        %get3A_311 = vector.shape_cast %get3A_310 : vector<1x16xf32> to vector<16xf32>
        %get3A_312 = arith.index_cast %scan3A_295 : i32 to index
        %get3A_313 = arith.constant 16 : index
        %get3A_314 = tpu.vector_load %arg10[%get3A_312, %get3A_313] {strides = array<i32>} : memref<40x128xf32, #tpu.memory_space<vmem>>, vector<1x16xf32>,
        %get3A_315 = vector.shape_cast %get3A_314 : vector<1x16xf32> to vector<16xf32>
        %mul3A_316 = arith.mulf %get3A_311, %get3A_315 : vector<16xf32>
        %swap3A_317 = arith.index_cast %scan3A_295 : i32 to index
        %swap3A_318 = arith.constant 16 : index
        %swap3A_319 = tpu.vector_load %arg14[%swap3A_317, %swap3A_318] {strides = array<i32>} : memref<40x128xf32, #tpu.memory_space<vmem>>, vector<1x16xf32>,
        %swap3A_320 = vector.shape_cast %swap3A_319 : vector<1x16xf32> to vector<16xf32>
        %swap3A_321 = vector.shape_cast %mul3A_316 : vector<16xf32> to vector<1x16xf32>
        tpu.vector_store %arg14[%swap3A_317, %swap3A_318], %swap3A_321 {strides = array<i32>} : memref<40x128xf32, #tpu.memory_space<vmem>>, vector<1x16xf32>,
        %get3A_322 = arith.index_cast %scan3A_295 : i32 to index
        %get3A_323 = arith.constant 32 : index
        %get3A_324 = tpu.vector_load %arg12[%get3A_322, %get3A_323] {strides = array<i32>} : memref<40x128xf32, #tpu.memory_space<vmem>>, vector<1x16xf32>,
        %get3A_325 = vector.shape_cast %get3A_324 : vector<1x16xf32> to vector<16xf32>
        %get3A_326 = arith.index_cast %scan3A_295 : i32 to index
        %get3A_327 = arith.constant 32 : index
        %get3A_328 = tpu.vector_load %arg10[%get3A_326, %get3A_327] {strides = array<i32>} : memref<40x128xf32, #tpu.memory_space<vmem>>, vector<1x16xf32>,
        %get3A_329 = vector.shape_cast %get3A_328 : vector<1x16xf32> to vector<16xf32>
        %mul3A_330 = arith.mulf %get3A_325, %get3A_329 : vector<16xf32>
        %swap3A_331 = arith.index_cast %scan3A_295 : i32 to index
        %swap3A_332 = arith.constant 32 : index
        %swap3A_333 = tpu.vector_load %arg14[%swap3A_331, %swap3A_332] {strides = array<i32>} : memref<40x128xf32, #tpu.memory_space<vmem>>, vector<1x16xf32>,
        %swap3A_334 = vector.shape_cast %swap3A_333 : vector<1x16xf32> to vector<16xf32>
        %swap3A_335 = vector.shape_cast %mul3A_330 : vector<16xf32> to vector<1x16xf32>
        tpu.vector_store %arg14[%swap3A_331, %swap3A_332], %swap3A_335 {strides = array<i32>} : memref<40x128xf32, #tpu.memory_space<vmem>>, vector<1x16xf32>,
        %get3A_336 = arith.index_cast %scan3A_295 : i32 to index
        %get3A_337 = arith.constant 48 : index
        %get3A_338 = tpu.vector_load %arg12[%get3A_336, %get3A_337] {strides = array<i32>} : memref<40x128xf32, #tpu.memory_space<vmem>>, vector<1x16xf32>,
        %get3A_339 = vector.shape_cast %get3A_338 : vector<1x16xf32> to vector<16xf32>
        %get3A_340 = arith.index_cast %scan3A_295 : i32 to index
        %get3A_341 = arith.constant 48 : index
        %get3A_342 = tpu.vector_load %arg10[%get3A_340, %get3A_341] {strides = array<i32>} : memref<40x128xf32, #tpu.memory_space<vmem>>, vector<1x16xf32>,
        %get3A_343 = vector.shape_cast %get3A_342 : vector<1x16xf32> to vector<16xf32>
        %mul3A_344 = arith.mulf %get3A_339, %get3A_343 : vector<16xf32>
        %swap3A_345 = arith.index_cast %scan3A_295 : i32 to index
        %swap3A_346 = arith.constant 48 : index
        %swap3A_347 = tpu.vector_load %arg14[%swap3A_345, %swap3A_346] {strides = array<i32>} : memref<40x128xf32, #tpu.memory_space<vmem>>, vector<1x16xf32>,
        %swap3A_348 = vector.shape_cast %swap3A_347 : vector<1x16xf32> to vector<16xf32>
        %swap3A_349 = vector.shape_cast %mul3A_344 : vector<16xf32> to vector<1x16xf32>
        tpu.vector_store %arg14[%swap3A_345, %swap3A_346], %swap3A_349 {strides = array<i32>} : memref<40x128xf32, #tpu.memory_space<vmem>>, vector<1x16xf32>,
        %get3A_350 = arith.index_cast %scan3A_295 : i32 to index
        %get3A_351 = arith.constant 64 : index
        %get3A_352 = tpu.vector_load %arg12[%get3A_350, %get3A_351] {strides = array<i32>} : memref<40x128xf32, #tpu.memory_space<vmem>>, vector<1x16xf32>,
        %get3A_353 = vector.shape_cast %get3A_352 : vector<1x16xf32> to vector<16xf32>
        %get3A_354 = arith.index_cast %scan3A_295 : i32 to index
        %get3A_355 = arith.constant 64 : index
        %get3A_356 = tpu.vector_load %arg10[%get3A_354, %get3A_355] {strides = array<i32>} : memref<40x128xf32, #tpu.memory_space<vmem>>, vector<1x16xf32>,
        %get3A_357 = vector.shape_cast %get3A_356 : vector<1x16xf32> to vector<16xf32>
        %mul3A_358 = arith.mulf %get3A_353, %get3A_357 : vector<16xf32>
        %swap3A_359 = arith.index_cast %scan3A_295 : i32 to index
        %swap3A_360 = arith.constant 64 : index
        %swap3A_361 = tpu.vector_load %arg14[%swap3A_359, %swap3A_360] {strides = array<i32>} : memref<40x128xf32, #tpu.memory_space<vmem>>, vector<1x16xf32>,
        %swap3A_362 = vector.shape_cast %swap3A_361 : vector<1x16xf32> to vector<16xf32>
        %swap3A_363 = vector.shape_cast %mul3A_358 : vector<16xf32> to vector<1x16xf32>
        tpu.vector_store %arg14[%swap3A_359, %swap3A_360], %swap3A_363 {strides = array<i32>} : memref<40x128xf32, #tpu.memory_space<vmem>>, vector<1x16xf32>,
        %get3A_364 = arith.index_cast %scan3A_295 : i32 to index
        %get3A_365 = arith.constant 80 : index
        %get3A_366 = tpu.vector_load %arg12[%get3A_364, %get3A_365] {strides = array<i32>} : memref<40x128xf32, #tpu.memory_space<vmem>>, vector<1x16xf32>,
        %get3A_367 = vector.shape_cast %get3A_366 : vector<1x16xf32> to vector<16xf32>
        %get3A_368 = arith.index_cast %scan3A_295 : i32 to index
        %get3A_369 = arith.constant 80 : index
        %get3A_370 = tpu.vector_load %arg10[%get3A_368, %get3A_369] {strides = array<i32>} : memref<40x128xf32, #tpu.memory_space<vmem>>, vector<1x16xf32>,
        %get3A_371 = vector.shape_cast %get3A_370 : vector<1x16xf32> to vector<16xf32>
        %mul3A_372 = arith.mulf %get3A_367, %get3A_371 : vector<16xf32>
        %swap3A_373 = arith.index_cast %scan3A_295 : i32 to index
        %swap3A_374 = arith.constant 80 : index
        %swap3A_375 = tpu.vector_load %arg14[%swap3A_373, %swap3A_374] {strides = array<i32>} : memref<40x128xf32, #tpu.memory_space<vmem>>, vector<1x16xf32>,
        %swap3A_376 = vector.shape_cast %swap3A_375 : vector<1x16xf32> to vector<16xf32>
        %swap3A_377 = vector.shape_cast %mul3A_372 : vector<16xf32> to vector<1x16xf32>
        tpu.vector_store %arg14[%swap3A_373, %swap3A_374], %swap3A_377 {strides = array<i32>} : memref<40x128xf32, #tpu.memory_space<vmem>>, vector<1x16xf32>,
        %get3A_378 = arith.index_cast %scan3A_295 : i32 to index
        %get3A_379 = arith.constant 96 : index
        %get3A_380 = tpu.vector_load %arg12[%get3A_378, %get3A_379] {strides = array<i32>} : memref<40x128xf32, #tpu.memory_space<vmem>>, vector<1x16xf32>,
        %get3A_381 = vector.shape_cast %get3A_380 : vector<1x16xf32> to vector<16xf32>
        %get3A_382 = arith.index_cast %scan3A_295 : i32 to index
        %get3A_383 = arith.constant 96 : index
        %get3A_384 = tpu.vector_load %arg10[%get3A_382, %get3A_383] {strides = array<i32>} : memref<40x128xf32, #tpu.memory_space<vmem>>, vector<1x16xf32>,
        %get3A_385 = vector.shape_cast %get3A_384 : vector<1x16xf32> to vector<16xf32>
        %mul3A_386 = arith.mulf %get3A_381, %get3A_385 : vector<16xf32>
        %swap3A_387 = arith.index_cast %scan3A_295 : i32 to index
        %swap3A_388 = arith.constant 96 : index
        %swap3A_389 = tpu.vector_load %arg14[%swap3A_387, %swap3A_388] {strides = array<i32>} : memref<40x128xf32, #tpu.memory_space<vmem>>, vector<1x16xf32>,
        %swap3A_390 = vector.shape_cast %swap3A_389 : vector<1x16xf32> to vector<16xf32>
        %swap3A_391 = vector.shape_cast %mul3A_386 : vector<16xf32> to vector<1x16xf32>
        tpu.vector_store %arg14[%swap3A_387, %swap3A_388], %swap3A_391 {strides = array<i32>} : memref<40x128xf32, #tpu.memory_space<vmem>>, vector<1x16xf32>,
        %get3A_392 = arith.index_cast %scan3A_295 : i32 to index
        %get3A_393 = arith.constant 112 : index
        %get3A_394 = tpu.vector_load %arg12[%get3A_392, %get3A_393] {strides = array<i32>} : memref<40x128xf32, #tpu.memory_space<vmem>>, vector<1x16xf32>,
        %get3A_395 = vector.shape_cast %get3A_394 : vector<1x16xf32> to vector<16xf32>
        %get3A_396 = arith.index_cast %scan3A_295 : i32 to index
        %get3A_397 = arith.constant 112 : index
        %get3A_398 = tpu.vector_load %arg10[%get3A_396, %get3A_397] {strides = array<i32>} : memref<40x128xf32, #tpu.memory_space<vmem>>, vector<1x16xf32>,
        %get3A_399 = vector.shape_cast %get3A_398 : vector<1x16xf32> to vector<16xf32>
        %mul3A_400 = arith.mulf %get3A_395, %get3A_399 : vector<16xf32>
        %swap3A_401 = arith.index_cast %scan3A_295 : i32 to index
        %swap3A_402 = arith.constant 112 : index
        %swap3A_403 = tpu.vector_load %arg14[%swap3A_401, %swap3A_402] {strides = array<i32>} : memref<40x128xf32, #tpu.memory_space<vmem>>, vector<1x16xf32>,
        %swap3A_404 = vector.shape_cast %swap3A_403 : vector<1x16xf32> to vector<16xf32>
        %swap3A_405 = vector.shape_cast %mul3A_400 : vector<16xf32> to vector<1x16xf32>
        tpu.vector_store %arg14[%swap3A_401, %swap3A_402], %swap3A_405 {strides = array<i32>} : memref<40x128xf32, #tpu.memory_space<vmem>>, vector<1x16xf32>,
      }
      %scan3A_76 = arith.constant 40 : i32
      %mul3A_77 = arith.constant 625 : i32
      %mul3A_78 = arith.muli %add3A, %mul3A_77 : i32
      %mul3A_79 = arith.constant 25 : i32
      %mul3A_80 = arith.muli %scan3A_15, %mul3A_79 : i32
      %add3A_81 = arith.constant 2 : i32
      %add3A_82 = arith.addi %mul3A_80, %add3A_81 : i32
      %mul3A_83 = arith.constant 5 : i32
      %mul3A_84 = arith.muli %add3A_82, %mul3A_83 : i32
      %add3A_85 = arith.addi %mul3A_78, %mul3A_84 : i32
      %mul3A_86 = arith.constant 8 : i32
      %mul3A_87 = arith.muli %add3A_85, %mul3A_86 : i32
      %dma_start3A_88 = arith.constant 0 : i32
      %dma_start3A_89 = tpu.memref_slice %arg3[%mul3A_87, %dma_start3A_88] : memref<160000x128xf32, #tpu.memory_space<hbm>> -> memref<40x128xf32, #tpu.memory_space<hbm>>
      %dma_start3A_90 = arith.constant 0 : i32
      %dma_start3A_91 = tpu.memref_slice %arg3[%mul3A_87, %dma_start3A_90] : memref<160000x128xf32, #tpu.memory_space<hbm>> -> memref<40x128xf32, #tpu.memory_space<hbm>>
      tpu.enqueue_dma source(%dma_start3A_91 : memref<40x128xf32, #tpu.memory_space<hbm>>) target(%arg10 : memref<40x128xf32, #tpu.memory_space<vmem>>) target_semaphore(%arg18 : memref<!tpu.dma_semaphore, #tpu.memory_space<semaphore_mem>>)
      %dma_start3A_92 = arith.constant 2 : i32
      %dma_start3A_93 = arith.constant 0 : i32
      %dma_start3A_94 = tpu.memref_slice %arg8[%dma_start3A_92, %dma_start3A_93] : memref<25x40xi32, #tpu.memory_space<vmem>> -> memref<1x40xi32, #tpu.memory_space<vmem>>
      %dma_start3A_95 = tpu.memref_squeeze %dma_start3A_94 : memref<1x40xi32, #tpu.memory_space<vmem>> -> memref<40xi32, #tpu.memory_space<vmem>>
      %dma_start3A_96 = arith.constant 0 : i32
      %dma_start3A_97 = arith.constant 0 : i32
      %dma_start3A_98 = tpu.memref_slice %arg2[%dma_start3A_96, %dma_start3A_97] : memref<10000x128xf32, #tpu.memory_space<hbm>> -> memref<10000x128xf32, #tpu.memory_space<hbm>>
      tpu.enqueue_indirect_dma source(%dma_start3A_98 : memref<10000x128xf32, #tpu.memory_space<hbm>>) target(%arg12 : memref<40x128xf32, #tpu.memory_space<vmem>>) offsets(%dma_start3A_95 : memref<40xi32, #tpu.memory_space<vmem>>) semaphore(%arg16 : memref<!tpu.dma_semaphore, #tpu.memory_space<semaphore_mem>>)
      %dma_start3A_99 = arith.constant 0 : i32
      %dma_start3A_100 = arith.constant 0 : i32
      %dma_start3A_101 = tpu.memref_slice %arg9[%dma_start3A_99, %dma_start3A_100] : memref<25x40xi32, #tpu.memory_space<vmem>> -> memref<1x40xi32, #tpu.memory_space<vmem>>
      %dma_start3A_102 = tpu.memref_squeeze %dma_start3A_101 : memref<1x40xi32, #tpu.memory_space<vmem>> -> memref<40xi32, #tpu.memory_space<vmem>>
      %dma_start3A_103 = arith.constant 0 : i32
      %dma_start3A_104 = arith.constant 0 : i32
      %dma_start3A_105 = tpu.memref_slice %arg22[%dma_start3A_103, %dma_start3A_104] : memref<10112x128xf32, #tpu.memory_space<vmem_shared>> -> memref<10112x128xf32, #tpu.memory_space<vmem_shared>>
      tpu.enqueue_indirect_dma source(%arg14 : memref<40x128xf32, #tpu.memory_space<vmem>>) target(%dma_start3A_105 : memref<10112x128xf32, #tpu.memory_space<vmem_shared>>) offsets(%dma_start3A_102 : memref<40xi32, #tpu.memory_space<vmem>>) semaphore(%arg20 : memref<!tpu.dma_semaphore, #tpu.memory_space<semaphore_mem>>) {add = true}
      %dma_wait3A_106 = arith.constant 0 : i32
      %dma_wait3A_107 = arith.constant 0 : i32
      %dma_wait3A_108 = tpu.memref_slice %arg3[%dma_wait3A_106, %dma_wait3A_107] : memref<160000x128xf32, #tpu.memory_space<hbm>> -> memref<40x128xf32, #tpu.memory_space<hbm>>
      %dma_wait3A_109 = arith.constant 0 : i32
      %dma_wait3A_110 = arith.constant 0 : i32
      %dma_wait3A_111 = tpu.memref_slice %arg3[%dma_wait3A_109, %dma_wait3A_110] : memref<160000x128xf32, #tpu.memory_space<hbm>> -> memref<40x128xf32, #tpu.memory_space<hbm>>
      tpu.wait_dma2 semaphore(%arg19 : memref<!tpu.dma_semaphore, #tpu.memory_space<semaphore_mem>>) src(%dma_wait3A_111 : memref<40x128xf32, #tpu.memory_space<hbm>>) dst(%arg11 : memref<40x128xf32, #tpu.memory_space<vmem>>)
      %dma_wait3A_112 = arith.constant 0 : i32
      %dma_wait3A_113 = arith.constant 0 : i32
      %dma_wait3A_114 = tpu.memref_slice %arg8[%dma_wait3A_112, %dma_wait3A_113] : memref<25x40xi32, #tpu.memory_space<vmem>> -> memref<1x40xi32, #tpu.memory_space<vmem>>
      %dma_wait3A_115 = tpu.memref_squeeze %dma_wait3A_114 : memref<1x40xi32, #tpu.memory_space<vmem>> -> memref<40xi32, #tpu.memory_space<vmem>>
      %dma_wait3A_116 = arith.constant 0 : i32
      %dma_wait3A_117 = arith.constant 0 : i32
      %dma_wait3A_118 = tpu.memref_slice %arg2[%dma_wait3A_116, %dma_wait3A_117] : memref<10000x128xf32, #tpu.memory_space<hbm>> -> memref<10000x128xf32, #tpu.memory_space<hbm>>
      tpu.wait_indirect_dma semaphore(%arg17 : memref<!tpu.dma_semaphore, #tpu.memory_space<semaphore_mem>>) src(%dma_wait3A_118 : memref<10000x128xf32, #tpu.memory_space<hbm>>) dst(%arg13 : memref<40x128xf32, #tpu.memory_space<vmem>>)
      %scan3A_119 = arith.constant 0 : i32
      %scan3A_120 = arith.constant 0 : i32
      %scan3A_121 = arith.constant 40 : i32
      %scan3A_122 = arith.addi %scan3A_120, %scan3A_121 : i32
      %scan3A_123 = arith.constant 1 : i32
      scf.for %scan3A_295 = %scan3A_120 to %scan3A_122 step %scan3A_123  : i32 {
        %get3A = arith.index_cast %scan3A_295 : i32 to index
        %get3A_296 = arith.constant 0 : index
        %get3A_297 = tpu.vector_load %arg13[%get3A, %get3A_296] {strides = array<i32>} : memref<40x128xf32, #tpu.memory_space<vmem>>, vector<1x16xf32>,
        %get3A_298 = vector.shape_cast %get3A_297 : vector<1x16xf32> to vector<16xf32>
        %get3A_299 = arith.index_cast %scan3A_295 : i32 to index
        %get3A_300 = arith.constant 0 : index
        %get3A_301 = tpu.vector_load %arg11[%get3A_299, %get3A_300] {strides = array<i32>} : memref<40x128xf32, #tpu.memory_space<vmem>>, vector<1x16xf32>,
        %get3A_302 = vector.shape_cast %get3A_301 : vector<1x16xf32> to vector<16xf32>
        %mul3A_303 = arith.mulf %get3A_298, %get3A_302 : vector<16xf32>
        %swap3A = arith.index_cast %scan3A_295 : i32 to index
        %swap3A_304 = arith.constant 0 : index
        %swap3A_305 = tpu.vector_load %arg15[%swap3A, %swap3A_304] {strides = array<i32>} : memref<40x128xf32, #tpu.memory_space<vmem>>, vector<1x16xf32>,
        %swap3A_306 = vector.shape_cast %swap3A_305 : vector<1x16xf32> to vector<16xf32>
        %swap3A_307 = vector.shape_cast %mul3A_303 : vector<16xf32> to vector<1x16xf32>
        tpu.vector_store %arg15[%swap3A, %swap3A_304], %swap3A_307 {strides = array<i32>} : memref<40x128xf32, #tpu.memory_space<vmem>>, vector<1x16xf32>,
        %get3A_308 = arith.index_cast %scan3A_295 : i32 to index
        %get3A_309 = arith.constant 16 : index
        %get3A_310 = tpu.vector_load %arg13[%get3A_308, %get3A_309] {strides = array<i32>} : memref<40x128xf32, #tpu.memory_space<vmem>>, vector<1x16xf32>,
        %get3A_311 = vector.shape_cast %get3A_310 : vector<1x16xf32> to vector<16xf32>
        %get3A_312 = arith.index_cast %scan3A_295 : i32 to index
        %get3A_313 = arith.constant 16 : index
        %get3A_314 = tpu.vector_load %arg11[%get3A_312, %get3A_313] {strides = array<i32>} : memref<40x128xf32, #tpu.memory_space<vmem>>, vector<1x16xf32>,
        %get3A_315 = vector.shape_cast %get3A_314 : vector<1x16xf32> to vector<16xf32>
        %mul3A_316 = arith.mulf %get3A_311, %get3A_315 : vector<16xf32>
        %swap3A_317 = arith.index_cast %scan3A_295 : i32 to index
        %swap3A_318 = arith.constant 16 : index
        %swap3A_319 = tpu.vector_load %arg15[%swap3A_317, %swap3A_318] {strides = array<i32>} : memref<40x128xf32, #tpu.memory_space<vmem>>, vector<1x16xf32>,
        %swap3A_320 = vector.shape_cast %swap3A_319 : vector<1x16xf32> to vector<16xf32>
        %swap3A_321 = vector.shape_cast %mul3A_316 : vector<16xf32> to vector<1x16xf32>
        tpu.vector_store %arg15[%swap3A_317, %swap3A_318], %swap3A_321 {strides = array<i32>} : memref<40x128xf32, #tpu.memory_space<vmem>>, vector<1x16xf32>,
        %get3A_322 = arith.index_cast %scan3A_295 : i32 to index
        %get3A_323 = arith.constant 32 : index
        %get3A_324 = tpu.vector_load %arg13[%get3A_322, %get3A_323] {strides = array<i32>} : memref<40x128xf32, #tpu.memory_space<vmem>>, vector<1x16xf32>,
        %get3A_325 = vector.shape_cast %get3A_324 : vector<1x16xf32> to vector<16xf32>
        %get3A_326 = arith.index_cast %scan3A_295 : i32 to index
        %get3A_327 = arith.constant 32 : index
        %get3A_328 = tpu.vector_load %arg11[%get3A_326, %get3A_327] {strides = array<i32>} : memref<40x128xf32, #tpu.memory_space<vmem>>, vector<1x16xf32>,
        %get3A_329 = vector.shape_cast %get3A_328 : vector<1x16xf32> to vector<16xf32>
        %mul3A_330 = arith.mulf %get3A_325, %get3A_329 : vector<16xf32>
        %swap3A_331 = arith.index_cast %scan3A_295 : i32 to index
        %swap3A_332 = arith.constant 32 : index
        %swap3A_333 = tpu.vector_load %arg15[%swap3A_331, %swap3A_332] {strides = array<i32>} : memref<40x128xf32, #tpu.memory_space<vmem>>, vector<1x16xf32>,
        %swap3A_334 = vector.shape_cast %swap3A_333 : vector<1x16xf32> to vector<16xf32>
        %swap3A_335 = vector.shape_cast %mul3A_330 : vector<16xf32> to vector<1x16xf32>
        tpu.vector_store %arg15[%swap3A_331, %swap3A_332], %swap3A_335 {strides = array<i32>} : memref<40x128xf32, #tpu.memory_space<vmem>>, vector<1x16xf32>,
        %get3A_336 = arith.index_cast %scan3A_295 : i32 to index
        %get3A_337 = arith.constant 48 : index
        %get3A_338 = tpu.vector_load %arg13[%get3A_336, %get3A_337] {strides = array<i32>} : memref<40x128xf32, #tpu.memory_space<vmem>>, vector<1x16xf32>,
        %get3A_339 = vector.shape_cast %get3A_338 : vector<1x16xf32> to vector<16xf32>
        %get3A_340 = arith.index_cast %scan3A_295 : i32 to index
        %get3A_341 = arith.constant 48 : index
        %get3A_342 = tpu.vector_load %arg11[%get3A_340, %get3A_341] {strides = array<i32>} : memref<40x128xf32, #tpu.memory_space<vmem>>, vector<1x16xf32>,
        %get3A_343 = vector.shape_cast %get3A_342 : vector<1x16xf32> to vector<16xf32>
        %mul3A_344 = arith.mulf %get3A_339, %get3A_343 : vector<16xf32>
        %swap3A_345 = arith.index_cast %scan3A_295 : i32 to index
        %swap3A_346 = arith.constant 48 : index
        %swap3A_347 = tpu.vector_load %arg15[%swap3A_345, %swap3A_346] {strides = array<i32>} : memref<40x128xf32, #tpu.memory_space<vmem>>, vector<1x16xf32>,
        %swap3A_348 = vector.shape_cast %swap3A_347 : vector<1x16xf32> to vector<16xf32>
        %swap3A_349 = vector.shape_cast %mul3A_344 : vector<16xf32> to vector<1x16xf32>
        tpu.vector_store %arg15[%swap3A_345, %swap3A_346], %swap3A_349 {strides = array<i32>} : memref<40x128xf32, #tpu.memory_space<vmem>>, vector<1x16xf32>,
        %get3A_350 = arith.index_cast %scan3A_295 : i32 to index
        %get3A_351 = arith.constant 64 : index
        %get3A_352 = tpu.vector_load %arg13[%get3A_350, %get3A_351] {strides = array<i32>} : memref<40x128xf32, #tpu.memory_space<vmem>>, vector<1x16xf32>,
        %get3A_353 = vector.shape_cast %get3A_352 : vector<1x16xf32> to vector<16xf32>
        %get3A_354 = arith.index_cast %scan3A_295 : i32 to index
        %get3A_355 = arith.constant 64 : index
        %get3A_356 = tpu.vector_load %arg11[%get3A_354, %get3A_355] {strides = array<i32>} : memref<40x128xf32, #tpu.memory_space<vmem>>, vector<1x16xf32>,
        %get3A_357 = vector.shape_cast %get3A_356 : vector<1x16xf32> to vector<16xf32>
        %mul3A_358 = arith.mulf %get3A_353, %get3A_357 : vector<16xf32>
        %swap3A_359 = arith.index_cast %scan3A_295 : i32 to index
        %swap3A_360 = arith.constant 64 : index
        %swap3A_361 = tpu.vector_load %arg15[%swap3A_359, %swap3A_360] {strides = array<i32>} : memref<40x128xf32, #tpu.memory_space<vmem>>, vector<1x16xf32>,
        %swap3A_362 = vector.shape_cast %swap3A_361 : vector<1x16xf32> to vector<16xf32>
        %swap3A_363 = vector.shape_cast %mul3A_358 : vector<16xf32> to vector<1x16xf32>
        tpu.vector_store %arg15[%swap3A_359, %swap3A_360], %swap3A_363 {strides = array<i32>} : memref<40x128xf32, #tpu.memory_space<vmem>>, vector<1x16xf32>,
        %get3A_364 = arith.index_cast %scan3A_295 : i32 to index
        %get3A_365 = arith.constant 80 : index
        %get3A_366 = tpu.vector_load %arg13[%get3A_364, %get3A_365] {strides = array<i32>} : memref<40x128xf32, #tpu.memory_space<vmem>>, vector<1x16xf32>,
        %get3A_367 = vector.shape_cast %get3A_366 : vector<1x16xf32> to vector<16xf32>
        %get3A_368 = arith.index_cast %scan3A_295 : i32 to index
        %get3A_369 = arith.constant 80 : index
        %get3A_370 = tpu.vector_load %arg11[%get3A_368, %get3A_369] {strides = array<i32>} : memref<40x128xf32, #tpu.memory_space<vmem>>, vector<1x16xf32>,
        %get3A_371 = vector.shape_cast %get3A_370 : vector<1x16xf32> to vector<16xf32>
        %mul3A_372 = arith.mulf %get3A_367, %get3A_371 : vector<16xf32>
        %swap3A_373 = arith.index_cast %scan3A_295 : i32 to index
        %swap3A_374 = arith.constant 80 : index
        %swap3A_375 = tpu.vector_load %arg15[%swap3A_373, %swap3A_374] {strides = array<i32>} : memref<40x128xf32, #tpu.memory_space<vmem>>, vector<1x16xf32>,
        %swap3A_376 = vector.shape_cast %swap3A_375 : vector<1x16xf32> to vector<16xf32>
        %swap3A_377 = vector.shape_cast %mul3A_372 : vector<16xf32> to vector<1x16xf32>
        tpu.vector_store %arg15[%swap3A_373, %swap3A_374], %swap3A_377 {strides = array<i32>} : memref<40x128xf32, #tpu.memory_space<vmem>>, vector<1x16xf32>,
        %get3A_378 = arith.index_cast %scan3A_295 : i32 to index
        %get3A_379 = arith.constant 96 : index
        %get3A_380 = tpu.vector_load %arg13[%get3A_378, %get3A_379] {strides = array<i32>} : memref<40x128xf32, #tpu.memory_space<vmem>>, vector<1x16xf32>,
        %get3A_381 = vector.shape_cast %get3A_380 : vector<1x16xf32> to vector<16xf32>
        %get3A_382 = arith.index_cast %scan3A_295 : i32 to index
        %get3A_383 = arith.constant 96 : index
        %get3A_384 = tpu.vector_load %arg11[%get3A_382, %get3A_383] {strides = array<i32>} : memref<40x128xf32, #tpu.memory_space<vmem>>, vector<1x16xf32>,
        %get3A_385 = vector.shape_cast %get3A_384 : vector<1x16xf32> to vector<16xf32>
        %mul3A_386 = arith.mulf %get3A_381, %get3A_385 : vector<16xf32>
        %swap3A_387 = arith.index_cast %scan3A_295 : i32 to index
        %swap3A_388 = arith.constant 96 : index
        %swap3A_389 = tpu.vector_load %arg15[%swap3A_387, %swap3A_388] {strides = array<i32>} : memref<40x128xf32, #tpu.memory_space<vmem>>, vector<1x16xf32>,
        %swap3A_390 = vector.shape_cast %swap3A_389 : vector<1x16xf32> to vector<16xf32>
        %swap3A_391 = vector.shape_cast %mul3A_386 : vector<16xf32> to vector<1x16xf32>
        tpu.vector_store %arg15[%swap3A_387, %swap3A_388], %swap3A_391 {strides = array<i32>} : memref<40x128xf32, #tpu.memory_space<vmem>>, vector<1x16xf32>,
        %get3A_392 = arith.index_cast %scan3A_295 : i32 to index
        %get3A_393 = arith.constant 112 : index
        %get3A_394 = tpu.vector_load %arg13[%get3A_392, %get3A_393] {strides = array<i32>} : memref<40x128xf32, #tpu.memory_space<vmem>>, vector<1x16xf32>,
        %get3A_395 = vector.shape_cast %get3A_394 : vector<1x16xf32> to vector<16xf32>
        %get3A_396 = arith.index_cast %scan3A_295 : i32 to index
        %get3A_397 = arith.constant 112 : index
        %get3A_398 = tpu.vector_load %arg11[%get3A_396, %get3A_397] {strides = array<i32>} : memref<40x128xf32, #tpu.memory_space<vmem>>, vector<1x16xf32>,
        %get3A_399 = vector.shape_cast %get3A_398 : vector<1x16xf32> to vector<16xf32>
        %mul3A_400 = arith.mulf %get3A_395, %get3A_399 : vector<16xf32>
        %swap3A_401 = arith.index_cast %scan3A_295 : i32 to index
        %swap3A_402 = arith.constant 112 : index
        %swap3A_403 = tpu.vector_load %arg15[%swap3A_401, %swap3A_402] {strides = array<i32>} : memref<40x128xf32, #tpu.memory_space<vmem>>, vector<1x16xf32>,
        %swap3A_404 = vector.shape_cast %swap3A_403 : vector<1x16xf32> to vector<16xf32>
        %swap3A_405 = vector.shape_cast %mul3A_400 : vector<16xf32> to vector<1x16xf32>
        tpu.vector_store %arg15[%swap3A_401, %swap3A_402], %swap3A_405 {strides = array<i32>} : memref<40x128xf32, #tpu.memory_space<vmem>>, vector<1x16xf32>,
      }
      %scan3A_124 = arith.constant 40 : i32
      %mul3A_125 = arith.constant 625 : i32
      %mul3A_126 = arith.muli %add3A, %mul3A_125 : i32
      %mul3A_127 = arith.constant 25 : i32
      %mul3A_128 = arith.muli %scan3A_15, %mul3A_127 : i32
      %add3A_129 = arith.constant 3 : i32
      %add3A_130 = arith.addi %mul3A_128, %add3A_129 : i32
      %mul3A_131 = arith.constant 5 : i32
      %mul3A_132 = arith.muli %add3A_130, %mul3A_131 : i32
      %add3A_133 = arith.addi %mul3A_126, %mul3A_132 : i32
      %mul3A_134 = arith.constant 8 : i32
      %mul3A_135 = arith.muli %add3A_133, %mul3A_134 : i32
      %dma_start3A_136 = arith.constant 0 : i32
      %dma_start3A_137 = tpu.memref_slice %arg3[%mul3A_135, %dma_start3A_136] : memref<160000x128xf32, #tpu.memory_space<hbm>> -> memref<40x128xf32, #tpu.memory_space<hbm>>
      %dma_start3A_138 = arith.constant 0 : i32
      %dma_start3A_139 = tpu.memref_slice %arg3[%mul3A_135, %dma_start3A_138] : memref<160000x128xf32, #tpu.memory_space<hbm>> -> memref<40x128xf32, #tpu.memory_space<hbm>>
      tpu.enqueue_dma source(%dma_start3A_139 : memref<40x128xf32, #tpu.memory_space<hbm>>) target(%arg11 : memref<40x128xf32, #tpu.memory_space<vmem>>) target_semaphore(%arg19 : memref<!tpu.dma_semaphore, #tpu.memory_space<semaphore_mem>>)
      %dma_start3A_140 = arith.constant 3 : i32
      %dma_start3A_141 = arith.constant 0 : i32
      %dma_start3A_142 = tpu.memref_slice %arg8[%dma_start3A_140, %dma_start3A_141] : memref<25x40xi32, #tpu.memory_space<vmem>> -> memref<1x40xi32, #tpu.memory_space<vmem>>
      %dma_start3A_143 = tpu.memref_squeeze %dma_start3A_142 : memref<1x40xi32, #tpu.memory_space<vmem>> -> memref<40xi32, #tpu.memory_space<vmem>>
      %dma_start3A_144 = arith.constant 0 : i32
      %dma_start3A_145 = arith.constant 0 : i32
      %dma_start3A_146 = tpu.memref_slice %arg2[%dma_start3A_144, %dma_start3A_145] : memref<10000x128xf32, #tpu.memory_space<hbm>> -> memref<10000x128xf32, #tpu.memory_space<hbm>>
      tpu.enqueue_indirect_dma source(%dma_start3A_146 : memref<10000x128xf32, #tpu.memory_space<hbm>>) target(%arg13 : memref<40x128xf32, #tpu.memory_space<vmem>>) offsets(%dma_start3A_143 : memref<40xi32, #tpu.memory_space<vmem>>) semaphore(%arg17 : memref<!tpu.dma_semaphore, #tpu.memory_space<semaphore_mem>>)
      %dma_start3A_147 = arith.constant 1 : i32
      %dma_start3A_148 = arith.constant 0 : i32
      %dma_start3A_149 = tpu.memref_slice %arg9[%dma_start3A_147, %dma_start3A_148] : memref<25x40xi32, #tpu.memory_space<vmem>> -> memref<1x40xi32, #tpu.memory_space<vmem>>
      %dma_start3A_150 = tpu.memref_squeeze %dma_start3A_149 : memref<1x40xi32, #tpu.memory_space<vmem>> -> memref<40xi32, #tpu.memory_space<vmem>>
      %dma_start3A_151 = arith.constant 0 : i32
      %dma_start3A_152 = arith.constant 0 : i32
      %dma_start3A_153 = tpu.memref_slice %arg22[%dma_start3A_151, %dma_start3A_152] : memref<10112x128xf32, #tpu.memory_space<vmem_shared>> -> memref<10112x128xf32, #tpu.memory_space<vmem_shared>>
      tpu.enqueue_indirect_dma source(%arg15 : memref<40x128xf32, #tpu.memory_space<vmem>>) target(%dma_start3A_153 : memref<10112x128xf32, #tpu.memory_space<vmem_shared>>) offsets(%dma_start3A_150 : memref<40xi32, #tpu.memory_space<vmem>>) semaphore(%arg21 : memref<!tpu.dma_semaphore, #tpu.memory_space<semaphore_mem>>) {add = true}
      %scan3A_154 = arith.constant 0 : i32
      %scan3A_155 = arith.constant 1 : i32
      %scan3A_156 = arith.constant 10 : i32
      %scan3A_157 = arith.addi %scan3A_155, %scan3A_156 : i32
      %scan3A_158 = arith.constant 1 : i32
      scf.for %scan3A_295 = %scan3A_155 to %scan3A_157 step %scan3A_158  : i32 {
        %mul3A_296 = arith.constant 2 : i32
        %mul3A_297 = arith.muli %mul3A_296, %scan3A_295 : i32
        %dma_wait3A_298 = arith.constant 0 : i32
        %dma_wait3A_299 = arith.constant 0 : i32
        %dma_wait3A_300 = tpu.memref_slice %arg3[%dma_wait3A_298, %dma_wait3A_299] : memref<160000x128xf32, #tpu.memory_space<hbm>> -> memref<40x128xf32, #tpu.memory_space<hbm>>
        %dma_wait3A_301 = arith.constant 0 : i32
        %dma_wait3A_302 = arith.constant 0 : i32
        %dma_wait3A_303 = tpu.memref_slice %arg3[%dma_wait3A_301, %dma_wait3A_302] : memref<160000x128xf32, #tpu.memory_space<hbm>> -> memref<40x128xf32, #tpu.memory_space<hbm>>
        tpu.wait_dma2 semaphore(%arg18 : memref<!tpu.dma_semaphore, #tpu.memory_space<semaphore_mem>>) src(%dma_wait3A_303 : memref<40x128xf32, #tpu.memory_space<hbm>>) dst(%arg10 : memref<40x128xf32, #tpu.memory_space<vmem>>)
        %dma_wait3A_304 = arith.constant 0 : i32
        %dma_wait3A_305 = arith.constant 0 : i32
        %dma_wait3A_306 = tpu.memref_slice %arg8[%dma_wait3A_304, %dma_wait3A_305] : memref<25x40xi32, #tpu.memory_space<vmem>> -> memref<1x40xi32, #tpu.memory_space<vmem>>
        %dma_wait3A_307 = tpu.memref_squeeze %dma_wait3A_306 : memref<1x40xi32, #tpu.memory_space<vmem>> -> memref<40xi32, #tpu.memory_space<vmem>>
        %dma_wait3A_308 = arith.constant 0 : i32
        %dma_wait3A_309 = arith.constant 0 : i32
        %dma_wait3A_310 = tpu.memref_slice %arg2[%dma_wait3A_308, %dma_wait3A_309] : memref<10000x128xf32, #tpu.memory_space<hbm>> -> memref<10000x128xf32, #tpu.memory_space<hbm>>
        tpu.wait_indirect_dma semaphore(%arg16 : memref<!tpu.dma_semaphore, #tpu.memory_space<semaphore_mem>>) src(%dma_wait3A_310 : memref<10000x128xf32, #tpu.memory_space<hbm>>) dst(%arg12 : memref<40x128xf32, #tpu.memory_space<vmem>>)
        %dma_wait3A_311 = arith.constant 0 : i32
        %dma_wait3A_312 = arith.constant 0 : i32
        %dma_wait3A_313 = tpu.memref_slice %arg9[%dma_wait3A_311, %dma_wait3A_312] : memref<25x40xi32, #tpu.memory_space<vmem>> -> memref<1x40xi32, #tpu.memory_space<vmem>>
        %dma_wait3A_314 = tpu.memref_squeeze %dma_wait3A_313 : memref<1x40xi32, #tpu.memory_space<vmem>> -> memref<40xi32, #tpu.memory_space<vmem>>
        %dma_wait3A_315 = arith.constant 0 : i32
        %dma_wait3A_316 = arith.constant 0 : i32
        %dma_wait3A_317 = tpu.memref_slice %arg22[%dma_wait3A_315, %dma_wait3A_316] : memref<10112x128xf32, #tpu.memory_space<vmem_shared>> -> memref<10112x128xf32, #tpu.memory_space<vmem_shared>>
        tpu.wait_indirect_dma semaphore(%arg20 : memref<!tpu.dma_semaphore, #tpu.memory_space<semaphore_mem>>) src(%arg14 : memref<40x128xf32, #tpu.memory_space<vmem>>) dst(%dma_wait3A_317 : memref<10112x128xf32, #tpu.memory_space<vmem_shared>>)
        %scan3A_318 = arith.constant 0 : i32
        %scan3A_319 = arith.constant 0 : i32
        %scan3A_320 = arith.constant 40 : i32
        %scan3A_321 = arith.addi %scan3A_319, %scan3A_320 : i32
        %scan3A_322 = arith.constant 1 : i32
        scf.for %scan3A_410 = %scan3A_319 to %scan3A_321 step %scan3A_322  : i32 {
          %get3A = arith.index_cast %scan3A_410 : i32 to index
          %get3A_411 = arith.constant 0 : index
          %get3A_412 = tpu.vector_load %arg12[%get3A, %get3A_411] {strides = array<i32>} : memref<40x128xf32, #tpu.memory_space<vmem>>, vector<1x16xf32>,
          %get3A_413 = vector.shape_cast %get3A_412 : vector<1x16xf32> to vector<16xf32>
          %get3A_414 = arith.index_cast %scan3A_410 : i32 to index
          %get3A_415 = arith.constant 0 : index
          %get3A_416 = tpu.vector_load %arg10[%get3A_414, %get3A_415] {strides = array<i32>} : memref<40x128xf32, #tpu.memory_space<vmem>>, vector<1x16xf32>,
          %get3A_417 = vector.shape_cast %get3A_416 : vector<1x16xf32> to vector<16xf32>
          %mul3A_418 = arith.mulf %get3A_413, %get3A_417 : vector<16xf32>
          %swap3A = arith.index_cast %scan3A_410 : i32 to index
          %swap3A_419 = arith.constant 0 : index
          %swap3A_420 = tpu.vector_load %arg14[%swap3A, %swap3A_419] {strides = array<i32>} : memref<40x128xf32, #tpu.memory_space<vmem>>, vector<1x16xf32>,
          %swap3A_421 = vector.shape_cast %swap3A_420 : vector<1x16xf32> to vector<16xf32>
          %swap3A_422 = vector.shape_cast %mul3A_418 : vector<16xf32> to vector<1x16xf32>
          tpu.vector_store %arg14[%swap3A, %swap3A_419], %swap3A_422 {strides = array<i32>} : memref<40x128xf32, #tpu.memory_space<vmem>>, vector<1x16xf32>,
          %get3A_423 = arith.index_cast %scan3A_410 : i32 to index
          %get3A_424 = arith.constant 16 : index
          %get3A_425 = tpu.vector_load %arg12[%get3A_423, %get3A_424] {strides = array<i32>} : memref<40x128xf32, #tpu.memory_space<vmem>>, vector<1x16xf32>,
          %get3A_426 = vector.shape_cast %get3A_425 : vector<1x16xf32> to vector<16xf32>
          %get3A_427 = arith.index_cast %scan3A_410 : i32 to index
          %get3A_428 = arith.constant 16 : index
          %get3A_429 = tpu.vector_load %arg10[%get3A_427, %get3A_428] {strides = array<i32>} : memref<40x128xf32, #tpu.memory_space<vmem>>, vector<1x16xf32>,
          %get3A_430 = vector.shape_cast %get3A_429 : vector<1x16xf32> to vector<16xf32>
          %mul3A_431 = arith.mulf %get3A_426, %get3A_430 : vector<16xf32>
          %swap3A_432 = arith.index_cast %scan3A_410 : i32 to index
          %swap3A_433 = arith.constant 16 : index
          %swap3A_434 = tpu.vector_load %arg14[%swap3A_432, %swap3A_433] {strides = array<i32>} : memref<40x128xf32, #tpu.memory_space<vmem>>, vector<1x16xf32>,
          %swap3A_435 = vector.shape_cast %swap3A_434 : vector<1x16xf32> to vector<16xf32>
          %swap3A_436 = vector.shape_cast %mul3A_431 : vector<16xf32> to vector<1x16xf32>
          tpu.vector_store %arg14[%swap3A_432, %swap3A_433], %swap3A_436 {strides = array<i32>} : memref<40x128xf32, #tpu.memory_space<vmem>>, vector<1x16xf32>,
          %get3A_437 = arith.index_cast %scan3A_410 : i32 to index
          %get3A_438 = arith.constant 32 : index
          %get3A_439 = tpu.vector_load %arg12[%get3A_437, %get3A_438] {strides = array<i32>} : memref<40x128xf32, #tpu.memory_space<vmem>>, vector<1x16xf32>,
          %get3A_440 = vector.shape_cast %get3A_439 : vector<1x16xf32> to vector<16xf32>
          %get3A_441 = arith.index_cast %scan3A_410 : i32 to index
          %get3A_442 = arith.constant 32 : index
          %get3A_443 = tpu.vector_load %arg10[%get3A_441, %get3A_442] {strides = array<i32>} : memref<40x128xf32, #tpu.memory_space<vmem>>, vector<1x16xf32>,
          %get3A_444 = vector.shape_cast %get3A_443 : vector<1x16xf32> to vector<16xf32>
          %mul3A_445 = arith.mulf %get3A_440, %get3A_444 : vector<16xf32>
          %swap3A_446 = arith.index_cast %scan3A_410 : i32 to index
          %swap3A_447 = arith.constant 32 : index
          %swap3A_448 = tpu.vector_load %arg14[%swap3A_446, %swap3A_447] {strides = array<i32>} : memref<40x128xf32, #tpu.memory_space<vmem>>, vector<1x16xf32>,
          %swap3A_449 = vector.shape_cast %swap3A_448 : vector<1x16xf32> to vector<16xf32>
          %swap3A_450 = vector.shape_cast %mul3A_445 : vector<16xf32> to vector<1x16xf32>
          tpu.vector_store %arg14[%swap3A_446, %swap3A_447], %swap3A_450 {strides = array<i32>} : memref<40x128xf32, #tpu.memory_space<vmem>>, vector<1x16xf32>,
          %get3A_451 = arith.index_cast %scan3A_410 : i32 to index
          %get3A_452 = arith.constant 48 : index
          %get3A_453 = tpu.vector_load %arg12[%get3A_451, %get3A_452] {strides = array<i32>} : memref<40x128xf32, #tpu.memory_space<vmem>>, vector<1x16xf32>,
          %get3A_454 = vector.shape_cast %get3A_453 : vector<1x16xf32> to vector<16xf32>
          %get3A_455 = arith.index_cast %scan3A_410 : i32 to index
          %get3A_456 = arith.constant 48 : index
          %get3A_457 = tpu.vector_load %arg10[%get3A_455, %get3A_456] {strides = array<i32>} : memref<40x128xf32, #tpu.memory_space<vmem>>, vector<1x16xf32>,
          %get3A_458 = vector.shape_cast %get3A_457 : vector<1x16xf32> to vector<16xf32>
          %mul3A_459 = arith.mulf %get3A_454, %get3A_458 : vector<16xf32>
          %swap3A_460 = arith.index_cast %scan3A_410 : i32 to index
          %swap3A_461 = arith.constant 48 : index
          %swap3A_462 = tpu.vector_load %arg14[%swap3A_460, %swap3A_461] {strides = array<i32>} : memref<40x128xf32, #tpu.memory_space<vmem>>, vector<1x16xf32>,
          %swap3A_463 = vector.shape_cast %swap3A_462 : vector<1x16xf32> to vector<16xf32>
          %swap3A_464 = vector.shape_cast %mul3A_459 : vector<16xf32> to vector<1x16xf32>
          tpu.vector_store %arg14[%swap3A_460, %swap3A_461], %swap3A_464 {strides = array<i32>} : memref<40x128xf32, #tpu.memory_space<vmem>>, vector<1x16xf32>,
          %get3A_465 = arith.index_cast %scan3A_410 : i32 to index
          %get3A_466 = arith.constant 64 : index
          %get3A_467 = tpu.vector_load %arg12[%get3A_465, %get3A_466] {strides = array<i32>} : memref<40x128xf32, #tpu.memory_space<vmem>>, vector<1x16xf32>,
          %get3A_468 = vector.shape_cast %get3A_467 : vector<1x16xf32> to vector<16xf32>
          %get3A_469 = arith.index_cast %scan3A_410 : i32 to index
          %get3A_470 = arith.constant 64 : index
          %get3A_471 = tpu.vector_load %arg10[%get3A_469, %get3A_470] {strides = array<i32>} : memref<40x128xf32, #tpu.memory_space<vmem>>, vector<1x16xf32>,
          %get3A_472 = vector.shape_cast %get3A_471 : vector<1x16xf32> to vector<16xf32>
          %mul3A_473 = arith.mulf %get3A_468, %get3A_472 : vector<16xf32>
          %swap3A_474 = arith.index_cast %scan3A_410 : i32 to index
          %swap3A_475 = arith.constant 64 : index
          %swap3A_476 = tpu.vector_load %arg14[%swap3A_474, %swap3A_475] {strides = array<i32>} : memref<40x128xf32, #tpu.memory_space<vmem>>, vector<1x16xf32>,
          %swap3A_477 = vector.shape_cast %swap3A_476 : vector<1x16xf32> to vector<16xf32>
          %swap3A_478 = vector.shape_cast %mul3A_473 : vector<16xf32> to vector<1x16xf32>
          tpu.vector_store %arg14[%swap3A_474, %swap3A_475], %swap3A_478 {strides = array<i32>} : memref<40x128xf32, #tpu.memory_space<vmem>>, vector<1x16xf32>,
          %get3A_479 = arith.index_cast %scan3A_410 : i32 to index
          %get3A_480 = arith.constant 80 : index
          %get3A_481 = tpu.vector_load %arg12[%get3A_479, %get3A_480] {strides = array<i32>} : memref<40x128xf32, #tpu.memory_space<vmem>>, vector<1x16xf32>,
          %get3A_482 = vector.shape_cast %get3A_481 : vector<1x16xf32> to vector<16xf32>
          %get3A_483 = arith.index_cast %scan3A_410 : i32 to index
          %get3A_484 = arith.constant 80 : index
          %get3A_485 = tpu.vector_load %arg10[%get3A_483, %get3A_484] {strides = array<i32>} : memref<40x128xf32, #tpu.memory_space<vmem>>, vector<1x16xf32>,
          %get3A_486 = vector.shape_cast %get3A_485 : vector<1x16xf32> to vector<16xf32>
          %mul3A_487 = arith.mulf %get3A_482, %get3A_486 : vector<16xf32>
          %swap3A_488 = arith.index_cast %scan3A_410 : i32 to index
          %swap3A_489 = arith.constant 80 : index
          %swap3A_490 = tpu.vector_load %arg14[%swap3A_488, %swap3A_489] {strides = array<i32>} : memref<40x128xf32, #tpu.memory_space<vmem>>, vector<1x16xf32>,
          %swap3A_491 = vector.shape_cast %swap3A_490 : vector<1x16xf32> to vector<16xf32>
          %swap3A_492 = vector.shape_cast %mul3A_487 : vector<16xf32> to vector<1x16xf32>
          tpu.vector_store %arg14[%swap3A_488, %swap3A_489], %swap3A_492 {strides = array<i32>} : memref<40x128xf32, #tpu.memory_space<vmem>>, vector<1x16xf32>,
          %get3A_493 = arith.index_cast %scan3A_410 : i32 to index
          %get3A_494 = arith.constant 96 : index
          %get3A_495 = tpu.vector_load %arg12[%get3A_493, %get3A_494] {strides = array<i32>} : memref<40x128xf32, #tpu.memory_space<vmem>>, vector<1x16xf32>,
          %get3A_496 = vector.shape_cast %get3A_495 : vector<1x16xf32> to vector<16xf32>
          %get3A_497 = arith.index_cast %scan3A_410 : i32 to index
          %get3A_498 = arith.constant 96 : index
          %get3A_499 = tpu.vector_load %arg10[%get3A_497, %get3A_498] {strides = array<i32>} : memref<40x128xf32, #tpu.memory_space<vmem>>, vector<1x16xf32>,
          %get3A_500 = vector.shape_cast %get3A_499 : vector<1x16xf32> to vector<16xf32>
          %mul3A_501 = arith.mulf %get3A_496, %get3A_500 : vector<16xf32>
          %swap3A_502 = arith.index_cast %scan3A_410 : i32 to index
          %swap3A_503 = arith.constant 96 : index
          %swap3A_504 = tpu.vector_load %arg14[%swap3A_502, %swap3A_503] {strides = array<i32>} : memref<40x128xf32, #tpu.memory_space<vmem>>, vector<1x16xf32>,
          %swap3A_505 = vector.shape_cast %swap3A_504 : vector<1x16xf32> to vector<16xf32>
          %swap3A_506 = vector.shape_cast %mul3A_501 : vector<16xf32> to vector<1x16xf32>
          tpu.vector_store %arg14[%swap3A_502, %swap3A_503], %swap3A_506 {strides = array<i32>} : memref<40x128xf32, #tpu.memory_space<vmem>>, vector<1x16xf32>,
          %get3A_507 = arith.index_cast %scan3A_410 : i32 to index
          %get3A_508 = arith.constant 112 : index
          %get3A_509 = tpu.vector_load %arg12[%get3A_507, %get3A_508] {strides = array<i32>} : memref<40x128xf32, #tpu.memory_space<vmem>>, vector<1x16xf32>,
          %get3A_510 = vector.shape_cast %get3A_509 : vector<1x16xf32> to vector<16xf32>
          %get3A_511 = arith.index_cast %scan3A_410 : i32 to index
          %get3A_512 = arith.constant 112 : index
          %get3A_513 = tpu.vector_load %arg10[%get3A_511, %get3A_512] {strides = array<i32>} : memref<40x128xf32, #tpu.memory_space<vmem>>, vector<1x16xf32>,
          %get3A_514 = vector.shape_cast %get3A_513 : vector<1x16xf32> to vector<16xf32>
          %mul3A_515 = arith.mulf %get3A_510, %get3A_514 : vector<16xf32>
          %swap3A_516 = arith.index_cast %scan3A_410 : i32 to index
          %swap3A_517 = arith.constant 112 : index
          %swap3A_518 = tpu.vector_load %arg14[%swap3A_516, %swap3A_517] {strides = array<i32>} : memref<40x128xf32, #tpu.memory_space<vmem>>, vector<1x16xf32>,
          %swap3A_519 = vector.shape_cast %swap3A_518 : vector<1x16xf32> to vector<16xf32>
          %swap3A_520 = vector.shape_cast %mul3A_515 : vector<16xf32> to vector<1x16xf32>
          tpu.vector_store %arg14[%swap3A_516, %swap3A_517], %swap3A_520 {strides = array<i32>} : memref<40x128xf32, #tpu.memory_space<vmem>>, vector<1x16xf32>,
        }
        %scan3A_323 = arith.constant 40 : i32
        %add3A_324 = arith.constant 2 : i32
        %add3A_325 = arith.addi %mul3A_297, %add3A_324 : i32
        %mul3A_326 = arith.constant 625 : i32
        %mul3A_327 = arith.muli %add3A, %mul3A_326 : i32
        %mul3A_328 = arith.constant 25 : i32
        %mul3A_329 = arith.muli %scan3A_15, %mul3A_328 : i32
        %add3A_330 = arith.addi %mul3A_329, %add3A_325 : i32
        %mul3A_331 = arith.constant 5 : i32
        %mul3A_332 = arith.muli %add3A_330, %mul3A_331 : i32
        %add3A_333 = arith.addi %mul3A_327, %mul3A_332 : i32
        %mul3A_334 = arith.constant 8 : i32
        %mul3A_335 = arith.muli %add3A_333, %mul3A_334 : i32
        %dma_start3A_336 = arith.constant 0 : i32
        %dma_start3A_337 = tpu.memref_slice %arg3[%mul3A_335, %dma_start3A_336] : memref<160000x128xf32, #tpu.memory_space<hbm>> -> memref<40x128xf32, #tpu.memory_space<hbm>>
        %dma_start3A_338 = arith.constant 0 : i32
        %dma_start3A_339 = tpu.memref_slice %arg3[%mul3A_335, %dma_start3A_338] : memref<160000x128xf32, #tpu.memory_space<hbm>> -> memref<40x128xf32, #tpu.memory_space<hbm>>
        tpu.enqueue_dma source(%dma_start3A_339 : memref<40x128xf32, #tpu.memory_space<hbm>>) target(%arg10 : memref<40x128xf32, #tpu.memory_space<vmem>>) target_semaphore(%arg18 : memref<!tpu.dma_semaphore, #tpu.memory_space<semaphore_mem>>)
        %dma_start3A_340 = arith.constant 0 : i32
        %dma_start3A_341 = tpu.memref_slice %arg8[%add3A_325, %dma_start3A_340] : memref<25x40xi32, #tpu.memory_space<vmem>> -> memref<1x40xi32, #tpu.memory_space<vmem>>
        %dma_start3A_342 = tpu.memref_squeeze %dma_start3A_341 : memref<1x40xi32, #tpu.memory_space<vmem>> -> memref<40xi32, #tpu.memory_space<vmem>>
        %dma_start3A_343 = arith.constant 0 : i32
        %dma_start3A_344 = arith.constant 0 : i32
        %dma_start3A_345 = tpu.memref_slice %arg2[%dma_start3A_343, %dma_start3A_344] : memref<10000x128xf32, #tpu.memory_space<hbm>> -> memref<10000x128xf32, #tpu.memory_space<hbm>>
        tpu.enqueue_indirect_dma source(%dma_start3A_345 : memref<10000x128xf32, #tpu.memory_space<hbm>>) target(%arg12 : memref<40x128xf32, #tpu.memory_space<vmem>>) offsets(%dma_start3A_342 : memref<40xi32, #tpu.memory_space<vmem>>) semaphore(%arg16 : memref<!tpu.dma_semaphore, #tpu.memory_space<semaphore_mem>>)
        %dma_start3A_346 = arith.constant 0 : i32
        %dma_start3A_347 = tpu.memref_slice %arg9[%mul3A_297, %dma_start3A_346] : memref<25x40xi32, #tpu.memory_space<vmem>> -> memref<1x40xi32, #tpu.memory_space<vmem>>
        %dma_start3A_348 = tpu.memref_squeeze %dma_start3A_347 : memref<1x40xi32, #tpu.memory_space<vmem>> -> memref<40xi32, #tpu.memory_space<vmem>>
        %dma_start3A_349 = arith.constant 0 : i32
        %dma_start3A_350 = arith.constant 0 : i32
        %dma_start3A_351 = tpu.memref_slice %arg22[%dma_start3A_349, %dma_start3A_350] : memref<10112x128xf32, #tpu.memory_space<vmem_shared>> -> memref<10112x128xf32, #tpu.memory_space<vmem_shared>>
        tpu.enqueue_indirect_dma source(%arg14 : memref<40x128xf32, #tpu.memory_space<vmem>>) target(%dma_start3A_351 : memref<10112x128xf32, #tpu.memory_space<vmem_shared>>) offsets(%dma_start3A_348 : memref<40xi32, #tpu.memory_space<vmem>>) semaphore(%arg20 : memref<!tpu.dma_semaphore, #tpu.memory_space<semaphore_mem>>) {add = true}
        %mul3A_352 = arith.constant 2 : i32
        %mul3A_353 = arith.muli %mul3A_352, %scan3A_295 : i32
        %add3A_354 = arith.constant 1 : i32
        %add3A_355 = arith.addi %mul3A_353, %add3A_354 : i32
        %dma_wait3A_356 = arith.constant 0 : i32
        %dma_wait3A_357 = arith.constant 0 : i32
        %dma_wait3A_358 = tpu.memref_slice %arg3[%dma_wait3A_356, %dma_wait3A_357] : memref<160000x128xf32, #tpu.memory_space<hbm>> -> memref<40x128xf32, #tpu.memory_space<hbm>>
        %dma_wait3A_359 = arith.constant 0 : i32
        %dma_wait3A_360 = arith.constant 0 : i32
        %dma_wait3A_361 = tpu.memref_slice %arg3[%dma_wait3A_359, %dma_wait3A_360] : memref<160000x128xf32, #tpu.memory_space<hbm>> -> memref<40x128xf32, #tpu.memory_space<hbm>>
        tpu.wait_dma2 semaphore(%arg19 : memref<!tpu.dma_semaphore, #tpu.memory_space<semaphore_mem>>) src(%dma_wait3A_361 : memref<40x128xf32, #tpu.memory_space<hbm>>) dst(%arg11 : memref<40x128xf32, #tpu.memory_space<vmem>>)
        %dma_wait3A_362 = arith.constant 0 : i32
        %dma_wait3A_363 = arith.constant 0 : i32
        %dma_wait3A_364 = tpu.memref_slice %arg8[%dma_wait3A_362, %dma_wait3A_363] : memref<25x40xi32, #tpu.memory_space<vmem>> -> memref<1x40xi32, #tpu.memory_space<vmem>>
        %dma_wait3A_365 = tpu.memref_squeeze %dma_wait3A_364 : memref<1x40xi32, #tpu.memory_space<vmem>> -> memref<40xi32, #tpu.memory_space<vmem>>
        %dma_wait3A_366 = arith.constant 0 : i32
        %dma_wait3A_367 = arith.constant 0 : i32
        %dma_wait3A_368 = tpu.memref_slice %arg2[%dma_wait3A_366, %dma_wait3A_367] : memref<10000x128xf32, #tpu.memory_space<hbm>> -> memref<10000x128xf32, #tpu.memory_space<hbm>>
        tpu.wait_indirect_dma semaphore(%arg17 : memref<!tpu.dma_semaphore, #tpu.memory_space<semaphore_mem>>) src(%dma_wait3A_368 : memref<10000x128xf32, #tpu.memory_space<hbm>>) dst(%arg13 : memref<40x128xf32, #tpu.memory_space<vmem>>)
        %dma_wait3A_369 = arith.constant 0 : i32
        %dma_wait3A_370 = arith.constant 0 : i32
        %dma_wait3A_371 = tpu.memref_slice %arg9[%dma_wait3A_369, %dma_wait3A_370] : memref<25x40xi32, #tpu.memory_space<vmem>> -> memref<1x40xi32, #tpu.memory_space<vmem>>
        %dma_wait3A_372 = tpu.memref_squeeze %dma_wait3A_371 : memref<1x40xi32, #tpu.memory_space<vmem>> -> memref<40xi32, #tpu.memory_space<vmem>>
        %dma_wait3A_373 = arith.constant 0 : i32
        %dma_wait3A_374 = arith.constant 0 : i32
        %dma_wait3A_375 = tpu.memref_slice %arg22[%dma_wait3A_373, %dma_wait3A_374] : memref<10112x128xf32, #tpu.memory_space<vmem_shared>> -> memref<10112x128xf32, #tpu.memory_space<vmem_shared>>
        tpu.wait_indirect_dma semaphore(%arg21 : memref<!tpu.dma_semaphore, #tpu.memory_space<semaphore_mem>>) src(%arg15 : memref<40x128xf32, #tpu.memory_space<vmem>>) dst(%dma_wait3A_375 : memref<10112x128xf32, #tpu.memory_space<vmem_shared>>)
        %scan3A_376 = arith.constant 0 : i32
        %scan3A_377 = arith.constant 0 : i32
        %scan3A_378 = arith.constant 40 : i32
        %scan3A_379 = arith.addi %scan3A_377, %scan3A_378 : i32
        %scan3A_380 = arith.constant 1 : i32
        scf.for %scan3A_410 = %scan3A_377 to %scan3A_379 step %scan3A_380  : i32 {
          %get3A = arith.index_cast %scan3A_410 : i32 to index
          %get3A_411 = arith.constant 0 : index
          %get3A_412 = tpu.vector_load %arg13[%get3A, %get3A_411] {strides = array<i32>} : memref<40x128xf32, #tpu.memory_space<vmem>>, vector<1x16xf32>,
          %get3A_413 = vector.shape_cast %get3A_412 : vector<1x16xf32> to vector<16xf32>
          %get3A_414 = arith.index_cast %scan3A_410 : i32 to index
          %get3A_415 = arith.constant 0 : index
          %get3A_416 = tpu.vector_load %arg11[%get3A_414, %get3A_415] {strides = array<i32>} : memref<40x128xf32, #tpu.memory_space<vmem>>, vector<1x16xf32>,
          %get3A_417 = vector.shape_cast %get3A_416 : vector<1x16xf32> to vector<16xf32>
          %mul3A_418 = arith.mulf %get3A_413, %get3A_417 : vector<16xf32>
          %swap3A = arith.index_cast %scan3A_410 : i32 to index
          %swap3A_419 = arith.constant 0 : index
          %swap3A_420 = tpu.vector_load %arg15[%swap3A, %swap3A_419] {strides = array<i32>} : memref<40x128xf32, #tpu.memory_space<vmem>>, vector<1x16xf32>,
          %swap3A_421 = vector.shape_cast %swap3A_420 : vector<1x16xf32> to vector<16xf32>
          %swap3A_422 = vector.shape_cast %mul3A_418 : vector<16xf32> to vector<1x16xf32>
          tpu.vector_store %arg15[%swap3A, %swap3A_419], %swap3A_422 {strides = array<i32>} : memref<40x128xf32, #tpu.memory_space<vmem>>, vector<1x16xf32>,
          %get3A_423 = arith.index_cast %scan3A_410 : i32 to index
          %get3A_424 = arith.constant 16 : index
          %get3A_425 = tpu.vector_load %arg13[%get3A_423, %get3A_424] {strides = array<i32>} : memref<40x128xf32, #tpu.memory_space<vmem>>, vector<1x16xf32>,
          %get3A_426 = vector.shape_cast %get3A_425 : vector<1x16xf32> to vector<16xf32>
          %get3A_427 = arith.index_cast %scan3A_410 : i32 to index
          %get3A_428 = arith.constant 16 : index
          %get3A_429 = tpu.vector_load %arg11[%get3A_427, %get3A_428] {strides = array<i32>} : memref<40x128xf32, #tpu.memory_space<vmem>>, vector<1x16xf32>,
          %get3A_430 = vector.shape_cast %get3A_429 : vector<1x16xf32> to vector<16xf32>
          %mul3A_431 = arith.mulf %get3A_426, %get3A_430 : vector<16xf32>
          %swap3A_432 = arith.index_cast %scan3A_410 : i32 to index
          %swap3A_433 = arith.constant 16 : index
          %swap3A_434 = tpu.vector_load %arg15[%swap3A_432, %swap3A_433] {strides = array<i32>} : memref<40x128xf32, #tpu.memory_space<vmem>>, vector<1x16xf32>,
          %swap3A_435 = vector.shape_cast %swap3A_434 : vector<1x16xf32> to vector<16xf32>
          %swap3A_436 = vector.shape_cast %mul3A_431 : vector<16xf32> to vector<1x16xf32>
          tpu.vector_store %arg15[%swap3A_432, %swap3A_433], %swap3A_436 {strides = array<i32>} : memref<40x128xf32, #tpu.memory_space<vmem>>, vector<1x16xf32>,
          %get3A_437 = arith.index_cast %scan3A_410 : i32 to index
          %get3A_438 = arith.constant 32 : index
          %get3A_439 = tpu.vector_load %arg13[%get3A_437, %get3A_438] {strides = array<i32>} : memref<40x128xf32, #tpu.memory_space<vmem>>, vector<1x16xf32>,
          %get3A_440 = vector.shape_cast %get3A_439 : vector<1x16xf32> to vector<16xf32>
          %get3A_441 = arith.index_cast %scan3A_410 : i32 to index
          %get3A_442 = arith.constant 32 : index
          %get3A_443 = tpu.vector_load %arg11[%get3A_441, %get3A_442] {strides = array<i32>} : memref<40x128xf32, #tpu.memory_space<vmem>>, vector<1x16xf32>,
          %get3A_444 = vector.shape_cast %get3A_443 : vector<1x16xf32> to vector<16xf32>
          %mul3A_445 = arith.mulf %get3A_440, %get3A_444 : vector<16xf32>
          %swap3A_446 = arith.index_cast %scan3A_410 : i32 to index
          %swap3A_447 = arith.constant 32 : index
          %swap3A_448 = tpu.vector_load %arg15[%swap3A_446, %swap3A_447] {strides = array<i32>} : memref<40x128xf32, #tpu.memory_space<vmem>>, vector<1x16xf32>,
          %swap3A_449 = vector.shape_cast %swap3A_448 : vector<1x16xf32> to vector<16xf32>
          %swap3A_450 = vector.shape_cast %mul3A_445 : vector<16xf32> to vector<1x16xf32>
          tpu.vector_store %arg15[%swap3A_446, %swap3A_447], %swap3A_450 {strides = array<i32>} : memref<40x128xf32, #tpu.memory_space<vmem>>, vector<1x16xf32>,
          %get3A_451 = arith.index_cast %scan3A_410 : i32 to index
          %get3A_452 = arith.constant 48 : index
          %get3A_453 = tpu.vector_load %arg13[%get3A_451, %get3A_452] {strides = array<i32>} : memref<40x128xf32, #tpu.memory_space<vmem>>, vector<1x16xf32>,
          %get3A_454 = vector.shape_cast %get3A_453 : vector<1x16xf32> to vector<16xf32>
          %get3A_455 = arith.index_cast %scan3A_410 : i32 to index
          %get3A_456 = arith.constant 48 : index
          %get3A_457 = tpu.vector_load %arg11[%get3A_455, %get3A_456] {strides = array<i32>} : memref<40x128xf32, #tpu.memory_space<vmem>>, vector<1x16xf32>,
          %get3A_458 = vector.shape_cast %get3A_457 : vector<1x16xf32> to vector<16xf32>
          %mul3A_459 = arith.mulf %get3A_454, %get3A_458 : vector<16xf32>
          %swap3A_460 = arith.index_cast %scan3A_410 : i32 to index
          %swap3A_461 = arith.constant 48 : index
          %swap3A_462 = tpu.vector_load %arg15[%swap3A_460, %swap3A_461] {strides = array<i32>} : memref<40x128xf32, #tpu.memory_space<vmem>>, vector<1x16xf32>,
          %swap3A_463 = vector.shape_cast %swap3A_462 : vector<1x16xf32> to vector<16xf32>
          %swap3A_464 = vector.shape_cast %mul3A_459 : vector<16xf32> to vector<1x16xf32>
          tpu.vector_store %arg15[%swap3A_460, %swap3A_461], %swap3A_464 {strides = array<i32>} : memref<40x128xf32, #tpu.memory_space<vmem>>, vector<1x16xf32>,
          %get3A_465 = arith.index_cast %scan3A_410 : i32 to index
          %get3A_466 = arith.constant 64 : index
          %get3A_467 = tpu.vector_load %arg13[%get3A_465, %get3A_466] {strides = array<i32>} : memref<40x128xf32, #tpu.memory_space<vmem>>, vector<1x16xf32>,
          %get3A_468 = vector.shape_cast %get3A_467 : vector<1x16xf32> to vector<16xf32>
          %get3A_469 = arith.index_cast %scan3A_410 : i32 to index
          %get3A_470 = arith.constant 64 : index
          %get3A_471 = tpu.vector_load %arg11[%get3A_469, %get3A_470] {strides = array<i32>} : memref<40x128xf32, #tpu.memory_space<vmem>>, vector<1x16xf32>,
          %get3A_472 = vector.shape_cast %get3A_471 : vector<1x16xf32> to vector<16xf32>
          %mul3A_473 = arith.mulf %get3A_468, %get3A_472 : vector<16xf32>
          %swap3A_474 = arith.index_cast %scan3A_410 : i32 to index
          %swap3A_475 = arith.constant 64 : index
          %swap3A_476 = tpu.vector_load %arg15[%swap3A_474, %swap3A_475] {strides = array<i32>} : memref<40x128xf32, #tpu.memory_space<vmem>>, vector<1x16xf32>,
          %swap3A_477 = vector.shape_cast %swap3A_476 : vector<1x16xf32> to vector<16xf32>
          %swap3A_478 = vector.shape_cast %mul3A_473 : vector<16xf32> to vector<1x16xf32>
          tpu.vector_store %arg15[%swap3A_474, %swap3A_475], %swap3A_478 {strides = array<i32>} : memref<40x128xf32, #tpu.memory_space<vmem>>, vector<1x16xf32>,
          %get3A_479 = arith.index_cast %scan3A_410 : i32 to index
          %get3A_480 = arith.constant 80 : index
          %get3A_481 = tpu.vector_load %arg13[%get3A_479, %get3A_480] {strides = array<i32>} : memref<40x128xf32, #tpu.memory_space<vmem>>, vector<1x16xf32>,
          %get3A_482 = vector.shape_cast %get3A_481 : vector<1x16xf32> to vector<16xf32>
          %get3A_483 = arith.index_cast %scan3A_410 : i32 to index
          %get3A_484 = arith.constant 80 : index
          %get3A_485 = tpu.vector_load %arg11[%get3A_483, %get3A_484] {strides = array<i32>} : memref<40x128xf32, #tpu.memory_space<vmem>>, vector<1x16xf32>,
          %get3A_486 = vector.shape_cast %get3A_485 : vector<1x16xf32> to vector<16xf32>
          %mul3A_487 = arith.mulf %get3A_482, %get3A_486 : vector<16xf32>
          %swap3A_488 = arith.index_cast %scan3A_410 : i32 to index
          %swap3A_489 = arith.constant 80 : index
          %swap3A_490 = tpu.vector_load %arg15[%swap3A_488, %swap3A_489] {strides = array<i32>} : memref<40x128xf32, #tpu.memory_space<vmem>>, vector<1x16xf32>,
          %swap3A_491 = vector.shape_cast %swap3A_490 : vector<1x16xf32> to vector<16xf32>
          %swap3A_492 = vector.shape_cast %mul3A_487 : vector<16xf32> to vector<1x16xf32>
          tpu.vector_store %arg15[%swap3A_488, %swap3A_489], %swap3A_492 {strides = array<i32>} : memref<40x128xf32, #tpu.memory_space<vmem>>, vector<1x16xf32>,
          %get3A_493 = arith.index_cast %scan3A_410 : i32 to index
          %get3A_494 = arith.constant 96 : index
          %get3A_495 = tpu.vector_load %arg13[%get3A_493, %get3A_494] {strides = array<i32>} : memref<40x128xf32, #tpu.memory_space<vmem>>, vector<1x16xf32>,
          %get3A_496 = vector.shape_cast %get3A_495 : vector<1x16xf32> to vector<16xf32>
          %get3A_497 = arith.index_cast %scan3A_410 : i32 to index
          %get3A_498 = arith.constant 96 : index
          %get3A_499 = tpu.vector_load %arg11[%get3A_497, %get3A_498] {strides = array<i32>} : memref<40x128xf32, #tpu.memory_space<vmem>>, vector<1x16xf32>,
          %get3A_500 = vector.shape_cast %get3A_499 : vector<1x16xf32> to vector<16xf32>
          %mul3A_501 = arith.mulf %get3A_496, %get3A_500 : vector<16xf32>
          %swap3A_502 = arith.index_cast %scan3A_410 : i32 to index
          %swap3A_503 = arith.constant 96 : index
          %swap3A_504 = tpu.vector_load %arg15[%swap3A_502, %swap3A_503] {strides = array<i32>} : memref<40x128xf32, #tpu.memory_space<vmem>>, vector<1x16xf32>,
          %swap3A_505 = vector.shape_cast %swap3A_504 : vector<1x16xf32> to vector<16xf32>
          %swap3A_506 = vector.shape_cast %mul3A_501 : vector<16xf32> to vector<1x16xf32>
          tpu.vector_store %arg15[%swap3A_502, %swap3A_503], %swap3A_506 {strides = array<i32>} : memref<40x128xf32, #tpu.memory_space<vmem>>, vector<1x16xf32>,
          %get3A_507 = arith.index_cast %scan3A_410 : i32 to index
          %get3A_508 = arith.constant 112 : index
          %get3A_509 = tpu.vector_load %arg13[%get3A_507, %get3A_508] {strides = array<i32>} : memref<40x128xf32, #tpu.memory_space<vmem>>, vector<1x16xf32>,
          %get3A_510 = vector.shape_cast %get3A_509 : vector<1x16xf32> to vector<16xf32>
          %get3A_511 = arith.index_cast %scan3A_410 : i32 to index
          %get3A_512 = arith.constant 112 : index
          %get3A_513 = tpu.vector_load %arg11[%get3A_511, %get3A_512] {strides = array<i32>} : memref<40x128xf32, #tpu.memory_space<vmem>>, vector<1x16xf32>,
          %get3A_514 = vector.shape_cast %get3A_513 : vector<1x16xf32> to vector<16xf32>
          %mul3A_515 = arith.mulf %get3A_510, %get3A_514 : vector<16xf32>
          %swap3A_516 = arith.index_cast %scan3A_410 : i32 to index
          %swap3A_517 = arith.constant 112 : index
          %swap3A_518 = tpu.vector_load %arg15[%swap3A_516, %swap3A_517] {strides = array<i32>} : memref<40x128xf32, #tpu.memory_space<vmem>>, vector<1x16xf32>,
          %swap3A_519 = vector.shape_cast %swap3A_518 : vector<1x16xf32> to vector<16xf32>
          %swap3A_520 = vector.shape_cast %mul3A_515 : vector<16xf32> to vector<1x16xf32>
          tpu.vector_store %arg15[%swap3A_516, %swap3A_517], %swap3A_520 {strides = array<i32>} : memref<40x128xf32, #tpu.memory_space<vmem>>, vector<1x16xf32>,
        }
        %scan3A_381 = arith.constant 40 : i32
        %add3A_382 = arith.constant 2 : i32
        %add3A_383 = arith.addi %add3A_355, %add3A_382 : i32
        %mul3A_384 = arith.constant 625 : i32
        %mul3A_385 = arith.muli %add3A, %mul3A_384 : i32
        %mul3A_386 = arith.constant 25 : i32
        %mul3A_387 = arith.muli %scan3A_15, %mul3A_386 : i32
        %add3A_388 = arith.addi %mul3A_387, %add3A_383 : i32
        %mul3A_389 = arith.constant 5 : i32
        %mul3A_390 = arith.muli %add3A_388, %mul3A_389 : i32
        %add3A_391 = arith.addi %mul3A_385, %mul3A_390 : i32
        %mul3A_392 = arith.constant 8 : i32
        %mul3A_393 = arith.muli %add3A_391, %mul3A_392 : i32
        %dma_start3A_394 = arith.constant 0 : i32
        %dma_start3A_395 = tpu.memref_slice %arg3[%mul3A_393, %dma_start3A_394] : memref<160000x128xf32, #tpu.memory_space<hbm>> -> memref<40x128xf32, #tpu.memory_space<hbm>>
        %dma_start3A_396 = arith.constant 0 : i32
        %dma_start3A_397 = tpu.memref_slice %arg3[%mul3A_393, %dma_start3A_396] : memref<160000x128xf32, #tpu.memory_space<hbm>> -> memref<40x128xf32, #tpu.memory_space<hbm>>
        tpu.enqueue_dma source(%dma_start3A_397 : memref<40x128xf32, #tpu.memory_space<hbm>>) target(%arg11 : memref<40x128xf32, #tpu.memory_space<vmem>>) target_semaphore(%arg19 : memref<!tpu.dma_semaphore, #tpu.memory_space<semaphore_mem>>)
        %dma_start3A_398 = arith.constant 0 : i32
        %dma_start3A_399 = tpu.memref_slice %arg8[%add3A_383, %dma_start3A_398] : memref<25x40xi32, #tpu.memory_space<vmem>> -> memref<1x40xi32, #tpu.memory_space<vmem>>
        %dma_start3A_400 = tpu.memref_squeeze %dma_start3A_399 : memref<1x40xi32, #tpu.memory_space<vmem>> -> memref<40xi32, #tpu.memory_space<vmem>>
        %dma_start3A_401 = arith.constant 0 : i32
        %dma_start3A_402 = arith.constant 0 : i32
        %dma_start3A_403 = tpu.memref_slice %arg2[%dma_start3A_401, %dma_start3A_402] : memref<10000x128xf32, #tpu.memory_space<hbm>> -> memref<10000x128xf32, #tpu.memory_space<hbm>>
        tpu.enqueue_indirect_dma source(%dma_start3A_403 : memref<10000x128xf32, #tpu.memory_space<hbm>>) target(%arg13 : memref<40x128xf32, #tpu.memory_space<vmem>>) offsets(%dma_start3A_400 : memref<40xi32, #tpu.memory_space<vmem>>) semaphore(%arg17 : memref<!tpu.dma_semaphore, #tpu.memory_space<semaphore_mem>>)
        %dma_start3A_404 = arith.constant 0 : i32
        %dma_start3A_405 = tpu.memref_slice %arg9[%add3A_355, %dma_start3A_404] : memref<25x40xi32, #tpu.memory_space<vmem>> -> memref<1x40xi32, #tpu.memory_space<vmem>>
        %dma_start3A_406 = tpu.memref_squeeze %dma_start3A_405 : memref<1x40xi32, #tpu.memory_space<vmem>> -> memref<40xi32, #tpu.memory_space<vmem>>
        %dma_start3A_407 = arith.constant 0 : i32
        %dma_start3A_408 = arith.constant 0 : i32
        %dma_start3A_409 = tpu.memref_slice %arg22[%dma_start3A_407, %dma_start3A_408] : memref<10112x128xf32, #tpu.memory_space<vmem_shared>> -> memref<10112x128xf32, #tpu.memory_space<vmem_shared>>
        tpu.enqueue_indirect_dma source(%arg15 : memref<40x128xf32, #tpu.memory_space<vmem>>) target(%dma_start3A_409 : memref<10112x128xf32, #tpu.memory_space<vmem_shared>>) offsets(%dma_start3A_406 : memref<40xi32, #tpu.memory_space<vmem>>) semaphore(%arg21 : memref<!tpu.dma_semaphore, #tpu.memory_space<semaphore_mem>>) {add = true}
      }
      %scan3A_159 = arith.constant 10 : i32
      %dma_wait3A_160 = arith.constant 0 : i32
      %dma_wait3A_161 = arith.constant 0 : i32
      %dma_wait3A_162 = tpu.memref_slice %arg3[%dma_wait3A_160, %dma_wait3A_161] : memref<160000x128xf32, #tpu.memory_space<hbm>> -> memref<40x128xf32, #tpu.memory_space<hbm>>
      %dma_wait3A_163 = arith.constant 0 : i32
      %dma_wait3A_164 = arith.constant 0 : i32
      %dma_wait3A_165 = tpu.memref_slice %arg3[%dma_wait3A_163, %dma_wait3A_164] : memref<160000x128xf32, #tpu.memory_space<hbm>> -> memref<40x128xf32, #tpu.memory_space<hbm>>
      tpu.wait_dma2 semaphore(%arg18 : memref<!tpu.dma_semaphore, #tpu.memory_space<semaphore_mem>>) src(%dma_wait3A_165 : memref<40x128xf32, #tpu.memory_space<hbm>>) dst(%arg10 : memref<40x128xf32, #tpu.memory_space<vmem>>)
      %dma_wait3A_166 = arith.constant 0 : i32
      %dma_wait3A_167 = arith.constant 0 : i32
      %dma_wait3A_168 = tpu.memref_slice %arg8[%dma_wait3A_166, %dma_wait3A_167] : memref<25x40xi32, #tpu.memory_space<vmem>> -> memref<1x40xi32, #tpu.memory_space<vmem>>
      %dma_wait3A_169 = tpu.memref_squeeze %dma_wait3A_168 : memref<1x40xi32, #tpu.memory_space<vmem>> -> memref<40xi32, #tpu.memory_space<vmem>>
      %dma_wait3A_170 = arith.constant 0 : i32
      %dma_wait3A_171 = arith.constant 0 : i32
      %dma_wait3A_172 = tpu.memref_slice %arg2[%dma_wait3A_170, %dma_wait3A_171] : memref<10000x128xf32, #tpu.memory_space<hbm>> -> memref<10000x128xf32, #tpu.memory_space<hbm>>
      tpu.wait_indirect_dma semaphore(%arg16 : memref<!tpu.dma_semaphore, #tpu.memory_space<semaphore_mem>>) src(%dma_wait3A_172 : memref<10000x128xf32, #tpu.memory_space<hbm>>) dst(%arg12 : memref<40x128xf32, #tpu.memory_space<vmem>>)
      %dma_wait3A_173 = arith.constant 0 : i32
      %dma_wait3A_174 = arith.constant 0 : i32
      %dma_wait3A_175 = tpu.memref_slice %arg9[%dma_wait3A_173, %dma_wait3A_174] : memref<25x40xi32, #tpu.memory_space<vmem>> -> memref<1x40xi32, #tpu.memory_space<vmem>>
      %dma_wait3A_176 = tpu.memref_squeeze %dma_wait3A_175 : memref<1x40xi32, #tpu.memory_space<vmem>> -> memref<40xi32, #tpu.memory_space<vmem>>
      %dma_wait3A_177 = arith.constant 0 : i32
      %dma_wait3A_178 = arith.constant 0 : i32
      %dma_wait3A_179 = tpu.memref_slice %arg22[%dma_wait3A_177, %dma_wait3A_178] : memref<10112x128xf32, #tpu.memory_space<vmem_shared>> -> memref<10112x128xf32, #tpu.memory_space<vmem_shared>>
      tpu.wait_indirect_dma semaphore(%arg20 : memref<!tpu.dma_semaphore, #tpu.memory_space<semaphore_mem>>) src(%arg14 : memref<40x128xf32, #tpu.memory_space<vmem>>) dst(%dma_wait3A_179 : memref<10112x128xf32, #tpu.memory_space<vmem_shared>>)
      %scan3A_180 = arith.constant 0 : i32
      %scan3A_181 = arith.constant 0 : i32
      %scan3A_182 = arith.constant 40 : i32
      %scan3A_183 = arith.addi %scan3A_181, %scan3A_182 : i32
      %scan3A_184 = arith.constant 1 : i32
      scf.for %scan3A_295 = %scan3A_181 to %scan3A_183 step %scan3A_184  : i32 {
        %get3A = arith.index_cast %scan3A_295 : i32 to index
        %get3A_296 = arith.constant 0 : index
        %get3A_297 = tpu.vector_load %arg12[%get3A, %get3A_296] {strides = array<i32>} : memref<40x128xf32, #tpu.memory_space<vmem>>, vector<1x16xf32>,
        %get3A_298 = vector.shape_cast %get3A_297 : vector<1x16xf32> to vector<16xf32>
        %get3A_299 = arith.index_cast %scan3A_295 : i32 to index
        %get3A_300 = arith.constant 0 : index
        %get3A_301 = tpu.vector_load %arg10[%get3A_299, %get3A_300] {strides = array<i32>} : memref<40x128xf32, #tpu.memory_space<vmem>>, vector<1x16xf32>,
        %get3A_302 = vector.shape_cast %get3A_301 : vector<1x16xf32> to vector<16xf32>
        %mul3A_303 = arith.mulf %get3A_298, %get3A_302 : vector<16xf32>
        %swap3A = arith.index_cast %scan3A_295 : i32 to index
        %swap3A_304 = arith.constant 0 : index
        %swap3A_305 = tpu.vector_load %arg14[%swap3A, %swap3A_304] {strides = array<i32>} : memref<40x128xf32, #tpu.memory_space<vmem>>, vector<1x16xf32>,
        %swap3A_306 = vector.shape_cast %swap3A_305 : vector<1x16xf32> to vector<16xf32>
        %swap3A_307 = vector.shape_cast %mul3A_303 : vector<16xf32> to vector<1x16xf32>
        tpu.vector_store %arg14[%swap3A, %swap3A_304], %swap3A_307 {strides = array<i32>} : memref<40x128xf32, #tpu.memory_space<vmem>>, vector<1x16xf32>,
        %get3A_308 = arith.index_cast %scan3A_295 : i32 to index
        %get3A_309 = arith.constant 16 : index
        %get3A_310 = tpu.vector_load %arg12[%get3A_308, %get3A_309] {strides = array<i32>} : memref<40x128xf32, #tpu.memory_space<vmem>>, vector<1x16xf32>,
        %get3A_311 = vector.shape_cast %get3A_310 : vector<1x16xf32> to vector<16xf32>
        %get3A_312 = arith.index_cast %scan3A_295 : i32 to index
        %get3A_313 = arith.constant 16 : index
        %get3A_314 = tpu.vector_load %arg10[%get3A_312, %get3A_313] {strides = array<i32>} : memref<40x128xf32, #tpu.memory_space<vmem>>, vector<1x16xf32>,
        %get3A_315 = vector.shape_cast %get3A_314 : vector<1x16xf32> to vector<16xf32>
        %mul3A_316 = arith.mulf %get3A_311, %get3A_315 : vector<16xf32>
        %swap3A_317 = arith.index_cast %scan3A_295 : i32 to index
        %swap3A_318 = arith.constant 16 : index
        %swap3A_319 = tpu.vector_load %arg14[%swap3A_317, %swap3A_318] {strides = array<i32>} : memref<40x128xf32, #tpu.memory_space<vmem>>, vector<1x16xf32>,
        %swap3A_320 = vector.shape_cast %swap3A_319 : vector<1x16xf32> to vector<16xf32>
        %swap3A_321 = vector.shape_cast %mul3A_316 : vector<16xf32> to vector<1x16xf32>
        tpu.vector_store %arg14[%swap3A_317, %swap3A_318], %swap3A_321 {strides = array<i32>} : memref<40x128xf32, #tpu.memory_space<vmem>>, vector<1x16xf32>,
        %get3A_322 = arith.index_cast %scan3A_295 : i32 to index
        %get3A_323 = arith.constant 32 : index
        %get3A_324 = tpu.vector_load %arg12[%get3A_322, %get3A_323] {strides = array<i32>} : memref<40x128xf32, #tpu.memory_space<vmem>>, vector<1x16xf32>,
        %get3A_325 = vector.shape_cast %get3A_324 : vector<1x16xf32> to vector<16xf32>
        %get3A_326 = arith.index_cast %scan3A_295 : i32 to index
        %get3A_327 = arith.constant 32 : index
        %get3A_328 = tpu.vector_load %arg10[%get3A_326, %get3A_327] {strides = array<i32>} : memref<40x128xf32, #tpu.memory_space<vmem>>, vector<1x16xf32>,
        %get3A_329 = vector.shape_cast %get3A_328 : vector<1x16xf32> to vector<16xf32>
        %mul3A_330 = arith.mulf %get3A_325, %get3A_329 : vector<16xf32>
        %swap3A_331 = arith.index_cast %scan3A_295 : i32 to index
        %swap3A_332 = arith.constant 32 : index
        %swap3A_333 = tpu.vector_load %arg14[%swap3A_331, %swap3A_332] {strides = array<i32>} : memref<40x128xf32, #tpu.memory_space<vmem>>, vector<1x16xf32>,
        %swap3A_334 = vector.shape_cast %swap3A_333 : vector<1x16xf32> to vector<16xf32>
        %swap3A_335 = vector.shape_cast %mul3A_330 : vector<16xf32> to vector<1x16xf32>
        tpu.vector_store %arg14[%swap3A_331, %swap3A_332], %swap3A_335 {strides = array<i32>} : memref<40x128xf32, #tpu.memory_space<vmem>>, vector<1x16xf32>,
        %get3A_336 = arith.index_cast %scan3A_295 : i32 to index
        %get3A_337 = arith.constant 48 : index
        %get3A_338 = tpu.vector_load %arg12[%get3A_336, %get3A_337] {strides = array<i32>} : memref<40x128xf32, #tpu.memory_space<vmem>>, vector<1x16xf32>,
        %get3A_339 = vector.shape_cast %get3A_338 : vector<1x16xf32> to vector<16xf32>
        %get3A_340 = arith.index_cast %scan3A_295 : i32 to index
        %get3A_341 = arith.constant 48 : index
        %get3A_342 = tpu.vector_load %arg10[%get3A_340, %get3A_341] {strides = array<i32>} : memref<40x128xf32, #tpu.memory_space<vmem>>, vector<1x16xf32>,
        %get3A_343 = vector.shape_cast %get3A_342 : vector<1x16xf32> to vector<16xf32>
        %mul3A_344 = arith.mulf %get3A_339, %get3A_343 : vector<16xf32>
        %swap3A_345 = arith.index_cast %scan3A_295 : i32 to index
        %swap3A_346 = arith.constant 48 : index
        %swap3A_347 = tpu.vector_load %arg14[%swap3A_345, %swap3A_346] {strides = array<i32>} : memref<40x128xf32, #tpu.memory_space<vmem>>, vector<1x16xf32>,
        %swap3A_348 = vector.shape_cast %swap3A_347 : vector<1x16xf32> to vector<16xf32>
        %swap3A_349 = vector.shape_cast %mul3A_344 : vector<16xf32> to vector<1x16xf32>
        tpu.vector_store %arg14[%swap3A_345, %swap3A_346], %swap3A_349 {strides = array<i32>} : memref<40x128xf32, #tpu.memory_space<vmem>>, vector<1x16xf32>,
        %get3A_350 = arith.index_cast %scan3A_295 : i32 to index
        %get3A_351 = arith.constant 64 : index
        %get3A_352 = tpu.vector_load %arg12[%get3A_350, %get3A_351] {strides = array<i32>} : memref<40x128xf32, #tpu.memory_space<vmem>>, vector<1x16xf32>,
        %get3A_353 = vector.shape_cast %get3A_352 : vector<1x16xf32> to vector<16xf32>
        %get3A_354 = arith.index_cast %scan3A_295 : i32 to index
        %get3A_355 = arith.constant 64 : index
        %get3A_356 = tpu.vector_load %arg10[%get3A_354, %get3A_355] {strides = array<i32>} : memref<40x128xf32, #tpu.memory_space<vmem>>, vector<1x16xf32>,
        %get3A_357 = vector.shape_cast %get3A_356 : vector<1x16xf32> to vector<16xf32>
        %mul3A_358 = arith.mulf %get3A_353, %get3A_357 : vector<16xf32>
        %swap3A_359 = arith.index_cast %scan3A_295 : i32 to index
        %swap3A_360 = arith.constant 64 : index
        %swap3A_361 = tpu.vector_load %arg14[%swap3A_359, %swap3A_360] {strides = array<i32>} : memref<40x128xf32, #tpu.memory_space<vmem>>, vector<1x16xf32>,
        %swap3A_362 = vector.shape_cast %swap3A_361 : vector<1x16xf32> to vector<16xf32>
        %swap3A_363 = vector.shape_cast %mul3A_358 : vector<16xf32> to vector<1x16xf32>
        tpu.vector_store %arg14[%swap3A_359, %swap3A_360], %swap3A_363 {strides = array<i32>} : memref<40x128xf32, #tpu.memory_space<vmem>>, vector<1x16xf32>,
        %get3A_364 = arith.index_cast %scan3A_295 : i32 to index
        %get3A_365 = arith.constant 80 : index
        %get3A_366 = tpu.vector_load %arg12[%get3A_364, %get3A_365] {strides = array<i32>} : memref<40x128xf32, #tpu.memory_space<vmem>>, vector<1x16xf32>,
        %get3A_367 = vector.shape_cast %get3A_366 : vector<1x16xf32> to vector<16xf32>
        %get3A_368 = arith.index_cast %scan3A_295 : i32 to index
        %get3A_369 = arith.constant 80 : index
        %get3A_370 = tpu.vector_load %arg10[%get3A_368, %get3A_369] {strides = array<i32>} : memref<40x128xf32, #tpu.memory_space<vmem>>, vector<1x16xf32>,
        %get3A_371 = vector.shape_cast %get3A_370 : vector<1x16xf32> to vector<16xf32>
        %mul3A_372 = arith.mulf %get3A_367, %get3A_371 : vector<16xf32>
        %swap3A_373 = arith.index_cast %scan3A_295 : i32 to index
        %swap3A_374 = arith.constant 80 : index
        %swap3A_375 = tpu.vector_load %arg14[%swap3A_373, %swap3A_374] {strides = array<i32>} : memref<40x128xf32, #tpu.memory_space<vmem>>, vector<1x16xf32>,
        %swap3A_376 = vector.shape_cast %swap3A_375 : vector<1x16xf32> to vector<16xf32>
        %swap3A_377 = vector.shape_cast %mul3A_372 : vector<16xf32> to vector<1x16xf32>
        tpu.vector_store %arg14[%swap3A_373, %swap3A_374], %swap3A_377 {strides = array<i32>} : memref<40x128xf32, #tpu.memory_space<vmem>>, vector<1x16xf32>,
        %get3A_378 = arith.index_cast %scan3A_295 : i32 to index
        %get3A_379 = arith.constant 96 : index
        %get3A_380 = tpu.vector_load %arg12[%get3A_378, %get3A_379] {strides = array<i32>} : memref<40x128xf32, #tpu.memory_space<vmem>>, vector<1x16xf32>,
        %get3A_381 = vector.shape_cast %get3A_380 : vector<1x16xf32> to vector<16xf32>
        %get3A_382 = arith.index_cast %scan3A_295 : i32 to index
        %get3A_383 = arith.constant 96 : index
        %get3A_384 = tpu.vector_load %arg10[%get3A_382, %get3A_383] {strides = array<i32>} : memref<40x128xf32, #tpu.memory_space<vmem>>, vector<1x16xf32>,
        %get3A_385 = vector.shape_cast %get3A_384 : vector<1x16xf32> to vector<16xf32>
        %mul3A_386 = arith.mulf %get3A_381, %get3A_385 : vector<16xf32>
        %swap3A_387 = arith.index_cast %scan3A_295 : i32 to index
        %swap3A_388 = arith.constant 96 : index
        %swap3A_389 = tpu.vector_load %arg14[%swap3A_387, %swap3A_388] {strides = array<i32>} : memref<40x128xf32, #tpu.memory_space<vmem>>, vector<1x16xf32>,
        %swap3A_390 = vector.shape_cast %swap3A_389 : vector<1x16xf32> to vector<16xf32>
        %swap3A_391 = vector.shape_cast %mul3A_386 : vector<16xf32> to vector<1x16xf32>
        tpu.vector_store %arg14[%swap3A_387, %swap3A_388], %swap3A_391 {strides = array<i32>} : memref<40x128xf32, #tpu.memory_space<vmem>>, vector<1x16xf32>,
        %get3A_392 = arith.index_cast %scan3A_295 : i32 to index
        %get3A_393 = arith.constant 112 : index
        %get3A_394 = tpu.vector_load %arg12[%get3A_392, %get3A_393] {strides = array<i32>} : memref<40x128xf32, #tpu.memory_space<vmem>>, vector<1x16xf32>,
        %get3A_395 = vector.shape_cast %get3A_394 : vector<1x16xf32> to vector<16xf32>
        %get3A_396 = arith.index_cast %scan3A_295 : i32 to index
        %get3A_397 = arith.constant 112 : index
        %get3A_398 = tpu.vector_load %arg10[%get3A_396, %get3A_397] {strides = array<i32>} : memref<40x128xf32, #tpu.memory_space<vmem>>, vector<1x16xf32>,
        %get3A_399 = vector.shape_cast %get3A_398 : vector<1x16xf32> to vector<16xf32>
        %mul3A_400 = arith.mulf %get3A_395, %get3A_399 : vector<16xf32>
        %swap3A_401 = arith.index_cast %scan3A_295 : i32 to index
        %swap3A_402 = arith.constant 112 : index
        %swap3A_403 = tpu.vector_load %arg14[%swap3A_401, %swap3A_402] {strides = array<i32>} : memref<40x128xf32, #tpu.memory_space<vmem>>, vector<1x16xf32>,
        %swap3A_404 = vector.shape_cast %swap3A_403 : vector<1x16xf32> to vector<16xf32>
        %swap3A_405 = vector.shape_cast %mul3A_400 : vector<16xf32> to vector<1x16xf32>
        tpu.vector_store %arg14[%swap3A_401, %swap3A_402], %swap3A_405 {strides = array<i32>} : memref<40x128xf32, #tpu.memory_space<vmem>>, vector<1x16xf32>,
      }
      %scan3A_185 = arith.constant 40 : i32
      %mul3A_186 = arith.constant 625 : i32
      %mul3A_187 = arith.muli %add3A, %mul3A_186 : i32
      %mul3A_188 = arith.constant 25 : i32
      %mul3A_189 = arith.muli %scan3A_15, %mul3A_188 : i32
      %add3A_190 = arith.constant 24 : i32
      %add3A_191 = arith.addi %mul3A_189, %add3A_190 : i32
      %mul3A_192 = arith.constant 5 : i32
      %mul3A_193 = arith.muli %add3A_191, %mul3A_192 : i32
      %add3A_194 = arith.addi %mul3A_187, %mul3A_193 : i32
      %mul3A_195 = arith.constant 8 : i32
      %mul3A_196 = arith.muli %add3A_194, %mul3A_195 : i32
      %dma_start3A_197 = arith.constant 0 : i32
      %dma_start3A_198 = tpu.memref_slice %arg3[%mul3A_196, %dma_start3A_197] : memref<160000x128xf32, #tpu.memory_space<hbm>> -> memref<40x128xf32, #tpu.memory_space<hbm>>
      %dma_start3A_199 = arith.constant 0 : i32
      %dma_start3A_200 = tpu.memref_slice %arg3[%mul3A_196, %dma_start3A_199] : memref<160000x128xf32, #tpu.memory_space<hbm>> -> memref<40x128xf32, #tpu.memory_space<hbm>>
      tpu.enqueue_dma source(%dma_start3A_200 : memref<40x128xf32, #tpu.memory_space<hbm>>) target(%arg10 : memref<40x128xf32, #tpu.memory_space<vmem>>) target_semaphore(%arg18 : memref<!tpu.dma_semaphore, #tpu.memory_space<semaphore_mem>>)
      %dma_start3A_201 = arith.constant 24 : i32
      %dma_start3A_202 = arith.constant 0 : i32
      %dma_start3A_203 = tpu.memref_slice %arg8[%dma_start3A_201, %dma_start3A_202] : memref<25x40xi32, #tpu.memory_space<vmem>> -> memref<1x40xi32, #tpu.memory_space<vmem>>
      %dma_start3A_204 = tpu.memref_squeeze %dma_start3A_203 : memref<1x40xi32, #tpu.memory_space<vmem>> -> memref<40xi32, #tpu.memory_space<vmem>>
      %dma_start3A_205 = arith.constant 0 : i32
      %dma_start3A_206 = arith.constant 0 : i32
      %dma_start3A_207 = tpu.memref_slice %arg2[%dma_start3A_205, %dma_start3A_206] : memref<10000x128xf32, #tpu.memory_space<hbm>> -> memref<10000x128xf32, #tpu.memory_space<hbm>>
      tpu.enqueue_indirect_dma source(%dma_start3A_207 : memref<10000x128xf32, #tpu.memory_space<hbm>>) target(%arg12 : memref<40x128xf32, #tpu.memory_space<vmem>>) offsets(%dma_start3A_204 : memref<40xi32, #tpu.memory_space<vmem>>) semaphore(%arg16 : memref<!tpu.dma_semaphore, #tpu.memory_space<semaphore_mem>>)
      %dma_start3A_208 = arith.constant 22 : i32
      %dma_start3A_209 = arith.constant 0 : i32
      %dma_start3A_210 = tpu.memref_slice %arg9[%dma_start3A_208, %dma_start3A_209] : memref<25x40xi32, #tpu.memory_space<vmem>> -> memref<1x40xi32, #tpu.memory_space<vmem>>
      %dma_start3A_211 = tpu.memref_squeeze %dma_start3A_210 : memref<1x40xi32, #tpu.memory_space<vmem>> -> memref<40xi32, #tpu.memory_space<vmem>>
      %dma_start3A_212 = arith.constant 0 : i32
      %dma_start3A_213 = arith.constant 0 : i32
      %dma_start3A_214 = tpu.memref_slice %arg22[%dma_start3A_212, %dma_start3A_213] : memref<10112x128xf32, #tpu.memory_space<vmem_shared>> -> memref<10112x128xf32, #tpu.memory_space<vmem_shared>>
      tpu.enqueue_indirect_dma source(%arg14 : memref<40x128xf32, #tpu.memory_space<vmem>>) target(%dma_start3A_214 : memref<10112x128xf32, #tpu.memory_space<vmem_shared>>) offsets(%dma_start3A_211 : memref<40xi32, #tpu.memory_space<vmem>>) semaphore(%arg20 : memref<!tpu.dma_semaphore, #tpu.memory_space<semaphore_mem>>) {add = true}
      %dma_wait3A_215 = arith.constant 0 : i32
      %dma_wait3A_216 = arith.constant 0 : i32
      %dma_wait3A_217 = tpu.memref_slice %arg3[%dma_wait3A_215, %dma_wait3A_216] : memref<160000x128xf32, #tpu.memory_space<hbm>> -> memref<40x128xf32, #tpu.memory_space<hbm>>
      %dma_wait3A_218 = arith.constant 0 : i32
      %dma_wait3A_219 = arith.constant 0 : i32
      %dma_wait3A_220 = tpu.memref_slice %arg3[%dma_wait3A_218, %dma_wait3A_219] : memref<160000x128xf32, #tpu.memory_space<hbm>> -> memref<40x128xf32, #tpu.memory_space<hbm>>
      tpu.wait_dma2 semaphore(%arg19 : memref<!tpu.dma_semaphore, #tpu.memory_space<semaphore_mem>>) src(%dma_wait3A_220 : memref<40x128xf32, #tpu.memory_space<hbm>>) dst(%arg11 : memref<40x128xf32, #tpu.memory_space<vmem>>)
      %dma_wait3A_221 = arith.constant 0 : i32
      %dma_wait3A_222 = arith.constant 0 : i32
      %dma_wait3A_223 = tpu.memref_slice %arg8[%dma_wait3A_221, %dma_wait3A_222] : memref<25x40xi32, #tpu.memory_space<vmem>> -> memref<1x40xi32, #tpu.memory_space<vmem>>
      %dma_wait3A_224 = tpu.memref_squeeze %dma_wait3A_223 : memref<1x40xi32, #tpu.memory_space<vmem>> -> memref<40xi32, #tpu.memory_space<vmem>>
      %dma_wait3A_225 = arith.constant 0 : i32
      %dma_wait3A_226 = arith.constant 0 : i32
      %dma_wait3A_227 = tpu.memref_slice %arg2[%dma_wait3A_225, %dma_wait3A_226] : memref<10000x128xf32, #tpu.memory_space<hbm>> -> memref<10000x128xf32, #tpu.memory_space<hbm>>
      tpu.wait_indirect_dma semaphore(%arg17 : memref<!tpu.dma_semaphore, #tpu.memory_space<semaphore_mem>>) src(%dma_wait3A_227 : memref<10000x128xf32, #tpu.memory_space<hbm>>) dst(%arg13 : memref<40x128xf32, #tpu.memory_space<vmem>>)
      %dma_wait3A_228 = arith.constant 0 : i32
      %dma_wait3A_229 = arith.constant 0 : i32
      %dma_wait3A_230 = tpu.memref_slice %arg9[%dma_wait3A_228, %dma_wait3A_229] : memref<25x40xi32, #tpu.memory_space<vmem>> -> memref<1x40xi32, #tpu.memory_space<vmem>>
      %dma_wait3A_231 = tpu.memref_squeeze %dma_wait3A_230 : memref<1x40xi32, #tpu.memory_space<vmem>> -> memref<40xi32, #tpu.memory_space<vmem>>
      %dma_wait3A_232 = arith.constant 0 : i32
      %dma_wait3A_233 = arith.constant 0 : i32
      %dma_wait3A_234 = tpu.memref_slice %arg22[%dma_wait3A_232, %dma_wait3A_233] : memref<10112x128xf32, #tpu.memory_space<vmem_shared>> -> memref<10112x128xf32, #tpu.memory_space<vmem_shared>>
      tpu.wait_indirect_dma semaphore(%arg21 : memref<!tpu.dma_semaphore, #tpu.memory_space<semaphore_mem>>) src(%arg15 : memref<40x128xf32, #tpu.memory_space<vmem>>) dst(%dma_wait3A_234 : memref<10112x128xf32, #tpu.memory_space<vmem_shared>>)
      %scan3A_235 = arith.constant 0 : i32
      %scan3A_236 = arith.constant 0 : i32
      %scan3A_237 = arith.constant 40 : i32
      %scan3A_238 = arith.addi %scan3A_236, %scan3A_237 : i32
      %scan3A_239 = arith.constant 1 : i32
      scf.for %scan3A_295 = %scan3A_236 to %scan3A_238 step %scan3A_239  : i32 {
        %get3A = arith.index_cast %scan3A_295 : i32 to index
        %get3A_296 = arith.constant 0 : index
        %get3A_297 = tpu.vector_load %arg13[%get3A, %get3A_296] {strides = array<i32>} : memref<40x128xf32, #tpu.memory_space<vmem>>, vector<1x16xf32>,
        %get3A_298 = vector.shape_cast %get3A_297 : vector<1x16xf32> to vector<16xf32>
        %get3A_299 = arith.index_cast %scan3A_295 : i32 to index
        %get3A_300 = arith.constant 0 : index
        %get3A_301 = tpu.vector_load %arg11[%get3A_299, %get3A_300] {strides = array<i32>} : memref<40x128xf32, #tpu.memory_space<vmem>>, vector<1x16xf32>,
        %get3A_302 = vector.shape_cast %get3A_301 : vector<1x16xf32> to vector<16xf32>
        %mul3A_303 = arith.mulf %get3A_298, %get3A_302 : vector<16xf32>
        %swap3A = arith.index_cast %scan3A_295 : i32 to index
        %swap3A_304 = arith.constant 0 : index
        %swap3A_305 = tpu.vector_load %arg15[%swap3A, %swap3A_304] {strides = array<i32>} : memref<40x128xf32, #tpu.memory_space<vmem>>, vector<1x16xf32>,
        %swap3A_306 = vector.shape_cast %swap3A_305 : vector<1x16xf32> to vector<16xf32>
        %swap3A_307 = vector.shape_cast %mul3A_303 : vector<16xf32> to vector<1x16xf32>
        tpu.vector_store %arg15[%swap3A, %swap3A_304], %swap3A_307 {strides = array<i32>} : memref<40x128xf32, #tpu.memory_space<vmem>>, vector<1x16xf32>,
        %get3A_308 = arith.index_cast %scan3A_295 : i32 to index
        %get3A_309 = arith.constant 16 : index
        %get3A_310 = tpu.vector_load %arg13[%get3A_308, %get3A_309] {strides = array<i32>} : memref<40x128xf32, #tpu.memory_space<vmem>>, vector<1x16xf32>,
        %get3A_311 = vector.shape_cast %get3A_310 : vector<1x16xf32> to vector<16xf32>
        %get3A_312 = arith.index_cast %scan3A_295 : i32 to index
        %get3A_313 = arith.constant 16 : index
        %get3A_314 = tpu.vector_load %arg11[%get3A_312, %get3A_313] {strides = array<i32>} : memref<40x128xf32, #tpu.memory_space<vmem>>, vector<1x16xf32>,
        %get3A_315 = vector.shape_cast %get3A_314 : vector<1x16xf32> to vector<16xf32>
        %mul3A_316 = arith.mulf %get3A_311, %get3A_315 : vector<16xf32>
        %swap3A_317 = arith.index_cast %scan3A_295 : i32 to index
        %swap3A_318 = arith.constant 16 : index
        %swap3A_319 = tpu.vector_load %arg15[%swap3A_317, %swap3A_318] {strides = array<i32>} : memref<40x128xf32, #tpu.memory_space<vmem>>, vector<1x16xf32>,
        %swap3A_320 = vector.shape_cast %swap3A_319 : vector<1x16xf32> to vector<16xf32>
        %swap3A_321 = vector.shape_cast %mul3A_316 : vector<16xf32> to vector<1x16xf32>
        tpu.vector_store %arg15[%swap3A_317, %swap3A_318], %swap3A_321 {strides = array<i32>} : memref<40x128xf32, #tpu.memory_space<vmem>>, vector<1x16xf32>,
        %get3A_322 = arith.index_cast %scan3A_295 : i32 to index
        %get3A_323 = arith.constant 32 : index
        %get3A_324 = tpu.vector_load %arg13[%get3A_322, %get3A_323] {strides = array<i32>} : memref<40x128xf32, #tpu.memory_space<vmem>>, vector<1x16xf32>,
        %get3A_325 = vector.shape_cast %get3A_324 : vector<1x16xf32> to vector<16xf32>
        %get3A_326 = arith.index_cast %scan3A_295 : i32 to index
        %get3A_327 = arith.constant 32 : index
        %get3A_328 = tpu.vector_load %arg11[%get3A_326, %get3A_327] {strides = array<i32>} : memref<40x128xf32, #tpu.memory_space<vmem>>, vector<1x16xf32>,
        %get3A_329 = vector.shape_cast %get3A_328 : vector<1x16xf32> to vector<16xf32>
        %mul3A_330 = arith.mulf %get3A_325, %get3A_329 : vector<16xf32>
        %swap3A_331 = arith.index_cast %scan3A_295 : i32 to index
        %swap3A_332 = arith.constant 32 : index
        %swap3A_333 = tpu.vector_load %arg15[%swap3A_331, %swap3A_332] {strides = array<i32>} : memref<40x128xf32, #tpu.memory_space<vmem>>, vector<1x16xf32>,
        %swap3A_334 = vector.shape_cast %swap3A_333 : vector<1x16xf32> to vector<16xf32>
        %swap3A_335 = vector.shape_cast %mul3A_330 : vector<16xf32> to vector<1x16xf32>
        tpu.vector_store %arg15[%swap3A_331, %swap3A_332], %swap3A_335 {strides = array<i32>} : memref<40x128xf32, #tpu.memory_space<vmem>>, vector<1x16xf32>,
        %get3A_336 = arith.index_cast %scan3A_295 : i32 to index
        %get3A_337 = arith.constant 48 : index
        %get3A_338 = tpu.vector_load %arg13[%get3A_336, %get3A_337] {strides = array<i32>} : memref<40x128xf32, #tpu.memory_space<vmem>>, vector<1x16xf32>,
        %get3A_339 = vector.shape_cast %get3A_338 : vector<1x16xf32> to vector<16xf32>
        %get3A_340 = arith.index_cast %scan3A_295 : i32 to index
        %get3A_341 = arith.constant 48 : index
        %get3A_342 = tpu.vector_load %arg11[%get3A_340, %get3A_341] {strides = array<i32>} : memref<40x128xf32, #tpu.memory_space<vmem>>, vector<1x16xf32>,
        %get3A_343 = vector.shape_cast %get3A_342 : vector<1x16xf32> to vector<16xf32>
        %mul3A_344 = arith.mulf %get3A_339, %get3A_343 : vector<16xf32>
        %swap3A_345 = arith.index_cast %scan3A_295 : i32 to index
        %swap3A_346 = arith.constant 48 : index
        %swap3A_347 = tpu.vector_load %arg15[%swap3A_345, %swap3A_346] {strides = array<i32>} : memref<40x128xf32, #tpu.memory_space<vmem>>, vector<1x16xf32>,
        %swap3A_348 = vector.shape_cast %swap3A_347 : vector<1x16xf32> to vector<16xf32>
        %swap3A_349 = vector.shape_cast %mul3A_344 : vector<16xf32> to vector<1x16xf32>
        tpu.vector_store %arg15[%swap3A_345, %swap3A_346], %swap3A_349 {strides = array<i32>} : memref<40x128xf32, #tpu.memory_space<vmem>>, vector<1x16xf32>,
        %get3A_350 = arith.index_cast %scan3A_295 : i32 to index
        %get3A_351 = arith.constant 64 : index
        %get3A_352 = tpu.vector_load %arg13[%get3A_350, %get3A_351] {strides = array<i32>} : memref<40x128xf32, #tpu.memory_space<vmem>>, vector<1x16xf32>,
        %get3A_353 = vector.shape_cast %get3A_352 : vector<1x16xf32> to vector<16xf32>
        %get3A_354 = arith.index_cast %scan3A_295 : i32 to index
        %get3A_355 = arith.constant 64 : index
        %get3A_356 = tpu.vector_load %arg11[%get3A_354, %get3A_355] {strides = array<i32>} : memref<40x128xf32, #tpu.memory_space<vmem>>, vector<1x16xf32>,
        %get3A_357 = vector.shape_cast %get3A_356 : vector<1x16xf32> to vector<16xf32>
        %mul3A_358 = arith.mulf %get3A_353, %get3A_357 : vector<16xf32>
        %swap3A_359 = arith.index_cast %scan3A_295 : i32 to index
        %swap3A_360 = arith.constant 64 : index
        %swap3A_361 = tpu.vector_load %arg15[%swap3A_359, %swap3A_360] {strides = array<i32>} : memref<40x128xf32, #tpu.memory_space<vmem>>, vector<1x16xf32>,
        %swap3A_362 = vector.shape_cast %swap3A_361 : vector<1x16xf32> to vector<16xf32>
        %swap3A_363 = vector.shape_cast %mul3A_358 : vector<16xf32> to vector<1x16xf32>
        tpu.vector_store %arg15[%swap3A_359, %swap3A_360], %swap3A_363 {strides = array<i32>} : memref<40x128xf32, #tpu.memory_space<vmem>>, vector<1x16xf32>,
        %get3A_364 = arith.index_cast %scan3A_295 : i32 to index
        %get3A_365 = arith.constant 80 : index
        %get3A_366 = tpu.vector_load %arg13[%get3A_364, %get3A_365] {strides = array<i32>} : memref<40x128xf32, #tpu.memory_space<vmem>>, vector<1x16xf32>,
        %get3A_367 = vector.shape_cast %get3A_366 : vector<1x16xf32> to vector<16xf32>
        %get3A_368 = arith.index_cast %scan3A_295 : i32 to index
        %get3A_369 = arith.constant 80 : index
        %get3A_370 = tpu.vector_load %arg11[%get3A_368, %get3A_369] {strides = array<i32>} : memref<40x128xf32, #tpu.memory_space<vmem>>, vector<1x16xf32>,
        %get3A_371 = vector.shape_cast %get3A_370 : vector<1x16xf32> to vector<16xf32>
        %mul3A_372 = arith.mulf %get3A_367, %get3A_371 : vector<16xf32>
        %swap3A_373 = arith.index_cast %scan3A_295 : i32 to index
        %swap3A_374 = arith.constant 80 : index
        %swap3A_375 = tpu.vector_load %arg15[%swap3A_373, %swap3A_374] {strides = array<i32>} : memref<40x128xf32, #tpu.memory_space<vmem>>, vector<1x16xf32>,
        %swap3A_376 = vector.shape_cast %swap3A_375 : vector<1x16xf32> to vector<16xf32>
        %swap3A_377 = vector.shape_cast %mul3A_372 : vector<16xf32> to vector<1x16xf32>
        tpu.vector_store %arg15[%swap3A_373, %swap3A_374], %swap3A_377 {strides = array<i32>} : memref<40x128xf32, #tpu.memory_space<vmem>>, vector<1x16xf32>,
        %get3A_378 = arith.index_cast %scan3A_295 : i32 to index
        %get3A_379 = arith.constant 96 : index
        %get3A_380 = tpu.vector_load %arg13[%get3A_378, %get3A_379] {strides = array<i32>} : memref<40x128xf32, #tpu.memory_space<vmem>>, vector<1x16xf32>,
        %get3A_381 = vector.shape_cast %get3A_380 : vector<1x16xf32> to vector<16xf32>
        %get3A_382 = arith.index_cast %scan3A_295 : i32 to index
        %get3A_383 = arith.constant 96 : index
        %get3A_384 = tpu.vector_load %arg11[%get3A_382, %get3A_383] {strides = array<i32>} : memref<40x128xf32, #tpu.memory_space<vmem>>, vector<1x16xf32>,
        %get3A_385 = vector.shape_cast %get3A_384 : vector<1x16xf32> to vector<16xf32>
        %mul3A_386 = arith.mulf %get3A_381, %get3A_385 : vector<16xf32>
        %swap3A_387 = arith.index_cast %scan3A_295 : i32 to index
        %swap3A_388 = arith.constant 96 : index
        %swap3A_389 = tpu.vector_load %arg15[%swap3A_387, %swap3A_388] {strides = array<i32>} : memref<40x128xf32, #tpu.memory_space<vmem>>, vector<1x16xf32>,
        %swap3A_390 = vector.shape_cast %swap3A_389 : vector<1x16xf32> to vector<16xf32>
        %swap3A_391 = vector.shape_cast %mul3A_386 : vector<16xf32> to vector<1x16xf32>
        tpu.vector_store %arg15[%swap3A_387, %swap3A_388], %swap3A_391 {strides = array<i32>} : memref<40x128xf32, #tpu.memory_space<vmem>>, vector<1x16xf32>,
        %get3A_392 = arith.index_cast %scan3A_295 : i32 to index
        %get3A_393 = arith.constant 112 : index
        %get3A_394 = tpu.vector_load %arg13[%get3A_392, %get3A_393] {strides = array<i32>} : memref<40x128xf32, #tpu.memory_space<vmem>>, vector<1x16xf32>,
        %get3A_395 = vector.shape_cast %get3A_394 : vector<1x16xf32> to vector<16xf32>
        %get3A_396 = arith.index_cast %scan3A_295 : i32 to index
        %get3A_397 = arith.constant 112 : index
        %get3A_398 = tpu.vector_load %arg11[%get3A_396, %get3A_397] {strides = array<i32>} : memref<40x128xf32, #tpu.memory_space<vmem>>, vector<1x16xf32>,
        %get3A_399 = vector.shape_cast %get3A_398 : vector<1x16xf32> to vector<16xf32>
        %mul3A_400 = arith.mulf %get3A_395, %get3A_399 : vector<16xf32>
        %swap3A_401 = arith.index_cast %scan3A_295 : i32 to index
        %swap3A_402 = arith.constant 112 : index
        %swap3A_403 = tpu.vector_load %arg15[%swap3A_401, %swap3A_402] {strides = array<i32>} : memref<40x128xf32, #tpu.memory_space<vmem>>, vector<1x16xf32>,
        %swap3A_404 = vector.shape_cast %swap3A_403 : vector<1x16xf32> to vector<16xf32>
        %swap3A_405 = vector.shape_cast %mul3A_400 : vector<16xf32> to vector<1x16xf32>
        tpu.vector_store %arg15[%swap3A_401, %swap3A_402], %swap3A_405 {strides = array<i32>} : memref<40x128xf32, #tpu.memory_space<vmem>>, vector<1x16xf32>,
      }
      %scan3A_240 = arith.constant 40 : i32
      %dma_start3A_241 = arith.constant 23 : i32
      %dma_start3A_242 = arith.constant 0 : i32
      %dma_start3A_243 = tpu.memref_slice %arg9[%dma_start3A_241, %dma_start3A_242] : memref<25x40xi32, #tpu.memory_space<vmem>> -> memref<1x40xi32, #tpu.memory_space<vmem>>
      %dma_start3A_244 = tpu.memref_squeeze %dma_start3A_243 : memref<1x40xi32, #tpu.memory_space<vmem>> -> memref<40xi32, #tpu.memory_space<vmem>>
      %dma_start3A_245 = arith.constant 0 : i32
      %dma_start3A_246 = arith.constant 0 : i32
      %dma_start3A_247 = tpu.memref_slice %arg22[%dma_start3A_245, %dma_start3A_246] : memref<10112x128xf32, #tpu.memory_space<vmem_shared>> -> memref<10112x128xf32, #tpu.memory_space<vmem_shared>>
      tpu.enqueue_indirect_dma source(%arg15 : memref<40x128xf32, #tpu.memory_space<vmem>>) target(%dma_start3A_247 : memref<10112x128xf32, #tpu.memory_space<vmem_shared>>) offsets(%dma_start3A_244 : memref<40xi32, #tpu.memory_space<vmem>>) semaphore(%arg21 : memref<!tpu.dma_semaphore, #tpu.memory_space<semaphore_mem>>) {add = true}
      %dma_wait3A_248 = arith.constant 0 : i32
      %dma_wait3A_249 = arith.constant 0 : i32
      %dma_wait3A_250 = tpu.memref_slice %arg3[%dma_wait3A_248, %dma_wait3A_249] : memref<160000x128xf32, #tpu.memory_space<hbm>> -> memref<40x128xf32, #tpu.memory_space<hbm>>
      %dma_wait3A_251 = arith.constant 0 : i32
      %dma_wait3A_252 = arith.constant 0 : i32
      %dma_wait3A_253 = tpu.memref_slice %arg3[%dma_wait3A_251, %dma_wait3A_252] : memref<160000x128xf32, #tpu.memory_space<hbm>> -> memref<40x128xf32, #tpu.memory_space<hbm>>
      tpu.wait_dma2 semaphore(%arg18 : memref<!tpu.dma_semaphore, #tpu.memory_space<semaphore_mem>>) src(%dma_wait3A_253 : memref<40x128xf32, #tpu.memory_space<hbm>>) dst(%arg10 : memref<40x128xf32, #tpu.memory_space<vmem>>)
      %dma_wait3A_254 = arith.constant 0 : i32
      %dma_wait3A_255 = arith.constant 0 : i32
      %dma_wait3A_256 = tpu.memref_slice %arg8[%dma_wait3A_254, %dma_wait3A_255] : memref<25x40xi32, #tpu.memory_space<vmem>> -> memref<1x40xi32, #tpu.memory_space<vmem>>
      %dma_wait3A_257 = tpu.memref_squeeze %dma_wait3A_256 : memref<1x40xi32, #tpu.memory_space<vmem>> -> memref<40xi32, #tpu.memory_space<vmem>>
      %dma_wait3A_258 = arith.constant 0 : i32
      %dma_wait3A_259 = arith.constant 0 : i32
      %dma_wait3A_260 = tpu.memref_slice %arg2[%dma_wait3A_258, %dma_wait3A_259] : memref<10000x128xf32, #tpu.memory_space<hbm>> -> memref<10000x128xf32, #tpu.memory_space<hbm>>
      tpu.wait_indirect_dma semaphore(%arg16 : memref<!tpu.dma_semaphore, #tpu.memory_space<semaphore_mem>>) src(%dma_wait3A_260 : memref<10000x128xf32, #tpu.memory_space<hbm>>) dst(%arg12 : memref<40x128xf32, #tpu.memory_space<vmem>>)
      %dma_wait3A_261 = arith.constant 0 : i32
      %dma_wait3A_262 = arith.constant 0 : i32
      %dma_wait3A_263 = tpu.memref_slice %arg9[%dma_wait3A_261, %dma_wait3A_262] : memref<25x40xi32, #tpu.memory_space<vmem>> -> memref<1x40xi32, #tpu.memory_space<vmem>>
      %dma_wait3A_264 = tpu.memref_squeeze %dma_wait3A_263 : memref<1x40xi32, #tpu.memory_space<vmem>> -> memref<40xi32, #tpu.memory_space<vmem>>
      %dma_wait3A_265 = arith.constant 0 : i32
      %dma_wait3A_266 = arith.constant 0 : i32
      %dma_wait3A_267 = tpu.memref_slice %arg22[%dma_wait3A_265, %dma_wait3A_266] : memref<10112x128xf32, #tpu.memory_space<vmem_shared>> -> memref<10112x128xf32, #tpu.memory_space<vmem_shared>>
      tpu.wait_indirect_dma semaphore(%arg20 : memref<!tpu.dma_semaphore, #tpu.memory_space<semaphore_mem>>) src(%arg14 : memref<40x128xf32, #tpu.memory_space<vmem>>) dst(%dma_wait3A_267 : memref<10112x128xf32, #tpu.memory_space<vmem_shared>>)
      %scan3A_268 = arith.constant 0 : i32
      %scan3A_269 = arith.constant 0 : i32
      %scan3A_270 = arith.constant 40 : i32
      %scan3A_271 = arith.addi %scan3A_269, %scan3A_270 : i32
      %scan3A_272 = arith.constant 1 : i32
      scf.for %scan3A_295 = %scan3A_269 to %scan3A_271 step %scan3A_272  : i32 {
        %get3A = arith.index_cast %scan3A_295 : i32 to index
        %get3A_296 = arith.constant 0 : index
        %get3A_297 = tpu.vector_load %arg12[%get3A, %get3A_296] {strides = array<i32>} : memref<40x128xf32, #tpu.memory_space<vmem>>, vector<1x16xf32>,
        %get3A_298 = vector.shape_cast %get3A_297 : vector<1x16xf32> to vector<16xf32>
        %get3A_299 = arith.index_cast %scan3A_295 : i32 to index
        %get3A_300 = arith.constant 0 : index
        %get3A_301 = tpu.vector_load %arg10[%get3A_299, %get3A_300] {strides = array<i32>} : memref<40x128xf32, #tpu.memory_space<vmem>>, vector<1x16xf32>,
        %get3A_302 = vector.shape_cast %get3A_301 : vector<1x16xf32> to vector<16xf32>
        %mul3A_303 = arith.mulf %get3A_298, %get3A_302 : vector<16xf32>
        %swap3A = arith.index_cast %scan3A_295 : i32 to index
        %swap3A_304 = arith.constant 0 : index
        %swap3A_305 = tpu.vector_load %arg14[%swap3A, %swap3A_304] {strides = array<i32>} : memref<40x128xf32, #tpu.memory_space<vmem>>, vector<1x16xf32>,
        %swap3A_306 = vector.shape_cast %swap3A_305 : vector<1x16xf32> to vector<16xf32>
        %swap3A_307 = vector.shape_cast %mul3A_303 : vector<16xf32> to vector<1x16xf32>
        tpu.vector_store %arg14[%swap3A, %swap3A_304], %swap3A_307 {strides = array<i32>} : memref<40x128xf32, #tpu.memory_space<vmem>>, vector<1x16xf32>,
        %get3A_308 = arith.index_cast %scan3A_295 : i32 to index
        %get3A_309 = arith.constant 16 : index
        %get3A_310 = tpu.vector_load %arg12[%get3A_308, %get3A_309] {strides = array<i32>} : memref<40x128xf32, #tpu.memory_space<vmem>>, vector<1x16xf32>,
        %get3A_311 = vector.shape_cast %get3A_310 : vector<1x16xf32> to vector<16xf32>
        %get3A_312 = arith.index_cast %scan3A_295 : i32 to index
        %get3A_313 = arith.constant 16 : index
        %get3A_314 = tpu.vector_load %arg10[%get3A_312, %get3A_313] {strides = array<i32>} : memref<40x128xf32, #tpu.memory_space<vmem>>, vector<1x16xf32>,
        %get3A_315 = vector.shape_cast %get3A_314 : vector<1x16xf32> to vector<16xf32>
        %mul3A_316 = arith.mulf %get3A_311, %get3A_315 : vector<16xf32>
        %swap3A_317 = arith.index_cast %scan3A_295 : i32 to index
        %swap3A_318 = arith.constant 16 : index
        %swap3A_319 = tpu.vector_load %arg14[%swap3A_317, %swap3A_318] {strides = array<i32>} : memref<40x128xf32, #tpu.memory_space<vmem>>, vector<1x16xf32>,
        %swap3A_320 = vector.shape_cast %swap3A_319 : vector<1x16xf32> to vector<16xf32>
        %swap3A_321 = vector.shape_cast %mul3A_316 : vector<16xf32> to vector<1x16xf32>
        tpu.vector_store %arg14[%swap3A_317, %swap3A_318], %swap3A_321 {strides = array<i32>} : memref<40x128xf32, #tpu.memory_space<vmem>>, vector<1x16xf32>,
        %get3A_322 = arith.index_cast %scan3A_295 : i32 to index
        %get3A_323 = arith.constant 32 : index
        %get3A_324 = tpu.vector_load %arg12[%get3A_322, %get3A_323] {strides = array<i32>} : memref<40x128xf32, #tpu.memory_space<vmem>>, vector<1x16xf32>,
        %get3A_325 = vector.shape_cast %get3A_324 : vector<1x16xf32> to vector<16xf32>
        %get3A_326 = arith.index_cast %scan3A_295 : i32 to index
        %get3A_327 = arith.constant 32 : index
        %get3A_328 = tpu.vector_load %arg10[%get3A_326, %get3A_327] {strides = array<i32>} : memref<40x128xf32, #tpu.memory_space<vmem>>, vector<1x16xf32>,
        %get3A_329 = vector.shape_cast %get3A_328 : vector<1x16xf32> to vector<16xf32>
        %mul3A_330 = arith.mulf %get3A_325, %get3A_329 : vector<16xf32>
        %swap3A_331 = arith.index_cast %scan3A_295 : i32 to index
        %swap3A_332 = arith.constant 32 : index
        %swap3A_333 = tpu.vector_load %arg14[%swap3A_331, %swap3A_332] {strides = array<i32>} : memref<40x128xf32, #tpu.memory_space<vmem>>, vector<1x16xf32>,
        %swap3A_334 = vector.shape_cast %swap3A_333 : vector<1x16xf32> to vector<16xf32>
        %swap3A_335 = vector.shape_cast %mul3A_330 : vector<16xf32> to vector<1x16xf32>
        tpu.vector_store %arg14[%swap3A_331, %swap3A_332], %swap3A_335 {strides = array<i32>} : memref<40x128xf32, #tpu.memory_space<vmem>>, vector<1x16xf32>,
        %get3A_336 = arith.index_cast %scan3A_295 : i32 to index
        %get3A_337 = arith.constant 48 : index
        %get3A_338 = tpu.vector_load %arg12[%get3A_336, %get3A_337] {strides = array<i32>} : memref<40x128xf32, #tpu.memory_space<vmem>>, vector<1x16xf32>,
        %get3A_339 = vector.shape_cast %get3A_338 : vector<1x16xf32> to vector<16xf32>
        %get3A_340 = arith.index_cast %scan3A_295 : i32 to index
        %get3A_341 = arith.constant 48 : index
        %get3A_342 = tpu.vector_load %arg10[%get3A_340, %get3A_341] {strides = array<i32>} : memref<40x128xf32, #tpu.memory_space<vmem>>, vector<1x16xf32>,
        %get3A_343 = vector.shape_cast %get3A_342 : vector<1x16xf32> to vector<16xf32>
        %mul3A_344 = arith.mulf %get3A_339, %get3A_343 : vector<16xf32>
        %swap3A_345 = arith.index_cast %scan3A_295 : i32 to index
        %swap3A_346 = arith.constant 48 : index
        %swap3A_347 = tpu.vector_load %arg14[%swap3A_345, %swap3A_346] {strides = array<i32>} : memref<40x128xf32, #tpu.memory_space<vmem>>, vector<1x16xf32>,
        %swap3A_348 = vector.shape_cast %swap3A_347 : vector<1x16xf32> to vector<16xf32>
        %swap3A_349 = vector.shape_cast %mul3A_344 : vector<16xf32> to vector<1x16xf32>
        tpu.vector_store %arg14[%swap3A_345, %swap3A_346], %swap3A_349 {strides = array<i32>} : memref<40x128xf32, #tpu.memory_space<vmem>>, vector<1x16xf32>,
        %get3A_350 = arith.index_cast %scan3A_295 : i32 to index
        %get3A_351 = arith.constant 64 : index
        %get3A_352 = tpu.vector_load %arg12[%get3A_350, %get3A_351] {strides = array<i32>} : memref<40x128xf32, #tpu.memory_space<vmem>>, vector<1x16xf32>,
        %get3A_353 = vector.shape_cast %get3A_352 : vector<1x16xf32> to vector<16xf32>
        %get3A_354 = arith.index_cast %scan3A_295 : i32 to index
        %get3A_355 = arith.constant 64 : index
        %get3A_356 = tpu.vector_load %arg10[%get3A_354, %get3A_355] {strides = array<i32>} : memref<40x128xf32, #tpu.memory_space<vmem>>, vector<1x16xf32>,
        %get3A_357 = vector.shape_cast %get3A_356 : vector<1x16xf32> to vector<16xf32>
        %mul3A_358 = arith.mulf %get3A_353, %get3A_357 : vector<16xf32>
        %swap3A_359 = arith.index_cast %scan3A_295 : i32 to index
        %swap3A_360 = arith.constant 64 : index
        %swap3A_361 = tpu.vector_load %arg14[%swap3A_359, %swap3A_360] {strides = array<i32>} : memref<40x128xf32, #tpu.memory_space<vmem>>, vector<1x16xf32>,
        %swap3A_362 = vector.shape_cast %swap3A_361 : vector<1x16xf32> to vector<16xf32>
        %swap3A_363 = vector.shape_cast %mul3A_358 : vector<16xf32> to vector<1x16xf32>
        tpu.vector_store %arg14[%swap3A_359, %swap3A_360], %swap3A_363 {strides = array<i32>} : memref<40x128xf32, #tpu.memory_space<vmem>>, vector<1x16xf32>,
        %get3A_364 = arith.index_cast %scan3A_295 : i32 to index
        %get3A_365 = arith.constant 80 : index
        %get3A_366 = tpu.vector_load %arg12[%get3A_364, %get3A_365] {strides = array<i32>} : memref<40x128xf32, #tpu.memory_space<vmem>>, vector<1x16xf32>,
        %get3A_367 = vector.shape_cast %get3A_366 : vector<1x16xf32> to vector<16xf32>
        %get3A_368 = arith.index_cast %scan3A_295 : i32 to index
        %get3A_369 = arith.constant 80 : index
        %get3A_370 = tpu.vector_load %arg10[%get3A_368, %get3A_369] {strides = array<i32>} : memref<40x128xf32, #tpu.memory_space<vmem>>, vector<1x16xf32>,
        %get3A_371 = vector.shape_cast %get3A_370 : vector<1x16xf32> to vector<16xf32>
        %mul3A_372 = arith.mulf %get3A_367, %get3A_371 : vector<16xf32>
        %swap3A_373 = arith.index_cast %scan3A_295 : i32 to index
        %swap3A_374 = arith.constant 80 : index
        %swap3A_375 = tpu.vector_load %arg14[%swap3A_373, %swap3A_374] {strides = array<i32>} : memref<40x128xf32, #tpu.memory_space<vmem>>, vector<1x16xf32>,
        %swap3A_376 = vector.shape_cast %swap3A_375 : vector<1x16xf32> to vector<16xf32>
        %swap3A_377 = vector.shape_cast %mul3A_372 : vector<16xf32> to vector<1x16xf32>
        tpu.vector_store %arg14[%swap3A_373, %swap3A_374], %swap3A_377 {strides = array<i32>} : memref<40x128xf32, #tpu.memory_space<vmem>>, vector<1x16xf32>,
        %get3A_378 = arith.index_cast %scan3A_295 : i32 to index
        %get3A_379 = arith.constant 96 : index
        %get3A_380 = tpu.vector_load %arg12[%get3A_378, %get3A_379] {strides = array<i32>} : memref<40x128xf32, #tpu.memory_space<vmem>>, vector<1x16xf32>,
        %get3A_381 = vector.shape_cast %get3A_380 : vector<1x16xf32> to vector<16xf32>
        %get3A_382 = arith.index_cast %scan3A_295 : i32 to index
        %get3A_383 = arith.constant 96 : index
        %get3A_384 = tpu.vector_load %arg10[%get3A_382, %get3A_383] {strides = array<i32>} : memref<40x128xf32, #tpu.memory_space<vmem>>, vector<1x16xf32>,
        %get3A_385 = vector.shape_cast %get3A_384 : vector<1x16xf32> to vector<16xf32>
        %mul3A_386 = arith.mulf %get3A_381, %get3A_385 : vector<16xf32>
        %swap3A_387 = arith.index_cast %scan3A_295 : i32 to index
        %swap3A_388 = arith.constant 96 : index
        %swap3A_389 = tpu.vector_load %arg14[%swap3A_387, %swap3A_388] {strides = array<i32>} : memref<40x128xf32, #tpu.memory_space<vmem>>, vector<1x16xf32>,
        %swap3A_390 = vector.shape_cast %swap3A_389 : vector<1x16xf32> to vector<16xf32>
        %swap3A_391 = vector.shape_cast %mul3A_386 : vector<16xf32> to vector<1x16xf32>
        tpu.vector_store %arg14[%swap3A_387, %swap3A_388], %swap3A_391 {strides = array<i32>} : memref<40x128xf32, #tpu.memory_space<vmem>>, vector<1x16xf32>,
        %get3A_392 = arith.index_cast %scan3A_295 : i32 to index
        %get3A_393 = arith.constant 112 : index
        %get3A_394 = tpu.vector_load %arg12[%get3A_392, %get3A_393] {strides = array<i32>} : memref<40x128xf32, #tpu.memory_space<vmem>>, vector<1x16xf32>,
        %get3A_395 = vector.shape_cast %get3A_394 : vector<1x16xf32> to vector<16xf32>
        %get3A_396 = arith.index_cast %scan3A_295 : i32 to index
        %get3A_397 = arith.constant 112 : index
        %get3A_398 = tpu.vector_load %arg10[%get3A_396, %get3A_397] {strides = array<i32>} : memref<40x128xf32, #tpu.memory_space<vmem>>, vector<1x16xf32>,
        %get3A_399 = vector.shape_cast %get3A_398 : vector<1x16xf32> to vector<16xf32>
        %mul3A_400 = arith.mulf %get3A_395, %get3A_399 : vector<16xf32>
        %swap3A_401 = arith.index_cast %scan3A_295 : i32 to index
        %swap3A_402 = arith.constant 112 : index
        %swap3A_403 = tpu.vector_load %arg14[%swap3A_401, %swap3A_402] {strides = array<i32>} : memref<40x128xf32, #tpu.memory_space<vmem>>, vector<1x16xf32>,
        %swap3A_404 = vector.shape_cast %swap3A_403 : vector<1x16xf32> to vector<16xf32>
        %swap3A_405 = vector.shape_cast %mul3A_400 : vector<16xf32> to vector<1x16xf32>
        tpu.vector_store %arg14[%swap3A_401, %swap3A_402], %swap3A_405 {strides = array<i32>} : memref<40x128xf32, #tpu.memory_space<vmem>>, vector<1x16xf32>,
      }
      %scan3A_273 = arith.constant 40 : i32
      %dma_start3A_274 = arith.constant 24 : i32
      %dma_start3A_275 = arith.constant 0 : i32
      %dma_start3A_276 = tpu.memref_slice %arg9[%dma_start3A_274, %dma_start3A_275] : memref<25x40xi32, #tpu.memory_space<vmem>> -> memref<1x40xi32, #tpu.memory_space<vmem>>
      %dma_start3A_277 = tpu.memref_squeeze %dma_start3A_276 : memref<1x40xi32, #tpu.memory_space<vmem>> -> memref<40xi32, #tpu.memory_space<vmem>>
      %dma_start3A_278 = arith.constant 0 : i32
      %dma_start3A_279 = arith.constant 0 : i32
      %dma_start3A_280 = tpu.memref_slice %arg22[%dma_start3A_278, %dma_start3A_279] : memref<10112x128xf32, #tpu.memory_space<vmem_shared>> -> memref<10112x128xf32, #tpu.memory_space<vmem_shared>>
      tpu.enqueue_indirect_dma source(%arg14 : memref<40x128xf32, #tpu.memory_space<vmem>>) target(%dma_start3A_280 : memref<10112x128xf32, #tpu.memory_space<vmem_shared>>) offsets(%dma_start3A_277 : memref<40xi32, #tpu.memory_space<vmem>>) semaphore(%arg20 : memref<!tpu.dma_semaphore, #tpu.memory_space<semaphore_mem>>) {add = true}
      %dma_wait3A_281 = arith.constant 0 : i32
      %dma_wait3A_282 = arith.constant 0 : i32
      %dma_wait3A_283 = tpu.memref_slice %arg9[%dma_wait3A_281, %dma_wait3A_282] : memref<25x40xi32, #tpu.memory_space<vmem>> -> memref<1x40xi32, #tpu.memory_space<vmem>>
      %dma_wait3A_284 = tpu.memref_squeeze %dma_wait3A_283 : memref<1x40xi32, #tpu.memory_space<vmem>> -> memref<40xi32, #tpu.memory_space<vmem>>
      %dma_wait3A_285 = arith.constant 0 : i32
      %dma_wait3A_286 = arith.constant 0 : i32
      %dma_wait3A_287 = tpu.memref_slice %arg22[%dma_wait3A_285, %dma_wait3A_286] : memref<10112x128xf32, #tpu.memory_space<vmem_shared>> -> memref<10112x128xf32, #tpu.memory_space<vmem_shared>>
      tpu.wait_indirect_dma semaphore(%arg20 : memref<!tpu.dma_semaphore, #tpu.memory_space<semaphore_mem>>) src(%arg14 : memref<40x128xf32, #tpu.memory_space<vmem>>) dst(%dma_wait3A_287 : memref<10112x128xf32, #tpu.memory_space<vmem_shared>>)
      %dma_wait3A_288 = arith.constant 0 : i32
      %dma_wait3A_289 = arith.constant 0 : i32
      %dma_wait3A_290 = tpu.memref_slice %arg9[%dma_wait3A_288, %dma_wait3A_289] : memref<25x40xi32, #tpu.memory_space<vmem>> -> memref<1x40xi32, #tpu.memory_space<vmem>>
      %dma_wait3A_291 = tpu.memref_squeeze %dma_wait3A_290 : memref<1x40xi32, #tpu.memory_space<vmem>> -> memref<40xi32, #tpu.memory_space<vmem>>
      %dma_wait3A_292 = arith.constant 0 : i32
      %dma_wait3A_293 = arith.constant 0 : i32
      %dma_wait3A_294 = tpu.memref_slice %arg22[%dma_wait3A_292, %dma_wait3A_293] : memref<10112x128xf32, #tpu.memory_space<vmem_shared>> -> memref<10112x128xf32, #tpu.memory_space<vmem_shared>>
      tpu.wait_indirect_dma semaphore(%arg21 : memref<!tpu.dma_semaphore, #tpu.memory_space<semaphore_mem>>) src(%arg15 : memref<40x128xf32, #tpu.memory_space<vmem>>) dst(%dma_wait3A_294 : memref<10112x128xf32, #tpu.memory_space<vmem_shared>>)
    }
    %scan3A_9 = arith.constant 5 : i32
    %barrier3A_10 = arith.constant 0 : index
    tpu.barrier barrier_id(%barrier3A_10)
    %mul3A_11 = arith.constant 632 : i32
    %mul3A_12 = arith.muli %arg1, %mul3A_11 : i32
    %mul3A_13 = arith.constant 632 : i32
    %mul3A_14 = arith.muli %arg1, %mul3A_13 : i32
    "tpu.region"() ({
      %run_scoped3A = tpu.sem_alloc : memref<!tpu.dma_semaphore, #tpu.memory_space<semaphore_mem>>
      %dma_start3A = arith.constant 0 : i32
      %dma_start3A_15 = tpu.memref_slice %arg7[%arg0, %mul3A_14, %dma_start3A] : memref<2x10112x128xf32, #tpu.memory_space<hbm>> -> memref<1x632x128xf32, #tpu.memory_space<hbm>>
      %dma_start3A_16 = tpu.memref_squeeze %dma_start3A_15 : memref<1x632x128xf32, #tpu.memory_space<hbm>> -> memref<632x128xf32, #tpu.memory_space<hbm>>
      %dma_start3A_17 = arith.constant 0 : i32
      %dma_start3A_18 = tpu.memref_slice %arg22[%mul3A_12, %dma_start3A_17] : memref<10112x128xf32, #tpu.memory_space<vmem_shared>> -> memref<632x128xf32, #tpu.memory_space<vmem_shared>>
      tpu.enqueue_dma source(%dma_start3A_18 : memref<632x128xf32, #tpu.memory_space<vmem_shared>>) target(%dma_start3A_16 : memref<632x128xf32, #tpu.memory_space<hbm>>) target_semaphore(%run_scoped3A : memref<!tpu.dma_semaphore, #tpu.memory_space<semaphore_mem>>)
      %dma_wait3A = arith.constant 0 : i32
      %dma_wait3A_19 = tpu.memref_slice %arg7[%arg0, %mul3A_14, %dma_wait3A] : memref<2x10112x128xf32, #tpu.memory_space<hbm>> -> memref<1x632x128xf32, #tpu.memory_space<hbm>>
      %dma_wait3A_20 = tpu.memref_squeeze %dma_wait3A_19 : memref<1x632x128xf32, #tpu.memory_space<hbm>> -> memref<632x128xf32, #tpu.memory_space<hbm>>
      %dma_wait3A_21 = arith.constant 0 : i32
      %dma_wait3A_22 = tpu.memref_slice %arg22[%mul3A_12, %dma_wait3A_21] : memref<10112x128xf32, #tpu.memory_space<vmem_shared>> -> memref<632x128xf32, #tpu.memory_space<vmem_shared>>
      tpu.wait_dma2 semaphore(%run_scoped3A : memref<!tpu.dma_semaphore, #tpu.memory_space<semaphore_mem>>) src(%dma_wait3A_22 : memref<632x128xf32, #tpu.memory_space<vmem_shared>>) dst(%dma_wait3A_20 : memref<632x128xf32, #tpu.memory_space<hbm>>)
      tpu.yield
    }) : () -> ()
    return
  }
}

#map = affine_map<(d0, d1) -> (0, 0)>
#map1 = affine_map<(d0, d1) -> (0, 0, 0, 0)>
#map2 = affine_map<(d0, d1) -> (0, 0, 0)>
module attributes {stable_mosaic.version = 14 : i64} {
  func.func @_sc_body(%arg0: i32, %arg1: i32, %arg2: memref<10000x128xf32, #tpu.memory_space<hbm>>, %arg3: memref<160000x128xf32, #tpu.memory_space<hbm>>, %arg4: memref<32x5x25x40xi32, #tpu.memory_space<hbm>>, %arg5: memref<32x5x25x40xi32, #tpu.memory_space<hbm>>, %arg6: memref<2x10112x128xf32, #tpu.memory_space<hbm>>, %arg7: memref<2x10112x128xf32, #tpu.memory_space<hbm>>, %arg8: memref<25x40xi32, #tpu.memory_space<vmem>>, %arg9: memref<25x40xi32, #tpu.memory_space<vmem>>, %arg10: memref<40x128xf32, #tpu.memory_space<vmem>>, %arg11: memref<40x128xf32, #tpu.memory_space<vmem>>, %arg12: memref<40x128xf32, #tpu.memory_space<vmem>>, %arg13: memref<40x128xf32, #tpu.memory_space<vmem>>, %arg14: memref<40x128xf32, #tpu.memory_space<vmem>>, %arg15: memref<40x128xf32, #tpu.memory_space<vmem>>, %arg16: memref<!tpu.dma_semaphore, #tpu.memory_space<semaphore_mem>>, %arg17: memref<!tpu.dma_semaphore, #tpu.memory_space<semaphore_mem>>, %arg18: memref<!tpu.dma_semaphore, #tpu.memory_space<semaphore_mem>>, %arg19: memref<!tpu.dma_semaphore, #tpu.memory_space<semaphore_mem>>, %arg20: memref<!tpu.dma_semaphore, #tpu.memory_space<semaphore_mem>>, %arg21: memref<!tpu.dma_semaphore, #tpu.memory_space<semaphore_mem>>, %arg22: memref<10112x128xf32, #tpu.memory_space<vmem_shared>>) attributes {dimension_semantics = [#tpu.dimension_semantics<core_parallel>, #tpu.dimension_semantics<subcore_parallel>], iteration_bounds = array<i64: 2, 16>, scalar_prefetch = 0 : i64, scratch_operands = 15 : i64, tpu.core_type = #tpu.core_type<sc_vector_subcore>, window_params = [{transform_indices = #map}, {transform_indices = #map}, {transform_indices = #map1}, {transform_indices = #map1}, {transform_indices = #map2}, {transform_indices = #map2}]} {
    %mul3A = arith.constant 16 : i32
    %mul3A_0 = arith.muli %arg0, %mul3A : i32
    %add3A = arith.addi %mul3A_0, %arg1 : i32
    %mul3A_1 = arith.constant 632 : i32
    %mul3A_2 = arith.muli %arg1, %mul3A_1 : i32
    %mul3A_3 = arith.constant 632 : i32
    %mul3A_4 = arith.muli %arg1, %mul3A_3 : i32
    "tpu.region"() ({
      %run_scoped3A = tpu.sem_alloc : memref<!tpu.dma_semaphore, #tpu.memory_space<semaphore_mem>>
      %dma_start3A = arith.constant 0 : i32
      %dma_start3A_15 = tpu.memref_slice %arg22[%mul3A_4, %dma_start3A] : memref<10112x128xf32, #tpu.memory_space<vmem_shared>> -> memref<632x128xf32, #tpu.memory_space<vmem_shared>>
      %dma_start3A_16 = arith.constant 0 : i32
      %dma_start3A_17 = tpu.memref_slice %arg6[%arg0, %mul3A_2, %dma_start3A_16] : memref<2x10112x128xf32, #tpu.memory_space<hbm>> -> memref<1x632x128xf32, #tpu.memory_space<hbm>>
      %dma_start3A_18 = tpu.memref_squeeze %dma_start3A_17 : memref<1x632x128xf32, #tpu.memory_space<hbm>> -> memref<632x128xf32, #tpu.memory_space<hbm>>
      tpu.enqueue_dma source(%dma_start3A_18 : memref<632x128xf32, #tpu.memory_space<hbm>>) target(%dma_start3A_15 : memref<632x128xf32, #tpu.memory_space<vmem_shared>>) target_semaphore(%run_scoped3A : memref<!tpu.dma_semaphore, #tpu.memory_space<semaphore_mem>>)
      %dma_wait3A = arith.constant 0 : i32
      %dma_wait3A_19 = tpu.memref_slice %arg22[%mul3A_4, %dma_wait3A] : memref<10112x128xf32, #tpu.memory_space<vmem_shared>> -> memref<632x128xf32, #tpu.memory_space<vmem_shared>>
      %dma_wait3A_20 = arith.constant 0 : i32
      %dma_wait3A_21 = tpu.memref_slice %arg6[%arg0, %mul3A_2, %dma_wait3A_20] : memref<2x10112x128xf32, #tpu.memory_space<hbm>> -> memref<1x632x128xf32, #tpu.memory_space<hbm>>
      %dma_wait3A_22 = tpu.memref_squeeze %dma_wait3A_21 : memref<1x632x128xf32, #tpu.memory_space<hbm>> -> memref<632x128xf32, #tpu.memory_space<hbm>>
      tpu.wait_dma2 semaphore(%run_scoped3A : memref<!tpu.dma_semaphore, #tpu.memory_space<semaphore_mem>>) src(%dma_wait3A_22 : memref<632x128xf32, #tpu.memory_space<hbm>>) dst(%dma_wait3A_19 : memref<632x128xf32, #tpu.memory_space<vmem_shared>>)
      tpu.yield
    }) : () -> ()
    %barrier3A = arith.constant 0 : index
    tpu.barrier barrier_id(%barrier3A)
    %scan3A = arith.constant 0 : i32
    %scan3A_5 = arith.constant 0 : i32
    %scan3A_6 = arith.constant 5 : i32
    %scan3A_7 = arith.addi %scan3A_5, %scan3A_6 : i32
    %scan3A_8 = arith.constant 1 : i32
    scf.for %scan3A_15 = %scan3A_5 to %scan3A_7 step %scan3A_8  : i32 {
      "tpu.region"() ({
        %run_scoped3A = tpu.sem_alloc : memref<!tpu.dma_semaphore, #tpu.memory_space<semaphore_mem>>
        %dma_start3A_295 = arith.constant 0 : i32
        %dma_start3A_296 = arith.constant 0 : i32
        %dma_start3A_297 = tpu.memref_slice %arg4[%add3A, %scan3A_15, %dma_start3A_295, %dma_start3A_296] : memref<32x5x25x40xi32, #tpu.memory_space<hbm>> -> memref<1x1x25x40xi32, #tpu.memory_space<hbm>>
        %dma_start3A_298 = tpu.memref_squeeze %dma_start3A_297 : memref<1x1x25x40xi32, #tpu.memory_space<hbm>> -> memref<25x40xi32, #tpu.memory_space<hbm>>
        %dma_start3A_299 = arith.constant 0 : i32
        %dma_start3A_300 = arith.constant 0 : i32
        %dma_start3A_301 = tpu.memref_slice %arg4[%add3A, %scan3A_15, %dma_start3A_299, %dma_start3A_300] : memref<32x5x25x40xi32, #tpu.memory_space<hbm>> -> memref<1x1x25x40xi32, #tpu.memory_space<hbm>>
        %dma_start3A_302 = tpu.memref_squeeze %dma_start3A_301 : memref<1x1x25x40xi32, #tpu.memory_space<hbm>> -> memref<25x40xi32, #tpu.memory_space<hbm>>
        tpu.enqueue_dma source(%dma_start3A_302 : memref<25x40xi32, #tpu.memory_space<hbm>>) target(%arg8 : memref<25x40xi32, #tpu.memory_space<vmem>>) target_semaphore(%run_scoped3A : memref<!tpu.dma_semaphore, #tpu.memory_space<semaphore_mem>>)
        %dma_wait3A_303 = arith.constant 0 : i32
        %dma_wait3A_304 = arith.constant 0 : i32
        %dma_wait3A_305 = tpu.memref_slice %arg4[%add3A, %scan3A_15, %dma_wait3A_303, %dma_wait3A_304] : memref<32x5x25x40xi32, #tpu.memory_space<hbm>> -> memref<1x1x25x40xi32, #tpu.memory_space<hbm>>
        %dma_wait3A_306 = tpu.memref_squeeze %dma_wait3A_305 : memref<1x1x25x40xi32, #tpu.memory_space<hbm>> -> memref<25x40xi32, #tpu.memory_space<hbm>>
        %dma_wait3A_307 = arith.constant 0 : i32
        %dma_wait3A_308 = arith.constant 0 : i32
        %dma_wait3A_309 = tpu.memref_slice %arg4[%add3A, %scan3A_15, %dma_wait3A_307, %dma_wait3A_308] : memref<32x5x25x40xi32, #tpu.memory_space<hbm>> -> memref<1x1x25x40xi32, #tpu.memory_space<hbm>>
        %dma_wait3A_310 = tpu.memref_squeeze %dma_wait3A_309 : memref<1x1x25x40xi32, #tpu.memory_space<hbm>> -> memref<25x40xi32, #tpu.memory_space<hbm>>
        tpu.wait_dma2 semaphore(%run_scoped3A : memref<!tpu.dma_semaphore, #tpu.memory_space<semaphore_mem>>) src(%dma_wait3A_310 : memref<25x40xi32, #tpu.memory_space<hbm>>) dst(%arg8 : memref<25x40xi32, #tpu.memory_space<vmem>>)
        tpu.yield
      }) : () -> ()
      "tpu.region"() ({
        %run_scoped3A = tpu.sem_alloc : memref<!tpu.dma_semaphore, #tpu.memory_space<semaphore_mem>>
        %dma_start3A_295 = arith.constant 0 : i32
        %dma_start3A_296 = arith.constant 0 : i32
        %dma_start3A_297 = tpu.memref_slice %arg5[%add3A, %scan3A_15, %dma_start3A_295, %dma_start3A_296] : memref<32x5x25x40xi32, #tpu.memory_space<hbm>> -> memref<1x1x25x40xi32, #tpu.memory_space<hbm>>
        %dma_start3A_298 = tpu.memref_squeeze %dma_start3A_297 : memref<1x1x25x40xi32, #tpu.memory_space<hbm>> -> memref<25x40xi32, #tpu.memory_space<hbm>>
        %dma_start3A_299 = arith.constant 0 : i32
        %dma_start3A_300 = arith.constant 0 : i32
        %dma_start3A_301 = tpu.memref_slice %arg5[%add3A, %scan3A_15, %dma_start3A_299, %dma_start3A_300] : memref<32x5x25x40xi32, #tpu.memory_space<hbm>> -> memref<1x1x25x40xi32, #tpu.memory_space<hbm>>
        %dma_start3A_302 = tpu.memref_squeeze %dma_start3A_301 : memref<1x1x25x40xi32, #tpu.memory_space<hbm>> -> memref<25x40xi32, #tpu.memory_space<hbm>>
        tpu.enqueue_dma source(%dma_start3A_302 : memref<25x40xi32, #tpu.memory_space<hbm>>) target(%arg9 : memref<25x40xi32, #tpu.memory_space<vmem>>) target_semaphore(%run_scoped3A : memref<!tpu.dma_semaphore, #tpu.memory_space<semaphore_mem>>)
        %dma_wait3A_303 = arith.constant 0 : i32
        %dma_wait3A_304 = arith.constant 0 : i32
        %dma_wait3A_305 = tpu.memref_slice %arg5[%add3A, %scan3A_15, %dma_wait3A_303, %dma_wait3A_304] : memref<32x5x25x40xi32, #tpu.memory_space<hbm>> -> memref<1x1x25x40xi32, #tpu.memory_space<hbm>>
        %dma_wait3A_306 = tpu.memref_squeeze %dma_wait3A_305 : memref<1x1x25x40xi32, #tpu.memory_space<hbm>> -> memref<25x40xi32, #tpu.memory_space<hbm>>
        %dma_wait3A_307 = arith.constant 0 : i32
        %dma_wait3A_308 = arith.constant 0 : i32
        %dma_wait3A_309 = tpu.memref_slice %arg5[%add3A, %scan3A_15, %dma_wait3A_307, %dma_wait3A_308] : memref<32x5x25x40xi32, #tpu.memory_space<hbm>> -> memref<1x1x25x40xi32, #tpu.memory_space<hbm>>
        %dma_wait3A_310 = tpu.memref_squeeze %dma_wait3A_309 : memref<1x1x25x40xi32, #tpu.memory_space<hbm>> -> memref<25x40xi32, #tpu.memory_space<hbm>>
        tpu.wait_dma2 semaphore(%run_scoped3A : memref<!tpu.dma_semaphore, #tpu.memory_space<semaphore_mem>>) src(%dma_wait3A_310 : memref<25x40xi32, #tpu.memory_space<hbm>>) dst(%arg9 : memref<25x40xi32, #tpu.memory_space<vmem>>)
        tpu.yield
      }) : () -> ()
      %mul3A_16 = arith.constant 625 : i32
      %mul3A_17 = arith.muli %add3A, %mul3A_16 : i32
      %mul3A_18 = arith.constant 25 : i32
      %mul3A_19 = arith.muli %scan3A_15, %mul3A_18 : i32
      %add3A_20 = arith.constant 0 : i32
      %add3A_21 = arith.addi %mul3A_19, %add3A_20 : i32
      %mul3A_22 = arith.constant 5 : i32
      %mul3A_23 = arith.muli %add3A_21, %mul3A_22 : i32
      %add3A_24 = arith.addi %mul3A_17, %mul3A_23 : i32
      %mul3A_25 = arith.constant 8 : i32
      %mul3A_26 = arith.muli %add3A_24, %mul3A_25 : i32
      %dma_start3A = arith.constant 0 : i32
      %dma_start3A_27 = tpu.memref_slice %arg3[%mul3A_26, %dma_start3A] : memref<160000x128xf32, #tpu.memory_space<hbm>> -> memref<40x128xf32, #tpu.memory_space<hbm>>
      %dma_start3A_28 = arith.constant 0 : i32
      %dma_start3A_29 = tpu.memref_slice %arg3[%mul3A_26, %dma_start3A_28] : memref<160000x128xf32, #tpu.memory_space<hbm>> -> memref<40x128xf32, #tpu.memory_space<hbm>>
      tpu.enqueue_dma source(%dma_start3A_29 : memref<40x128xf32, #tpu.memory_space<hbm>>) target(%arg10 : memref<40x128xf32, #tpu.memory_space<vmem>>) target_semaphore(%arg18 : memref<!tpu.dma_semaphore, #tpu.memory_space<semaphore_mem>>)
      %dma_start3A_30 = arith.constant 0 : i32
      %dma_start3A_31 = arith.constant 0 : i32
      %dma_start3A_32 = tpu.memref_slice %arg8[%dma_start3A_30, %dma_start3A_31] : memref<25x40xi32, #tpu.memory_space<vmem>> -> memref<1x40xi32, #tpu.memory_space<vmem>>
      %dma_start3A_33 = tpu.memref_squeeze %dma_start3A_32 : memref<1x40xi32, #tpu.memory_space<vmem>> -> memref<40xi32, #tpu.memory_space<vmem>>
      %dma_start3A_34 = arith.constant 0 : i32
      %dma_start3A_35 = arith.constant 0 : i32
      %dma_start3A_36 = tpu.memref_slice %arg2[%dma_start3A_34, %dma_start3A_35] : memref<10000x128xf32, #tpu.memory_space<hbm>> -> memref<10000x128xf32, #tpu.memory_space<hbm>>
      tpu.enqueue_indirect_dma source(%dma_start3A_36 : memref<10000x128xf32, #tpu.memory_space<hbm>>) target(%arg12 : memref<40x128xf32, #tpu.memory_space<vmem>>) offsets(%dma_start3A_33 : memref<40xi32, #tpu.memory_space<vmem>>) semaphore(%arg16 : memref<!tpu.dma_semaphore, #tpu.memory_space<semaphore_mem>>)
      %mul3A_37 = arith.constant 625 : i32
      %mul3A_38 = arith.muli %add3A, %mul3A_37 : i32
      %mul3A_39 = arith.constant 25 : i32
      %mul3A_40 = arith.muli %scan3A_15, %mul3A_39 : i32
      %add3A_41 = arith.constant 1 : i32
      %add3A_42 = arith.addi %mul3A_40, %add3A_41 : i32
      %mul3A_43 = arith.constant 5 : i32
      %mul3A_44 = arith.muli %add3A_42, %mul3A_43 : i32
      %add3A_45 = arith.addi %mul3A_38, %mul3A_44 : i32
      %mul3A_46 = arith.constant 8 : i32
      %mul3A_47 = arith.muli %add3A_45, %mul3A_46 : i32
      %dma_start3A_48 = arith.constant 0 : i32
      %dma_start3A_49 = tpu.memref_slice %arg3[%mul3A_47, %dma_start3A_48] : memref<160000x128xf32, #tpu.memory_space<hbm>> -> memref<40x128xf32, #tpu.memory_space<hbm>>
      %dma_start3A_50 = arith.constant 0 : i32
      %dma_start3A_51 = tpu.memref_slice %arg3[%mul3A_47, %dma_start3A_50] : memref<160000x128xf32, #tpu.memory_space<hbm>> -> memref<40x128xf32, #tpu.memory_space<hbm>>
      tpu.enqueue_dma source(%dma_start3A_51 : memref<40x128xf32, #tpu.memory_space<hbm>>) target(%arg11 : memref<40x128xf32, #tpu.memory_space<vmem>>) target_semaphore(%arg19 : memref<!tpu.dma_semaphore, #tpu.memory_space<semaphore_mem>>)
      %dma_start3A_52 = arith.constant 1 : i32
      %dma_start3A_53 = arith.constant 0 : i32
      %dma_start3A_54 = tpu.memref_slice %arg8[%dma_start3A_52, %dma_start3A_53] : memref<25x40xi32, #tpu.memory_space<vmem>> -> memref<1x40xi32, #tpu.memory_space<vmem>>
      %dma_start3A_55 = tpu.memref_squeeze %dma_start3A_54 : memref<1x40xi32, #tpu.memory_space<vmem>> -> memref<40xi32, #tpu.memory_space<vmem>>
      %dma_start3A_56 = arith.constant 0 : i32
      %dma_start3A_57 = arith.constant 0 : i32
      %dma_start3A_58 = tpu.memref_slice %arg2[%dma_start3A_56, %dma_start3A_57] : memref<10000x128xf32, #tpu.memory_space<hbm>> -> memref<10000x128xf32, #tpu.memory_space<hbm>>
      tpu.enqueue_indirect_dma source(%dma_start3A_58 : memref<10000x128xf32, #tpu.memory_space<hbm>>) target(%arg13 : memref<40x128xf32, #tpu.memory_space<vmem>>) offsets(%dma_start3A_55 : memref<40xi32, #tpu.memory_space<vmem>>) semaphore(%arg17 : memref<!tpu.dma_semaphore, #tpu.memory_space<semaphore_mem>>)
      %dma_wait3A = arith.constant 0 : i32
      %dma_wait3A_59 = arith.constant 0 : i32
      %dma_wait3A_60 = tpu.memref_slice %arg3[%dma_wait3A, %dma_wait3A_59] : memref<160000x128xf32, #tpu.memory_space<hbm>> -> memref<40x128xf32, #tpu.memory_space<hbm>>
      %dma_wait3A_61 = arith.constant 0 : i32
      %dma_wait3A_62 = arith.constant 0 : i32
      %dma_wait3A_63 = tpu.memref_slice %arg3[%dma_wait3A_61, %dma_wait3A_62] : memref<160000x128xf32, #tpu.memory_space<hbm>> -> memref<40x128xf32, #tpu.memory_space<hbm>>
      tpu.wait_dma2 semaphore(%arg18 : memref<!tpu.dma_semaphore, #tpu.memory_space<semaphore_mem>>) src(%dma_wait3A_63 : memref<40x128xf32, #tpu.memory_space<hbm>>) dst(%arg10 : memref<40x128xf32, #tpu.memory_space<vmem>>)
      %dma_wait3A_64 = arith.constant 0 : i32
      %dma_wait3A_65 = arith.constant 0 : i32
      %dma_wait3A_66 = tpu.memref_slice %arg8[%dma_wait3A_64, %dma_wait3A_65] : memref<25x40xi32, #tpu.memory_space<vmem>> -> memref<1x40xi32, #tpu.memory_space<vmem>>
      %dma_wait3A_67 = tpu.memref_squeeze %dma_wait3A_66 : memref<1x40xi32, #tpu.memory_space<vmem>> -> memref<40xi32, #tpu.memory_space<vmem>>
      %dma_wait3A_68 = arith.constant 0 : i32
      %dma_wait3A_69 = arith.constant 0 : i32
      %dma_wait3A_70 = tpu.memref_slice %arg2[%dma_wait3A_68, %dma_wait3A_69] : memref<10000x128xf32, #tpu.memory_space<hbm>> -> memref<10000x128xf32, #tpu.memory_space<hbm>>
      tpu.wait_indirect_dma semaphore(%arg16 : memref<!tpu.dma_semaphore, #tpu.memory_space<semaphore_mem>>) src(%dma_wait3A_70 : memref<10000x128xf32, #tpu.memory_space<hbm>>) dst(%arg12 : memref<40x128xf32, #tpu.memory_space<vmem>>)
      %scan3A_71 = arith.constant 0 : i32
      %scan3A_72 = arith.constant 0 : i32
      %scan3A_73 = arith.constant 40 : i32
      %scan3A_74 = arith.addi %scan3A_72, %scan3A_73 : i32
      %scan3A_75 = arith.constant 1 : i32
      scf.for %scan3A_295 = %scan3A_72 to %scan3A_74 step %scan3A_75  : i32 {
        %get3A = arith.index_cast %scan3A_295 : i32 to index
        %get3A_296 = arith.constant 0 : index
        %get3A_297 = tpu.vector_load %arg12[%get3A, %get3A_296] {strides = array<i32>} : memref<40x128xf32, #tpu.memory_space<vmem>>, vector<1x16xf32>,
        %get3A_298 = vector.shape_cast %get3A_297 : vector<1x16xf32> to vector<16xf32>
        %get3A_299 = arith.index_cast %scan3A_295 : i32 to index
        %get3A_300 = arith.constant 0 : index
        %get3A_301 = tpu.vector_load %arg10[%get3A_299, %get3A_300] {strides = array<i32>} : memref<40x128xf32, #tpu.memory_space<vmem>>, vector<1x16xf32>,
        %get3A_302 = vector.shape_cast %get3A_301 : vector<1x16xf32> to vector<16xf32>
        %mul3A_303 = arith.mulf %get3A_298, %get3A_302 : vector<16xf32>
        %swap3A = arith.index_cast %scan3A_295 : i32 to index
        %swap3A_304 = arith.constant 0 : index
        %swap3A_305 = tpu.vector_load %arg14[%swap3A, %swap3A_304] {strides = array<i32>} : memref<40x128xf32, #tpu.memory_space<vmem>>, vector<1x16xf32>,
        %swap3A_306 = vector.shape_cast %swap3A_305 : vector<1x16xf32> to vector<16xf32>
        %swap3A_307 = vector.shape_cast %mul3A_303 : vector<16xf32> to vector<1x16xf32>
        tpu.vector_store %arg14[%swap3A, %swap3A_304], %swap3A_307 {strides = array<i32>} : memref<40x128xf32, #tpu.memory_space<vmem>>, vector<1x16xf32>,
        %get3A_308 = arith.index_cast %scan3A_295 : i32 to index
        %get3A_309 = arith.constant 16 : index
        %get3A_310 = tpu.vector_load %arg12[%get3A_308, %get3A_309] {strides = array<i32>} : memref<40x128xf32, #tpu.memory_space<vmem>>, vector<1x16xf32>,
        %get3A_311 = vector.shape_cast %get3A_310 : vector<1x16xf32> to vector<16xf32>
        %get3A_312 = arith.index_cast %scan3A_295 : i32 to index
        %get3A_313 = arith.constant 16 : index
        %get3A_314 = tpu.vector_load %arg10[%get3A_312, %get3A_313] {strides = array<i32>} : memref<40x128xf32, #tpu.memory_space<vmem>>, vector<1x16xf32>,
        %get3A_315 = vector.shape_cast %get3A_314 : vector<1x16xf32> to vector<16xf32>
        %mul3A_316 = arith.mulf %get3A_311, %get3A_315 : vector<16xf32>
        %swap3A_317 = arith.index_cast %scan3A_295 : i32 to index
        %swap3A_318 = arith.constant 16 : index
        %swap3A_319 = tpu.vector_load %arg14[%swap3A_317, %swap3A_318] {strides = array<i32>} : memref<40x128xf32, #tpu.memory_space<vmem>>, vector<1x16xf32>,
        %swap3A_320 = vector.shape_cast %swap3A_319 : vector<1x16xf32> to vector<16xf32>
        %swap3A_321 = vector.shape_cast %mul3A_316 : vector<16xf32> to vector<1x16xf32>
        tpu.vector_store %arg14[%swap3A_317, %swap3A_318], %swap3A_321 {strides = array<i32>} : memref<40x128xf32, #tpu.memory_space<vmem>>, vector<1x16xf32>,
        %get3A_322 = arith.index_cast %scan3A_295 : i32 to index
        %get3A_323 = arith.constant 32 : index
        %get3A_324 = tpu.vector_load %arg12[%get3A_322, %get3A_323] {strides = array<i32>} : memref<40x128xf32, #tpu.memory_space<vmem>>, vector<1x16xf32>,
        %get3A_325 = vector.shape_cast %get3A_324 : vector<1x16xf32> to vector<16xf32>
        %get3A_326 = arith.index_cast %scan3A_295 : i32 to index
        %get3A_327 = arith.constant 32 : index
        %get3A_328 = tpu.vector_load %arg10[%get3A_326, %get3A_327] {strides = array<i32>} : memref<40x128xf32, #tpu.memory_space<vmem>>, vector<1x16xf32>,
        %get3A_329 = vector.shape_cast %get3A_328 : vector<1x16xf32> to vector<16xf32>
        %mul3A_330 = arith.mulf %get3A_325, %get3A_329 : vector<16xf32>
        %swap3A_331 = arith.index_cast %scan3A_295 : i32 to index
        %swap3A_332 = arith.constant 32 : index
        %swap3A_333 = tpu.vector_load %arg14[%swap3A_331, %swap3A_332] {strides = array<i32>} : memref<40x128xf32, #tpu.memory_space<vmem>>, vector<1x16xf32>,
        %swap3A_334 = vector.shape_cast %swap3A_333 : vector<1x16xf32> to vector<16xf32>
        %swap3A_335 = vector.shape_cast %mul3A_330 : vector<16xf32> to vector<1x16xf32>
        tpu.vector_store %arg14[%swap3A_331, %swap3A_332], %swap3A_335 {strides = array<i32>} : memref<40x128xf32, #tpu.memory_space<vmem>>, vector<1x16xf32>,
        %get3A_336 = arith.index_cast %scan3A_295 : i32 to index
        %get3A_337 = arith.constant 48 : index
        %get3A_338 = tpu.vector_load %arg12[%get3A_336, %get3A_337] {strides = array<i32>} : memref<40x128xf32, #tpu.memory_space<vmem>>, vector<1x16xf32>,
        %get3A_339 = vector.shape_cast %get3A_338 : vector<1x16xf32> to vector<16xf32>
        %get3A_340 = arith.index_cast %scan3A_295 : i32 to index
        %get3A_341 = arith.constant 48 : index
        %get3A_342 = tpu.vector_load %arg10[%get3A_340, %get3A_341] {strides = array<i32>} : memref<40x128xf32, #tpu.memory_space<vmem>>, vector<1x16xf32>,
        %get3A_343 = vector.shape_cast %get3A_342 : vector<1x16xf32> to vector<16xf32>
        %mul3A_344 = arith.mulf %get3A_339, %get3A_343 : vector<16xf32>
        %swap3A_345 = arith.index_cast %scan3A_295 : i32 to index
        %swap3A_346 = arith.constant 48 : index
        %swap3A_347 = tpu.vector_load %arg14[%swap3A_345, %swap3A_346] {strides = array<i32>} : memref<40x128xf32, #tpu.memory_space<vmem>>, vector<1x16xf32>,
        %swap3A_348 = vector.shape_cast %swap3A_347 : vector<1x16xf32> to vector<16xf32>
        %swap3A_349 = vector.shape_cast %mul3A_344 : vector<16xf32> to vector<1x16xf32>
        tpu.vector_store %arg14[%swap3A_345, %swap3A_346], %swap3A_349 {strides = array<i32>} : memref<40x128xf32, #tpu.memory_space<vmem>>, vector<1x16xf32>,
        %get3A_350 = arith.index_cast %scan3A_295 : i32 to index
        %get3A_351 = arith.constant 64 : index
        %get3A_352 = tpu.vector_load %arg12[%get3A_350, %get3A_351] {strides = array<i32>} : memref<40x128xf32, #tpu.memory_space<vmem>>, vector<1x16xf32>,
        %get3A_353 = vector.shape_cast %get3A_352 : vector<1x16xf32> to vector<16xf32>
        %get3A_354 = arith.index_cast %scan3A_295 : i32 to index
        %get3A_355 = arith.constant 64 : index
        %get3A_356 = tpu.vector_load %arg10[%get3A_354, %get3A_355] {strides = array<i32>} : memref<40x128xf32, #tpu.memory_space<vmem>>, vector<1x16xf32>,
        %get3A_357 = vector.shape_cast %get3A_356 : vector<1x16xf32> to vector<16xf32>
        %mul3A_358 = arith.mulf %get3A_353, %get3A_357 : vector<16xf32>
        %swap3A_359 = arith.index_cast %scan3A_295 : i32 to index
        %swap3A_360 = arith.constant 64 : index
        %swap3A_361 = tpu.vector_load %arg14[%swap3A_359, %swap3A_360] {strides = array<i32>} : memref<40x128xf32, #tpu.memory_space<vmem>>, vector<1x16xf32>,
        %swap3A_362 = vector.shape_cast %swap3A_361 : vector<1x16xf32> to vector<16xf32>
        %swap3A_363 = vector.shape_cast %mul3A_358 : vector<16xf32> to vector<1x16xf32>
        tpu.vector_store %arg14[%swap3A_359, %swap3A_360], %swap3A_363 {strides = array<i32>} : memref<40x128xf32, #tpu.memory_space<vmem>>, vector<1x16xf32>,
        %get3A_364 = arith.index_cast %scan3A_295 : i32 to index
        %get3A_365 = arith.constant 80 : index
        %get3A_366 = tpu.vector_load %arg12[%get3A_364, %get3A_365] {strides = array<i32>} : memref<40x128xf32, #tpu.memory_space<vmem>>, vector<1x16xf32>,
        %get3A_367 = vector.shape_cast %get3A_366 : vector<1x16xf32> to vector<16xf32>
        %get3A_368 = arith.index_cast %scan3A_295 : i32 to index
        %get3A_369 = arith.constant 80 : index
        %get3A_370 = tpu.vector_load %arg10[%get3A_368, %get3A_369] {strides = array<i32>} : memref<40x128xf32, #tpu.memory_space<vmem>>, vector<1x16xf32>,
        %get3A_371 = vector.shape_cast %get3A_370 : vector<1x16xf32> to vector<16xf32>
        %mul3A_372 = arith.mulf %get3A_367, %get3A_371 : vector<16xf32>
        %swap3A_373 = arith.index_cast %scan3A_295 : i32 to index
        %swap3A_374 = arith.constant 80 : index
        %swap3A_375 = tpu.vector_load %arg14[%swap3A_373, %swap3A_374] {strides = array<i32>} : memref<40x128xf32, #tpu.memory_space<vmem>>, vector<1x16xf32>,
        %swap3A_376 = vector.shape_cast %swap3A_375 : vector<1x16xf32> to vector<16xf32>
        %swap3A_377 = vector.shape_cast %mul3A_372 : vector<16xf32> to vector<1x16xf32>
        tpu.vector_store %arg14[%swap3A_373, %swap3A_374], %swap3A_377 {strides = array<i32>} : memref<40x128xf32, #tpu.memory_space<vmem>>, vector<1x16xf32>,
        %get3A_378 = arith.index_cast %scan3A_295 : i32 to index
        %get3A_379 = arith.constant 96 : index
        %get3A_380 = tpu.vector_load %arg12[%get3A_378, %get3A_379] {strides = array<i32>} : memref<40x128xf32, #tpu.memory_space<vmem>>, vector<1x16xf32>,
        %get3A_381 = vector.shape_cast %get3A_380 : vector<1x16xf32> to vector<16xf32>
        %get3A_382 = arith.index_cast %scan3A_295 : i32 to index
        %get3A_383 = arith.constant 96 : index
        %get3A_384 = tpu.vector_load %arg10[%get3A_382, %get3A_383] {strides = array<i32>} : memref<40x128xf32, #tpu.memory_space<vmem>>, vector<1x16xf32>,
        %get3A_385 = vector.shape_cast %get3A_384 : vector<1x16xf32> to vector<16xf32>
        %mul3A_386 = arith.mulf %get3A_381, %get3A_385 : vector<16xf32>
        %swap3A_387 = arith.index_cast %scan3A_295 : i32 to index
        %swap3A_388 = arith.constant 96 : index
        %swap3A_389 = tpu.vector_load %arg14[%swap3A_387, %swap3A_388] {strides = array<i32>} : memref<40x128xf32, #tpu.memory_space<vmem>>, vector<1x16xf32>,
        %swap3A_390 = vector.shape_cast %swap3A_389 : vector<1x16xf32> to vector<16xf32>
        %swap3A_391 = vector.shape_cast %mul3A_386 : vector<16xf32> to vector<1x16xf32>
        tpu.vector_store %arg14[%swap3A_387, %swap3A_388], %swap3A_391 {strides = array<i32>} : memref<40x128xf32, #tpu.memory_space<vmem>>, vector<1x16xf32>,
        %get3A_392 = arith.index_cast %scan3A_295 : i32 to index
        %get3A_393 = arith.constant 112 : index
        %get3A_394 = tpu.vector_load %arg12[%get3A_392, %get3A_393] {strides = array<i32>} : memref<40x128xf32, #tpu.memory_space<vmem>>, vector<1x16xf32>,
        %get3A_395 = vector.shape_cast %get3A_394 : vector<1x16xf32> to vector<16xf32>
        %get3A_396 = arith.index_cast %scan3A_295 : i32 to index
        %get3A_397 = arith.constant 112 : index
        %get3A_398 = tpu.vector_load %arg10[%get3A_396, %get3A_397] {strides = array<i32>} : memref<40x128xf32, #tpu.memory_space<vmem>>, vector<1x16xf32>,
        %get3A_399 = vector.shape_cast %get3A_398 : vector<1x16xf32> to vector<16xf32>
        %mul3A_400 = arith.mulf %get3A_395, %get3A_399 : vector<16xf32>
        %swap3A_401 = arith.index_cast %scan3A_295 : i32 to index
        %swap3A_402 = arith.constant 112 : index
        %swap3A_403 = tpu.vector_load %arg14[%swap3A_401, %swap3A_402] {strides = array<i32>} : memref<40x128xf32, #tpu.memory_space<vmem>>, vector<1x16xf32>,
        %swap3A_404 = vector.shape_cast %swap3A_403 : vector<1x16xf32> to vector<16xf32>
        %swap3A_405 = vector.shape_cast %mul3A_400 : vector<16xf32> to vector<1x16xf32>
        tpu.vector_store %arg14[%swap3A_401, %swap3A_402], %swap3A_405 {strides = array<i32>} : memref<40x128xf32, #tpu.memory_space<vmem>>, vector<1x16xf32>,
      }
      %scan3A_76 = arith.constant 40 : i32
      %mul3A_77 = arith.constant 625 : i32
      %mul3A_78 = arith.muli %add3A, %mul3A_77 : i32
      %mul3A_79 = arith.constant 25 : i32
      %mul3A_80 = arith.muli %scan3A_15, %mul3A_79 : i32
      %add3A_81 = arith.constant 2 : i32
      %add3A_82 = arith.addi %mul3A_80, %add3A_81 : i32
      %mul3A_83 = arith.constant 5 : i32
      %mul3A_84 = arith.muli %add3A_82, %mul3A_83 : i32
      %add3A_85 = arith.addi %mul3A_78, %mul3A_84 : i32
      %mul3A_86 = arith.constant 8 : i32
      %mul3A_87 = arith.muli %add3A_85, %mul3A_86 : i32
      %dma_start3A_88 = arith.constant 0 : i32
      %dma_start3A_89 = tpu.memref_slice %arg3[%mul3A_87, %dma_start3A_88] : memref<160000x128xf32, #tpu.memory_space<hbm>> -> memref<40x128xf32, #tpu.memory_space<hbm>>
      %dma_start3A_90 = arith.constant 0 : i32
      %dma_start3A_91 = tpu.memref_slice %arg3[%mul3A_87, %dma_start3A_90] : memref<160000x128xf32, #tpu.memory_space<hbm>> -> memref<40x128xf32, #tpu.memory_space<hbm>>
      tpu.enqueue_dma source(%dma_start3A_91 : memref<40x128xf32, #tpu.memory_space<hbm>>) target(%arg10 : memref<40x128xf32, #tpu.memory_space<vmem>>) target_semaphore(%arg18 : memref<!tpu.dma_semaphore, #tpu.memory_space<semaphore_mem>>)
      %dma_start3A_92 = arith.constant 2 : i32
      %dma_start3A_93 = arith.constant 0 : i32
      %dma_start3A_94 = tpu.memref_slice %arg8[%dma_start3A_92, %dma_start3A_93] : memref<25x40xi32, #tpu.memory_space<vmem>> -> memref<1x40xi32, #tpu.memory_space<vmem>>
      %dma_start3A_95 = tpu.memref_squeeze %dma_start3A_94 : memref<1x40xi32, #tpu.memory_space<vmem>> -> memref<40xi32, #tpu.memory_space<vmem>>
      %dma_start3A_96 = arith.constant 0 : i32
      %dma_start3A_97 = arith.constant 0 : i32
      %dma_start3A_98 = tpu.memref_slice %arg2[%dma_start3A_96, %dma_start3A_97] : memref<10000x128xf32, #tpu.memory_space<hbm>> -> memref<10000x128xf32, #tpu.memory_space<hbm>>
      tpu.enqueue_indirect_dma source(%dma_start3A_98 : memref<10000x128xf32, #tpu.memory_space<hbm>>) target(%arg12 : memref<40x128xf32, #tpu.memory_space<vmem>>) offsets(%dma_start3A_95 : memref<40xi32, #tpu.memory_space<vmem>>) semaphore(%arg16 : memref<!tpu.dma_semaphore, #tpu.memory_space<semaphore_mem>>)
      %dma_start3A_99 = arith.constant 0 : i32
      %dma_start3A_100 = arith.constant 0 : i32
      %dma_start3A_101 = tpu.memref_slice %arg9[%dma_start3A_99, %dma_start3A_100] : memref<25x40xi32, #tpu.memory_space<vmem>> -> memref<1x40xi32, #tpu.memory_space<vmem>>
      %dma_start3A_102 = tpu.memref_squeeze %dma_start3A_101 : memref<1x40xi32, #tpu.memory_space<vmem>> -> memref<40xi32, #tpu.memory_space<vmem>>
      %dma_start3A_103 = arith.constant 0 : i32
      %dma_start3A_104 = arith.constant 0 : i32
      %dma_start3A_105 = tpu.memref_slice %arg22[%dma_start3A_103, %dma_start3A_104] : memref<10112x128xf32, #tpu.memory_space<vmem_shared>> -> memref<10112x128xf32, #tpu.memory_space<vmem_shared>>
      tpu.enqueue_indirect_dma source(%arg14 : memref<40x128xf32, #tpu.memory_space<vmem>>) target(%dma_start3A_105 : memref<10112x128xf32, #tpu.memory_space<vmem_shared>>) offsets(%dma_start3A_102 : memref<40xi32, #tpu.memory_space<vmem>>) semaphore(%arg20 : memref<!tpu.dma_semaphore, #tpu.memory_space<semaphore_mem>>) {add = true}
      %dma_wait3A_106 = arith.constant 0 : i32
      %dma_wait3A_107 = arith.constant 0 : i32
      %dma_wait3A_108 = tpu.memref_slice %arg3[%dma_wait3A_106, %dma_wait3A_107] : memref<160000x128xf32, #tpu.memory_space<hbm>> -> memref<40x128xf32, #tpu.memory_space<hbm>>
      %dma_wait3A_109 = arith.constant 0 : i32
      %dma_wait3A_110 = arith.constant 0 : i32
      %dma_wait3A_111 = tpu.memref_slice %arg3[%dma_wait3A_109, %dma_wait3A_110] : memref<160000x128xf32, #tpu.memory_space<hbm>> -> memref<40x128xf32, #tpu.memory_space<hbm>>
      tpu.wait_dma2 semaphore(%arg19 : memref<!tpu.dma_semaphore, #tpu.memory_space<semaphore_mem>>) src(%dma_wait3A_111 : memref<40x128xf32, #tpu.memory_space<hbm>>) dst(%arg11 : memref<40x128xf32, #tpu.memory_space<vmem>>)
      %dma_wait3A_112 = arith.constant 0 : i32
      %dma_wait3A_113 = arith.constant 0 : i32
      %dma_wait3A_114 = tpu.memref_slice %arg8[%dma_wait3A_112, %dma_wait3A_113] : memref<25x40xi32, #tpu.memory_space<vmem>> -> memref<1x40xi32, #tpu.memory_space<vmem>>
      %dma_wait3A_115 = tpu.memref_squeeze %dma_wait3A_114 : memref<1x40xi32, #tpu.memory_space<vmem>> -> memref<40xi32, #tpu.memory_space<vmem>>
      %dma_wait3A_116 = arith.constant 0 : i32
      %dma_wait3A_117 = arith.constant 0 : i32
      %dma_wait3A_118 = tpu.memref_slice %arg2[%dma_wait3A_116, %dma_wait3A_117] : memref<10000x128xf32, #tpu.memory_space<hbm>> -> memref<10000x128xf32, #tpu.memory_space<hbm>>
      tpu.wait_indirect_dma semaphore(%arg17 : memref<!tpu.dma_semaphore, #tpu.memory_space<semaphore_mem>>) src(%dma_wait3A_118 : memref<10000x128xf32, #tpu.memory_space<hbm>>) dst(%arg13 : memref<40x128xf32, #tpu.memory_space<vmem>>)
      %scan3A_119 = arith.constant 0 : i32
      %scan3A_120 = arith.constant 0 : i32
      %scan3A_121 = arith.constant 40 : i32
      %scan3A_122 = arith.addi %scan3A_120, %scan3A_121 : i32
      %scan3A_123 = arith.constant 1 : i32
      scf.for %scan3A_295 = %scan3A_120 to %scan3A_122 step %scan3A_123  : i32 {
        %get3A = arith.index_cast %scan3A_295 : i32 to index
        %get3A_296 = arith.constant 0 : index
        %get3A_297 = tpu.vector_load %arg13[%get3A, %get3A_296] {strides = array<i32>} : memref<40x128xf32, #tpu.memory_space<vmem>>, vector<1x16xf32>,
        %get3A_298 = vector.shape_cast %get3A_297 : vector<1x16xf32> to vector<16xf32>
        %get3A_299 = arith.index_cast %scan3A_295 : i32 to index
        %get3A_300 = arith.constant 0 : index
        %get3A_301 = tpu.vector_load %arg11[%get3A_299, %get3A_300] {strides = array<i32>} : memref<40x128xf32, #tpu.memory_space<vmem>>, vector<1x16xf32>,
        %get3A_302 = vector.shape_cast %get3A_301 : vector<1x16xf32> to vector<16xf32>
        %mul3A_303 = arith.mulf %get3A_298, %get3A_302 : vector<16xf32>
        %swap3A = arith.index_cast %scan3A_295 : i32 to index
        %swap3A_304 = arith.constant 0 : index
        %swap3A_305 = tpu.vector_load %arg15[%swap3A, %swap3A_304] {strides = array<i32>} : memref<40x128xf32, #tpu.memory_space<vmem>>, vector<1x16xf32>,
        %swap3A_306 = vector.shape_cast %swap3A_305 : vector<1x16xf32> to vector<16xf32>
        %swap3A_307 = vector.shape_cast %mul3A_303 : vector<16xf32> to vector<1x16xf32>
        tpu.vector_store %arg15[%swap3A, %swap3A_304], %swap3A_307 {strides = array<i32>} : memref<40x128xf32, #tpu.memory_space<vmem>>, vector<1x16xf32>,
        %get3A_308 = arith.index_cast %scan3A_295 : i32 to index
        %get3A_309 = arith.constant 16 : index
        %get3A_310 = tpu.vector_load %arg13[%get3A_308, %get3A_309] {strides = array<i32>} : memref<40x128xf32, #tpu.memory_space<vmem>>, vector<1x16xf32>,
        %get3A_311 = vector.shape_cast %get3A_310 : vector<1x16xf32> to vector<16xf32>
        %get3A_312 = arith.index_cast %scan3A_295 : i32 to index
        %get3A_313 = arith.constant 16 : index
        %get3A_314 = tpu.vector_load %arg11[%get3A_312, %get3A_313] {strides = array<i32>} : memref<40x128xf32, #tpu.memory_space<vmem>>, vector<1x16xf32>,
        %get3A_315 = vector.shape_cast %get3A_314 : vector<1x16xf32> to vector<16xf32>
        %mul3A_316 = arith.mulf %get3A_311, %get3A_315 : vector<16xf32>
        %swap3A_317 = arith.index_cast %scan3A_295 : i32 to index
        %swap3A_318 = arith.constant 16 : index
        %swap3A_319 = tpu.vector_load %arg15[%swap3A_317, %swap3A_318] {strides = array<i32>} : memref<40x128xf32, #tpu.memory_space<vmem>>, vector<1x16xf32>,
        %swap3A_320 = vector.shape_cast %swap3A_319 : vector<1x16xf32> to vector<16xf32>
        %swap3A_321 = vector.shape_cast %mul3A_316 : vector<16xf32> to vector<1x16xf32>
        tpu.vector_store %arg15[%swap3A_317, %swap3A_318], %swap3A_321 {strides = array<i32>} : memref<40x128xf32, #tpu.memory_space<vmem>>, vector<1x16xf32>,
        %get3A_322 = arith.index_cast %scan3A_295 : i32 to index
        %get3A_323 = arith.constant 32 : index
        %get3A_324 = tpu.vector_load %arg13[%get3A_322, %get3A_323] {strides = array<i32>} : memref<40x128xf32, #tpu.memory_space<vmem>>, vector<1x16xf32>,
        %get3A_325 = vector.shape_cast %get3A_324 : vector<1x16xf32> to vector<16xf32>
        %get3A_326 = arith.index_cast %scan3A_295 : i32 to index
        %get3A_327 = arith.constant 32 : index
        %get3A_328 = tpu.vector_load %arg11[%get3A_326, %get3A_327] {strides = array<i32>} : memref<40x128xf32, #tpu.memory_space<vmem>>, vector<1x16xf32>,
        %get3A_329 = vector.shape_cast %get3A_328 : vector<1x16xf32> to vector<16xf32>
        %mul3A_330 = arith.mulf %get3A_325, %get3A_329 : vector<16xf32>
        %swap3A_331 = arith.index_cast %scan3A_295 : i32 to index
        %swap3A_332 = arith.constant 32 : index
        %swap3A_333 = tpu.vector_load %arg15[%swap3A_331, %swap3A_332] {strides = array<i32>} : memref<40x128xf32, #tpu.memory_space<vmem>>, vector<1x16xf32>,
        %swap3A_334 = vector.shape_cast %swap3A_333 : vector<1x16xf32> to vector<16xf32>
        %swap3A_335 = vector.shape_cast %mul3A_330 : vector<16xf32> to vector<1x16xf32>
        tpu.vector_store %arg15[%swap3A_331, %swap3A_332], %swap3A_335 {strides = array<i32>} : memref<40x128xf32, #tpu.memory_space<vmem>>, vector<1x16xf32>,
        %get3A_336 = arith.index_cast %scan3A_295 : i32 to index
        %get3A_337 = arith.constant 48 : index
        %get3A_338 = tpu.vector_load %arg13[%get3A_336, %get3A_337] {strides = array<i32>} : memref<40x128xf32, #tpu.memory_space<vmem>>, vector<1x16xf32>,
        %get3A_339 = vector.shape_cast %get3A_338 : vector<1x16xf32> to vector<16xf32>
        %get3A_340 = arith.index_cast %scan3A_295 : i32 to index
        %get3A_341 = arith.constant 48 : index
        %get3A_342 = tpu.vector_load %arg11[%get3A_340, %get3A_341] {strides = array<i32>} : memref<40x128xf32, #tpu.memory_space<vmem>>, vector<1x16xf32>,
        %get3A_343 = vector.shape_cast %get3A_342 : vector<1x16xf32> to vector<16xf32>
        %mul3A_344 = arith.mulf %get3A_339, %get3A_343 : vector<16xf32>
        %swap3A_345 = arith.index_cast %scan3A_295 : i32 to index
        %swap3A_346 = arith.constant 48 : index
        %swap3A_347 = tpu.vector_load %arg15[%swap3A_345, %swap3A_346] {strides = array<i32>} : memref<40x128xf32, #tpu.memory_space<vmem>>, vector<1x16xf32>,
        %swap3A_348 = vector.shape_cast %swap3A_347 : vector<1x16xf32> to vector<16xf32>
        %swap3A_349 = vector.shape_cast %mul3A_344 : vector<16xf32> to vector<1x16xf32>
        tpu.vector_store %arg15[%swap3A_345, %swap3A_346], %swap3A_349 {strides = array<i32>} : memref<40x128xf32, #tpu.memory_space<vmem>>, vector<1x16xf32>,
        %get3A_350 = arith.index_cast %scan3A_295 : i32 to index
        %get3A_351 = arith.constant 64 : index
        %get3A_352 = tpu.vector_load %arg13[%get3A_350, %get3A_351] {strides = array<i32>} : memref<40x128xf32, #tpu.memory_space<vmem>>, vector<1x16xf32>,
        %get3A_353 = vector.shape_cast %get3A_352 : vector<1x16xf32> to vector<16xf32>
        %get3A_354 = arith.index_cast %scan3A_295 : i32 to index
        %get3A_355 = arith.constant 64 : index
        %get3A_356 = tpu.vector_load %arg11[%get3A_354, %get3A_355] {strides = array<i32>} : memref<40x128xf32, #tpu.memory_space<vmem>>, vector<1x16xf32>,
        %get3A_357 = vector.shape_cast %get3A_356 : vector<1x16xf32> to vector<16xf32>
        %mul3A_358 = arith.mulf %get3A_353, %get3A_357 : vector<16xf32>
        %swap3A_359 = arith.index_cast %scan3A_295 : i32 to index
        %swap3A_360 = arith.constant 64 : index
        %swap3A_361 = tpu.vector_load %arg15[%swap3A_359, %swap3A_360] {strides = array<i32>} : memref<40x128xf32, #tpu.memory_space<vmem>>, vector<1x16xf32>,
        %swap3A_362 = vector.shape_cast %swap3A_361 : vector<1x16xf32> to vector<16xf32>
        %swap3A_363 = vector.shape_cast %mul3A_358 : vector<16xf32> to vector<1x16xf32>
        tpu.vector_store %arg15[%swap3A_359, %swap3A_360], %swap3A_363 {strides = array<i32>} : memref<40x128xf32, #tpu.memory_space<vmem>>, vector<1x16xf32>,
        %get3A_364 = arith.index_cast %scan3A_295 : i32 to index
        %get3A_365 = arith.constant 80 : index
        %get3A_366 = tpu.vector_load %arg13[%get3A_364, %get3A_365] {strides = array<i32>} : memref<40x128xf32, #tpu.memory_space<vmem>>, vector<1x16xf32>,
        %get3A_367 = vector.shape_cast %get3A_366 : vector<1x16xf32> to vector<16xf32>
        %get3A_368 = arith.index_cast %scan3A_295 : i32 to index
        %get3A_369 = arith.constant 80 : index
        %get3A_370 = tpu.vector_load %arg11[%get3A_368, %get3A_369] {strides = array<i32>} : memref<40x128xf32, #tpu.memory_space<vmem>>, vector<1x16xf32>,
        %get3A_371 = vector.shape_cast %get3A_370 : vector<1x16xf32> to vector<16xf32>
        %mul3A_372 = arith.mulf %get3A_367, %get3A_371 : vector<16xf32>
        %swap3A_373 = arith.index_cast %scan3A_295 : i32 to index
        %swap3A_374 = arith.constant 80 : index
        %swap3A_375 = tpu.vector_load %arg15[%swap3A_373, %swap3A_374] {strides = array<i32>} : memref<40x128xf32, #tpu.memory_space<vmem>>, vector<1x16xf32>,
        %swap3A_376 = vector.shape_cast %swap3A_375 : vector<1x16xf32> to vector<16xf32>
        %swap3A_377 = vector.shape_cast %mul3A_372 : vector<16xf32> to vector<1x16xf32>
        tpu.vector_store %arg15[%swap3A_373, %swap3A_374], %swap3A_377 {strides = array<i32>} : memref<40x128xf32, #tpu.memory_space<vmem>>, vector<1x16xf32>,
        %get3A_378 = arith.index_cast %scan3A_295 : i32 to index
        %get3A_379 = arith.constant 96 : index
        %get3A_380 = tpu.vector_load %arg13[%get3A_378, %get3A_379] {strides = array<i32>} : memref<40x128xf32, #tpu.memory_space<vmem>>, vector<1x16xf32>,
        %get3A_381 = vector.shape_cast %get3A_380 : vector<1x16xf32> to vector<16xf32>
        %get3A_382 = arith.index_cast %scan3A_295 : i32 to index
        %get3A_383 = arith.constant 96 : index
        %get3A_384 = tpu.vector_load %arg11[%get3A_382, %get3A_383] {strides = array<i32>} : memref<40x128xf32, #tpu.memory_space<vmem>>, vector<1x16xf32>,
        %get3A_385 = vector.shape_cast %get3A_384 : vector<1x16xf32> to vector<16xf32>
        %mul3A_386 = arith.mulf %get3A_381, %get3A_385 : vector<16xf32>
        %swap3A_387 = arith.index_cast %scan3A_295 : i32 to index
        %swap3A_388 = arith.constant 96 : index
        %swap3A_389 = tpu.vector_load %arg15[%swap3A_387, %swap3A_388] {strides = array<i32>} : memref<40x128xf32, #tpu.memory_space<vmem>>, vector<1x16xf32>,
        %swap3A_390 = vector.shape_cast %swap3A_389 : vector<1x16xf32> to vector<16xf32>
        %swap3A_391 = vector.shape_cast %mul3A_386 : vector<16xf32> to vector<1x16xf32>
        tpu.vector_store %arg15[%swap3A_387, %swap3A_388], %swap3A_391 {strides = array<i32>} : memref<40x128xf32, #tpu.memory_space<vmem>>, vector<1x16xf32>,
        %get3A_392 = arith.index_cast %scan3A_295 : i32 to index
        %get3A_393 = arith.constant 112 : index
        %get3A_394 = tpu.vector_load %arg13[%get3A_392, %get3A_393] {strides = array<i32>} : memref<40x128xf32, #tpu.memory_space<vmem>>, vector<1x16xf32>,
        %get3A_395 = vector.shape_cast %get3A_394 : vector<1x16xf32> to vector<16xf32>
        %get3A_396 = arith.index_cast %scan3A_295 : i32 to index
        %get3A_397 = arith.constant 112 : index
        %get3A_398 = tpu.vector_load %arg11[%get3A_396, %get3A_397] {strides = array<i32>} : memref<40x128xf32, #tpu.memory_space<vmem>>, vector<1x16xf32>,
        %get3A_399 = vector.shape_cast %get3A_398 : vector<1x16xf32> to vector<16xf32>
        %mul3A_400 = arith.mulf %get3A_395, %get3A_399 : vector<16xf32>
        %swap3A_401 = arith.index_cast %scan3A_295 : i32 to index
        %swap3A_402 = arith.constant 112 : index
        %swap3A_403 = tpu.vector_load %arg15[%swap3A_401, %swap3A_402] {strides = array<i32>} : memref<40x128xf32, #tpu.memory_space<vmem>>, vector<1x16xf32>,
        %swap3A_404 = vector.shape_cast %swap3A_403 : vector<1x16xf32> to vector<16xf32>
        %swap3A_405 = vector.shape_cast %mul3A_400 : vector<16xf32> to vector<1x16xf32>
        tpu.vector_store %arg15[%swap3A_401, %swap3A_402], %swap3A_405 {strides = array<i32>} : memref<40x128xf32, #tpu.memory_space<vmem>>, vector<1x16xf32>,
      }
      %scan3A_124 = arith.constant 40 : i32
      %mul3A_125 = arith.constant 625 : i32
      %mul3A_126 = arith.muli %add3A, %mul3A_125 : i32
      %mul3A_127 = arith.constant 25 : i32
      %mul3A_128 = arith.muli %scan3A_15, %mul3A_127 : i32
      %add3A_129 = arith.constant 3 : i32
      %add3A_130 = arith.addi %mul3A_128, %add3A_129 : i32
      %mul3A_131 = arith.constant 5 : i32
      %mul3A_132 = arith.muli %add3A_130, %mul3A_131 : i32
      %add3A_133 = arith.addi %mul3A_126, %mul3A_132 : i32
      %mul3A_134 = arith.constant 8 : i32
      %mul3A_135 = arith.muli %add3A_133, %mul3A_134 : i32
      %dma_start3A_136 = arith.constant 0 : i32
      %dma_start3A_137 = tpu.memref_slice %arg3[%mul3A_135, %dma_start3A_136] : memref<160000x128xf32, #tpu.memory_space<hbm>> -> memref<40x128xf32, #tpu.memory_space<hbm>>
      %dma_start3A_138 = arith.constant 0 : i32
      %dma_start3A_139 = tpu.memref_slice %arg3[%mul3A_135, %dma_start3A_138] : memref<160000x128xf32, #tpu.memory_space<hbm>> -> memref<40x128xf32, #tpu.memory_space<hbm>>
      tpu.enqueue_dma source(%dma_start3A_139 : memref<40x128xf32, #tpu.memory_space<hbm>>) target(%arg11 : memref<40x128xf32, #tpu.memory_space<vmem>>) target_semaphore(%arg19 : memref<!tpu.dma_semaphore, #tpu.memory_space<semaphore_mem>>)
      %dma_start3A_140 = arith.constant 3 : i32
      %dma_start3A_141 = arith.constant 0 : i32
      %dma_start3A_142 = tpu.memref_slice %arg8[%dma_start3A_140, %dma_start3A_141] : memref<25x40xi32, #tpu.memory_space<vmem>> -> memref<1x40xi32, #tpu.memory_space<vmem>>
      %dma_start3A_143 = tpu.memref_squeeze %dma_start3A_142 : memref<1x40xi32, #tpu.memory_space<vmem>> -> memref<40xi32, #tpu.memory_space<vmem>>
      %dma_start3A_144 = arith.constant 0 : i32
      %dma_start3A_145 = arith.constant 0 : i32
      %dma_start3A_146 = tpu.memref_slice %arg2[%dma_start3A_144, %dma_start3A_145] : memref<10000x128xf32, #tpu.memory_space<hbm>> -> memref<10000x128xf32, #tpu.memory_space<hbm>>
      tpu.enqueue_indirect_dma source(%dma_start3A_146 : memref<10000x128xf32, #tpu.memory_space<hbm>>) target(%arg13 : memref<40x128xf32, #tpu.memory_space<vmem>>) offsets(%dma_start3A_143 : memref<40xi32, #tpu.memory_space<vmem>>) semaphore(%arg17 : memref<!tpu.dma_semaphore, #tpu.memory_space<semaphore_mem>>)
      %dma_start3A_147 = arith.constant 1 : i32
      %dma_start3A_148 = arith.constant 0 : i32
      %dma_start3A_149 = tpu.memref_slice %arg9[%dma_start3A_147, %dma_start3A_148] : memref<25x40xi32, #tpu.memory_space<vmem>> -> memref<1x40xi32, #tpu.memory_space<vmem>>
      %dma_start3A_150 = tpu.memref_squeeze %dma_start3A_149 : memref<1x40xi32, #tpu.memory_space<vmem>> -> memref<40xi32, #tpu.memory_space<vmem>>
      %dma_start3A_151 = arith.constant 0 : i32
      %dma_start3A_152 = arith.constant 0 : i32
      %dma_start3A_153 = tpu.memref_slice %arg22[%dma_start3A_151, %dma_start3A_152] : memref<10112x128xf32, #tpu.memory_space<vmem_shared>> -> memref<10112x128xf32, #tpu.memory_space<vmem_shared>>
      tpu.enqueue_indirect_dma source(%arg15 : memref<40x128xf32, #tpu.memory_space<vmem>>) target(%dma_start3A_153 : memref<10112x128xf32, #tpu.memory_space<vmem_shared>>) offsets(%dma_start3A_150 : memref<40xi32, #tpu.memory_space<vmem>>) semaphore(%arg21 : memref<!tpu.dma_semaphore, #tpu.memory_space<semaphore_mem>>) {add = true}
      %scan3A_154 = arith.constant 0 : i32
      %scan3A_155 = arith.constant 1 : i32
      %scan3A_156 = arith.constant 10 : i32
      %scan3A_157 = arith.addi %scan3A_155, %scan3A_156 : i32
      %scan3A_158 = arith.constant 1 : i32
      scf.for %scan3A_295 = %scan3A_155 to %scan3A_157 step %scan3A_158  : i32 {
        %mul3A_296 = arith.constant 2 : i32
        %mul3A_297 = arith.muli %mul3A_296, %scan3A_295 : i32
        %dma_wait3A_298 = arith.constant 0 : i32
        %dma_wait3A_299 = arith.constant 0 : i32
        %dma_wait3A_300 = tpu.memref_slice %arg3[%dma_wait3A_298, %dma_wait3A_299] : memref<160000x128xf32, #tpu.memory_space<hbm>> -> memref<40x128xf32, #tpu.memory_space<hbm>>
        %dma_wait3A_301 = arith.constant 0 : i32
        %dma_wait3A_302 = arith.constant 0 : i32
        %dma_wait3A_303 = tpu.memref_slice %arg3[%dma_wait3A_301, %dma_wait3A_302] : memref<160000x128xf32, #tpu.memory_space<hbm>> -> memref<40x128xf32, #tpu.memory_space<hbm>>
        tpu.wait_dma2 semaphore(%arg18 : memref<!tpu.dma_semaphore, #tpu.memory_space<semaphore_mem>>) src(%dma_wait3A_303 : memref<40x128xf32, #tpu.memory_space<hbm>>) dst(%arg10 : memref<40x128xf32, #tpu.memory_space<vmem>>)
        %dma_wait3A_304 = arith.constant 0 : i32
        %dma_wait3A_305 = arith.constant 0 : i32
        %dma_wait3A_306 = tpu.memref_slice %arg8[%dma_wait3A_304, %dma_wait3A_305] : memref<25x40xi32, #tpu.memory_space<vmem>> -> memref<1x40xi32, #tpu.memory_space<vmem>>
        %dma_wait3A_307 = tpu.memref_squeeze %dma_wait3A_306 : memref<1x40xi32, #tpu.memory_space<vmem>> -> memref<40xi32, #tpu.memory_space<vmem>>
        %dma_wait3A_308 = arith.constant 0 : i32
        %dma_wait3A_309 = arith.constant 0 : i32
        %dma_wait3A_310 = tpu.memref_slice %arg2[%dma_wait3A_308, %dma_wait3A_309] : memref<10000x128xf32, #tpu.memory_space<hbm>> -> memref<10000x128xf32, #tpu.memory_space<hbm>>
        tpu.wait_indirect_dma semaphore(%arg16 : memref<!tpu.dma_semaphore, #tpu.memory_space<semaphore_mem>>) src(%dma_wait3A_310 : memref<10000x128xf32, #tpu.memory_space<hbm>>) dst(%arg12 : memref<40x128xf32, #tpu.memory_space<vmem>>)
        %dma_wait3A_311 = arith.constant 0 : i32
        %dma_wait3A_312 = arith.constant 0 : i32
        %dma_wait3A_313 = tpu.memref_slice %arg9[%dma_wait3A_311, %dma_wait3A_312] : memref<25x40xi32, #tpu.memory_space<vmem>> -> memref<1x40xi32, #tpu.memory_space<vmem>>
        %dma_wait3A_314 = tpu.memref_squeeze %dma_wait3A_313 : memref<1x40xi32, #tpu.memory_space<vmem>> -> memref<40xi32, #tpu.memory_space<vmem>>
        %dma_wait3A_315 = arith.constant 0 : i32
        %dma_wait3A_316 = arith.constant 0 : i32
        %dma_wait3A_317 = tpu.memref_slice %arg22[%dma_wait3A_315, %dma_wait3A_316] : memref<10112x128xf32, #tpu.memory_space<vmem_shared>> -> memref<10112x128xf32, #tpu.memory_space<vmem_shared>>
        tpu.wait_indirect_dma semaphore(%arg20 : memref<!tpu.dma_semaphore, #tpu.memory_space<semaphore_mem>>) src(%arg14 : memref<40x128xf32, #tpu.memory_space<vmem>>) dst(%dma_wait3A_317 : memref<10112x128xf32, #tpu.memory_space<vmem_shared>>)
        %scan3A_318 = arith.constant 0 : i32
        %scan3A_319 = arith.constant 0 : i32
        %scan3A_320 = arith.constant 40 : i32
        %scan3A_321 = arith.addi %scan3A_319, %scan3A_320 : i32
        %scan3A_322 = arith.constant 1 : i32
        scf.for %scan3A_410 = %scan3A_319 to %scan3A_321 step %scan3A_322  : i32 {
          %get3A = arith.index_cast %scan3A_410 : i32 to index
          %get3A_411 = arith.constant 0 : index
          %get3A_412 = tpu.vector_load %arg12[%get3A, %get3A_411] {strides = array<i32>} : memref<40x128xf32, #tpu.memory_space<vmem>>, vector<1x16xf32>,
          %get3A_413 = vector.shape_cast %get3A_412 : vector<1x16xf32> to vector<16xf32>
          %get3A_414 = arith.index_cast %scan3A_410 : i32 to index
          %get3A_415 = arith.constant 0 : index
          %get3A_416 = tpu.vector_load %arg10[%get3A_414, %get3A_415] {strides = array<i32>} : memref<40x128xf32, #tpu.memory_space<vmem>>, vector<1x16xf32>,
          %get3A_417 = vector.shape_cast %get3A_416 : vector<1x16xf32> to vector<16xf32>
          %mul3A_418 = arith.mulf %get3A_413, %get3A_417 : vector<16xf32>
          %swap3A = arith.index_cast %scan3A_410 : i32 to index
          %swap3A_419 = arith.constant 0 : index
          %swap3A_420 = tpu.vector_load %arg14[%swap3A, %swap3A_419] {strides = array<i32>} : memref<40x128xf32, #tpu.memory_space<vmem>>, vector<1x16xf32>,
          %swap3A_421 = vector.shape_cast %swap3A_420 : vector<1x16xf32> to vector<16xf32>
          %swap3A_422 = vector.shape_cast %mul3A_418 : vector<16xf32> to vector<1x16xf32>
          tpu.vector_store %arg14[%swap3A, %swap3A_419], %swap3A_422 {strides = array<i32>} : memref<40x128xf32, #tpu.memory_space<vmem>>, vector<1x16xf32>,
          %get3A_423 = arith.index_cast %scan3A_410 : i32 to index
          %get3A_424 = arith.constant 16 : index
          %get3A_425 = tpu.vector_load %arg12[%get3A_423, %get3A_424] {strides = array<i32>} : memref<40x128xf32, #tpu.memory_space<vmem>>, vector<1x16xf32>,
          %get3A_426 = vector.shape_cast %get3A_425 : vector<1x16xf32> to vector<16xf32>
          %get3A_427 = arith.index_cast %scan3A_410 : i32 to index
          %get3A_428 = arith.constant 16 : index
          %get3A_429 = tpu.vector_load %arg10[%get3A_427, %get3A_428] {strides = array<i32>} : memref<40x128xf32, #tpu.memory_space<vmem>>, vector<1x16xf32>,
          %get3A_430 = vector.shape_cast %get3A_429 : vector<1x16xf32> to vector<16xf32>
          %mul3A_431 = arith.mulf %get3A_426, %get3A_430 : vector<16xf32>
          %swap3A_432 = arith.index_cast %scan3A_410 : i32 to index
          %swap3A_433 = arith.constant 16 : index
          %swap3A_434 = tpu.vector_load %arg14[%swap3A_432, %swap3A_433] {strides = array<i32>} : memref<40x128xf32, #tpu.memory_space<vmem>>, vector<1x16xf32>,
          %swap3A_435 = vector.shape_cast %swap3A_434 : vector<1x16xf32> to vector<16xf32>
          %swap3A_436 = vector.shape_cast %mul3A_431 : vector<16xf32> to vector<1x16xf32>
          tpu.vector_store %arg14[%swap3A_432, %swap3A_433], %swap3A_436 {strides = array<i32>} : memref<40x128xf32, #tpu.memory_space<vmem>>, vector<1x16xf32>,
          %get3A_437 = arith.index_cast %scan3A_410 : i32 to index
          %get3A_438 = arith.constant 32 : index
          %get3A_439 = tpu.vector_load %arg12[%get3A_437, %get3A_438] {strides = array<i32>} : memref<40x128xf32, #tpu.memory_space<vmem>>, vector<1x16xf32>,
          %get3A_440 = vector.shape_cast %get3A_439 : vector<1x16xf32> to vector<16xf32>
          %get3A_441 = arith.index_cast %scan3A_410 : i32 to index
          %get3A_442 = arith.constant 32 : index
          %get3A_443 = tpu.vector_load %arg10[%get3A_441, %get3A_442] {strides = array<i32>} : memref<40x128xf32, #tpu.memory_space<vmem>>, vector<1x16xf32>,
          %get3A_444 = vector.shape_cast %get3A_443 : vector<1x16xf32> to vector<16xf32>
          %mul3A_445 = arith.mulf %get3A_440, %get3A_444 : vector<16xf32>
          %swap3A_446 = arith.index_cast %scan3A_410 : i32 to index
          %swap3A_447 = arith.constant 32 : index
          %swap3A_448 = tpu.vector_load %arg14[%swap3A_446, %swap3A_447] {strides = array<i32>} : memref<40x128xf32, #tpu.memory_space<vmem>>, vector<1x16xf32>,
          %swap3A_449 = vector.shape_cast %swap3A_448 : vector<1x16xf32> to vector<16xf32>
          %swap3A_450 = vector.shape_cast %mul3A_445 : vector<16xf32> to vector<1x16xf32>
          tpu.vector_store %arg14[%swap3A_446, %swap3A_447], %swap3A_450 {strides = array<i32>} : memref<40x128xf32, #tpu.memory_space<vmem>>, vector<1x16xf32>,
          %get3A_451 = arith.index_cast %scan3A_410 : i32 to index
          %get3A_452 = arith.constant 48 : index
          %get3A_453 = tpu.vector_load %arg12[%get3A_451, %get3A_452] {strides = array<i32>} : memref<40x128xf32, #tpu.memory_space<vmem>>, vector<1x16xf32>,
          %get3A_454 = vector.shape_cast %get3A_453 : vector<1x16xf32> to vector<16xf32>
          %get3A_455 = arith.index_cast %scan3A_410 : i32 to index
          %get3A_456 = arith.constant 48 : index
          %get3A_457 = tpu.vector_load %arg10[%get3A_455, %get3A_456] {strides = array<i32>} : memref<40x128xf32, #tpu.memory_space<vmem>>, vector<1x16xf32>,
          %get3A_458 = vector.shape_cast %get3A_457 : vector<1x16xf32> to vector<16xf32>
          %mul3A_459 = arith.mulf %get3A_454, %get3A_458 : vector<16xf32>
          %swap3A_460 = arith.index_cast %scan3A_410 : i32 to index
          %swap3A_461 = arith.constant 48 : index
          %swap3A_462 = tpu.vector_load %arg14[%swap3A_460, %swap3A_461] {strides = array<i32>} : memref<40x128xf32, #tpu.memory_space<vmem>>, vector<1x16xf32>,
          %swap3A_463 = vector.shape_cast %swap3A_462 : vector<1x16xf32> to vector<16xf32>
          %swap3A_464 = vector.shape_cast %mul3A_459 : vector<16xf32> to vector<1x16xf32>
          tpu.vector_store %arg14[%swap3A_460, %swap3A_461], %swap3A_464 {strides = array<i32>} : memref<40x128xf32, #tpu.memory_space<vmem>>, vector<1x16xf32>,
          %get3A_465 = arith.index_cast %scan3A_410 : i32 to index
          %get3A_466 = arith.constant 64 : index
          %get3A_467 = tpu.vector_load %arg12[%get3A_465, %get3A_466] {strides = array<i32>} : memref<40x128xf32, #tpu.memory_space<vmem>>, vector<1x16xf32>,
          %get3A_468 = vector.shape_cast %get3A_467 : vector<1x16xf32> to vector<16xf32>
          %get3A_469 = arith.index_cast %scan3A_410 : i32 to index
          %get3A_470 = arith.constant 64 : index
          %get3A_471 = tpu.vector_load %arg10[%get3A_469, %get3A_470] {strides = array<i32>} : memref<40x128xf32, #tpu.memory_space<vmem>>, vector<1x16xf32>,
          %get3A_472 = vector.shape_cast %get3A_471 : vector<1x16xf32> to vector<16xf32>
          %mul3A_473 = arith.mulf %get3A_468, %get3A_472 : vector<16xf32>
          %swap3A_474 = arith.index_cast %scan3A_410 : i32 to index
          %swap3A_475 = arith.constant 64 : index
          %swap3A_476 = tpu.vector_load %arg14[%swap3A_474, %swap3A_475] {strides = array<i32>} : memref<40x128xf32, #tpu.memory_space<vmem>>, vector<1x16xf32>,
          %swap3A_477 = vector.shape_cast %swap3A_476 : vector<1x16xf32> to vector<16xf32>
          %swap3A_478 = vector.shape_cast %mul3A_473 : vector<16xf32> to vector<1x16xf32>
          tpu.vector_store %arg14[%swap3A_474, %swap3A_475], %swap3A_478 {strides = array<i32>} : memref<40x128xf32, #tpu.memory_space<vmem>>, vector<1x16xf32>,
          %get3A_479 = arith.index_cast %scan3A_410 : i32 to index
          %get3A_480 = arith.constant 80 : index
          %get3A_481 = tpu.vector_load %arg12[%get3A_479, %get3A_480] {strides = array<i32>} : memref<40x128xf32, #tpu.memory_space<vmem>>, vector<1x16xf32>,
          %get3A_482 = vector.shape_cast %get3A_481 : vector<1x16xf32> to vector<16xf32>
          %get3A_483 = arith.index_cast %scan3A_410 : i32 to index
          %get3A_484 = arith.constant 80 : index
          %get3A_485 = tpu.vector_load %arg10[%get3A_483, %get3A_484] {strides = array<i32>} : memref<40x128xf32, #tpu.memory_space<vmem>>, vector<1x16xf32>,
          %get3A_486 = vector.shape_cast %get3A_485 : vector<1x16xf32> to vector<16xf32>
          %mul3A_487 = arith.mulf %get3A_482, %get3A_486 : vector<16xf32>
          %swap3A_488 = arith.index_cast %scan3A_410 : i32 to index
          %swap3A_489 = arith.constant 80 : index
          %swap3A_490 = tpu.vector_load %arg14[%swap3A_488, %swap3A_489] {strides = array<i32>} : memref<40x128xf32, #tpu.memory_space<vmem>>, vector<1x16xf32>,
          %swap3A_491 = vector.shape_cast %swap3A_490 : vector<1x16xf32> to vector<16xf32>
          %swap3A_492 = vector.shape_cast %mul3A_487 : vector<16xf32> to vector<1x16xf32>
          tpu.vector_store %arg14[%swap3A_488, %swap3A_489], %swap3A_492 {strides = array<i32>} : memref<40x128xf32, #tpu.memory_space<vmem>>, vector<1x16xf32>,
          %get3A_493 = arith.index_cast %scan3A_410 : i32 to index
          %get3A_494 = arith.constant 96 : index
          %get3A_495 = tpu.vector_load %arg12[%get3A_493, %get3A_494] {strides = array<i32>} : memref<40x128xf32, #tpu.memory_space<vmem>>, vector<1x16xf32>,
          %get3A_496 = vector.shape_cast %get3A_495 : vector<1x16xf32> to vector<16xf32>
          %get3A_497 = arith.index_cast %scan3A_410 : i32 to index
          %get3A_498 = arith.constant 96 : index
          %get3A_499 = tpu.vector_load %arg10[%get3A_497, %get3A_498] {strides = array<i32>} : memref<40x128xf32, #tpu.memory_space<vmem>>, vector<1x16xf32>,
          %get3A_500 = vector.shape_cast %get3A_499 : vector<1x16xf32> to vector<16xf32>
          %mul3A_501 = arith.mulf %get3A_496, %get3A_500 : vector<16xf32>
          %swap3A_502 = arith.index_cast %scan3A_410 : i32 to index
          %swap3A_503 = arith.constant 96 : index
          %swap3A_504 = tpu.vector_load %arg14[%swap3A_502, %swap3A_503] {strides = array<i32>} : memref<40x128xf32, #tpu.memory_space<vmem>>, vector<1x16xf32>,
          %swap3A_505 = vector.shape_cast %swap3A_504 : vector<1x16xf32> to vector<16xf32>
          %swap3A_506 = vector.shape_cast %mul3A_501 : vector<16xf32> to vector<1x16xf32>
          tpu.vector_store %arg14[%swap3A_502, %swap3A_503], %swap3A_506 {strides = array<i32>} : memref<40x128xf32, #tpu.memory_space<vmem>>, vector<1x16xf32>,
          %get3A_507 = arith.index_cast %scan3A_410 : i32 to index
          %get3A_508 = arith.constant 112 : index
          %get3A_509 = tpu.vector_load %arg12[%get3A_507, %get3A_508] {strides = array<i32>} : memref<40x128xf32, #tpu.memory_space<vmem>>, vector<1x16xf32>,
          %get3A_510 = vector.shape_cast %get3A_509 : vector<1x16xf32> to vector<16xf32>
          %get3A_511 = arith.index_cast %scan3A_410 : i32 to index
          %get3A_512 = arith.constant 112 : index
          %get3A_513 = tpu.vector_load %arg10[%get3A_511, %get3A_512] {strides = array<i32>} : memref<40x128xf32, #tpu.memory_space<vmem>>, vector<1x16xf32>,
          %get3A_514 = vector.shape_cast %get3A_513 : vector<1x16xf32> to vector<16xf32>
          %mul3A_515 = arith.mulf %get3A_510, %get3A_514 : vector<16xf32>
          %swap3A_516 = arith.index_cast %scan3A_410 : i32 to index
          %swap3A_517 = arith.constant 112 : index
          %swap3A_518 = tpu.vector_load %arg14[%swap3A_516, %swap3A_517] {strides = array<i32>} : memref<40x128xf32, #tpu.memory_space<vmem>>, vector<1x16xf32>,
          %swap3A_519 = vector.shape_cast %swap3A_518 : vector<1x16xf32> to vector<16xf32>
          %swap3A_520 = vector.shape_cast %mul3A_515 : vector<16xf32> to vector<1x16xf32>
          tpu.vector_store %arg14[%swap3A_516, %swap3A_517], %swap3A_520 {strides = array<i32>} : memref<40x128xf32, #tpu.memory_space<vmem>>, vector<1x16xf32>,
        }
        %scan3A_323 = arith.constant 40 : i32
        %add3A_324 = arith.constant 2 : i32
        %add3A_325 = arith.addi %mul3A_297, %add3A_324 : i32
        %mul3A_326 = arith.constant 625 : i32
        %mul3A_327 = arith.muli %add3A, %mul3A_326 : i32
        %mul3A_328 = arith.constant 25 : i32
        %mul3A_329 = arith.muli %scan3A_15, %mul3A_328 : i32
        %add3A_330 = arith.addi %mul3A_329, %add3A_325 : i32
        %mul3A_331 = arith.constant 5 : i32
        %mul3A_332 = arith.muli %add3A_330, %mul3A_331 : i32
        %add3A_333 = arith.addi %mul3A_327, %mul3A_332 : i32
        %mul3A_334 = arith.constant 8 : i32
        %mul3A_335 = arith.muli %add3A_333, %mul3A_334 : i32
        %dma_start3A_336 = arith.constant 0 : i32
        %dma_start3A_337 = tpu.memref_slice %arg3[%mul3A_335, %dma_start3A_336] : memref<160000x128xf32, #tpu.memory_space<hbm>> -> memref<40x128xf32, #tpu.memory_space<hbm>>
        %dma_start3A_338 = arith.constant 0 : i32
        %dma_start3A_339 = tpu.memref_slice %arg3[%mul3A_335, %dma_start3A_338] : memref<160000x128xf32, #tpu.memory_space<hbm>> -> memref<40x128xf32, #tpu.memory_space<hbm>>
        tpu.enqueue_dma source(%dma_start3A_339 : memref<40x128xf32, #tpu.memory_space<hbm>>) target(%arg10 : memref<40x128xf32, #tpu.memory_space<vmem>>) target_semaphore(%arg18 : memref<!tpu.dma_semaphore, #tpu.memory_space<semaphore_mem>>)
        %dma_start3A_340 = arith.constant 0 : i32
        %dma_start3A_341 = tpu.memref_slice %arg8[%add3A_325, %dma_start3A_340] : memref<25x40xi32, #tpu.memory_space<vmem>> -> memref<1x40xi32, #tpu.memory_space<vmem>>
        %dma_start3A_342 = tpu.memref_squeeze %dma_start3A_341 : memref<1x40xi32, #tpu.memory_space<vmem>> -> memref<40xi32, #tpu.memory_space<vmem>>
        %dma_start3A_343 = arith.constant 0 : i32
        %dma_start3A_344 = arith.constant 0 : i32
        %dma_start3A_345 = tpu.memref_slice %arg2[%dma_start3A_343, %dma_start3A_344] : memref<10000x128xf32, #tpu.memory_space<hbm>> -> memref<10000x128xf32, #tpu.memory_space<hbm>>
        tpu.enqueue_indirect_dma source(%dma_start3A_345 : memref<10000x128xf32, #tpu.memory_space<hbm>>) target(%arg12 : memref<40x128xf32, #tpu.memory_space<vmem>>) offsets(%dma_start3A_342 : memref<40xi32, #tpu.memory_space<vmem>>) semaphore(%arg16 : memref<!tpu.dma_semaphore, #tpu.memory_space<semaphore_mem>>)
        %dma_start3A_346 = arith.constant 0 : i32
        %dma_start3A_347 = tpu.memref_slice %arg9[%mul3A_297, %dma_start3A_346] : memref<25x40xi32, #tpu.memory_space<vmem>> -> memref<1x40xi32, #tpu.memory_space<vmem>>
        %dma_start3A_348 = tpu.memref_squeeze %dma_start3A_347 : memref<1x40xi32, #tpu.memory_space<vmem>> -> memref<40xi32, #tpu.memory_space<vmem>>
        %dma_start3A_349 = arith.constant 0 : i32
        %dma_start3A_350 = arith.constant 0 : i32
        %dma_start3A_351 = tpu.memref_slice %arg22[%dma_start3A_349, %dma_start3A_350] : memref<10112x128xf32, #tpu.memory_space<vmem_shared>> -> memref<10112x128xf32, #tpu.memory_space<vmem_shared>>
        tpu.enqueue_indirect_dma source(%arg14 : memref<40x128xf32, #tpu.memory_space<vmem>>) target(%dma_start3A_351 : memref<10112x128xf32, #tpu.memory_space<vmem_shared>>) offsets(%dma_start3A_348 : memref<40xi32, #tpu.memory_space<vmem>>) semaphore(%arg20 : memref<!tpu.dma_semaphore, #tpu.memory_space<semaphore_mem>>) {add = true}
        %mul3A_352 = arith.constant 2 : i32
        %mul3A_353 = arith.muli %mul3A_352, %scan3A_295 : i32
        %add3A_354 = arith.constant 1 : i32
        %add3A_355 = arith.addi %mul3A_353, %add3A_354 : i32
        %dma_wait3A_356 = arith.constant 0 : i32
        %dma_wait3A_357 = arith.constant 0 : i32
        %dma_wait3A_358 = tpu.memref_slice %arg3[%dma_wait3A_356, %dma_wait3A_357] : memref<160000x128xf32, #tpu.memory_space<hbm>> -> memref<40x128xf32, #tpu.memory_space<hbm>>
        %dma_wait3A_359 = arith.constant 0 : i32
        %dma_wait3A_360 = arith.constant 0 : i32
        %dma_wait3A_361 = tpu.memref_slice %arg3[%dma_wait3A_359, %dma_wait3A_360] : memref<160000x128xf32, #tpu.memory_space<hbm>> -> memref<40x128xf32, #tpu.memory_space<hbm>>
        tpu.wait_dma2 semaphore(%arg19 : memref<!tpu.dma_semaphore, #tpu.memory_space<semaphore_mem>>) src(%dma_wait3A_361 : memref<40x128xf32, #tpu.memory_space<hbm>>) dst(%arg11 : memref<40x128xf32, #tpu.memory_space<vmem>>)
        %dma_wait3A_362 = arith.constant 0 : i32
        %dma_wait3A_363 = arith.constant 0 : i32
        %dma_wait3A_364 = tpu.memref_slice %arg8[%dma_wait3A_362, %dma_wait3A_363] : memref<25x40xi32, #tpu.memory_space<vmem>> -> memref<1x40xi32, #tpu.memory_space<vmem>>
        %dma_wait3A_365 = tpu.memref_squeeze %dma_wait3A_364 : memref<1x40xi32, #tpu.memory_space<vmem>> -> memref<40xi32, #tpu.memory_space<vmem>>
        %dma_wait3A_366 = arith.constant 0 : i32
        %dma_wait3A_367 = arith.constant 0 : i32
        %dma_wait3A_368 = tpu.memref_slice %arg2[%dma_wait3A_366, %dma_wait3A_367] : memref<10000x128xf32, #tpu.memory_space<hbm>> -> memref<10000x128xf32, #tpu.memory_space<hbm>>
        tpu.wait_indirect_dma semaphore(%arg17 : memref<!tpu.dma_semaphore, #tpu.memory_space<semaphore_mem>>) src(%dma_wait3A_368 : memref<10000x128xf32, #tpu.memory_space<hbm>>) dst(%arg13 : memref<40x128xf32, #tpu.memory_space<vmem>>)
        %dma_wait3A_369 = arith.constant 0 : i32
        %dma_wait3A_370 = arith.constant 0 : i32
        %dma_wait3A_371 = tpu.memref_slice %arg9[%dma_wait3A_369, %dma_wait3A_370] : memref<25x40xi32, #tpu.memory_space<vmem>> -> memref<1x40xi32, #tpu.memory_space<vmem>>
        %dma_wait3A_372 = tpu.memref_squeeze %dma_wait3A_371 : memref<1x40xi32, #tpu.memory_space<vmem>> -> memref<40xi32, #tpu.memory_space<vmem>>
        %dma_wait3A_373 = arith.constant 0 : i32
        %dma_wait3A_374 = arith.constant 0 : i32
        %dma_wait3A_375 = tpu.memref_slice %arg22[%dma_wait3A_373, %dma_wait3A_374] : memref<10112x128xf32, #tpu.memory_space<vmem_shared>> -> memref<10112x128xf32, #tpu.memory_space<vmem_shared>>
        tpu.wait_indirect_dma semaphore(%arg21 : memref<!tpu.dma_semaphore, #tpu.memory_space<semaphore_mem>>) src(%arg15 : memref<40x128xf32, #tpu.memory_space<vmem>>) dst(%dma_wait3A_375 : memref<10112x128xf32, #tpu.memory_space<vmem_shared>>)
        %scan3A_376 = arith.constant 0 : i32
        %scan3A_377 = arith.constant 0 : i32
        %scan3A_378 = arith.constant 40 : i32
        %scan3A_379 = arith.addi %scan3A_377, %scan3A_378 : i32
        %scan3A_380 = arith.constant 1 : i32
        scf.for %scan3A_410 = %scan3A_377 to %scan3A_379 step %scan3A_380  : i32 {
          %get3A = arith.index_cast %scan3A_410 : i32 to index
          %get3A_411 = arith.constant 0 : index
          %get3A_412 = tpu.vector_load %arg13[%get3A, %get3A_411] {strides = array<i32>} : memref<40x128xf32, #tpu.memory_space<vmem>>, vector<1x16xf32>,
          %get3A_413 = vector.shape_cast %get3A_412 : vector<1x16xf32> to vector<16xf32>
          %get3A_414 = arith.index_cast %scan3A_410 : i32 to index
          %get3A_415 = arith.constant 0 : index
          %get3A_416 = tpu.vector_load %arg11[%get3A_414, %get3A_415] {strides = array<i32>} : memref<40x128xf32, #tpu.memory_space<vmem>>, vector<1x16xf32>,
          %get3A_417 = vector.shape_cast %get3A_416 : vector<1x16xf32> to vector<16xf32>
          %mul3A_418 = arith.mulf %get3A_413, %get3A_417 : vector<16xf32>
          %swap3A = arith.index_cast %scan3A_410 : i32 to index
          %swap3A_419 = arith.constant 0 : index
          %swap3A_420 = tpu.vector_load %arg15[%swap3A, %swap3A_419] {strides = array<i32>} : memref<40x128xf32, #tpu.memory_space<vmem>>, vector<1x16xf32>,
          %swap3A_421 = vector.shape_cast %swap3A_420 : vector<1x16xf32> to vector<16xf32>
          %swap3A_422 = vector.shape_cast %mul3A_418 : vector<16xf32> to vector<1x16xf32>
          tpu.vector_store %arg15[%swap3A, %swap3A_419], %swap3A_422 {strides = array<i32>} : memref<40x128xf32, #tpu.memory_space<vmem>>, vector<1x16xf32>,
          %get3A_423 = arith.index_cast %scan3A_410 : i32 to index
          %get3A_424 = arith.constant 16 : index
          %get3A_425 = tpu.vector_load %arg13[%get3A_423, %get3A_424] {strides = array<i32>} : memref<40x128xf32, #tpu.memory_space<vmem>>, vector<1x16xf32>,
          %get3A_426 = vector.shape_cast %get3A_425 : vector<1x16xf32> to vector<16xf32>
          %get3A_427 = arith.index_cast %scan3A_410 : i32 to index
          %get3A_428 = arith.constant 16 : index
          %get3A_429 = tpu.vector_load %arg11[%get3A_427, %get3A_428] {strides = array<i32>} : memref<40x128xf32, #tpu.memory_space<vmem>>, vector<1x16xf32>,
          %get3A_430 = vector.shape_cast %get3A_429 : vector<1x16xf32> to vector<16xf32>
          %mul3A_431 = arith.mulf %get3A_426, %get3A_430 : vector<16xf32>
          %swap3A_432 = arith.index_cast %scan3A_410 : i32 to index
          %swap3A_433 = arith.constant 16 : index
          %swap3A_434 = tpu.vector_load %arg15[%swap3A_432, %swap3A_433] {strides = array<i32>} : memref<40x128xf32, #tpu.memory_space<vmem>>, vector<1x16xf32>,
          %swap3A_435 = vector.shape_cast %swap3A_434 : vector<1x16xf32> to vector<16xf32>
          %swap3A_436 = vector.shape_cast %mul3A_431 : vector<16xf32> to vector<1x16xf32>
          tpu.vector_store %arg15[%swap3A_432, %swap3A_433], %swap3A_436 {strides = array<i32>} : memref<40x128xf32, #tpu.memory_space<vmem>>, vector<1x16xf32>,
          %get3A_437 = arith.index_cast %scan3A_410 : i32 to index
          %get3A_438 = arith.constant 32 : index
          %get3A_439 = tpu.vector_load %arg13[%get3A_437, %get3A_438] {strides = array<i32>} : memref<40x128xf32, #tpu.memory_space<vmem>>, vector<1x16xf32>,
          %get3A_440 = vector.shape_cast %get3A_439 : vector<1x16xf32> to vector<16xf32>
          %get3A_441 = arith.index_cast %scan3A_410 : i32 to index
          %get3A_442 = arith.constant 32 : index
          %get3A_443 = tpu.vector_load %arg11[%get3A_441, %get3A_442] {strides = array<i32>} : memref<40x128xf32, #tpu.memory_space<vmem>>, vector<1x16xf32>,
          %get3A_444 = vector.shape_cast %get3A_443 : vector<1x16xf32> to vector<16xf32>
          %mul3A_445 = arith.mulf %get3A_440, %get3A_444 : vector<16xf32>
          %swap3A_446 = arith.index_cast %scan3A_410 : i32 to index
          %swap3A_447 = arith.constant 32 : index
          %swap3A_448 = tpu.vector_load %arg15[%swap3A_446, %swap3A_447] {strides = array<i32>} : memref<40x128xf32, #tpu.memory_space<vmem>>, vector<1x16xf32>,
          %swap3A_449 = vector.shape_cast %swap3A_448 : vector<1x16xf32> to vector<16xf32>
          %swap3A_450 = vector.shape_cast %mul3A_445 : vector<16xf32> to vector<1x16xf32>
          tpu.vector_store %arg15[%swap3A_446, %swap3A_447], %swap3A_450 {strides = array<i32>} : memref<40x128xf32, #tpu.memory_space<vmem>>, vector<1x16xf32>,
          %get3A_451 = arith.index_cast %scan3A_410 : i32 to index
          %get3A_452 = arith.constant 48 : index
          %get3A_453 = tpu.vector_load %arg13[%get3A_451, %get3A_452] {strides = array<i32>} : memref<40x128xf32, #tpu.memory_space<vmem>>, vector<1x16xf32>,
          %get3A_454 = vector.shape_cast %get3A_453 : vector<1x16xf32> to vector<16xf32>
          %get3A_455 = arith.index_cast %scan3A_410 : i32 to index
          %get3A_456 = arith.constant 48 : index
          %get3A_457 = tpu.vector_load %arg11[%get3A_455, %get3A_456] {strides = array<i32>} : memref<40x128xf32, #tpu.memory_space<vmem>>, vector<1x16xf32>,
          %get3A_458 = vector.shape_cast %get3A_457 : vector<1x16xf32> to vector<16xf32>
          %mul3A_459 = arith.mulf %get3A_454, %get3A_458 : vector<16xf32>
          %swap3A_460 = arith.index_cast %scan3A_410 : i32 to index
          %swap3A_461 = arith.constant 48 : index
          %swap3A_462 = tpu.vector_load %arg15[%swap3A_460, %swap3A_461] {strides = array<i32>} : memref<40x128xf32, #tpu.memory_space<vmem>>, vector<1x16xf32>,
          %swap3A_463 = vector.shape_cast %swap3A_462 : vector<1x16xf32> to vector<16xf32>
          %swap3A_464 = vector.shape_cast %mul3A_459 : vector<16xf32> to vector<1x16xf32>
          tpu.vector_store %arg15[%swap3A_460, %swap3A_461], %swap3A_464 {strides = array<i32>} : memref<40x128xf32, #tpu.memory_space<vmem>>, vector<1x16xf32>,
          %get3A_465 = arith.index_cast %scan3A_410 : i32 to index
          %get3A_466 = arith.constant 64 : index
          %get3A_467 = tpu.vector_load %arg13[%get3A_465, %get3A_466] {strides = array<i32>} : memref<40x128xf32, #tpu.memory_space<vmem>>, vector<1x16xf32>,
          %get3A_468 = vector.shape_cast %get3A_467 : vector<1x16xf32> to vector<16xf32>
          %get3A_469 = arith.index_cast %scan3A_410 : i32 to index
          %get3A_470 = arith.constant 64 : index
          %get3A_471 = tpu.vector_load %arg11[%get3A_469, %get3A_470] {strides = array<i32>} : memref<40x128xf32, #tpu.memory_space<vmem>>, vector<1x16xf32>,
          %get3A_472 = vector.shape_cast %get3A_471 : vector<1x16xf32> to vector<16xf32>
          %mul3A_473 = arith.mulf %get3A_468, %get3A_472 : vector<16xf32>
          %swap3A_474 = arith.index_cast %scan3A_410 : i32 to index
          %swap3A_475 = arith.constant 64 : index
          %swap3A_476 = tpu.vector_load %arg15[%swap3A_474, %swap3A_475] {strides = array<i32>} : memref<40x128xf32, #tpu.memory_space<vmem>>, vector<1x16xf32>,
          %swap3A_477 = vector.shape_cast %swap3A_476 : vector<1x16xf32> to vector<16xf32>
          %swap3A_478 = vector.shape_cast %mul3A_473 : vector<16xf32> to vector<1x16xf32>
          tpu.vector_store %arg15[%swap3A_474, %swap3A_475], %swap3A_478 {strides = array<i32>} : memref<40x128xf32, #tpu.memory_space<vmem>>, vector<1x16xf32>,
          %get3A_479 = arith.index_cast %scan3A_410 : i32 to index
          %get3A_480 = arith.constant 80 : index
          %get3A_481 = tpu.vector_load %arg13[%get3A_479, %get3A_480] {strides = array<i32>} : memref<40x128xf32, #tpu.memory_space<vmem>>, vector<1x16xf32>,
          %get3A_482 = vector.shape_cast %get3A_481 : vector<1x16xf32> to vector<16xf32>
          %get3A_483 = arith.index_cast %scan3A_410 : i32 to index
          %get3A_484 = arith.constant 80 : index
          %get3A_485 = tpu.vector_load %arg11[%get3A_483, %get3A_484] {strides = array<i32>} : memref<40x128xf32, #tpu.memory_space<vmem>>, vector<1x16xf32>,
          %get3A_486 = vector.shape_cast %get3A_485 : vector<1x16xf32> to vector<16xf32>
          %mul3A_487 = arith.mulf %get3A_482, %get3A_486 : vector<16xf32>
          %swap3A_488 = arith.index_cast %scan3A_410 : i32 to index
          %swap3A_489 = arith.constant 80 : index
          %swap3A_490 = tpu.vector_load %arg15[%swap3A_488, %swap3A_489] {strides = array<i32>} : memref<40x128xf32, #tpu.memory_space<vmem>>, vector<1x16xf32>,
          %swap3A_491 = vector.shape_cast %swap3A_490 : vector<1x16xf32> to vector<16xf32>
          %swap3A_492 = vector.shape_cast %mul3A_487 : vector<16xf32> to vector<1x16xf32>
          tpu.vector_store %arg15[%swap3A_488, %swap3A_489], %swap3A_492 {strides = array<i32>} : memref<40x128xf32, #tpu.memory_space<vmem>>, vector<1x16xf32>,
          %get3A_493 = arith.index_cast %scan3A_410 : i32 to index
          %get3A_494 = arith.constant 96 : index
          %get3A_495 = tpu.vector_load %arg13[%get3A_493, %get3A_494] {strides = array<i32>} : memref<40x128xf32, #tpu.memory_space<vmem>>, vector<1x16xf32>,
          %get3A_496 = vector.shape_cast %get3A_495 : vector<1x16xf32> to vector<16xf32>
          %get3A_497 = arith.index_cast %scan3A_410 : i32 to index
          %get3A_498 = arith.constant 96 : index
          %get3A_499 = tpu.vector_load %arg11[%get3A_497, %get3A_498] {strides = array<i32>} : memref<40x128xf32, #tpu.memory_space<vmem>>, vector<1x16xf32>,
          %get3A_500 = vector.shape_cast %get3A_499 : vector<1x16xf32> to vector<16xf32>
          %mul3A_501 = arith.mulf %get3A_496, %get3A_500 : vector<16xf32>
          %swap3A_502 = arith.index_cast %scan3A_410 : i32 to index
          %swap3A_503 = arith.constant 96 : index
          %swap3A_504 = tpu.vector_load %arg15[%swap3A_502, %swap3A_503] {strides = array<i32>} : memref<40x128xf32, #tpu.memory_space<vmem>>, vector<1x16xf32>,
          %swap3A_505 = vector.shape_cast %swap3A_504 : vector<1x16xf32> to vector<16xf32>
          %swap3A_506 = vector.shape_cast %mul3A_501 : vector<16xf32> to vector<1x16xf32>
          tpu.vector_store %arg15[%swap3A_502, %swap3A_503], %swap3A_506 {strides = array<i32>} : memref<40x128xf32, #tpu.memory_space<vmem>>, vector<1x16xf32>,
          %get3A_507 = arith.index_cast %scan3A_410 : i32 to index
          %get3A_508 = arith.constant 112 : index
          %get3A_509 = tpu.vector_load %arg13[%get3A_507, %get3A_508] {strides = array<i32>} : memref<40x128xf32, #tpu.memory_space<vmem>>, vector<1x16xf32>,
          %get3A_510 = vector.shape_cast %get3A_509 : vector<1x16xf32> to vector<16xf32>
          %get3A_511 = arith.index_cast %scan3A_410 : i32 to index
          %get3A_512 = arith.constant 112 : index
          %get3A_513 = tpu.vector_load %arg11[%get3A_511, %get3A_512] {strides = array<i32>} : memref<40x128xf32, #tpu.memory_space<vmem>>, vector<1x16xf32>,
          %get3A_514 = vector.shape_cast %get3A_513 : vector<1x16xf32> to vector<16xf32>
          %mul3A_515 = arith.mulf %get3A_510, %get3A_514 : vector<16xf32>
          %swap3A_516 = arith.index_cast %scan3A_410 : i32 to index
          %swap3A_517 = arith.constant 112 : index
          %swap3A_518 = tpu.vector_load %arg15[%swap3A_516, %swap3A_517] {strides = array<i32>} : memref<40x128xf32, #tpu.memory_space<vmem>>, vector<1x16xf32>,
          %swap3A_519 = vector.shape_cast %swap3A_518 : vector<1x16xf32> to vector<16xf32>
          %swap3A_520 = vector.shape_cast %mul3A_515 : vector<16xf32> to vector<1x16xf32>
          tpu.vector_store %arg15[%swap3A_516, %swap3A_517], %swap3A_520 {strides = array<i32>} : memref<40x128xf32, #tpu.memory_space<vmem>>, vector<1x16xf32>,
        }
        %scan3A_381 = arith.constant 40 : i32
        %add3A_382 = arith.constant 2 : i32
        %add3A_383 = arith.addi %add3A_355, %add3A_382 : i32
        %mul3A_384 = arith.constant 625 : i32
        %mul3A_385 = arith.muli %add3A, %mul3A_384 : i32
        %mul3A_386 = arith.constant 25 : i32
        %mul3A_387 = arith.muli %scan3A_15, %mul3A_386 : i32
        %add3A_388 = arith.addi %mul3A_387, %add3A_383 : i32
        %mul3A_389 = arith.constant 5 : i32
        %mul3A_390 = arith.muli %add3A_388, %mul3A_389 : i32
        %add3A_391 = arith.addi %mul3A_385, %mul3A_390 : i32
        %mul3A_392 = arith.constant 8 : i32
        %mul3A_393 = arith.muli %add3A_391, %mul3A_392 : i32
        %dma_start3A_394 = arith.constant 0 : i32
        %dma_start3A_395 = tpu.memref_slice %arg3[%mul3A_393, %dma_start3A_394] : memref<160000x128xf32, #tpu.memory_space<hbm>> -> memref<40x128xf32, #tpu.memory_space<hbm>>
        %dma_start3A_396 = arith.constant 0 : i32
        %dma_start3A_397 = tpu.memref_slice %arg3[%mul3A_393, %dma_start3A_396] : memref<160000x128xf32, #tpu.memory_space<hbm>> -> memref<40x128xf32, #tpu.memory_space<hbm>>
        tpu.enqueue_dma source(%dma_start3A_397 : memref<40x128xf32, #tpu.memory_space<hbm>>) target(%arg11 : memref<40x128xf32, #tpu.memory_space<vmem>>) target_semaphore(%arg19 : memref<!tpu.dma_semaphore, #tpu.memory_space<semaphore_mem>>)
        %dma_start3A_398 = arith.constant 0 : i32
        %dma_start3A_399 = tpu.memref_slice %arg8[%add3A_383, %dma_start3A_398] : memref<25x40xi32, #tpu.memory_space<vmem>> -> memref<1x40xi32, #tpu.memory_space<vmem>>
        %dma_start3A_400 = tpu.memref_squeeze %dma_start3A_399 : memref<1x40xi32, #tpu.memory_space<vmem>> -> memref<40xi32, #tpu.memory_space<vmem>>
        %dma_start3A_401 = arith.constant 0 : i32
        %dma_start3A_402 = arith.constant 0 : i32
        %dma_start3A_403 = tpu.memref_slice %arg2[%dma_start3A_401, %dma_start3A_402] : memref<10000x128xf32, #tpu.memory_space<hbm>> -> memref<10000x128xf32, #tpu.memory_space<hbm>>
        tpu.enqueue_indirect_dma source(%dma_start3A_403 : memref<10000x128xf32, #tpu.memory_space<hbm>>) target(%arg13 : memref<40x128xf32, #tpu.memory_space<vmem>>) offsets(%dma_start3A_400 : memref<40xi32, #tpu.memory_space<vmem>>) semaphore(%arg17 : memref<!tpu.dma_semaphore, #tpu.memory_space<semaphore_mem>>)
        %dma_start3A_404 = arith.constant 0 : i32
        %dma_start3A_405 = tpu.memref_slice %arg9[%add3A_355, %dma_start3A_404] : memref<25x40xi32, #tpu.memory_space<vmem>> -> memref<1x40xi32, #tpu.memory_space<vmem>>
        %dma_start3A_406 = tpu.memref_squeeze %dma_start3A_405 : memref<1x40xi32, #tpu.memory_space<vmem>> -> memref<40xi32, #tpu.memory_space<vmem>>
        %dma_start3A_407 = arith.constant 0 : i32
        %dma_start3A_408 = arith.constant 0 : i32
        %dma_start3A_409 = tpu.memref_slice %arg22[%dma_start3A_407, %dma_start3A_408] : memref<10112x128xf32, #tpu.memory_space<vmem_shared>> -> memref<10112x128xf32, #tpu.memory_space<vmem_shared>>
        tpu.enqueue_indirect_dma source(%arg15 : memref<40x128xf32, #tpu.memory_space<vmem>>) target(%dma_start3A_409 : memref<10112x128xf32, #tpu.memory_space<vmem_shared>>) offsets(%dma_start3A_406 : memref<40xi32, #tpu.memory_space<vmem>>) semaphore(%arg21 : memref<!tpu.dma_semaphore, #tpu.memory_space<semaphore_mem>>) {add = true}
      }
      %scan3A_159 = arith.constant 10 : i32
      %dma_wait3A_160 = arith.constant 0 : i32
      %dma_wait3A_161 = arith.constant 0 : i32
      %dma_wait3A_162 = tpu.memref_slice %arg3[%dma_wait3A_160, %dma_wait3A_161] : memref<160000x128xf32, #tpu.memory_space<hbm>> -> memref<40x128xf32, #tpu.memory_space<hbm>>
      %dma_wait3A_163 = arith.constant 0 : i32
      %dma_wait3A_164 = arith.constant 0 : i32
      %dma_wait3A_165 = tpu.memref_slice %arg3[%dma_wait3A_163, %dma_wait3A_164] : memref<160000x128xf32, #tpu.memory_space<hbm>> -> memref<40x128xf32, #tpu.memory_space<hbm>>
      tpu.wait_dma2 semaphore(%arg18 : memref<!tpu.dma_semaphore, #tpu.memory_space<semaphore_mem>>) src(%dma_wait3A_165 : memref<40x128xf32, #tpu.memory_space<hbm>>) dst(%arg10 : memref<40x128xf32, #tpu.memory_space<vmem>>)
      %dma_wait3A_166 = arith.constant 0 : i32
      %dma_wait3A_167 = arith.constant 0 : i32
      %dma_wait3A_168 = tpu.memref_slice %arg8[%dma_wait3A_166, %dma_wait3A_167] : memref<25x40xi32, #tpu.memory_space<vmem>> -> memref<1x40xi32, #tpu.memory_space<vmem>>
      %dma_wait3A_169 = tpu.memref_squeeze %dma_wait3A_168 : memref<1x40xi32, #tpu.memory_space<vmem>> -> memref<40xi32, #tpu.memory_space<vmem>>
      %dma_wait3A_170 = arith.constant 0 : i32
      %dma_wait3A_171 = arith.constant 0 : i32
      %dma_wait3A_172 = tpu.memref_slice %arg2[%dma_wait3A_170, %dma_wait3A_171] : memref<10000x128xf32, #tpu.memory_space<hbm>> -> memref<10000x128xf32, #tpu.memory_space<hbm>>
      tpu.wait_indirect_dma semaphore(%arg16 : memref<!tpu.dma_semaphore, #tpu.memory_space<semaphore_mem>>) src(%dma_wait3A_172 : memref<10000x128xf32, #tpu.memory_space<hbm>>) dst(%arg12 : memref<40x128xf32, #tpu.memory_space<vmem>>)
      %dma_wait3A_173 = arith.constant 0 : i32
      %dma_wait3A_174 = arith.constant 0 : i32
      %dma_wait3A_175 = tpu.memref_slice %arg9[%dma_wait3A_173, %dma_wait3A_174] : memref<25x40xi32, #tpu.memory_space<vmem>> -> memref<1x40xi32, #tpu.memory_space<vmem>>
      %dma_wait3A_176 = tpu.memref_squeeze %dma_wait3A_175 : memref<1x40xi32, #tpu.memory_space<vmem>> -> memref<40xi32, #tpu.memory_space<vmem>>
      %dma_wait3A_177 = arith.constant 0 : i32
      %dma_wait3A_178 = arith.constant 0 : i32
      %dma_wait3A_179 = tpu.memref_slice %arg22[%dma_wait3A_177, %dma_wait3A_178] : memref<10112x128xf32, #tpu.memory_space<vmem_shared>> -> memref<10112x128xf32, #tpu.memory_space<vmem_shared>>
      tpu.wait_indirect_dma semaphore(%arg20 : memref<!tpu.dma_semaphore, #tpu.memory_space<semaphore_mem>>) src(%arg14 : memref<40x128xf32, #tpu.memory_space<vmem>>) dst(%dma_wait3A_179 : memref<10112x128xf32, #tpu.memory_space<vmem_shared>>)
      %scan3A_180 = arith.constant 0 : i32
      %scan3A_181 = arith.constant 0 : i32
      %scan3A_182 = arith.constant 40 : i32
      %scan3A_183 = arith.addi %scan3A_181, %scan3A_182 : i32
      %scan3A_184 = arith.constant 1 : i32
      scf.for %scan3A_295 = %scan3A_181 to %scan3A_183 step %scan3A_184  : i32 {
        %get3A = arith.index_cast %scan3A_295 : i32 to index
        %get3A_296 = arith.constant 0 : index
        %get3A_297 = tpu.vector_load %arg12[%get3A, %get3A_296] {strides = array<i32>} : memref<40x128xf32, #tpu.memory_space<vmem>>, vector<1x16xf32>,
        %get3A_298 = vector.shape_cast %get3A_297 : vector<1x16xf32> to vector<16xf32>
        %get3A_299 = arith.index_cast %scan3A_295 : i32 to index
        %get3A_300 = arith.constant 0 : index
        %get3A_301 = tpu.vector_load %arg10[%get3A_299, %get3A_300] {strides = array<i32>} : memref<40x128xf32, #tpu.memory_space<vmem>>, vector<1x16xf32>,
        %get3A_302 = vector.shape_cast %get3A_301 : vector<1x16xf32> to vector<16xf32>
        %mul3A_303 = arith.mulf %get3A_298, %get3A_302 : vector<16xf32>
        %swap3A = arith.index_cast %scan3A_295 : i32 to index
        %swap3A_304 = arith.constant 0 : index
        %swap3A_305 = tpu.vector_load %arg14[%swap3A, %swap3A_304] {strides = array<i32>} : memref<40x128xf32, #tpu.memory_space<vmem>>, vector<1x16xf32>,
        %swap3A_306 = vector.shape_cast %swap3A_305 : vector<1x16xf32> to vector<16xf32>
        %swap3A_307 = vector.shape_cast %mul3A_303 : vector<16xf32> to vector<1x16xf32>
        tpu.vector_store %arg14[%swap3A, %swap3A_304], %swap3A_307 {strides = array<i32>} : memref<40x128xf32, #tpu.memory_space<vmem>>, vector<1x16xf32>,
        %get3A_308 = arith.index_cast %scan3A_295 : i32 to index
        %get3A_309 = arith.constant 16 : index
        %get3A_310 = tpu.vector_load %arg12[%get3A_308, %get3A_309] {strides = array<i32>} : memref<40x128xf32, #tpu.memory_space<vmem>>, vector<1x16xf32>,
        %get3A_311 = vector.shape_cast %get3A_310 : vector<1x16xf32> to vector<16xf32>
        %get3A_312 = arith.index_cast %scan3A_295 : i32 to index
        %get3A_313 = arith.constant 16 : index
        %get3A_314 = tpu.vector_load %arg10[%get3A_312, %get3A_313] {strides = array<i32>} : memref<40x128xf32, #tpu.memory_space<vmem>>, vector<1x16xf32>,
        %get3A_315 = vector.shape_cast %get3A_314 : vector<1x16xf32> to vector<16xf32>
        %mul3A_316 = arith.mulf %get3A_311, %get3A_315 : vector<16xf32>
        %swap3A_317 = arith.index_cast %scan3A_295 : i32 to index
        %swap3A_318 = arith.constant 16 : index
        %swap3A_319 = tpu.vector_load %arg14[%swap3A_317, %swap3A_318] {strides = array<i32>} : memref<40x128xf32, #tpu.memory_space<vmem>>, vector<1x16xf32>,
        %swap3A_320 = vector.shape_cast %swap3A_319 : vector<1x16xf32> to vector<16xf32>
        %swap3A_321 = vector.shape_cast %mul3A_316 : vector<16xf32> to vector<1x16xf32>
        tpu.vector_store %arg14[%swap3A_317, %swap3A_318], %swap3A_321 {strides = array<i32>} : memref<40x128xf32, #tpu.memory_space<vmem>>, vector<1x16xf32>,
        %get3A_322 = arith.index_cast %scan3A_295 : i32 to index
        %get3A_323 = arith.constant 32 : index
        %get3A_324 = tpu.vector_load %arg12[%get3A_322, %get3A_323] {strides = array<i32>} : memref<40x128xf32, #tpu.memory_space<vmem>>, vector<1x16xf32>,
        %get3A_325 = vector.shape_cast %get3A_324 : vector<1x16xf32> to vector<16xf32>
        %get3A_326 = arith.index_cast %scan3A_295 : i32 to index
        %get3A_327 = arith.constant 32 : index
        %get3A_328 = tpu.vector_load %arg10[%get3A_326, %get3A_327] {strides = array<i32>} : memref<40x128xf32, #tpu.memory_space<vmem>>, vector<1x16xf32>,
        %get3A_329 = vector.shape_cast %get3A_328 : vector<1x16xf32> to vector<16xf32>
        %mul3A_330 = arith.mulf %get3A_325, %get3A_329 : vector<16xf32>
        %swap3A_331 = arith.index_cast %scan3A_295 : i32 to index
        %swap3A_332 = arith.constant 32 : index
        %swap3A_333 = tpu.vector_load %arg14[%swap3A_331, %swap3A_332] {strides = array<i32>} : memref<40x128xf32, #tpu.memory_space<vmem>>, vector<1x16xf32>,
        %swap3A_334 = vector.shape_cast %swap3A_333 : vector<1x16xf32> to vector<16xf32>
        %swap3A_335 = vector.shape_cast %mul3A_330 : vector<16xf32> to vector<1x16xf32>
        tpu.vector_store %arg14[%swap3A_331, %swap3A_332], %swap3A_335 {strides = array<i32>} : memref<40x128xf32, #tpu.memory_space<vmem>>, vector<1x16xf32>,
        %get3A_336 = arith.index_cast %scan3A_295 : i32 to index
        %get3A_337 = arith.constant 48 : index
        %get3A_338 = tpu.vector_load %arg12[%get3A_336, %get3A_337] {strides = array<i32>} : memref<40x128xf32, #tpu.memory_space<vmem>>, vector<1x16xf32>,
        %get3A_339 = vector.shape_cast %get3A_338 : vector<1x16xf32> to vector<16xf32>
        %get3A_340 = arith.index_cast %scan3A_295 : i32 to index
        %get3A_341 = arith.constant 48 : index
        %get3A_342 = tpu.vector_load %arg10[%get3A_340, %get3A_341] {strides = array<i32>} : memref<40x128xf32, #tpu.memory_space<vmem>>, vector<1x16xf32>,
        %get3A_343 = vector.shape_cast %get3A_342 : vector<1x16xf32> to vector<16xf32>
        %mul3A_344 = arith.mulf %get3A_339, %get3A_343 : vector<16xf32>
        %swap3A_345 = arith.index_cast %scan3A_295 : i32 to index
        %swap3A_346 = arith.constant 48 : index
        %swap3A_347 = tpu.vector_load %arg14[%swap3A_345, %swap3A_346] {strides = array<i32>} : memref<40x128xf32, #tpu.memory_space<vmem>>, vector<1x16xf32>,
        %swap3A_348 = vector.shape_cast %swap3A_347 : vector<1x16xf32> to vector<16xf32>
        %swap3A_349 = vector.shape_cast %mul3A_344 : vector<16xf32> to vector<1x16xf32>
        tpu.vector_store %arg14[%swap3A_345, %swap3A_346], %swap3A_349 {strides = array<i32>} : memref<40x128xf32, #tpu.memory_space<vmem>>, vector<1x16xf32>,
        %get3A_350 = arith.index_cast %scan3A_295 : i32 to index
        %get3A_351 = arith.constant 64 : index
        %get3A_352 = tpu.vector_load %arg12[%get3A_350, %get3A_351] {strides = array<i32>} : memref<40x128xf32, #tpu.memory_space<vmem>>, vector<1x16xf32>,
        %get3A_353 = vector.shape_cast %get3A_352 : vector<1x16xf32> to vector<16xf32>
        %get3A_354 = arith.index_cast %scan3A_295 : i32 to index
        %get3A_355 = arith.constant 64 : index
        %get3A_356 = tpu.vector_load %arg10[%get3A_354, %get3A_355] {strides = array<i32>} : memref<40x128xf32, #tpu.memory_space<vmem>>, vector<1x16xf32>,
        %get3A_357 = vector.shape_cast %get3A_356 : vector<1x16xf32> to vector<16xf32>
        %mul3A_358 = arith.mulf %get3A_353, %get3A_357 : vector<16xf32>
        %swap3A_359 = arith.index_cast %scan3A_295 : i32 to index
        %swap3A_360 = arith.constant 64 : index
        %swap3A_361 = tpu.vector_load %arg14[%swap3A_359, %swap3A_360] {strides = array<i32>} : memref<40x128xf32, #tpu.memory_space<vmem>>, vector<1x16xf32>,
        %swap3A_362 = vector.shape_cast %swap3A_361 : vector<1x16xf32> to vector<16xf32>
        %swap3A_363 = vector.shape_cast %mul3A_358 : vector<16xf32> to vector<1x16xf32>
        tpu.vector_store %arg14[%swap3A_359, %swap3A_360], %swap3A_363 {strides = array<i32>} : memref<40x128xf32, #tpu.memory_space<vmem>>, vector<1x16xf32>,
        %get3A_364 = arith.index_cast %scan3A_295 : i32 to index
        %get3A_365 = arith.constant 80 : index
        %get3A_366 = tpu.vector_load %arg12[%get3A_364, %get3A_365] {strides = array<i32>} : memref<40x128xf32, #tpu.memory_space<vmem>>, vector<1x16xf32>,
        %get3A_367 = vector.shape_cast %get3A_366 : vector<1x16xf32> to vector<16xf32>
        %get3A_368 = arith.index_cast %scan3A_295 : i32 to index
        %get3A_369 = arith.constant 80 : index
        %get3A_370 = tpu.vector_load %arg10[%get3A_368, %get3A_369] {strides = array<i32>} : memref<40x128xf32, #tpu.memory_space<vmem>>, vector<1x16xf32>,
        %get3A_371 = vector.shape_cast %get3A_370 : vector<1x16xf32> to vector<16xf32>
        %mul3A_372 = arith.mulf %get3A_367, %get3A_371 : vector<16xf32>
        %swap3A_373 = arith.index_cast %scan3A_295 : i32 to index
        %swap3A_374 = arith.constant 80 : index
        %swap3A_375 = tpu.vector_load %arg14[%swap3A_373, %swap3A_374] {strides = array<i32>} : memref<40x128xf32, #tpu.memory_space<vmem>>, vector<1x16xf32>,
        %swap3A_376 = vector.shape_cast %swap3A_375 : vector<1x16xf32> to vector<16xf32>
        %swap3A_377 = vector.shape_cast %mul3A_372 : vector<16xf32> to vector<1x16xf32>
        tpu.vector_store %arg14[%swap3A_373, %swap3A_374], %swap3A_377 {strides = array<i32>} : memref<40x128xf32, #tpu.memory_space<vmem>>, vector<1x16xf32>,
        %get3A_378 = arith.index_cast %scan3A_295 : i32 to index
        %get3A_379 = arith.constant 96 : index
        %get3A_380 = tpu.vector_load %arg12[%get3A_378, %get3A_379] {strides = array<i32>} : memref<40x128xf32, #tpu.memory_space<vmem>>, vector<1x16xf32>,
        %get3A_381 = vector.shape_cast %get3A_380 : vector<1x16xf32> to vector<16xf32>
        %get3A_382 = arith.index_cast %scan3A_295 : i32 to index
        %get3A_383 = arith.constant 96 : index
        %get3A_384 = tpu.vector_load %arg10[%get3A_382, %get3A_383] {strides = array<i32>} : memref<40x128xf32, #tpu.memory_space<vmem>>, vector<1x16xf32>,
        %get3A_385 = vector.shape_cast %get3A_384 : vector<1x16xf32> to vector<16xf32>
        %mul3A_386 = arith.mulf %get3A_381, %get3A_385 : vector<16xf32>
        %swap3A_387 = arith.index_cast %scan3A_295 : i32 to index
        %swap3A_388 = arith.constant 96 : index
        %swap3A_389 = tpu.vector_load %arg14[%swap3A_387, %swap3A_388] {strides = array<i32>} : memref<40x128xf32, #tpu.memory_space<vmem>>, vector<1x16xf32>,
        %swap3A_390 = vector.shape_cast %swap3A_389 : vector<1x16xf32> to vector<16xf32>
        %swap3A_391 = vector.shape_cast %mul3A_386 : vector<16xf32> to vector<1x16xf32>
        tpu.vector_store %arg14[%swap3A_387, %swap3A_388], %swap3A_391 {strides = array<i32>} : memref<40x128xf32, #tpu.memory_space<vmem>>, vector<1x16xf32>,
        %get3A_392 = arith.index_cast %scan3A_295 : i32 to index
        %get3A_393 = arith.constant 112 : index
        %get3A_394 = tpu.vector_load %arg12[%get3A_392, %get3A_393] {strides = array<i32>} : memref<40x128xf32, #tpu.memory_space<vmem>>, vector<1x16xf32>,
        %get3A_395 = vector.shape_cast %get3A_394 : vector<1x16xf32> to vector<16xf32>
        %get3A_396 = arith.index_cast %scan3A_295 : i32 to index
        %get3A_397 = arith.constant 112 : index
        %get3A_398 = tpu.vector_load %arg10[%get3A_396, %get3A_397] {strides = array<i32>} : memref<40x128xf32, #tpu.memory_space<vmem>>, vector<1x16xf32>,
        %get3A_399 = vector.shape_cast %get3A_398 : vector<1x16xf32> to vector<16xf32>
        %mul3A_400 = arith.mulf %get3A_395, %get3A_399 : vector<16xf32>
        %swap3A_401 = arith.index_cast %scan3A_295 : i32 to index
        %swap3A_402 = arith.constant 112 : index
        %swap3A_403 = tpu.vector_load %arg14[%swap3A_401, %swap3A_402] {strides = array<i32>} : memref<40x128xf32, #tpu.memory_space<vmem>>, vector<1x16xf32>,
        %swap3A_404 = vector.shape_cast %swap3A_403 : vector<1x16xf32> to vector<16xf32>
        %swap3A_405 = vector.shape_cast %mul3A_400 : vector<16xf32> to vector<1x16xf32>
        tpu.vector_store %arg14[%swap3A_401, %swap3A_402], %swap3A_405 {strides = array<i32>} : memref<40x128xf32, #tpu.memory_space<vmem>>, vector<1x16xf32>,
      }
      %scan3A_185 = arith.constant 40 : i32
      %mul3A_186 = arith.constant 625 : i32
      %mul3A_187 = arith.muli %add3A, %mul3A_186 : i32
      %mul3A_188 = arith.constant 25 : i32
      %mul3A_189 = arith.muli %scan3A_15, %mul3A_188 : i32
      %add3A_190 = arith.constant 24 : i32
      %add3A_191 = arith.addi %mul3A_189, %add3A_190 : i32
      %mul3A_192 = arith.constant 5 : i32
      %mul3A_193 = arith.muli %add3A_191, %mul3A_192 : i32
      %add3A_194 = arith.addi %mul3A_187, %mul3A_193 : i32
      %mul3A_195 = arith.constant 8 : i32
      %mul3A_196 = arith.muli %add3A_194, %mul3A_195 : i32
      %dma_start3A_197 = arith.constant 0 : i32
      %dma_start3A_198 = tpu.memref_slice %arg3[%mul3A_196, %dma_start3A_197] : memref<160000x128xf32, #tpu.memory_space<hbm>> -> memref<40x128xf32, #tpu.memory_space<hbm>>
      %dma_start3A_199 = arith.constant 0 : i32
      %dma_start3A_200 = tpu.memref_slice %arg3[%mul3A_196, %dma_start3A_199] : memref<160000x128xf32, #tpu.memory_space<hbm>> -> memref<40x128xf32, #tpu.memory_space<hbm>>
      tpu.enqueue_dma source(%dma_start3A_200 : memref<40x128xf32, #tpu.memory_space<hbm>>) target(%arg10 : memref<40x128xf32, #tpu.memory_space<vmem>>) target_semaphore(%arg18 : memref<!tpu.dma_semaphore, #tpu.memory_space<semaphore_mem>>)
      %dma_start3A_201 = arith.constant 24 : i32
      %dma_start3A_202 = arith.constant 0 : i32
      %dma_start3A_203 = tpu.memref_slice %arg8[%dma_start3A_201, %dma_start3A_202] : memref<25x40xi32, #tpu.memory_space<vmem>> -> memref<1x40xi32, #tpu.memory_space<vmem>>
      %dma_start3A_204 = tpu.memref_squeeze %dma_start3A_203 : memref<1x40xi32, #tpu.memory_space<vmem>> -> memref<40xi32, #tpu.memory_space<vmem>>
      %dma_start3A_205 = arith.constant 0 : i32
      %dma_start3A_206 = arith.constant 0 : i32
      %dma_start3A_207 = tpu.memref_slice %arg2[%dma_start3A_205, %dma_start3A_206] : memref<10000x128xf32, #tpu.memory_space<hbm>> -> memref<10000x128xf32, #tpu.memory_space<hbm>>
      tpu.enqueue_indirect_dma source(%dma_start3A_207 : memref<10000x128xf32, #tpu.memory_space<hbm>>) target(%arg12 : memref<40x128xf32, #tpu.memory_space<vmem>>) offsets(%dma_start3A_204 : memref<40xi32, #tpu.memory_space<vmem>>) semaphore(%arg16 : memref<!tpu.dma_semaphore, #tpu.memory_space<semaphore_mem>>)
      %dma_start3A_208 = arith.constant 22 : i32
      %dma_start3A_209 = arith.constant 0 : i32
      %dma_start3A_210 = tpu.memref_slice %arg9[%dma_start3A_208, %dma_start3A_209] : memref<25x40xi32, #tpu.memory_space<vmem>> -> memref<1x40xi32, #tpu.memory_space<vmem>>
      %dma_start3A_211 = tpu.memref_squeeze %dma_start3A_210 : memref<1x40xi32, #tpu.memory_space<vmem>> -> memref<40xi32, #tpu.memory_space<vmem>>
      %dma_start3A_212 = arith.constant 0 : i32
      %dma_start3A_213 = arith.constant 0 : i32
      %dma_start3A_214 = tpu.memref_slice %arg22[%dma_start3A_212, %dma_start3A_213] : memref<10112x128xf32, #tpu.memory_space<vmem_shared>> -> memref<10112x128xf32, #tpu.memory_space<vmem_shared>>
      tpu.enqueue_indirect_dma source(%arg14 : memref<40x128xf32, #tpu.memory_space<vmem>>) target(%dma_start3A_214 : memref<10112x128xf32, #tpu.memory_space<vmem_shared>>) offsets(%dma_start3A_211 : memref<40xi32, #tpu.memory_space<vmem>>) semaphore(%arg20 : memref<!tpu.dma_semaphore, #tpu.memory_space<semaphore_mem>>) {add = true}
      %dma_wait3A_215 = arith.constant 0 : i32
      %dma_wait3A_216 = arith.constant 0 : i32
      %dma_wait3A_217 = tpu.memref_slice %arg3[%dma_wait3A_215, %dma_wait3A_216] : memref<160000x128xf32, #tpu.memory_space<hbm>> -> memref<40x128xf32, #tpu.memory_space<hbm>>
      %dma_wait3A_218 = arith.constant 0 : i32
      %dma_wait3A_219 = arith.constant 0 : i32
      %dma_wait3A_220 = tpu.memref_slice %arg3[%dma_wait3A_218, %dma_wait3A_219] : memref<160000x128xf32, #tpu.memory_space<hbm>> -> memref<40x128xf32, #tpu.memory_space<hbm>>
      tpu.wait_dma2 semaphore(%arg19 : memref<!tpu.dma_semaphore, #tpu.memory_space<semaphore_mem>>) src(%dma_wait3A_220 : memref<40x128xf32, #tpu.memory_space<hbm>>) dst(%arg11 : memref<40x128xf32, #tpu.memory_space<vmem>>)
      %dma_wait3A_221 = arith.constant 0 : i32
      %dma_wait3A_222 = arith.constant 0 : i32
      %dma_wait3A_223 = tpu.memref_slice %arg8[%dma_wait3A_221, %dma_wait3A_222] : memref<25x40xi32, #tpu.memory_space<vmem>> -> memref<1x40xi32, #tpu.memory_space<vmem>>
      %dma_wait3A_224 = tpu.memref_squeeze %dma_wait3A_223 : memref<1x40xi32, #tpu.memory_space<vmem>> -> memref<40xi32, #tpu.memory_space<vmem>>
      %dma_wait3A_225 = arith.constant 0 : i32
      %dma_wait3A_226 = arith.constant 0 : i32
      %dma_wait3A_227 = tpu.memref_slice %arg2[%dma_wait3A_225, %dma_wait3A_226] : memref<10000x128xf32, #tpu.memory_space<hbm>> -> memref<10000x128xf32, #tpu.memory_space<hbm>>
      tpu.wait_indirect_dma semaphore(%arg17 : memref<!tpu.dma_semaphore, #tpu.memory_space<semaphore_mem>>) src(%dma_wait3A_227 : memref<10000x128xf32, #tpu.memory_space<hbm>>) dst(%arg13 : memref<40x128xf32, #tpu.memory_space<vmem>>)
      %dma_wait3A_228 = arith.constant 0 : i32
      %dma_wait3A_229 = arith.constant 0 : i32
      %dma_wait3A_230 = tpu.memref_slice %arg9[%dma_wait3A_228, %dma_wait3A_229] : memref<25x40xi32, #tpu.memory_space<vmem>> -> memref<1x40xi32, #tpu.memory_space<vmem>>
      %dma_wait3A_231 = tpu.memref_squeeze %dma_wait3A_230 : memref<1x40xi32, #tpu.memory_space<vmem>> -> memref<40xi32, #tpu.memory_space<vmem>>
      %dma_wait3A_232 = arith.constant 0 : i32
      %dma_wait3A_233 = arith.constant 0 : i32
      %dma_wait3A_234 = tpu.memref_slice %arg22[%dma_wait3A_232, %dma_wait3A_233] : memref<10112x128xf32, #tpu.memory_space<vmem_shared>> -> memref<10112x128xf32, #tpu.memory_space<vmem_shared>>
      tpu.wait_indirect_dma semaphore(%arg21 : memref<!tpu.dma_semaphore, #tpu.memory_space<semaphore_mem>>) src(%arg15 : memref<40x128xf32, #tpu.memory_space<vmem>>) dst(%dma_wait3A_234 : memref<10112x128xf32, #tpu.memory_space<vmem_shared>>)
      %scan3A_235 = arith.constant 0 : i32
      %scan3A_236 = arith.constant 0 : i32
      %scan3A_237 = arith.constant 40 : i32
      %scan3A_238 = arith.addi %scan3A_236, %scan3A_237 : i32
      %scan3A_239 = arith.constant 1 : i32
      scf.for %scan3A_295 = %scan3A_236 to %scan3A_238 step %scan3A_239  : i32 {
        %get3A = arith.index_cast %scan3A_295 : i32 to index
        %get3A_296 = arith.constant 0 : index
        %get3A_297 = tpu.vector_load %arg13[%get3A, %get3A_296] {strides = array<i32>} : memref<40x128xf32, #tpu.memory_space<vmem>>, vector<1x16xf32>,
        %get3A_298 = vector.shape_cast %get3A_297 : vector<1x16xf32> to vector<16xf32>
        %get3A_299 = arith.index_cast %scan3A_295 : i32 to index
        %get3A_300 = arith.constant 0 : index
        %get3A_301 = tpu.vector_load %arg11[%get3A_299, %get3A_300] {strides = array<i32>} : memref<40x128xf32, #tpu.memory_space<vmem>>, vector<1x16xf32>,
        %get3A_302 = vector.shape_cast %get3A_301 : vector<1x16xf32> to vector<16xf32>
        %mul3A_303 = arith.mulf %get3A_298, %get3A_302 : vector<16xf32>
        %swap3A = arith.index_cast %scan3A_295 : i32 to index
        %swap3A_304 = arith.constant 0 : index
        %swap3A_305 = tpu.vector_load %arg15[%swap3A, %swap3A_304] {strides = array<i32>} : memref<40x128xf32, #tpu.memory_space<vmem>>, vector<1x16xf32>,
        %swap3A_306 = vector.shape_cast %swap3A_305 : vector<1x16xf32> to vector<16xf32>
        %swap3A_307 = vector.shape_cast %mul3A_303 : vector<16xf32> to vector<1x16xf32>
        tpu.vector_store %arg15[%swap3A, %swap3A_304], %swap3A_307 {strides = array<i32>} : memref<40x128xf32, #tpu.memory_space<vmem>>, vector<1x16xf32>,
        %get3A_308 = arith.index_cast %scan3A_295 : i32 to index
        %get3A_309 = arith.constant 16 : index
        %get3A_310 = tpu.vector_load %arg13[%get3A_308, %get3A_309] {strides = array<i32>} : memref<40x128xf32, #tpu.memory_space<vmem>>, vector<1x16xf32>,
        %get3A_311 = vector.shape_cast %get3A_310 : vector<1x16xf32> to vector<16xf32>
        %get3A_312 = arith.index_cast %scan3A_295 : i32 to index
        %get3A_313 = arith.constant 16 : index
        %get3A_314 = tpu.vector_load %arg11[%get3A_312, %get3A_313] {strides = array<i32>} : memref<40x128xf32, #tpu.memory_space<vmem>>, vector<1x16xf32>,
        %get3A_315 = vector.shape_cast %get3A_314 : vector<1x16xf32> to vector<16xf32>
        %mul3A_316 = arith.mulf %get3A_311, %get3A_315 : vector<16xf32>
        %swap3A_317 = arith.index_cast %scan3A_295 : i32 to index
        %swap3A_318 = arith.constant 16 : index
        %swap3A_319 = tpu.vector_load %arg15[%swap3A_317, %swap3A_318] {strides = array<i32>} : memref<40x128xf32, #tpu.memory_space<vmem>>, vector<1x16xf32>,
        %swap3A_320 = vector.shape_cast %swap3A_319 : vector<1x16xf32> to vector<16xf32>
        %swap3A_321 = vector.shape_cast %mul3A_316 : vector<16xf32> to vector<1x16xf32>
        tpu.vector_store %arg15[%swap3A_317, %swap3A_318], %swap3A_321 {strides = array<i32>} : memref<40x128xf32, #tpu.memory_space<vmem>>, vector<1x16xf32>,
        %get3A_322 = arith.index_cast %scan3A_295 : i32 to index
        %get3A_323 = arith.constant 32 : index
        %get3A_324 = tpu.vector_load %arg13[%get3A_322, %get3A_323] {strides = array<i32>} : memref<40x128xf32, #tpu.memory_space<vmem>>, vector<1x16xf32>,
        %get3A_325 = vector.shape_cast %get3A_324 : vector<1x16xf32> to vector<16xf32>
        %get3A_326 = arith.index_cast %scan3A_295 : i32 to index
        %get3A_327 = arith.constant 32 : index
        %get3A_328 = tpu.vector_load %arg11[%get3A_326, %get3A_327] {strides = array<i32>} : memref<40x128xf32, #tpu.memory_space<vmem>>, vector<1x16xf32>,
        %get3A_329 = vector.shape_cast %get3A_328 : vector<1x16xf32> to vector<16xf32>
        %mul3A_330 = arith.mulf %get3A_325, %get3A_329 : vector<16xf32>
        %swap3A_331 = arith.index_cast %scan3A_295 : i32 to index
        %swap3A_332 = arith.constant 32 : index
        %swap3A_333 = tpu.vector_load %arg15[%swap3A_331, %swap3A_332] {strides = array<i32>} : memref<40x128xf32, #tpu.memory_space<vmem>>, vector<1x16xf32>,
        %swap3A_334 = vector.shape_cast %swap3A_333 : vector<1x16xf32> to vector<16xf32>
        %swap3A_335 = vector.shape_cast %mul3A_330 : vector<16xf32> to vector<1x16xf32>
        tpu.vector_store %arg15[%swap3A_331, %swap3A_332], %swap3A_335 {strides = array<i32>} : memref<40x128xf32, #tpu.memory_space<vmem>>, vector<1x16xf32>,
        %get3A_336 = arith.index_cast %scan3A_295 : i32 to index
        %get3A_337 = arith.constant 48 : index
        %get3A_338 = tpu.vector_load %arg13[%get3A_336, %get3A_337] {strides = array<i32>} : memref<40x128xf32, #tpu.memory_space<vmem>>, vector<1x16xf32>,
        %get3A_339 = vector.shape_cast %get3A_338 : vector<1x16xf32> to vector<16xf32>
        %get3A_340 = arith.index_cast %scan3A_295 : i32 to index
        %get3A_341 = arith.constant 48 : index
        %get3A_342 = tpu.vector_load %arg11[%get3A_340, %get3A_341] {strides = array<i32>} : memref<40x128xf32, #tpu.memory_space<vmem>>, vector<1x16xf32>,
        %get3A_343 = vector.shape_cast %get3A_342 : vector<1x16xf32> to vector<16xf32>
        %mul3A_344 = arith.mulf %get3A_339, %get3A_343 : vector<16xf32>
        %swap3A_345 = arith.index_cast %scan3A_295 : i32 to index
        %swap3A_346 = arith.constant 48 : index
        %swap3A_347 = tpu.vector_load %arg15[%swap3A_345, %swap3A_346] {strides = array<i32>} : memref<40x128xf32, #tpu.memory_space<vmem>>, vector<1x16xf32>,
        %swap3A_348 = vector.shape_cast %swap3A_347 : vector<1x16xf32> to vector<16xf32>
        %swap3A_349 = vector.shape_cast %mul3A_344 : vector<16xf32> to vector<1x16xf32>
        tpu.vector_store %arg15[%swap3A_345, %swap3A_346], %swap3A_349 {strides = array<i32>} : memref<40x128xf32, #tpu.memory_space<vmem>>, vector<1x16xf32>,
        %get3A_350 = arith.index_cast %scan3A_295 : i32 to index
        %get3A_351 = arith.constant 64 : index
        %get3A_352 = tpu.vector_load %arg13[%get3A_350, %get3A_351] {strides = array<i32>} : memref<40x128xf32, #tpu.memory_space<vmem>>, vector<1x16xf32>,
        %get3A_353 = vector.shape_cast %get3A_352 : vector<1x16xf32> to vector<16xf32>
        %get3A_354 = arith.index_cast %scan3A_295 : i32 to index
        %get3A_355 = arith.constant 64 : index
        %get3A_356 = tpu.vector_load %arg11[%get3A_354, %get3A_355] {strides = array<i32>} : memref<40x128xf32, #tpu.memory_space<vmem>>, vector<1x16xf32>,
        %get3A_357 = vector.shape_cast %get3A_356 : vector<1x16xf32> to vector<16xf32>
        %mul3A_358 = arith.mulf %get3A_353, %get3A_357 : vector<16xf32>
        %swap3A_359 = arith.index_cast %scan3A_295 : i32 to index
        %swap3A_360 = arith.constant 64 : index
        %swap3A_361 = tpu.vector_load %arg15[%swap3A_359, %swap3A_360] {strides = array<i32>} : memref<40x128xf32, #tpu.memory_space<vmem>>, vector<1x16xf32>,
        %swap3A_362 = vector.shape_cast %swap3A_361 : vector<1x16xf32> to vector<16xf32>
        %swap3A_363 = vector.shape_cast %mul3A_358 : vector<16xf32> to vector<1x16xf32>
        tpu.vector_store %arg15[%swap3A_359, %swap3A_360], %swap3A_363 {strides = array<i32>} : memref<40x128xf32, #tpu.memory_space<vmem>>, vector<1x16xf32>,
        %get3A_364 = arith.index_cast %scan3A_295 : i32 to index
        %get3A_365 = arith.constant 80 : index
        %get3A_366 = tpu.vector_load %arg13[%get3A_364, %get3A_365] {strides = array<i32>} : memref<40x128xf32, #tpu.memory_space<vmem>>, vector<1x16xf32>,
        %get3A_367 = vector.shape_cast %get3A_366 : vector<1x16xf32> to vector<16xf32>
        %get3A_368 = arith.index_cast %scan3A_295 : i32 to index
        %get3A_369 = arith.constant 80 : index
        %get3A_370 = tpu.vector_load %arg11[%get3A_368, %get3A_369] {strides = array<i32>} : memref<40x128xf32, #tpu.memory_space<vmem>>, vector<1x16xf32>,
        %get3A_371 = vector.shape_cast %get3A_370 : vector<1x16xf32> to vector<16xf32>
        %mul3A_372 = arith.mulf %get3A_367, %get3A_371 : vector<16xf32>
        %swap3A_373 = arith.index_cast %scan3A_295 : i32 to index
        %swap3A_374 = arith.constant 80 : index
        %swap3A_375 = tpu.vector_load %arg15[%swap3A_373, %swap3A_374] {strides = array<i32>} : memref<40x128xf32, #tpu.memory_space<vmem>>, vector<1x16xf32>,
        %swap3A_376 = vector.shape_cast %swap3A_375 : vector<1x16xf32> to vector<16xf32>
        %swap3A_377 = vector.shape_cast %mul3A_372 : vector<16xf32> to vector<1x16xf32>
        tpu.vector_store %arg15[%swap3A_373, %swap3A_374], %swap3A_377 {strides = array<i32>} : memref<40x128xf32, #tpu.memory_space<vmem>>, vector<1x16xf32>,
        %get3A_378 = arith.index_cast %scan3A_295 : i32 to index
        %get3A_379 = arith.constant 96 : index
        %get3A_380 = tpu.vector_load %arg13[%get3A_378, %get3A_379] {strides = array<i32>} : memref<40x128xf32, #tpu.memory_space<vmem>>, vector<1x16xf32>,
        %get3A_381 = vector.shape_cast %get3A_380 : vector<1x16xf32> to vector<16xf32>
        %get3A_382 = arith.index_cast %scan3A_295 : i32 to index
        %get3A_383 = arith.constant 96 : index
        %get3A_384 = tpu.vector_load %arg11[%get3A_382, %get3A_383] {strides = array<i32>} : memref<40x128xf32, #tpu.memory_space<vmem>>, vector<1x16xf32>,
        %get3A_385 = vector.shape_cast %get3A_384 : vector<1x16xf32> to vector<16xf32>
        %mul3A_386 = arith.mulf %get3A_381, %get3A_385 : vector<16xf32>
        %swap3A_387 = arith.index_cast %scan3A_295 : i32 to index
        %swap3A_388 = arith.constant 96 : index
        %swap3A_389 = tpu.vector_load %arg15[%swap3A_387, %swap3A_388] {strides = array<i32>} : memref<40x128xf32, #tpu.memory_space<vmem>>, vector<1x16xf32>,
        %swap3A_390 = vector.shape_cast %swap3A_389 : vector<1x16xf32> to vector<16xf32>
        %swap3A_391 = vector.shape_cast %mul3A_386 : vector<16xf32> to vector<1x16xf32>
        tpu.vector_store %arg15[%swap3A_387, %swap3A_388], %swap3A_391 {strides = array<i32>} : memref<40x128xf32, #tpu.memory_space<vmem>>, vector<1x16xf32>,
        %get3A_392 = arith.index_cast %scan3A_295 : i32 to index
        %get3A_393 = arith.constant 112 : index
        %get3A_394 = tpu.vector_load %arg13[%get3A_392, %get3A_393] {strides = array<i32>} : memref<40x128xf32, #tpu.memory_space<vmem>>, vector<1x16xf32>,
        %get3A_395 = vector.shape_cast %get3A_394 : vector<1x16xf32> to vector<16xf32>
        %get3A_396 = arith.index_cast %scan3A_295 : i32 to index
        %get3A_397 = arith.constant 112 : index
        %get3A_398 = tpu.vector_load %arg11[%get3A_396, %get3A_397] {strides = array<i32>} : memref<40x128xf32, #tpu.memory_space<vmem>>, vector<1x16xf32>,
        %get3A_399 = vector.shape_cast %get3A_398 : vector<1x16xf32> to vector<16xf32>
        %mul3A_400 = arith.mulf %get3A_395, %get3A_399 : vector<16xf32>
        %swap3A_401 = arith.index_cast %scan3A_295 : i32 to index
        %swap3A_402 = arith.constant 112 : index
        %swap3A_403 = tpu.vector_load %arg15[%swap3A_401, %swap3A_402] {strides = array<i32>} : memref<40x128xf32, #tpu.memory_space<vmem>>, vector<1x16xf32>,
        %swap3A_404 = vector.shape_cast %swap3A_403 : vector<1x16xf32> to vector<16xf32>
        %swap3A_405 = vector.shape_cast %mul3A_400 : vector<16xf32> to vector<1x16xf32>
        tpu.vector_store %arg15[%swap3A_401, %swap3A_402], %swap3A_405 {strides = array<i32>} : memref<40x128xf32, #tpu.memory_space<vmem>>, vector<1x16xf32>,
      }
      %scan3A_240 = arith.constant 40 : i32
      %dma_start3A_241 = arith.constant 23 : i32
      %dma_start3A_242 = arith.constant 0 : i32
      %dma_start3A_243 = tpu.memref_slice %arg9[%dma_start3A_241, %dma_start3A_242] : memref<25x40xi32, #tpu.memory_space<vmem>> -> memref<1x40xi32, #tpu.memory_space<vmem>>
      %dma_start3A_244 = tpu.memref_squeeze %dma_start3A_243 : memref<1x40xi32, #tpu.memory_space<vmem>> -> memref<40xi32, #tpu.memory_space<vmem>>
      %dma_start3A_245 = arith.constant 0 : i32
      %dma_start3A_246 = arith.constant 0 : i32
      %dma_start3A_247 = tpu.memref_slice %arg22[%dma_start3A_245, %dma_start3A_246] : memref<10112x128xf32, #tpu.memory_space<vmem_shared>> -> memref<10112x128xf32, #tpu.memory_space<vmem_shared>>
      tpu.enqueue_indirect_dma source(%arg15 : memref<40x128xf32, #tpu.memory_space<vmem>>) target(%dma_start3A_247 : memref<10112x128xf32, #tpu.memory_space<vmem_shared>>) offsets(%dma_start3A_244 : memref<40xi32, #tpu.memory_space<vmem>>) semaphore(%arg21 : memref<!tpu.dma_semaphore, #tpu.memory_space<semaphore_mem>>) {add = true}
      %dma_wait3A_248 = arith.constant 0 : i32
      %dma_wait3A_249 = arith.constant 0 : i32
      %dma_wait3A_250 = tpu.memref_slice %arg3[%dma_wait3A_248, %dma_wait3A_249] : memref<160000x128xf32, #tpu.memory_space<hbm>> -> memref<40x128xf32, #tpu.memory_space<hbm>>
      %dma_wait3A_251 = arith.constant 0 : i32
      %dma_wait3A_252 = arith.constant 0 : i32
      %dma_wait3A_253 = tpu.memref_slice %arg3[%dma_wait3A_251, %dma_wait3A_252] : memref<160000x128xf32, #tpu.memory_space<hbm>> -> memref<40x128xf32, #tpu.memory_space<hbm>>
      tpu.wait_dma2 semaphore(%arg18 : memref<!tpu.dma_semaphore, #tpu.memory_space<semaphore_mem>>) src(%dma_wait3A_253 : memref<40x128xf32, #tpu.memory_space<hbm>>) dst(%arg10 : memref<40x128xf32, #tpu.memory_space<vmem>>)
      %dma_wait3A_254 = arith.constant 0 : i32
      %dma_wait3A_255 = arith.constant 0 : i32
      %dma_wait3A_256 = tpu.memref_slice %arg8[%dma_wait3A_254, %dma_wait3A_255] : memref<25x40xi32, #tpu.memory_space<vmem>> -> memref<1x40xi32, #tpu.memory_space<vmem>>
      %dma_wait3A_257 = tpu.memref_squeeze %dma_wait3A_256 : memref<1x40xi32, #tpu.memory_space<vmem>> -> memref<40xi32, #tpu.memory_space<vmem>>
      %dma_wait3A_258 = arith.constant 0 : i32
      %dma_wait3A_259 = arith.constant 0 : i32
      %dma_wait3A_260 = tpu.memref_slice %arg2[%dma_wait3A_258, %dma_wait3A_259] : memref<10000x128xf32, #tpu.memory_space<hbm>> -> memref<10000x128xf32, #tpu.memory_space<hbm>>
      tpu.wait_indirect_dma semaphore(%arg16 : memref<!tpu.dma_semaphore, #tpu.memory_space<semaphore_mem>>) src(%dma_wait3A_260 : memref<10000x128xf32, #tpu.memory_space<hbm>>) dst(%arg12 : memref<40x128xf32, #tpu.memory_space<vmem>>)
      %dma_wait3A_261 = arith.constant 0 : i32
      %dma_wait3A_262 = arith.constant 0 : i32
      %dma_wait3A_263 = tpu.memref_slice %arg9[%dma_wait3A_261, %dma_wait3A_262] : memref<25x40xi32, #tpu.memory_space<vmem>> -> memref<1x40xi32, #tpu.memory_space<vmem>>
      %dma_wait3A_264 = tpu.memref_squeeze %dma_wait3A_263 : memref<1x40xi32, #tpu.memory_space<vmem>> -> memref<40xi32, #tpu.memory_space<vmem>>
      %dma_wait3A_265 = arith.constant 0 : i32
      %dma_wait3A_266 = arith.constant 0 : i32
      %dma_wait3A_267 = tpu.memref_slice %arg22[%dma_wait3A_265, %dma_wait3A_266] : memref<10112x128xf32, #tpu.memory_space<vmem_shared>> -> memref<10112x128xf32, #tpu.memory_space<vmem_shared>>
      tpu.wait_indirect_dma semaphore(%arg20 : memref<!tpu.dma_semaphore, #tpu.memory_space<semaphore_mem>>) src(%arg14 : memref<40x128xf32, #tpu.memory_space<vmem>>) dst(%dma_wait3A_267 : memref<10112x128xf32, #tpu.memory_space<vmem_shared>>)
      %scan3A_268 = arith.constant 0 : i32
      %scan3A_269 = arith.constant 0 : i32
      %scan3A_270 = arith.constant 40 : i32
      %scan3A_271 = arith.addi %scan3A_269, %scan3A_270 : i32
      %scan3A_272 = arith.constant 1 : i32
      scf.for %scan3A_295 = %scan3A_269 to %scan3A_271 step %scan3A_272  : i32 {
        %get3A = arith.index_cast %scan3A_295 : i32 to index
        %get3A_296 = arith.constant 0 : index
        %get3A_297 = tpu.vector_load %arg12[%get3A, %get3A_296] {strides = array<i32>} : memref<40x128xf32, #tpu.memory_space<vmem>>, vector<1x16xf32>,
        %get3A_298 = vector.shape_cast %get3A_297 : vector<1x16xf32> to vector<16xf32>
        %get3A_299 = arith.index_cast %scan3A_295 : i32 to index
        %get3A_300 = arith.constant 0 : index
        %get3A_301 = tpu.vector_load %arg10[%get3A_299, %get3A_300] {strides = array<i32>} : memref<40x128xf32, #tpu.memory_space<vmem>>, vector<1x16xf32>,
        %get3A_302 = vector.shape_cast %get3A_301 : vector<1x16xf32> to vector<16xf32>
        %mul3A_303 = arith.mulf %get3A_298, %get3A_302 : vector<16xf32>
        %swap3A = arith.index_cast %scan3A_295 : i32 to index
        %swap3A_304 = arith.constant 0 : index
        %swap3A_305 = tpu.vector_load %arg14[%swap3A, %swap3A_304] {strides = array<i32>} : memref<40x128xf32, #tpu.memory_space<vmem>>, vector<1x16xf32>,
        %swap3A_306 = vector.shape_cast %swap3A_305 : vector<1x16xf32> to vector<16xf32>
        %swap3A_307 = vector.shape_cast %mul3A_303 : vector<16xf32> to vector<1x16xf32>
        tpu.vector_store %arg14[%swap3A, %swap3A_304], %swap3A_307 {strides = array<i32>} : memref<40x128xf32, #tpu.memory_space<vmem>>, vector<1x16xf32>,
        %get3A_308 = arith.index_cast %scan3A_295 : i32 to index
        %get3A_309 = arith.constant 16 : index
        %get3A_310 = tpu.vector_load %arg12[%get3A_308, %get3A_309] {strides = array<i32>} : memref<40x128xf32, #tpu.memory_space<vmem>>, vector<1x16xf32>,
        %get3A_311 = vector.shape_cast %get3A_310 : vector<1x16xf32> to vector<16xf32>
        %get3A_312 = arith.index_cast %scan3A_295 : i32 to index
        %get3A_313 = arith.constant 16 : index
        %get3A_314 = tpu.vector_load %arg10[%get3A_312, %get3A_313] {strides = array<i32>} : memref<40x128xf32, #tpu.memory_space<vmem>>, vector<1x16xf32>,
        %get3A_315 = vector.shape_cast %get3A_314 : vector<1x16xf32> to vector<16xf32>
        %mul3A_316 = arith.mulf %get3A_311, %get3A_315 : vector<16xf32>
        %swap3A_317 = arith.index_cast %scan3A_295 : i32 to index
        %swap3A_318 = arith.constant 16 : index
        %swap3A_319 = tpu.vector_load %arg14[%swap3A_317, %swap3A_318] {strides = array<i32>} : memref<40x128xf32, #tpu.memory_space<vmem>>, vector<1x16xf32>,
        %swap3A_320 = vector.shape_cast %swap3A_319 : vector<1x16xf32> to vector<16xf32>
        %swap3A_321 = vector.shape_cast %mul3A_316 : vector<16xf32> to vector<1x16xf32>
        tpu.vector_store %arg14[%swap3A_317, %swap3A_318], %swap3A_321 {strides = array<i32>} : memref<40x128xf32, #tpu.memory_space<vmem>>, vector<1x16xf32>,
        %get3A_322 = arith.index_cast %scan3A_295 : i32 to index
        %get3A_323 = arith.constant 32 : index
        %get3A_324 = tpu.vector_load %arg12[%get3A_322, %get3A_323] {strides = array<i32>} : memref<40x128xf32, #tpu.memory_space<vmem>>, vector<1x16xf32>,
        %get3A_325 = vector.shape_cast %get3A_324 : vector<1x16xf32> to vector<16xf32>
        %get3A_326 = arith.index_cast %scan3A_295 : i32 to index
        %get3A_327 = arith.constant 32 : index
        %get3A_328 = tpu.vector_load %arg10[%get3A_326, %get3A_327] {strides = array<i32>} : memref<40x128xf32, #tpu.memory_space<vmem>>, vector<1x16xf32>,
        %get3A_329 = vector.shape_cast %get3A_328 : vector<1x16xf32> to vector<16xf32>
        %mul3A_330 = arith.mulf %get3A_325, %get3A_329 : vector<16xf32>
        %swap3A_331 = arith.index_cast %scan3A_295 : i32 to index
        %swap3A_332 = arith.constant 32 : index
        %swap3A_333 = tpu.vector_load %arg14[%swap3A_331, %swap3A_332] {strides = array<i32>} : memref<40x128xf32, #tpu.memory_space<vmem>>, vector<1x16xf32>,
        %swap3A_334 = vector.shape_cast %swap3A_333 : vector<1x16xf32> to vector<16xf32>
        %swap3A_335 = vector.shape_cast %mul3A_330 : vector<16xf32> to vector<1x16xf32>
        tpu.vector_store %arg14[%swap3A_331, %swap3A_332], %swap3A_335 {strides = array<i32>} : memref<40x128xf32, #tpu.memory_space<vmem>>, vector<1x16xf32>,
        %get3A_336 = arith.index_cast %scan3A_295 : i32 to index
        %get3A_337 = arith.constant 48 : index
        %get3A_338 = tpu.vector_load %arg12[%get3A_336, %get3A_337] {strides = array<i32>} : memref<40x128xf32, #tpu.memory_space<vmem>>, vector<1x16xf32>,
        %get3A_339 = vector.shape_cast %get3A_338 : vector<1x16xf32> to vector<16xf32>
        %get3A_340 = arith.index_cast %scan3A_295 : i32 to index
        %get3A_341 = arith.constant 48 : index
        %get3A_342 = tpu.vector_load %arg10[%get3A_340, %get3A_341] {strides = array<i32>} : memref<40x128xf32, #tpu.memory_space<vmem>>, vector<1x16xf32>,
        %get3A_343 = vector.shape_cast %get3A_342 : vector<1x16xf32> to vector<16xf32>
        %mul3A_344 = arith.mulf %get3A_339, %get3A_343 : vector<16xf32>
        %swap3A_345 = arith.index_cast %scan3A_295 : i32 to index
        %swap3A_346 = arith.constant 48 : index
        %swap3A_347 = tpu.vector_load %arg14[%swap3A_345, %swap3A_346] {strides = array<i32>} : memref<40x128xf32, #tpu.memory_space<vmem>>, vector<1x16xf32>,
        %swap3A_348 = vector.shape_cast %swap3A_347 : vector<1x16xf32> to vector<16xf32>
        %swap3A_349 = vector.shape_cast %mul3A_344 : vector<16xf32> to vector<1x16xf32>
        tpu.vector_store %arg14[%swap3A_345, %swap3A_346], %swap3A_349 {strides = array<i32>} : memref<40x128xf32, #tpu.memory_space<vmem>>, vector<1x16xf32>,
        %get3A_350 = arith.index_cast %scan3A_295 : i32 to index
        %get3A_351 = arith.constant 64 : index
        %get3A_352 = tpu.vector_load %arg12[%get3A_350, %get3A_351] {strides = array<i32>} : memref<40x128xf32, #tpu.memory_space<vmem>>, vector<1x16xf32>,
        %get3A_353 = vector.shape_cast %get3A_352 : vector<1x16xf32> to vector<16xf32>
        %get3A_354 = arith.index_cast %scan3A_295 : i32 to index
        %get3A_355 = arith.constant 64 : index
        %get3A_356 = tpu.vector_load %arg10[%get3A_354, %get3A_355] {strides = array<i32>} : memref<40x128xf32, #tpu.memory_space<vmem>>, vector<1x16xf32>,
        %get3A_357 = vector.shape_cast %get3A_356 : vector<1x16xf32> to vector<16xf32>
        %mul3A_358 = arith.mulf %get3A_353, %get3A_357 : vector<16xf32>
        %swap3A_359 = arith.index_cast %scan3A_295 : i32 to index
        %swap3A_360 = arith.constant 64 : index
        %swap3A_361 = tpu.vector_load %arg14[%swap3A_359, %swap3A_360] {strides = array<i32>} : memref<40x128xf32, #tpu.memory_space<vmem>>, vector<1x16xf32>,
        %swap3A_362 = vector.shape_cast %swap3A_361 : vector<1x16xf32> to vector<16xf32>
        %swap3A_363 = vector.shape_cast %mul3A_358 : vector<16xf32> to vector<1x16xf32>
        tpu.vector_store %arg14[%swap3A_359, %swap3A_360], %swap3A_363 {strides = array<i32>} : memref<40x128xf32, #tpu.memory_space<vmem>>, vector<1x16xf32>,
        %get3A_364 = arith.index_cast %scan3A_295 : i32 to index
        %get3A_365 = arith.constant 80 : index
        %get3A_366 = tpu.vector_load %arg12[%get3A_364, %get3A_365] {strides = array<i32>} : memref<40x128xf32, #tpu.memory_space<vmem>>, vector<1x16xf32>,
        %get3A_367 = vector.shape_cast %get3A_366 : vector<1x16xf32> to vector<16xf32>
        %get3A_368 = arith.index_cast %scan3A_295 : i32 to index
        %get3A_369 = arith.constant 80 : index
        %get3A_370 = tpu.vector_load %arg10[%get3A_368, %get3A_369] {strides = array<i32>} : memref<40x128xf32, #tpu.memory_space<vmem>>, vector<1x16xf32>,
        %get3A_371 = vector.shape_cast %get3A_370 : vector<1x16xf32> to vector<16xf32>
        %mul3A_372 = arith.mulf %get3A_367, %get3A_371 : vector<16xf32>
        %swap3A_373 = arith.index_cast %scan3A_295 : i32 to index
        %swap3A_374 = arith.constant 80 : index
        %swap3A_375 = tpu.vector_load %arg14[%swap3A_373, %swap3A_374] {strides = array<i32>} : memref<40x128xf32, #tpu.memory_space<vmem>>, vector<1x16xf32>,
        %swap3A_376 = vector.shape_cast %swap3A_375 : vector<1x16xf32> to vector<16xf32>
        %swap3A_377 = vector.shape_cast %mul3A_372 : vector<16xf32> to vector<1x16xf32>
        tpu.vector_store %arg14[%swap3A_373, %swap3A_374], %swap3A_377 {strides = array<i32>} : memref<40x128xf32, #tpu.memory_space<vmem>>, vector<1x16xf32>,
        %get3A_378 = arith.index_cast %scan3A_295 : i32 to index
        %get3A_379 = arith.constant 96 : index
        %get3A_380 = tpu.vector_load %arg12[%get3A_378, %get3A_379] {strides = array<i32>} : memref<40x128xf32, #tpu.memory_space<vmem>>, vector<1x16xf32>,
        %get3A_381 = vector.shape_cast %get3A_380 : vector<1x16xf32> to vector<16xf32>
        %get3A_382 = arith.index_cast %scan3A_295 : i32 to index
        %get3A_383 = arith.constant 96 : index
        %get3A_384 = tpu.vector_load %arg10[%get3A_382, %get3A_383] {strides = array<i32>} : memref<40x128xf32, #tpu.memory_space<vmem>>, vector<1x16xf32>,
        %get3A_385 = vector.shape_cast %get3A_384 : vector<1x16xf32> to vector<16xf32>
        %mul3A_386 = arith.mulf %get3A_381, %get3A_385 : vector<16xf32>
        %swap3A_387 = arith.index_cast %scan3A_295 : i32 to index
        %swap3A_388 = arith.constant 96 : index
        %swap3A_389 = tpu.vector_load %arg14[%swap3A_387, %swap3A_388] {strides = array<i32>} : memref<40x128xf32, #tpu.memory_space<vmem>>, vector<1x16xf32>,
        %swap3A_390 = vector.shape_cast %swap3A_389 : vector<1x16xf32> to vector<16xf32>
        %swap3A_391 = vector.shape_cast %mul3A_386 : vector<16xf32> to vector<1x16xf32>
        tpu.vector_store %arg14[%swap3A_387, %swap3A_388], %swap3A_391 {strides = array<i32>} : memref<40x128xf32, #tpu.memory_space<vmem>>, vector<1x16xf32>,
        %get3A_392 = arith.index_cast %scan3A_295 : i32 to index
        %get3A_393 = arith.constant 112 : index
        %get3A_394 = tpu.vector_load %arg12[%get3A_392, %get3A_393] {strides = array<i32>} : memref<40x128xf32, #tpu.memory_space<vmem>>, vector<1x16xf32>,
        %get3A_395 = vector.shape_cast %get3A_394 : vector<1x16xf32> to vector<16xf32>
        %get3A_396 = arith.index_cast %scan3A_295 : i32 to index
        %get3A_397 = arith.constant 112 : index
        %get3A_398 = tpu.vector_load %arg10[%get3A_396, %get3A_397] {strides = array<i32>} : memref<40x128xf32, #tpu.memory_space<vmem>>, vector<1x16xf32>,
        %get3A_399 = vector.shape_cast %get3A_398 : vector<1x16xf32> to vector<16xf32>
        %mul3A_400 = arith.mulf %get3A_395, %get3A_399 : vector<16xf32>
        %swap3A_401 = arith.index_cast %scan3A_295 : i32 to index
        %swap3A_402 = arith.constant 112 : index
        %swap3A_403 = tpu.vector_load %arg14[%swap3A_401, %swap3A_402] {strides = array<i32>} : memref<40x128xf32, #tpu.memory_space<vmem>>, vector<1x16xf32>,
        %swap3A_404 = vector.shape_cast %swap3A_403 : vector<1x16xf32> to vector<16xf32>
        %swap3A_405 = vector.shape_cast %mul3A_400 : vector<16xf32> to vector<1x16xf32>
        tpu.vector_store %arg14[%swap3A_401, %swap3A_402], %swap3A_405 {strides = array<i32>} : memref<40x128xf32, #tpu.memory_space<vmem>>, vector<1x16xf32>,
      }
      %scan3A_273 = arith.constant 40 : i32
      %dma_start3A_274 = arith.constant 24 : i32
      %dma_start3A_275 = arith.constant 0 : i32
      %dma_start3A_276 = tpu.memref_slice %arg9[%dma_start3A_274, %dma_start3A_275] : memref<25x40xi32, #tpu.memory_space<vmem>> -> memref<1x40xi32, #tpu.memory_space<vmem>>
      %dma_start3A_277 = tpu.memref_squeeze %dma_start3A_276 : memref<1x40xi32, #tpu.memory_space<vmem>> -> memref<40xi32, #tpu.memory_space<vmem>>
      %dma_start3A_278 = arith.constant 0 : i32
      %dma_start3A_279 = arith.constant 0 : i32
      %dma_start3A_280 = tpu.memref_slice %arg22[%dma_start3A_278, %dma_start3A_279] : memref<10112x128xf32, #tpu.memory_space<vmem_shared>> -> memref<10112x128xf32, #tpu.memory_space<vmem_shared>>
      tpu.enqueue_indirect_dma source(%arg14 : memref<40x128xf32, #tpu.memory_space<vmem>>) target(%dma_start3A_280 : memref<10112x128xf32, #tpu.memory_space<vmem_shared>>) offsets(%dma_start3A_277 : memref<40xi32, #tpu.memory_space<vmem>>) semaphore(%arg20 : memref<!tpu.dma_semaphore, #tpu.memory_space<semaphore_mem>>) {add = true}
      %dma_wait3A_281 = arith.constant 0 : i32
      %dma_wait3A_282 = arith.constant 0 : i32
      %dma_wait3A_283 = tpu.memref_slice %arg9[%dma_wait3A_281, %dma_wait3A_282] : memref<25x40xi32, #tpu.memory_space<vmem>> -> memref<1x40xi32, #tpu.memory_space<vmem>>
      %dma_wait3A_284 = tpu.memref_squeeze %dma_wait3A_283 : memref<1x40xi32, #tpu.memory_space<vmem>> -> memref<40xi32, #tpu.memory_space<vmem>>
      %dma_wait3A_285 = arith.constant 0 : i32
      %dma_wait3A_286 = arith.constant 0 : i32
      %dma_wait3A_287 = tpu.memref_slice %arg22[%dma_wait3A_285, %dma_wait3A_286] : memref<10112x128xf32, #tpu.memory_space<vmem_shared>> -> memref<10112x128xf32, #tpu.memory_space<vmem_shared>>
      tpu.wait_indirect_dma semaphore(%arg20 : memref<!tpu.dma_semaphore, #tpu.memory_space<semaphore_mem>>) src(%arg14 : memref<40x128xf32, #tpu.memory_space<vmem>>) dst(%dma_wait3A_287 : memref<10112x128xf32, #tpu.memory_space<vmem_shared>>)
      %dma_wait3A_288 = arith.constant 0 : i32
      %dma_wait3A_289 = arith.constant 0 : i32
      %dma_wait3A_290 = tpu.memref_slice %arg9[%dma_wait3A_288, %dma_wait3A_289] : memref<25x40xi32, #tpu.memory_space<vmem>> -> memref<1x40xi32, #tpu.memory_space<vmem>>
      %dma_wait3A_291 = tpu.memref_squeeze %dma_wait3A_290 : memref<1x40xi32, #tpu.memory_space<vmem>> -> memref<40xi32, #tpu.memory_space<vmem>>
      %dma_wait3A_292 = arith.constant 0 : i32
      %dma_wait3A_293 = arith.constant 0 : i32
      %dma_wait3A_294 = tpu.memref_slice %arg22[%dma_wait3A_292, %dma_wait3A_293] : memref<10112x128xf32, #tpu.memory_space<vmem_shared>> -> memref<10112x128xf32, #tpu.memory_space<vmem_shared>>
      tpu.wait_indirect_dma semaphore(%arg21 : memref<!tpu.dma_semaphore, #tpu.memory_space<semaphore_mem>>) src(%arg15 : memref<40x128xf32, #tpu.memory_space<vmem>>) dst(%dma_wait3A_294 : memref<10112x128xf32, #tpu.memory_space<vmem_shared>>)
    }
    %scan3A_9 = arith.constant 5 : i32
    %barrier3A_10 = arith.constant 0 : index
    tpu.barrier barrier_id(%barrier3A_10)
    %mul3A_11 = arith.constant 632 : i32
    %mul3A_12 = arith.muli %arg1, %mul3A_11 : i32
    %mul3A_13 = arith.constant 632 : i32
    %mul3A_14 = arith.muli %arg1, %mul3A_13 : i32
    "tpu.region"() ({
      %run_scoped3A = tpu.sem_alloc : memref<!tpu.dma_semaphore, #tpu.memory_space<semaphore_mem>>
      %dma_start3A = arith.constant 0 : i32
      %dma_start3A_15 = tpu.memref_slice %arg7[%arg0, %mul3A_14, %dma_start3A] : memref<2x10112x128xf32, #tpu.memory_space<hbm>> -> memref<1x632x128xf32, #tpu.memory_space<hbm>>
      %dma_start3A_16 = tpu.memref_squeeze %dma_start3A_15 : memref<1x632x128xf32, #tpu.memory_space<hbm>> -> memref<632x128xf32, #tpu.memory_space<hbm>>
      %dma_start3A_17 = arith.constant 0 : i32
      %dma_start3A_18 = tpu.memref_slice %arg22[%mul3A_12, %dma_start3A_17] : memref<10112x128xf32, #tpu.memory_space<vmem_shared>> -> memref<632x128xf32, #tpu.memory_space<vmem_shared>>
      tpu.enqueue_dma source(%dma_start3A_18 : memref<632x128xf32, #tpu.memory_space<vmem_shared>>) target(%dma_start3A_16 : memref<632x128xf32, #tpu.memory_space<hbm>>) target_semaphore(%run_scoped3A : memref<!tpu.dma_semaphore, #tpu.memory_space<semaphore_mem>>)
      %dma_wait3A = arith.constant 0 : i32
      %dma_wait3A_19 = tpu.memref_slice %arg7[%arg0, %mul3A_14, %dma_wait3A] : memref<2x10112x128xf32, #tpu.memory_space<hbm>> -> memref<1x632x128xf32, #tpu.memory_space<hbm>>
      %dma_wait3A_20 = tpu.memref_squeeze %dma_wait3A_19 : memref<1x632x128xf32, #tpu.memory_space<hbm>> -> memref<632x128xf32, #tpu.memory_space<hbm>>
      %dma_wait3A_21 = arith.constant 0 : i32
      %dma_wait3A_22 = tpu.memref_slice %arg22[%mul3A_12, %dma_wait3A_21] : memref<10112x128xf32, #tpu.memory_space<vmem_shared>> -> memref<632x128xf32, #tpu.memory_space<vmem_shared>>
      tpu.wait_dma2 semaphore(%run_scoped3A : memref<!tpu.dma_semaphore, #tpu.memory_space<semaphore_mem>>) src(%dma_wait3A_22 : memref<632x128xf32, #tpu.memory_space<vmem_shared>>) dst(%dma_wait3A_20 : memref<632x128xf32, #tpu.memory_space<hbm>>)
      tpu.yield
    }) : () -> ()
    return
  }
}

module attributes {stable_mosaic.version = 14 : i64} {
  func.func @_xw_body(%arg0: i32, %arg1: memref<1000x128xf32, #tpu.memory_space<vmem>>, %arg2: memref<128x128xf32, #tpu.memory_space<vmem>>, %arg3: memref<1000x128xf32, #tpu.memory_space<vmem>>) attributes {dimension_semantics = [#tpu.dimension_semantics<arbitrary>], iteration_bounds = array<i64: 10>, scalar_prefetch = 0 : i64, scratch_operands = 0 : i64, tpu.core_type = #tpu.core_type<tc>, window_params = [{transform_indices = @transform_0, window_bounds = array<i64: 1000, 128>}, {pipeline_mode = #tpu.pipeline_mode<synchronous>, transform_indices = @transform_1, window_bounds = array<i64: 128, 128>}, {transform_indices = @transform_2, window_bounds = array<i64: 1000, 128>}]} {
    %get3A = arith.constant 0 : index
    %get3A_0 = arith.constant 0 : index
    %get3A_1 = vector.load %arg1[%get3A, %get3A_0] : memref<1000x128xf32, #tpu.memory_space<vmem>>, vector<1000x128xf32>
    %get3A_2 = arith.constant 0 : index
    %get3A_3 = arith.constant 0 : index
    %get3A_4 = vector.load %arg2[%get3A_2, %get3A_3] : memref<128x128xf32, #tpu.memory_space<vmem>>, vector<128x128xf32>
    %dot_general3A = arith.constant dense<0.000000e+00> : vector<1000x128xf32>
    %dot_general3A_5 = tpu.matmul %get3A_1, %get3A_4, %dot_general3A {dimension_numbers = #tpu.dot_dimension_numbers<[1], [0], [0], [1], [0, 0, 1, 1], [], []>, transpose_lhs_hint = false} : vector<1000x128xf32>, vector<128x128xf32>, vector<1000x128xf32> -> vector<1000x128xf32>
    %swap3A = arith.constant 0 : index
    %swap3A_6 = arith.constant 0 : index
    %swap3A_7 = vector.load %arg3[%swap3A, %swap3A_6] : memref<1000x128xf32, #tpu.memory_space<vmem>>, vector<1000x128xf32>
    tpu.vector_store %arg3[%swap3A, %swap3A_6], %dot_general3A_5 {strides = array<i32>} : memref<1000x128xf32, #tpu.memory_space<vmem>>, vector<1000x128xf32>,
    return
  }
  func.func @transform_0(%arg0: i32) -> (i32, i32) {
    %c0_i32 = arith.constant 0 : i32
    %c0_i32_0 = arith.constant 0 : i32
    return %arg0, %c0_i32 : i32, i32
  }
  func.func @transform_1(%arg0: i32) -> (i32, i32) {
    %c0_i32 = arith.constant 0 : i32
    %c0_i32_0 = arith.constant 0 : i32
    %c0_i32_1 = arith.constant 0 : i32
    return %c0_i32, %c0_i32_0 : i32, i32
  }
  func.func @transform_2(%arg0: i32) -> (i32, i32) {
    %c0_i32 = arith.constant 0 : i32
    %c0_i32_0 = arith.constant 0 : i32
    return %arg0, %c0_i32 : i32, i32
  }
}

module attributes {stable_mosaic.version = 14 : i64} {
  func.func @_fmlp_body(%arg0: i32, %arg1: memref<2000x128xf32, #tpu.memory_space<vmem>>, %arg2: memref<128x128xbf16, #tpu.memory_space<vmem>>, %arg3: memref<1x128xf32, #tpu.memory_space<vmem>>, %arg4: memref<128x128xbf16, #tpu.memory_space<vmem>>, %arg5: memref<1x128xf32, #tpu.memory_space<vmem>>, %arg6: memref<2000x128xf32, #tpu.memory_space<vmem>>) attributes {dimension_semantics = [#tpu.dimension_semantics<arbitrary>], iteration_bounds = array<i64: 80>, scalar_prefetch = 0 : i64, scratch_operands = 0 : i64, tpu.core_type = #tpu.core_type<tc>, window_params = [{transform_indices = @transform_0, window_bounds = array<i64: 2000, 128>}, {pipeline_mode = #tpu.pipeline_mode<synchronous>, transform_indices = @transform_1, window_bounds = array<i64: 128, 128>}, {pipeline_mode = #tpu.pipeline_mode<synchronous>, transform_indices = @transform_2, window_bounds = array<i64: 1, 128>}, {pipeline_mode = #tpu.pipeline_mode<synchronous>, transform_indices = @transform_3, window_bounds = array<i64: 128, 128>}, {pipeline_mode = #tpu.pipeline_mode<synchronous>, transform_indices = @transform_4, window_bounds = array<i64: 1, 128>}, {transform_indices = @transform_5, window_bounds = array<i64: 2000, 128>}]} {
    %get3A = arith.constant 0 : index
    %get3A_0 = arith.constant 0 : index
    %get3A_1 = vector.load %arg1[%get3A, %get3A_0] : memref<2000x128xf32, #tpu.memory_space<vmem>>, vector<2000x128xf32>
    %convert_element_type3A = arith.truncf %get3A_1 : vector<2000x128xf32> to vector<2000x128xbf16>
    %get3A_2 = arith.constant 0 : index
    %get3A_3 = arith.constant 0 : index
    %get3A_4 = vector.load %arg2[%get3A_2, %get3A_3] : memref<128x128xbf16, #tpu.memory_space<vmem>>, vector<128x128xbf16>
    %dot_general3A = arith.constant dense<0.000000e+00> : vector<2000x128xf32>
    %dot_general3A_5 = tpu.matmul %convert_element_type3A, %get3A_4, %dot_general3A {dimension_numbers = #tpu.dot_dimension_numbers<[1], [0], [0], [1], [0, 0, 1, 1], [], []>, transpose_lhs_hint = false} : vector<2000x128xbf16>, vector<128x128xbf16>, vector<2000x128xf32> -> vector<2000x128xf32>
    %get3A_6 = arith.constant 0 : index
    %get3A_7 = arith.constant 0 : index
    %get3A_8 = vector.load %arg3[%get3A_6, %get3A_7] : memref<1x128xf32, #tpu.memory_space<vmem>>, vector<1x128xf32>
    %add3A = vector.broadcast %get3A_8 : vector<1x128xf32> to vector<2000x128xf32>
    %add3A_9 = arith.addf %dot_general3A_5, %add3A : vector<2000x128xf32>
    %mul3A = arith.constant 1.44269502 : f32
    %mul3A_10 = vector.broadcast %mul3A : f32 to vector<2000x128xf32>
    %mul3A_11 = arith.mulf %add3A_9, %mul3A_10 : vector<2000x128xf32>
    %exp23A = math.exp2 %mul3A_11 : vector<2000x128xf32>
    %add3A_12 = arith.constant 1.000000e+00 : f32
    %add3A_13 = vector.broadcast %add3A_12 : f32 to vector<2000x128xf32>
    %add3A_14 = arith.addf %add3A_13, %exp23A : vector<2000x128xf32>
    %log3A = math.log %add3A_14 : vector<2000x128xf32>
    %log3A_15 = arith.constant 2.000000e+00 : f32
    %log3A_16 = math.log %log3A_15 : f32
    %div3A = vector.broadcast %log3A_16 : f32 to vector<2000x128xf32>
    %div3A_17 = arith.divf %log3A, %div3A : vector<2000x128xf32>
    %sub3A = arith.constant 1.000000e+00 : f32
    %sub3A_18 = vector.broadcast %sub3A : f32 to vector<2000x128xf32>
    %sub3A_19 = arith.subf %div3A_17, %sub3A_18 : vector<2000x128xf32>
    %mul3A_20 = arith.constant 0.693147182 : f32
    %mul3A_21 = vector.broadcast %mul3A_20 : f32 to vector<2000x128xf32>
    %mul3A_22 = arith.mulf %sub3A_19, %mul3A_21 : vector<2000x128xf32>
    %convert_element_type3A_23 = arith.truncf %mul3A_22 : vector<2000x128xf32> to vector<2000x128xbf16>
    %get3A_24 = arith.constant 0 : index
    %get3A_25 = arith.constant 0 : index
    %get3A_26 = vector.load %arg4[%get3A_24, %get3A_25] : memref<128x128xbf16, #tpu.memory_space<vmem>>, vector<128x128xbf16>
    %dot_general3A_27 = arith.constant dense<0.000000e+00> : vector<2000x128xf32>
    %dot_general3A_28 = tpu.matmul %convert_element_type3A_23, %get3A_26, %dot_general3A_27 {dimension_numbers = #tpu.dot_dimension_numbers<[1], [0], [0], [1], [0, 0, 1, 1], [], []>, transpose_lhs_hint = false} : vector<2000x128xbf16>, vector<128x128xbf16>, vector<2000x128xf32> -> vector<2000x128xf32>
    %get3A_29 = arith.constant 0 : index
    %get3A_30 = arith.constant 0 : index
    %get3A_31 = vector.load %arg5[%get3A_29, %get3A_30] : memref<1x128xf32, #tpu.memory_space<vmem>>, vector<1x128xf32>
    %add3A_32 = vector.broadcast %get3A_31 : vector<1x128xf32> to vector<2000x128xf32>
    %add3A_33 = arith.addf %dot_general3A_28, %add3A_32 : vector<2000x128xf32>
    %mul3A_34 = arith.constant 1.44269502 : f32
    %mul3A_35 = vector.broadcast %mul3A_34 : f32 to vector<2000x128xf32>
    %mul3A_36 = arith.mulf %add3A_33, %mul3A_35 : vector<2000x128xf32>
    %exp23A_37 = math.exp2 %mul3A_36 : vector<2000x128xf32>
    %add3A_38 = arith.constant 1.000000e+00 : f32
    %add3A_39 = vector.broadcast %add3A_38 : f32 to vector<2000x128xf32>
    %add3A_40 = arith.addf %add3A_39, %exp23A_37 : vector<2000x128xf32>
    %log3A_41 = math.log %add3A_40 : vector<2000x128xf32>
    %log3A_42 = arith.constant 2.000000e+00 : f32
    %log3A_43 = math.log %log3A_42 : f32
    %div3A_44 = vector.broadcast %log3A_43 : f32 to vector<2000x128xf32>
    %div3A_45 = arith.divf %log3A_41, %div3A_44 : vector<2000x128xf32>
    %sub3A_46 = arith.constant 1.000000e+00 : f32
    %sub3A_47 = vector.broadcast %sub3A_46 : f32 to vector<2000x128xf32>
    %sub3A_48 = arith.subf %div3A_45, %sub3A_47 : vector<2000x128xf32>
    %mul3A_49 = arith.constant 0.693147182 : f32
    %mul3A_50 = vector.broadcast %mul3A_49 : f32 to vector<2000x128xf32>
    %mul3A_51 = arith.mulf %sub3A_48, %mul3A_50 : vector<2000x128xf32>
    %swap3A = arith.constant 0 : index
    %swap3A_52 = arith.constant 0 : index
    %swap3A_53 = vector.load %arg6[%swap3A, %swap3A_52] : memref<2000x128xf32, #tpu.memory_space<vmem>>, vector<2000x128xf32>
    tpu.vector_store %arg6[%swap3A, %swap3A_52], %mul3A_51 {strides = array<i32>} : memref<2000x128xf32, #tpu.memory_space<vmem>>, vector<2000x128xf32>,
    return
  }
  func.func @transform_0(%arg0: i32) -> (i32, i32) {
    %add3A = arith.constant 0 : i32
    %add3A_0 = arith.addi %add3A, %arg0 : i32
    %c0_i32 = arith.constant 0 : i32
    %c0_i32_1 = arith.constant 0 : i32
    return %add3A_0, %c0_i32 : i32, i32
  }
  func.func @transform_1(%arg0: i32) -> (i32, i32) {
    %c0_i32 = arith.constant 0 : i32
    %c0_i32_0 = arith.constant 0 : i32
    %c0_i32_1 = arith.constant 0 : i32
    return %c0_i32, %c0_i32_0 : i32, i32
  }
  func.func @transform_2(%arg0: i32) -> (i32, i32) {
    %c0_i32 = arith.constant 0 : i32
    %c0_i32_0 = arith.constant 0 : i32
    %c0_i32_1 = arith.constant 0 : i32
    return %c0_i32, %c0_i32_0 : i32, i32
  }
  func.func @transform_3(%arg0: i32) -> (i32, i32) {
    %c0_i32 = arith.constant 0 : i32
    %c0_i32_0 = arith.constant 0 : i32
    %c0_i32_1 = arith.constant 0 : i32
    return %c0_i32, %c0_i32_0 : i32, i32
  }
  func.func @transform_4(%arg0: i32) -> (i32, i32) {
    %c0_i32 = arith.constant 0 : i32
    %c0_i32_0 = arith.constant 0 : i32
    %c0_i32_1 = arith.constant 0 : i32
    return %c0_i32, %c0_i32_0 : i32, i32
  }
  func.func @transform_5(%arg0: i32) -> (i32, i32) {
    %c0_i32 = arith.constant 0 : i32
    %c0_i32_0 = arith.constant 0 : i32
    return %arg0, %c0_i32 : i32, i32
  }
}

module attributes {stable_mosaic.version = 14 : i64} {
  func.func @_fmlp_body(%arg0: i32, %arg1: memref<2000x128xf32, #tpu.memory_space<vmem>>, %arg2: memref<128x128xbf16, #tpu.memory_space<vmem>>, %arg3: memref<1x128xf32, #tpu.memory_space<vmem>>, %arg4: memref<128x128xbf16, #tpu.memory_space<vmem>>, %arg5: memref<1x128xf32, #tpu.memory_space<vmem>>, %arg6: memref<2000x128xf32, #tpu.memory_space<vmem>>) attributes {dimension_semantics = [#tpu.dimension_semantics<arbitrary>], iteration_bounds = array<i64: 80>, scalar_prefetch = 0 : i64, scratch_operands = 0 : i64, tpu.core_type = #tpu.core_type<tc>, window_params = [{transform_indices = @transform_0, window_bounds = array<i64: 2000, 128>}, {pipeline_mode = #tpu.pipeline_mode<synchronous>, transform_indices = @transform_1, window_bounds = array<i64: 128, 128>}, {pipeline_mode = #tpu.pipeline_mode<synchronous>, transform_indices = @transform_2, window_bounds = array<i64: 1, 128>}, {pipeline_mode = #tpu.pipeline_mode<synchronous>, transform_indices = @transform_3, window_bounds = array<i64: 128, 128>}, {pipeline_mode = #tpu.pipeline_mode<synchronous>, transform_indices = @transform_4, window_bounds = array<i64: 1, 128>}, {transform_indices = @transform_5, window_bounds = array<i64: 2000, 128>}]} {
    %get3A = arith.constant 0 : index
    %get3A_0 = arith.constant 0 : index
    %get3A_1 = vector.load %arg1[%get3A, %get3A_0] : memref<2000x128xf32, #tpu.memory_space<vmem>>, vector<2000x128xf32>
    %convert_element_type3A = arith.truncf %get3A_1 : vector<2000x128xf32> to vector<2000x128xbf16>
    %get3A_2 = arith.constant 0 : index
    %get3A_3 = arith.constant 0 : index
    %get3A_4 = vector.load %arg2[%get3A_2, %get3A_3] : memref<128x128xbf16, #tpu.memory_space<vmem>>, vector<128x128xbf16>
    %dot_general3A = arith.constant dense<0.000000e+00> : vector<2000x128xf32>
    %dot_general3A_5 = tpu.matmul %convert_element_type3A, %get3A_4, %dot_general3A {dimension_numbers = #tpu.dot_dimension_numbers<[1], [0], [0], [1], [0, 0, 1, 1], [], []>, transpose_lhs_hint = false} : vector<2000x128xbf16>, vector<128x128xbf16>, vector<2000x128xf32> -> vector<2000x128xf32>
    %get3A_6 = arith.constant 0 : index
    %get3A_7 = arith.constant 0 : index
    %get3A_8 = vector.load %arg3[%get3A_6, %get3A_7] : memref<1x128xf32, #tpu.memory_space<vmem>>, vector<1x128xf32>
    %add3A = vector.broadcast %get3A_8 : vector<1x128xf32> to vector<2000x128xf32>
    %add3A_9 = arith.addf %dot_general3A_5, %add3A : vector<2000x128xf32>
    %mul3A = arith.constant 1.44269502 : f32
    %mul3A_10 = vector.broadcast %mul3A : f32 to vector<2000x128xf32>
    %mul3A_11 = arith.mulf %add3A_9, %mul3A_10 : vector<2000x128xf32>
    %exp23A = math.exp2 %mul3A_11 : vector<2000x128xf32>
    %add3A_12 = arith.constant 1.000000e+00 : f32
    %add3A_13 = vector.broadcast %add3A_12 : f32 to vector<2000x128xf32>
    %add3A_14 = arith.addf %add3A_13, %exp23A : vector<2000x128xf32>
    %log3A = math.log %add3A_14 : vector<2000x128xf32>
    %log3A_15 = arith.constant 2.000000e+00 : f32
    %log3A_16 = math.log %log3A_15 : f32
    %div3A = vector.broadcast %log3A_16 : f32 to vector<2000x128xf32>
    %div3A_17 = arith.divf %log3A, %div3A : vector<2000x128xf32>
    %sub3A = arith.constant 1.000000e+00 : f32
    %sub3A_18 = vector.broadcast %sub3A : f32 to vector<2000x128xf32>
    %sub3A_19 = arith.subf %div3A_17, %sub3A_18 : vector<2000x128xf32>
    %mul3A_20 = arith.constant 0.693147182 : f32
    %mul3A_21 = vector.broadcast %mul3A_20 : f32 to vector<2000x128xf32>
    %mul3A_22 = arith.mulf %sub3A_19, %mul3A_21 : vector<2000x128xf32>
    %convert_element_type3A_23 = arith.truncf %mul3A_22 : vector<2000x128xf32> to vector<2000x128xbf16>
    %get3A_24 = arith.constant 0 : index
    %get3A_25 = arith.constant 0 : index
    %get3A_26 = vector.load %arg4[%get3A_24, %get3A_25] : memref<128x128xbf16, #tpu.memory_space<vmem>>, vector<128x128xbf16>
    %dot_general3A_27 = arith.constant dense<0.000000e+00> : vector<2000x128xf32>
    %dot_general3A_28 = tpu.matmul %convert_element_type3A_23, %get3A_26, %dot_general3A_27 {dimension_numbers = #tpu.dot_dimension_numbers<[1], [0], [0], [1], [0, 0, 1, 1], [], []>, transpose_lhs_hint = false} : vector<2000x128xbf16>, vector<128x128xbf16>, vector<2000x128xf32> -> vector<2000x128xf32>
    %get3A_29 = arith.constant 0 : index
    %get3A_30 = arith.constant 0 : index
    %get3A_31 = vector.load %arg5[%get3A_29, %get3A_30] : memref<1x128xf32, #tpu.memory_space<vmem>>, vector<1x128xf32>
    %add3A_32 = vector.broadcast %get3A_31 : vector<1x128xf32> to vector<2000x128xf32>
    %add3A_33 = arith.addf %dot_general3A_28, %add3A_32 : vector<2000x128xf32>
    %mul3A_34 = arith.constant 1.44269502 : f32
    %mul3A_35 = vector.broadcast %mul3A_34 : f32 to vector<2000x128xf32>
    %mul3A_36 = arith.mulf %add3A_33, %mul3A_35 : vector<2000x128xf32>
    %exp23A_37 = math.exp2 %mul3A_36 : vector<2000x128xf32>
    %add3A_38 = arith.constant 1.000000e+00 : f32
    %add3A_39 = vector.broadcast %add3A_38 : f32 to vector<2000x128xf32>
    %add3A_40 = arith.addf %add3A_39, %exp23A_37 : vector<2000x128xf32>
    %log3A_41 = math.log %add3A_40 : vector<2000x128xf32>
    %log3A_42 = arith.constant 2.000000e+00 : f32
    %log3A_43 = math.log %log3A_42 : f32
    %div3A_44 = vector.broadcast %log3A_43 : f32 to vector<2000x128xf32>
    %div3A_45 = arith.divf %log3A_41, %div3A_44 : vector<2000x128xf32>
    %sub3A_46 = arith.constant 1.000000e+00 : f32
    %sub3A_47 = vector.broadcast %sub3A_46 : f32 to vector<2000x128xf32>
    %sub3A_48 = arith.subf %div3A_45, %sub3A_47 : vector<2000x128xf32>
    %mul3A_49 = arith.constant 0.693147182 : f32
    %mul3A_50 = vector.broadcast %mul3A_49 : f32 to vector<2000x128xf32>
    %mul3A_51 = arith.mulf %sub3A_48, %mul3A_50 : vector<2000x128xf32>
    %swap3A = arith.constant 0 : index
    %swap3A_52 = arith.constant 0 : index
    %swap3A_53 = vector.load %arg6[%swap3A, %swap3A_52] : memref<2000x128xf32, #tpu.memory_space<vmem>>, vector<2000x128xf32>
    tpu.vector_store %arg6[%swap3A, %swap3A_52], %mul3A_51 {strides = array<i32>} : memref<2000x128xf32, #tpu.memory_space<vmem>>, vector<2000x128xf32>,
    return
  }
  func.func @transform_0(%arg0: i32) -> (i32, i32) {
    %add3A = arith.constant 80 : i32
    %add3A_0 = arith.addi %add3A, %arg0 : i32
    %c0_i32 = arith.constant 0 : i32
    %c0_i32_1 = arith.constant 0 : i32
    return %add3A_0, %c0_i32 : i32, i32
  }
  func.func @transform_1(%arg0: i32) -> (i32, i32) {
    %c0_i32 = arith.constant 0 : i32
    %c0_i32_0 = arith.constant 0 : i32
    %c0_i32_1 = arith.constant 0 : i32
    return %c0_i32, %c0_i32_0 : i32, i32
  }
  func.func @transform_2(%arg0: i32) -> (i32, i32) {
    %c0_i32 = arith.constant 0 : i32
    %c0_i32_0 = arith.constant 0 : i32
    %c0_i32_1 = arith.constant 0 : i32
    return %c0_i32, %c0_i32_0 : i32, i32
  }
  func.func @transform_3(%arg0: i32) -> (i32, i32) {
    %c0_i32 = arith.constant 0 : i32
    %c0_i32_0 = arith.constant 0 : i32
    %c0_i32_1 = arith.constant 0 : i32
    return %c0_i32, %c0_i32_0 : i32, i32
  }
  func.func @transform_4(%arg0: i32) -> (i32, i32) {
    %c0_i32 = arith.constant 0 : i32
    %c0_i32_0 = arith.constant 0 : i32
    %c0_i32_1 = arith.constant 0 : i32
    return %c0_i32, %c0_i32_0 : i32, i32
  }
  func.func @transform_5(%arg0: i32) -> (i32, i32) {
    %c0_i32 = arith.constant 0 : i32
    %c0_i32_0 = arith.constant 0 : i32
    return %arg0, %c0_i32 : i32, i32
  }
}

module attributes {stable_mosaic.version = 14 : i64} {
  func.func @_state_body(%arg0: i32, %arg1: memref<2x1000x128xf32, #tpu.memory_space<vmem>>, %arg2: memref<128x128xf32, #tpu.memory_space<vmem>>, %arg3: memref<128x128xf32, #tpu.memory_space<vmem>>, %arg4: memref<1000x128xf32, #tpu.memory_space<vmem>>) attributes {dimension_semantics = [#tpu.dimension_semantics<arbitrary>], iteration_bounds = array<i64: 10>, scalar_prefetch = 0 : i64, scratch_operands = 0 : i64, tpu.core_type = #tpu.core_type<tc>, window_params = [{transform_indices = @transform_0, window_bounds = array<i64: 2, 1000, 128>}, {pipeline_mode = #tpu.pipeline_mode<synchronous>, transform_indices = @transform_1, window_bounds = array<i64: 128, 128>}, {pipeline_mode = #tpu.pipeline_mode<synchronous>, transform_indices = @transform_2, window_bounds = array<i64: 128, 128>}, {transform_indices = @transform_3, window_bounds = array<i64: 1000, 128>}]} {
    %get3A = arith.constant 0 : index
    %get3A_0 = arith.constant 0 : index
    %get3A_1 = arith.constant 0 : index
    %get3A_2 = vector.load %arg1[%get3A, %get3A_0, %get3A_1] : memref<2x1000x128xf32, #tpu.memory_space<vmem>>, vector<1x1000x128xf32>
    %get3A_3 = vector.shape_cast %get3A_2 : vector<1x1000x128xf32> to vector<1000x128xf32>
    %get3A_4 = arith.constant 1 : index
    %get3A_5 = arith.constant 0 : index
    %get3A_6 = arith.constant 0 : index
    %get3A_7 = vector.load %arg1[%get3A_4, %get3A_5, %get3A_6] : memref<2x1000x128xf32, #tpu.memory_space<vmem>>, vector<1x1000x128xf32>
    %get3A_8 = vector.shape_cast %get3A_7 : vector<1x1000x128xf32> to vector<1000x128xf32>
    %add3A = arith.addf %get3A_3, %get3A_8 : vector<1000x128xf32>
    %get3A_9 = arith.constant 0 : index
    %get3A_10 = arith.constant 0 : index
    %get3A_11 = vector.load %arg2[%get3A_9, %get3A_10] : memref<128x128xf32, #tpu.memory_space<vmem>>, vector<128x128xf32>
    %dot_general3A = arith.constant dense<0.000000e+00> : vector<1000x128xf32>
    %dot_general3A_12 = tpu.matmul %add3A, %get3A_11, %dot_general3A {dimension_numbers = #tpu.dot_dimension_numbers<[1], [0], [0], [1], [0, 0, 1, 1], [], []>, transpose_lhs_hint = false} : vector<1000x128xf32>, vector<128x128xf32>, vector<1000x128xf32> -> vector<1000x128xf32>
    %mul3A = arith.constant 1.44269502 : f32
    %mul3A_13 = vector.broadcast %mul3A : f32 to vector<1000x128xf32>
    %mul3A_14 = arith.mulf %dot_general3A_12, %mul3A_13 : vector<1000x128xf32>
    %exp23A = math.exp2 %mul3A_14 : vector<1000x128xf32>
    %add3A_15 = arith.constant 1.000000e+00 : f32
    %add3A_16 = vector.broadcast %add3A_15 : f32 to vector<1000x128xf32>
    %add3A_17 = arith.addf %add3A_16, %exp23A : vector<1000x128xf32>
    %log3A = math.log %add3A_17 : vector<1000x128xf32>
    %log3A_18 = arith.constant 2.000000e+00 : f32
    %log3A_19 = math.log %log3A_18 : f32
    %div3A = vector.broadcast %log3A_19 : f32 to vector<1000x128xf32>
    %div3A_20 = arith.divf %log3A, %div3A : vector<1000x128xf32>
    %sub3A = arith.constant 1.000000e+00 : f32
    %sub3A_21 = vector.broadcast %sub3A : f32 to vector<1000x128xf32>
    %sub3A_22 = arith.subf %div3A_20, %sub3A_21 : vector<1000x128xf32>
    %mul3A_23 = arith.constant 0.693147182 : f32
    %mul3A_24 = vector.broadcast %mul3A_23 : f32 to vector<1000x128xf32>
    %mul3A_25 = arith.mulf %sub3A_22, %mul3A_24 : vector<1000x128xf32>
    %get3A_26 = arith.constant 0 : index
    %get3A_27 = arith.constant 0 : index
    %get3A_28 = vector.load %arg3[%get3A_26, %get3A_27] : memref<128x128xf32, #tpu.memory_space<vmem>>, vector<128x128xf32>
    %dot_general3A_29 = arith.constant dense<0.000000e+00> : vector<1000x128xf32>
    %dot_general3A_30 = tpu.matmul %mul3A_25, %get3A_28, %dot_general3A_29 {dimension_numbers = #tpu.dot_dimension_numbers<[1], [0], [0], [1], [0, 0, 1, 1], [], []>, transpose_lhs_hint = false} : vector<1000x128xf32>, vector<128x128xf32>, vector<1000x128xf32> -> vector<1000x128xf32>
    %swap3A = arith.constant 0 : index
    %swap3A_31 = arith.constant 0 : index
    %swap3A_32 = vector.load %arg4[%swap3A, %swap3A_31] : memref<1000x128xf32, #tpu.memory_space<vmem>>, vector<1000x128xf32>
    tpu.vector_store %arg4[%swap3A, %swap3A_31], %dot_general3A_30 {strides = array<i32>} : memref<1000x128xf32, #tpu.memory_space<vmem>>, vector<1000x128xf32>,
    return
  }
  func.func @transform_0(%arg0: i32) -> (i32, i32, i32) {
    %c0_i32 = arith.constant 0 : i32
    %c0_i32_0 = arith.constant 0 : i32
    %c0_i32_1 = arith.constant 0 : i32
    return %c0_i32, %arg0, %c0_i32_0 : i32, i32, i32
  }
  func.func @transform_1(%arg0: i32) -> (i32, i32) {
    %c0_i32 = arith.constant 0 : i32
    %c0_i32_0 = arith.constant 0 : i32
    %c0_i32_1 = arith.constant 0 : i32
    return %c0_i32, %c0_i32_0 : i32, i32
  }
  func.func @transform_2(%arg0: i32) -> (i32, i32) {
    %c0_i32 = arith.constant 0 : i32
    %c0_i32_0 = arith.constant 0 : i32
    %c0_i32_1 = arith.constant 0 : i32
    return %c0_i32, %c0_i32_0 : i32, i32
  }
  func.func @transform_3(%arg0: i32) -> (i32, i32) {
    %c0_i32 = arith.constant 0 : i32
    %c0_i32_0 = arith.constant 0 : i32
    return %arg0, %c0_i32 : i32, i32
  }
}

</mosaic_0001>

<sc_bundles>
// kernel: kernel.11.cloned.1.call-start
scs
__scs_entry_jumppad:
0x0: {  	(pc) =	sbr.rel $0x88, $3  }
0x1: {  	(tag) =	ssettag $0x0;
	lr =	simm.s32 $0x1  }
0x2: {  	[smem:$0x3F97] =	sst lr;
	_ =	strace $0xD0000000  }
0x3: {  	_ = 	snop  }
0x4: {  	_ = 	snop  }
0x5: {  	_ = 	snop  }
0x6: {  	_ = 	snop  }
0x7: {  	_ = 	snop  }
__scs_overlays_trampoline_lowered:
0x8: {  	[smem:$0x3FA6] =	sst s0  }
0x9: {  	[smem:$0x3FA7] =	sst s1  }
0xa: {  	[smem:$0x3FA8] =	sst s2  }
0xb: {  	[smem:$0x3FA9] =	sst s3  }
0xc: {  	[smem:$0x3FAA] =	sst s4  }
0xd: {  	[smem:$0x3FAB] =	sst s5  }
0xe: {  	[smem:$0x3FAC] =	sst s6  }
0xf: {  	[smem:$0x3FAD] =	sst s7  }
0x10: {  	[smem:$0x3FAE] =	sst s8  }
0x11: {  	[smem:$0x3FAF] =	sst s9;
	s0 =	simm.s32 @!p0 $0x0  }
0x12: {  	s1 =	sld [smem:$0x3F95];
	s0 =	simm.s32 @p0 $0x1  }
0x13: {  	[smem:$0x3FB0] =	sst s0;
	s0 =	simm.s32 @!p1 $0x0  }
0x14: {  	s2 =	sld [smem:$0x3F94];
	s0 =	simm.s32 @p1 $0x1  }
0x15: {  	[smem:$0x3FB1] =	sst s0;
	s0 =	simm.s32 @!p2 $0x0  }
0x16: {  	s3 =	sld [smem:$0x3FDB];
	s0 =	simm.s32 @p2 $0x1  }
0x17: {  	s4 =	simm.s32 $0x1BF5;
	[smem:$0x3FB3] =	sst s0  }
0x18: {  	s0 =	sld [smem:$0x3F96];
	_ =	swait.ge [sflag:s4], $0x0  }
0x19: {  	s7 =	sld [smem:$0x3F97]  }
0x1a: {  	s8 =	sadd.s32 $0xFFFFE003, lr  }
0x1b: {  	s9 =	sadd.s32 $0xFFFFFEF7, lr;
	s5 =	simm.s32 $0xFFFFFFFF;
	p2 =	slt.u32 s8, $0xFFFFF086  }
0x1c: {  	p1 =	slt.u32 s9, $0xF7A;
	s5 =	simm.s32 @!p2 $0x0  }
0x1d: {  	s5 =	simm.s32 @p1 $0x1;
	p0 =	seq.s32 s7, s2  }
0x1e: {  	s7 =	smul.u32 @!p0 $0xF7A, s2;
	p2 =	seq.s32 @!p0 s5, $0x0  }
0x1f: {  	s9 =	smul.u32 $0xF7A, s1;
	s8 =	simm.s32 @!p0 $0x1BF5;
	p2 =	por !p2, p0  }
0x20: {  	[sflag:s8] =	ssyncset.s32 @!p0 $0xFFFFF086;
	s6 =	sadd.s32 @!p0 s3, s7;
	s7 =	simm.s32 @!p0 $0x108  }
0x21: {  	s3 =	sadd.s32 s3, s9;
	s6 =	sadd.s32 @!p0 $0x88, s6;
	s7 =	simm.s32 @p2 $0x1082  }
0x22: {  	[simem:s7], [sflag:s8] =	dma.local @!p0 [hbm:s6], $0xF7A  }
0x23: {  	s9 =	sor.u32 $0xD0000000, s2;
	s6 =	simm.s32 $0x108;
	_ =	swait.ge @!p0 [sflag:s8], $0x0  }
0x24: {  	s3 =	sadd.s32 $0x88, s3;
	s6 =	simm.s32 @!p1 $0x1082;
	[sflag:s4] =	ssyncset.s32 $0xFFFFF086  }
0x25: {  	[simem:s6], [sflag:s4] =	dma.local [hbm:s3], $0xF7A  }
0x26: {  	[smem:$0x3F97] =	sst s1;
	(tag) =	ssettag s2;
	_ =	strace s9  }
0x27: {  	s1 =	sld [smem:$0x3FA7]  }
0x28: {  	s2 =	sld [smem:$0x3FA8]  }
0x29: {  	s4 =	sld [smem:$0x3FAA]  }
0x2a: {  	p0 =	seq.s32 s5, $0x0;
	s5 =	sld [smem:$0x3FAB]  }
0x2b: {  	s6 =	sld [smem:$0x3FAC]  }
0x2c: {  	s7 =	sld [smem:$0x3FAD]  }
0x2d: {  	s3 =	simm.s32 $0x108;
	s8 =	sld [smem:$0x3FAE]  }
0x2e: {  	s3 =	simm.s32 @!p0 $0x1082;
	s9 =	sld [smem:$0x3FAF]  }
0x2f: {  	lr =	sadd.s32 s0, s3;
	s0 =	sld [smem:$0x3FA6]  }
0x30: {  	s3 =	sld [smem:$0x3FA9]  }
0x31: {  	[smem:$0x3FB2] =	sst s10  }
0x32: {  	s10 =	sld [smem:$0x3FB0];
	_ =	sdelay $0x3  }
0x33: {  	p0 =	seq.s32 s10, $0x1;
	s10 =	sld [smem:$0x3FB2];
	_ =	sdelay $0x3  }
0x34: {  	[smem:$0x3FB2] =	sst s10  }
0x35: {  	s10 =	sld [smem:$0x3FB1];
	_ =	sdelay $0x3  }
0x36: {  	p1 =	seq.s32 s10, $0x1;
	s10 =	sld [smem:$0x3FB2];
	_ =	sdelay $0x3  }
0x37: {  	[smem:$0x3FB2] =	sst s10  }
0x38: {  	s10 =	sld [smem:$0x3FB3]  }
0x39: {  	_ = 	snop;
	(pc) =	sbr.ind lr, $3  }
0x3a: {  	_ = 	snop  }
0x3b: {  	_ = 	snop  }
0x3c: {  	p2 =	seq.s32 s10, $0x1;
	s10 =	sld [smem:$0x3FB2]  }
0x3d: {  	_ =	shalt  }
0x3e: {  	_ =	shalt  }
0x3f: {  	_ =	shalt  }
0x40: {  	_ =	shalt  }
0x41: {  	_ =	shalt  }
0x42: {  	_ =	shalt  }
0x43: {  	_ =	shalt  }
0x44: {  	_ =	shalt  }
0x45: {  	_ =	shalt  }
0x46: {  	_ =	shalt  }
0x47: {  	_ =	shalt  }
0x48: {  	_ =	shalt  }
0x49: {  	_ =	shalt  }
0x4a: {  	_ =	shalt  }
0x4b: {  	_ =	shalt  }
0x4c: {  	_ =	shalt  }
0x4d: {  	_ =	shalt  }
0x4e: {  	_ =	shalt  }
0x4f: {  	_ =	shalt  }
0x50: {  	_ =	shalt  }
0x51: {  	_ =	shalt  }
0x52: {  	_ =	shalt  }
0x53: {  	_ =	shalt  }
0x54: {  	_ =	shalt  }
0x55: {  	_ =	shalt  }
0x56: {  	_ =	shalt  }
0x57: {  	_ =	shalt  }
0x58: {  	_ =	shalt  }
0x59: {  	_ =	shalt  }
0x5a: {  	_ =	shalt  }
0x5b: {  	_ =	shalt  }
0x5c: {  	_ =	shalt  }
0x5d: {  	_ =	shalt  }
0x5e: {  	_ =	shalt  }
0x5f: {  	_ =	shalt  }
0x60: {  	_ =	shalt  }
0x61: {  	_ =	shalt  }
0x62: {  	_ =	shalt  }
0x63: {  	_ =	shalt  }
0x64: {  	_ =	shalt  }
0x65: {  	_ =	shalt  }
0x66: {  	_ =	shalt  }
0x67: {  	_ =	shalt  }
0x68: {  	_ =	shalt  }
0x69: {  	_ =	shalt  }
0x6a: {  	_ =	shalt  }
0x6b: {  	_ =	shalt  }
0x6c: {  	_ =	shalt  }
0x6d: {  	_ =	shalt  }
0x6e: {  	_ =	shalt  }
0x6f: {  	_ =	shalt  }
0x70: {  	_ =	shalt  }
0x71: {  	_ =	shalt  }
0x72: {  	_ =	shalt  }
0x73: {  	_ =	shalt  }
0x74: {  	_ =	shalt  }
0x75: {  	_ =	shalt  }
0x76: {  	_ =	shalt  }
0x77: {  	_ =	shalt  }
0x78: {  	_ =	shalt  }
0x79: {  	_ =	shalt  }
0x7a: {  	_ =	shalt  }
0x7b: {  	_ =	shalt  }
0x7c: {  	_ =	shalt  }
0x7d: {  	_ =	shalt  }
0x7e: {  	_ =	shalt  }
0x7f: {  	_ =	shalt  }
0x80: {  	_ =	shalt  }
0x81: {  	_ =	shalt  }
0x82: {  	_ =	shalt  }
0x83: {  	_ =	shalt  }
0x84: {  	_ =	shalt  }
0x85: {  	_ =	shalt  }
0x86: {  	_ =	shalt  }
0x87: {  	_ =	shalt  }
.Lfunc_end0:
.L_simem_size_0:
called_computation.1_lowered:
.L_overlay_start_0:
0x88: {  	s2 =	sld [smem:$0x3FD9]  }
0x89: {  	s3 =	sld [smem:$0x3FFE];
	_ =	sdelay $0x1  }
0x8a: {  	s1 =	srdreg.scid  }
0x8b: {  	s0 =	sand.u32 $0x1, s1  }
0x8c: {  	s17 =	sshll.u32 s0, $0xA;
	s2 =	sadd.s32 s3, s2  }
0x8d: {  	s2 =	sadd.s32 s2, s17  }
0x8e: {  	[smem:$0x3FBE] =	sst s2  }
0x8f: {  	_ = 	snop  }
0x90: {  	s2 =	sld [smem:$0x3FD0];
	(tm) =	ssettm $0x1  }
0x91: {  	s18 =	sld [smem:$0x3FFB];
	_ =	sdelay $0x3  }
0x92: {  	_ =	strace s18  }
0x93: {  	s3 =	sld [smem:$0x3FFC];
	_ =	sdelay $0x3  }
0x94: {  	_ =	strace s3  }
0x95: {  	s3 =	sld [smem:$0x3FFD];
	_ =	sdelay $0x3  }
0x96: {  	_ =	strace s3  }
0x97: {  	_ =	strace $0x8FFFFFFF  }
0x98: {  	s19 =	sld [smem:$0x3FDB];
	_ =	sdelay $0x1  }
0x99: {  	s4 =	simm.s32 $_scs_section_size  }
0x9a: {  	s5 =	simm.s32 $_size__tile_overlayer_lowered;
	s6 =	simm.s32 $_tile_overlayer_lowered  }
0x9b: {  	s22 =	simm.s32 $0x1BFF;
	s21 =	sshll.u32 s6, $0x1;
	s3 =	sadd.s32 s4, s19  }
0x9c: {  	s7 =	simm.s32 $0x0;
	s20 =	sshll.u32 s5, $0x1;
	s5 =	sadd.s32 s21, s3  }
0x9d: {  	[timem:s7], [sflag:s22] =	dma.local [hbm:s5], s20  }
0x9e: {  	_ =	swait.ge [sflag:s22], s20  }
0x9f: {  	s4 =	ssub.s32 $0x0, s20;
	[sflag:s22] =	ssyncset.done $0x0  }
0xa0: {  	[sflag:s22] =	ssyncadd.s32 s4;
	_ =	sdelay $0x1  }
0xa1: {  	s23 =	simm.s32 $0x1B8B  }
0xa2: {  	_ =	swait.ge [sflag:s23], $0x1  }
0xa3: {  	[sflag:s23] =	ssyncset.done $0x0  }
0xa4: {  	s25 =	simm.s32 $0x1B8E;
	s24 =	sld [smem:$0x3FFE];
	[sflag:s23] =	ssyncadd.s32 $0xFFFFFFFF  }
0xa5: {  	s26 =	simm.s32 $execute0_lowered;
	[smem:$0x3FD2] =	sst s25  }
0xa6: {  	s5 =	sshll.u32 s26, $0x1;
	_ =	strace $0x80000049;
	[dreg:$0x1] =	wrdreg $0xFFFFFFFF  }
0xa7: {  	s28 =	simm.s32 $_size_execute0_lowered;
	s3 =	sadd.s32 s3, s5;
	[dreg:$0x0] =	wrdreg $0x0  }
0xa8: {  	s5 =	sshll.u32 s28, $0x1;
	[dreg:$0x2] =	wrdreg s3  }
0xa9: {  	[dreg:$0x3] =	wrdreg s5  }
0xaa: {  	[dreg:$0x4] =	wrdreg $0xC0  }
0xab: {  	_ =	task [dreg:s7], $0x5FFFF  }
0xac: {  	[dreg:$0x1] =	wrdreg $0xFFFFFFFF  }
0xad: {  	[dreg:$0x0] =	wrdreg $0x60  }
0xae: {  	[dreg:$0x2] =	wrdreg s2  }
0xaf: {  	[dreg:$0x3] =	wrdreg s24  }
0xb0: {  	[dreg:$0x4] =	wrdreg $0x98000  }
0xb1: {  	[dreg:$0x5] =	wrdreg $0x9  }
0xb2: {  	_ =	task.clear_ibuf [dreg:s7], $0x6FFFF;
	_ =	strace $0x90000049  }
0xb3: {  	s29 =	simm.s32 $0x9;
	_ =	strace $0x8000004B  }
0xb4: {  	_ =	swait.ge [sflag:s29], $0x1  }
0xb5: {  	[sflag:s29] =	ssyncadd.s32 $0xFFFFFFFF  }
0xb6: {  	_ =	strace $0x9000004B  }
0xb7: {  	_ =	sfence  }
0xb8: {  	s30 =	sld [smem:$0x0];
	_ =	sdelay $0x2  }
0xb9: {  	s31 =	sshll.u32 s1, $0xD;
	s1 =	sshrl.u32 s1, $0x2  }
0xba: {  	s3 =	sand.u32 $0x4000, s31;
	s1 =	sadd.s32 s1, s30  }
0xbb: {  	s0 =	sor.u32 s3, s0;
	s1 =	sshll.u32 s1, $0x11  }
0xbc: {  	s0 =	sor.u32 s1, s0  }
0xbd: {  	s0 =	sadd.s32 $0x8F2B, s0  }
0xbe: {  	[sflag:s0] =	ssyncadd.remote.s32 $0x1  }
0xbf: {  	_ =	sfence.sel $0xFFFF  }
0xc0: {  	[dreg:$0x0] =	wrdreg $0xFFFFFFFF;
	(pc) =	sbr.abs _section_cstart, $3  }
0xc1: {  	[dreg:$0x1] =	wrdreg $0xFFFFFFFF  }
0xc2: {  	_ =	task.clear_ibuf [dreg:s7], $0x2FFFF;
	_ =	strace $0x9FFFFFFF  }
0xc3: {  	(tm) =	ssettm $0x7FFFFFFF  }
tec
execute0_lowered:
.L_overlay_start_1:
0x0: {  	(tag) =	ssettag $0x1  }
0x1: {  	s0 =	rddreg [dreg:$0x0]  }
0x2: {  	s1 =	rddreg [dreg:$0x1];
	s2 =	srdreg.scid  }
0x3: {  	s3 =	rddreg [dreg:$0x2];
	s9 =	stileid.u32;
	s4 =	simm.s32 $0x0  }
0x4: {  	s19 =	simm.s32 $0x7;
	s28 =	simm.s32 $0x3;
	s29 =	simm.s32 $0x1  }
0x5: {  	s31 =	simm.s32 $0x7000;
	s17 =	simm.s32 $0x8400;
	s18 =	simm.s32 $0x6  }
0x6: {  	s11 =	simm.s32 $0x0;
	s7 =	smul.u32 $0x13C00, s9;
	[smem:$0x7FF] =	sst s4  }
0x7: {  	s2 =	sand.u32 $0x1, s2;
	s20 =	sadd.s32 $0x5BC800, s1;
	s21 =	sadd.s32 $0x5A8800, s1  }
0x8: {  	s8 =	smul.u32 $0x4F000, s9;
	_ =	strace $0x8000004A;
	[dreg:$0x4] =	wrdreg s20  }
0x9: {  	s5 =	sadd.s32 $0x337800, s1;
	s6 =	smul.u32 $0x13C000, s2;
	[dreg:$0x5] =	wrdreg s21  }
0xa: {  	s22 =	ssub.s32 $0x2, s2;
	s2 =	sshll.u32 s2, $0x4;
	s20 =	simm.s32 $0x1000  }
0xb: {  	s21 =	simm.s32 $0x2000;
	s23 =	sshrl.u32 s22, $0x1;
	s2 =	sor.u32 s9, s2  }
0xc: {  	s24 =	sshrl.u32 s8, $0x2;
	s9 =	sshll.u32 s9, $0x6;
	s6 =	sadd.s32 s7, s6  }
0xd: {  	s8 =	smul.u32 $0x271, s2;
	s7 =	sadd.s32 s24, s3;
	s9 =	sor.u32 $0x1C07, s9  }
0xe: {  	s2 =	smul.u32 $0x5000, s2;
	s24 =	simm.s32 $0x3400;
	s6 =	sshrl.u32 s6, $0x3  }
0xf: {  	s7 =	sshrl.u32 s7, $0x3;
	[dreg:$0x7] =	wrdreg s9;
	s1 =	sadd.s32 s6, s1  }
0x10: {  	s6 =	ssub.s32 s22, s23;
	[dreg:$0x8] =	wrdreg s2;
	s25 =	sadd.s32 $0x5, s8  }
0x11: {  	s26 =	sadd.s32 $0xA, s8;
	s14 =	sadd.s32 $0xF, s8;
	[dreg:$0xd] =	wrdreg s7  }
0x12: {  	s15 =	sadd.s32 $0x78, s8;
	s22 =	simm.s32 $0x28;
	[dreg:$0x9] =	wrdreg s25  }
0x13: {  	s23 =	simm.s32 $0x4800;
	s10 =	sadd.s32 $0x2E8800, s1;
	[dreg:$0xa] =	wrdreg s26  }
0x14: {  	s2 =	simm.s32 $0x2;
	s1 =	sadd.s32 $0x800, s1;
	[dreg:$0x6] =	wrdreg s10  }
0x15: {  	s30 =	smax.u32 s6, $0x1;
	s26 =	simm.s32 $0x5C00;
	[dreg:$0xb] =	wrdreg s1  }
0x16: {  	[dreg:$0xc] =	wrdreg s30;
	s1 =	simm.s32 $0x4;
	s10 =	simm.s32 $0x5  }
.LBB2_1:
0x17: {  	[dreg:$0xe] =	wrdreg s11  }
0x18: {  	s6 =	rddreg [dreg:$0x6]  }
0x19: {  	[spmem:s7], [sflag:s9] =	dma.local [hbm:s6], $0x2780  }
0x1a: {  	_ =	swait.ge [sflag:s19], $0x2780  }
0x1b: {  	[sflag:s19] =	ssyncset.done $0x0  }
0x1c: {  	[sflag:s19] =	ssyncadd.s32 $0xFFFFD880  }
0x1d: {  	s25 =	simm.s32 $0x0;
	[bflag:$0x0] =	sbarrier.arrive $0xFFFF  }
.LBB2_2:
0x1e: {  	s6 =	sshll.u32 s25, $0xC;
	s7 =	rddreg [dreg:$0x8]  }
0x1f: {  	s6 =	sadd.s32 s7, s6  }
0x20: {  	s9 =	rddreg [dreg:$0x4];
	s6 =	sshrl.u32 s6, $0x3  }
0x21: {  	s7 =	sadd.s32 s9, s6;
	s9 =	simm.s32 $0x0  }
0x22: {  	[tilespmem:s9], [sflag:$0x7] =	stream.linear.gather [hbm4b:s7+s9], $0xC80, $0x38;
	[tilespmem:$0x1D400] =	vst v63  }
0x23: {  	_ =	swait.ge [sflag:s19], $0xC80  }
0x24: {  	[sflag:s19] =	ssyncset.done $0x0;
	s11 =	rddreg [dreg:$0x5]  }
0x25: {  	s30 =	smul.u32 $0x7D, s25;
	[sflag:s19] =	ssyncadd.s32 $0xFFFFF380;
	s6 =	sadd.s32 s11, s6  }
0x26: {  	[tilespmem:s20], [sflag:$0x7] =	stream.linear.gather [hbm4b:s6+s9], $0xC80, $0x38;
	[tilespmem:$0x1D400] =	vst v63  }
0x27: {  	s12 =	sadd.s32 s8, s30;
	_ =	swait.ge [sflag:s19], $0xC80  }
0x28: {  	s6 =	sshll.u32 s12, $0x7;
	[sflag:s19] =	ssyncset.done $0x0  }
0x29: {  	s6 =	sadd.s32 s5, s6;
	s13 =	rddreg [dreg:$0x9];
	[sflag:s19] =	ssyncadd.s32 $0xFFFFF380  }
0x2a: {  	[tilespmem:s21], [sflag:$0x3] =	stream.linear.gather [hbm4b:s6+s9], $0x1400, $0x38;
	[tilespmem:$0x1D400] =	vst v63  }
0x2b: {  	s6 =	sadd.s32 s13, s30  }
0x2c: {  	s6 =	sshll.u32 s6, $0x7  }
0x2d: {  	[tilespmem:s23], [sflag:$0x1] =	stream.indirect.gather [hbm4b:s0+s22], $0x80, s9, s22, $0xb8;
	[tilespmem:$0x1D400] =	vst v63  }
0x2e: {  	s6 =	sand.u32 $0x1FFFFF80, s6  }
0x2f: {  	s6 =	sadd.s32 s5, s6  }
0x30: {  	[tilespmem:s24], [sflag:$0x4] =	stream.linear.gather [hbm4b:s6+s9], $0x1400, $0x38;
	[tilespmem:$0x1D400] =	vst v63  }
0x31: {  	s16 =	simm.s32 $0x80  }
0x32: {  	[tilespmem:s26], [sflag:$0x2] =	stream.indirect.gather [hbm4b:s0+s22], $0x80, s16, s22, $0xb8;
	[tilespmem:$0x1D400] =	vst v63  }
0x33: {  	_ =	swait.ge [sflag:s28], $0x1400  }
0x34: {  	[sflag:s28] =	ssyncset.done $0x0  }
0x35: {  	[sflag:s28] =	ssyncadd.s32 $0xFFFFEC00  }
0x36: {  	_ =	swait.ge [sflag:s29], $0x1400  }
0x37: {  	[sflag:s29] =	ssyncset.done $0x0  }
0x38: {  	s6 =	simm.s32 $0x0;
	[sflag:s29] =	ssyncadd.s32 $0xFFFFEC00  }
0x39: {  	v0 =	vld [tilespmem:s6+$0x4870]  }
0x3a: {  	v1 =	vld [tilespmem:s6+$0x2070]  }
0x3b: {  	v2 =	vld [tilespmem:s6+$0x4800]  }
0x3c: {  	v3 =	vld [tilespmem:s6+$0x2000]  }
0x3d: {  	v4 =	vld [tilespmem:s6+$0x4810]  }
0x3e: {  	v5 =	vld [tilespmem:s6+$0x2010]  }
0x3f: {  	v6 =	vld [tilespmem:s6+$0x4820]  }
0x40: {  	v7 =	vld [tilespmem:s6+$0x4830]  }
0x41: {  	v0 =	vmul.f32 v1, v0;
	v1 =	vld [tilespmem:s6+$0x2020]  }
0x42: {  	v8 =	vld [tilespmem:s6+$0x2030]  }
0x43: {  	v9 =	vld [tilespmem:s6+$0x2040];
	v2 =	vmul.f32 v3, v2  }
0x44: {  	[tilespmem:s6+$0x7070] =	vst v0;
	v0 =	vmul.f32 v5, v4;
	v5 =	vld [tilespmem:s6+$0x4840]  }
0x45: {  	v3 =	vld [tilespmem:s6+$0x2050];
	[tilespmem:s6+$0x7000] =	vst v2  }
0x46: {  	v2 =	vld [tilespmem:s6+$0x4850];
	[tilespmem:s6+$0x7010] =	vst v0;
	v0 =	vmul.f32 v1, v6  }
0x47: {  	v4 =	vld [tilespmem:s6+$0x2060];
	v6 =	vmul.f32 v8, v7  }
0x48: {  	s7 =	simm.s32 $0x80;
	[tilespmem:s6+$0x7020] =	vst v0;
	v0 =	vld [tilespmem:s6+$0x4860]  }
0x49: {  	s9 =	simm.s32 $0x400;
	v5 =	vmul.f32 v9, v5;
	v1 =	vld [tilespmem:s7+$0x4870];
	[tilespmem:s6+$0x7030] =	vst v6  }
.LBB2_3:
0x4a: {  	p0 =	sne.s32 s9, $0x4E00;
	v6 =	vld [tilespmem:s7+$0x2070]  }
0x4b: {  	v7 =	vld [tilespmem:s7+$0x4800];
	[tilespmem:s6+$0x7040] =	vst v5;
	v2 =	vmul.f32 v3, v2  }
0x4c: {  	v3 =	vld [tilespmem:s7+$0x2000]  }
0x4d: {  	v5 =	vld [tilespmem:s7+$0x4810];
	[tilespmem:s6+$0x7050] =	vst v2;
	v0 =	vmul.f32 v4, v0  }
0x4e: {  	v2 =	vld [tilespmem:s7+$0x2010]  }
0x4f: {  	v4 =	vld [tilespmem:s7+$0x4820];
	v1 =	vmul.f32 v6, v1;
	[tilespmem:s6+$0x7060] =	vst v0;
	s6 =	smov.u32 s7  }
0x50: {  	v0 =	vld [tilespmem:s6+$0x2020]  }
0x51: {  	v3 =	vmul.f32 v3, v7;
	v6 =	vld [tilespmem:s6+$0x4830];
	[tilespmem:s6+$0x7070] =	vst v1  }
0x52: {  	v1 =	vld [tilespmem:s6+$0x2030]  }
0x53: {  	[tilespmem:s6+$0x7000] =	vst v3;
	v2 =	vmul.f32 v2, v5;
	v5 =	vld [tilespmem:s6+$0x4840]  }
0x54: {  	v7 =	vld [tilespmem:s6+$0x2040]  }
.Ltmp0:
0x55: {  	[tilespmem:s6+$0x7010] =	vst v2;
	v0 =	vmul.f32 v0, v4;
	v2 =	vld [tilespmem:s6+$0x4850];
	(pc) =	sbr.rel @p0 .LBB2_3-.Ltmp0, $4  }
0x56: {  	v3 =	vld [tilespmem:s6+$0x2050]  }
0x57: {  	[tilespmem:s6+$0x7020] =	vst v0;
	v6 =	vmul.f32 v1, v6;
	v0 =	vld [tilespmem:s6+$0x4860]  }
0x58: {  	s7 =	sshra.s32 s9, $0x2;
	v4 =	vld [tilespmem:s6+$0x2060]  }
0x59: {  	s9 =	sadd.s32 $0x200, s9;
	v1 =	vld [tilespmem:s7+$0x4870];
	[tilespmem:s6+$0x7030] =	vst v6;
	v5 =	vmul.f32 v7, v5  }
0x5a: {  	v6 =	vld [tilespmem:s7+$0x2070]  }
0x5b: {  	v7 =	vld [tilespmem:s7+$0x4800];
	[tilespmem:s6+$0x7040] =	vst v5;
	v2 =	vmul.f32 v3, v2  }
0x5c: {  	v3 =	vld [tilespmem:s7+$0x2000]  }
0x5d: {  	v5 =	vld [tilespmem:s7+$0x4810];
	[tilespmem:s6+$0x7050] =	vst v2;
	v0 =	vmul.f32 v4, v0  }
0x5e: {  	v2 =	vld [tilespmem:s7+$0x2010]  }
0x5f: {  	v4 =	vld [tilespmem:s7+$0x4820];
	[tilespmem:s6+$0x7060] =	vst v0  }
0x60: {  	v0 =	vmul.f32 v6, v1;
	v1 =	vld [tilespmem:s7+$0x2020]  }
0x61: {  	v6 =	vld [tilespmem:s7+$0x4830]  }
0x62: {  	v3 =	vmul.f32 v3, v7;
	[tilespmem:s7+$0x7070] =	vst v0;
	v0 =	vld [tilespmem:s7+$0x2030]  }
0x63: {  	v7 =	vld [tilespmem:s7+$0x2060]  }
0x64: {  	[tilespmem:s7+$0x7000] =	vst v3;
	v2 =	vmul.f32 v2, v5;
	v3 =	vld [tilespmem:s7+$0x4840]  }
0x65: {  	v5 =	vld [tilespmem:s7+$0x2040]  }
0x66: {  	[tilespmem:s7+$0x7010] =	vst v2;
	v1 =	vmul.f32 v1, v4;
	v2 =	vld [tilespmem:s7+$0x4850]  }
0x67: {  	v4 =	vld [tilespmem:s7+$0x2050]  }
0x68: {  	[tilespmem:s7+$0x7020] =	vst v1;
	v1 =	vld [tilespmem:s7+$0x4860];
	_ =	sdelay $0x1  }
0x69: {  	v0 =	vmul.f32 v0, v6  }
0x6a: {  	s12 =	rddreg [dreg:$0xa];
	v3 =	vmul.f32 v5, v3  }
0x6b: {  	s6 =	sadd.s32 s12, s30;
	[tilespmem:s7+$0x7030] =	vst v0;
	v0 =	vmul.f32 v4, v2  }
0x6c: {  	s6 =	sshll.u32 s6, $0x7;
	[tilespmem:s7+$0x7040] =	vst v3;
	v1 =	vmul.f32 v7, v1  }
0x6d: {  	s6 =	sand.u32 $0x1FFFFF80, s6;
	[tilespmem:s7+$0x7050] =	vst v0  }
0x6e: {  	s13 =	simm.s32 $0x0;
	s6 =	sadd.s32 s5, s6;
	[tilespmem:s7+$0x7060] =	vst v1  }
0x6f: {  	[tilespmem:s21], [sflag:$0x3] =	stream.linear.gather [hbm4b:s6+s13], $0x1400, $0x38;
	[tilespmem:$0x1D400] =	vst v63  }
0x70: {  	s16 =	simm.s32 $0x100  }
0x71: {  	[tilespmem:s23], [sflag:$0x1] =	stream.indirect.gather [hbm4b:s0+s22], $0x80, s16, s22, $0xb8;
	[tilespmem:$0x1D400] =	vst v63  }
0x72: {  	_ = 	snop  }
0x73: {  	[spmem:s3] =	stream.indirect.scatter.add.f32 [tilespmem:s31], [sflag:$0x5], $0x80, s20, s22, $0xb8;
	[tilespmem:$0x1D400] =	vst v63  }
0x74: {  	_ =	swait.ge [sflag:s1], $0x1400  }
0x75: {  	[sflag:s1] =	ssyncset.done $0x0  }
0x76: {  	[sflag:s1] =	ssyncadd.s32 $0xFFFFEC00  }
0x77: {  	_ =	swait.ge [sflag:s2], $0x1400  }
0x78: {  	[sflag:s2] =	ssyncset.done $0x0  }
0x79: {  	s6 =	simm.s32 $0x0;
	[sflag:s2] =	ssyncadd.s32 $0xFFFFEC00  }
0x7a: {  	v0 =	vld [tilespmem:s6+$0x5C70]  }
0x7b: {  	v1 =	vld [tilespmem:s6+$0x3470]  }
0x7c: {  	v2 =	vld [tilespmem:s6+$0x5C00]  }
0x7d: {  	v3 =	vld [tilespmem:s6+$0x3400]  }
0x7e: {  	v4 =	vld [tilespmem:s6+$0x5C10]  }
0x7f: {  	v5 =	vld [tilespmem:s6+$0x3410]  }
0x80: {  	v6 =	vld [tilespmem:s6+$0x5C20]  }
0x81: {  	v7 =	vld [tilespmem:s6+$0x5C30]  }
0x82: {  	v0 =	vmul.f32 v1, v0;
	v1 =	vld [tilespmem:s6+$0x3420]  }
0x83: {  	v8 =	vld [tilespmem:s6+$0x3430]  }
0x84: {  	v9 =	vld [tilespmem:s6+$0x3440];
	v2 =	vmul.f32 v3, v2  }
0x85: {  	[tilespmem:s6+$0x8470] =	vst v0;
	v0 =	vmul.f32 v5, v4;
	v5 =	vld [tilespmem:s6+$0x5C40]  }
0x86: {  	v3 =	vld [tilespmem:s6+$0x3450];
	[tilespmem:s6+$0x8400] =	vst v2  }
0x87: {  	v2 =	vld [tilespmem:s6+$0x5C50];
	[tilespmem:s6+$0x8410] =	vst v0;
	v0 =	vmul.f32 v1, v6  }
0x88: {  	v4 =	vld [tilespmem:s6+$0x3460];
	v6 =	vmul.f32 v8, v7  }
0x89: {  	s7 =	simm.s32 $0x80;
	[tilespmem:s6+$0x8420] =	vst v0;
	v0 =	vld [tilespmem:s6+$0x5C60]  }
0x8a: {  	s9 =	simm.s32 $0x400;
	v5 =	vmul.f32 v9, v5;
	v1 =	vld [tilespmem:s7+$0x5C70];
	[tilespmem:s6+$0x8430] =	vst v6  }
.LBB2_5:
0x8b: {  	p0 =	sne.s32 s9, $0x4E00;
	v6 =	vld [tilespmem:s7+$0x3470]  }
0x8c: {  	v7 =	vld [tilespmem:s7+$0x5C00];
	[tilespmem:s6+$0x8440] =	vst v5;
	v2 =	vmul.f32 v3, v2  }
0x8d: {  	v3 =	vld [tilespmem:s7+$0x3400]  }
0x8e: {  	v5 =	vld [tilespmem:s7+$0x5C10];
	[tilespmem:s6+$0x8450] =	vst v2;
	v0 =	vmul.f32 v4, v0  }
0x8f: {  	v2 =	vld [tilespmem:s7+$0x3410]  }
0x90: {  	v4 =	vld [tilespmem:s7+$0x5C20];
	v1 =	vmul.f32 v6, v1;
	[tilespmem:s6+$0x8460] =	vst v0;
	s6 =	smov.u32 s7  }
0x91: {  	v0 =	vld [tilespmem:s6+$0x3420]  }
0x92: {  	v3 =	vmul.f32 v3, v7;
	v6 =	vld [tilespmem:s6+$0x5C30];
	[tilespmem:s6+$0x8470] =	vst v1  }
0x93: {  	v1 =	vld [tilespmem:s6+$0x3430]  }
0x94: {  	[tilespmem:s6+$0x8400] =	vst v3;
	v2 =	vmul.f32 v2, v5;
	v5 =	vld [tilespmem:s6+$0x5C40]  }
0x95: {  	v7 =	vld [tilespmem:s6+$0x3440]  }
.Ltmp1:
0x96: {  	[tilespmem:s6+$0x8410] =	vst v2;
	v0 =	vmul.f32 v0, v4;
	v2 =	vld [tilespmem:s6+$0x5C50];
	(pc) =	sbr.rel @p0 .LBB2_5-.Ltmp1, $4  }
0x97: {  	v3 =	vld [tilespmem:s6+$0x3450]  }
0x98: {  	[tilespmem:s6+$0x8420] =	vst v0;
	v6 =	vmul.f32 v1, v6;
	v0 =	vld [tilespmem:s6+$0x5C60]  }
0x99: {  	s7 =	sshra.s32 s9, $0x2;
	v4 =	vld [tilespmem:s6+$0x3460]  }
0x9a: {  	s9 =	sadd.s32 $0x200, s9;
	v1 =	vld [tilespmem:s7+$0x5C70];
	[tilespmem:s6+$0x8430] =	vst v6;
	v5 =	vmul.f32 v7, v5  }
0x9b: {  	v6 =	vld [tilespmem:s7+$0x3470]  }
0x9c: {  	v7 =	vld [tilespmem:s7+$0x5C00];
	[tilespmem:s6+$0x8440] =	vst v5;
	v2 =	vmul.f32 v3, v2  }
0x9d: {  	v51 =	vld [tilespmem:s7+$0x3400]  }
0x9e: {  	v5 =	vld [tilespmem:s7+$0x5C10];
	[tilespmem:s6+$0x8450] =	vst v2;
	v0 =	vmul.f32 v4, v0  }
0x9f: {  	v2 =	vld [tilespmem:s7+$0x3410]  }
0xa0: {  	v52 =	vld [tilespmem:s7+$0x5C20];
	[tilespmem:s6+$0x8460] =	vst v0  }
0xa1: {  	v54 =	vld [tilespmem:s7+$0x3420]  }
0xa2: {  	v55 =	vld [tilespmem:s7+$0x5C30]  }
0xa3: {  	v56 =	vld [tilespmem:s7+$0x3430]  }
0xa4: {  	v57 =	vld [tilespmem:s7+$0x5C40]  }
0xa5: {  	v58 =	vld [tilespmem:s7+$0x3440]  }
0xa6: {  	v59 =	vld [tilespmem:s7+$0x5C50]  }
0xa7: {  	v53 =	vmul.f32 v6, v1;
	v60 =	vld [tilespmem:s7+$0x3450]  }
0xa8: {  	v61 =	vld [tilespmem:s7+$0x5C60];
	v3 =	vmul.f32 v51, v7  }
0xa9: {  	v62 =	vld [tilespmem:s7+$0x3460];
	[tilespmem:s7+$0x8470] =	vst v53;
	v2 =	vmul.f32 v2, v5  }
0xaa: {  	[tilespmem:s7+$0x8400] =	vst v3;
	v1 =	vmul.f32 v54, v52  }
0xab: {  	[tilespmem:s7+$0x8410] =	vst v2;
	v0 =	vmul.f32 v56, v55  }
0xac: {  	v3 =	vmul.f32 v58, v57;
	[tilespmem:s7+$0x8420] =	vst v1  }
0xad: {  	s12 =	sadd.s32 s14, s30;
	v63 =	vmul.f32 v60, v59;
	[tilespmem:s7+$0x8430] =	vst v0  }
0xae: {  	s6 =	sshll.u32 s12, $0x7;
	[tilespmem:s7+$0x8440] =	vst v3;
	v1 =	vmul.f32 v62, v61  }
0xaf: {  	s6 =	sand.u32 $0x1FFFFF80, s6;
	[tilespmem:s7+$0x8450] =	vst v63  }
0xb0: {  	s6 =	sadd.s32 s5, s6;
	[tilespmem:s7+$0x8460] =	vst v1  }
0xb1: {  	[tilespmem:s24], [sflag:$0x4] =	stream.linear.gather [hbm4b:s6+s4], $0x1400, $0x38;
	[tilespmem:$0x1D400] =	vst v63  }
0xb2: {  	s13 =	simm.s32 $0x180  }
0xb3: {  	[tilespmem:s26], [sflag:$0x2] =	stream.indirect.gather [hbm4b:s0+s22], $0x80, s13, s22, $0xb8;
	[tilespmem:$0x1D400] =	vst v63  }
0xb4: {  	s16 =	simm.s32 $0x1080  }
0xb5: {  	[spmem:s3] =	stream.indirect.scatter.add.f32 [tilespmem:s17], [sflag:$0x6], $0x80, s16, s22, $0xb8;
	[tilespmem:$0x1D400] =	vst v63  }
0xb6: {  	s9 =	smul.u32 $0x19, s25;
	s16 =	simm.s32 $0x1  }
.LBB2_7:
0xb7: {  	_ =	swait.ge [sflag:s28], $0x1400  }
0xb8: {  	[sflag:s28] =	ssyncset.done $0x0  }
0xb9: {  	[sflag:s28] =	ssyncadd.s32 $0xFFFFEC00  }
0xba: {  	_ =	swait.ge [sflag:s29], $0x1400  }
0xbb: {  	[sflag:s29] =	ssyncset.done $0x0  }
0xbc: {  	[sflag:s29] =	ssyncadd.s32 $0xFFFFEC00  }
0xbd: {  	_ =	swait.ge [sflag:s10], $0x1400  }
0xbe: {  	[sflag:s10] =	ssyncset.done $0x0  }
0xbf: {  	s6 =	simm.s32 $0x0;
	[sflag:s10] =	ssyncadd.s32 $0xFFFFEC00  }
0xc0: {  	v0 =	vld [tilespmem:s6+$0x4870]  }
0xc1: {  	v1 =	vld [tilespmem:s6+$0x2070]  }
0xc2: {  	v2 =	vld [tilespmem:s6+$0x4800]  }
0xc3: {  	v3 =	vld [tilespmem:s6+$0x2000]  }
0xc4: {  	v4 =	vld [tilespmem:s6+$0x4810]  }
0xc5: {  	v5 =	vld [tilespmem:s6+$0x2010]  }
0xc6: {  	v6 =	vld [tilespmem:s6+$0x4820]  }
0xc7: {  	v7 =	vld [tilespmem:s6+$0x4830]  }
0xc8: {  	v0 =	vmul.f32 v1, v0;
	v1 =	vld [tilespmem:s6+$0x2020]  }
0xc9: {  	v8 =	vld [tilespmem:s6+$0x2030]  }
0xca: {  	v9 =	vld [tilespmem:s6+$0x2040];
	v2 =	vmul.f32 v3, v2  }
0xcb: {  	[tilespmem:s6+$0x7070] =	vst v0;
	v0 =	vmul.f32 v5, v4;
	v5 =	vld [tilespmem:s6+$0x4840]  }
0xcc: {  	v3 =	vld [tilespmem:s6+$0x2050];
	[tilespmem:s6+$0x7000] =	vst v2  }
0xcd: {  	v2 =	vld [tilespmem:s6+$0x4850];
	[tilespmem:s6+$0x7010] =	vst v0;
	v0 =	vmul.f32 v1, v6  }
0xce: {  	v4 =	vld [tilespmem:s6+$0x2060];
	v6 =	vmul.f32 v8, v7  }
0xcf: {  	s7 =	simm.s32 $0x80;
	[tilespmem:s6+$0x7020] =	vst v0;
	v0 =	vld [tilespmem:s6+$0x4860]  }
0xd0: {  	s11 =	simm.s32 $0x400;
	v5 =	vmul.f32 v9, v5;
	v1 =	vld [tilespmem:s7+$0x4870];
	[tilespmem:s6+$0x7030] =	vst v6  }
.LBB2_8:
0xd1: {  	p0 =	sne.s32 s11, $0x4E00;
	v6 =	vld [tilespmem:s7+$0x2070]  }
0xd2: {  	v7 =	vld [tilespmem:s7+$0x4800];
	[tilespmem:s6+$0x7040] =	vst v5;
	v2 =	vmul.f32 v3, v2  }
0xd3: {  	v3 =	vld [tilespmem:s7+$0x2000]  }
0xd4: {  	v5 =	vld [tilespmem:s7+$0x4810];
	[tilespmem:s6+$0x7050] =	vst v2;
	v0 =	vmul.f32 v4, v0  }
0xd5: {  	v2 =	vld [tilespmem:s7+$0x2010]  }
0xd6: {  	v4 =	vld [tilespmem:s7+$0x4820];
	v1 =	vmul.f32 v6, v1;
	[tilespmem:s6+$0x7060] =	vst v0;
	s6 =	smov.u32 s7  }
0xd7: {  	v0 =	vld [tilespmem:s6+$0x2020]  }
0xd8: {  	v3 =	vmul.f32 v3, v7;
	v6 =	vld [tilespmem:s6+$0x4830];
	[tilespmem:s6+$0x7070] =	vst v1  }
0xd9: {  	v1 =	vld [tilespmem:s6+$0x2030]  }
0xda: {  	[tilespmem:s6+$0x7000] =	vst v3;
	v2 =	vmul.f32 v2, v5;
	v5 =	vld [tilespmem:s6+$0x4840]  }
0xdb: {  	v7 =	vld [tilespmem:s6+$0x2040]  }
.Ltmp2:
0xdc: {  	[tilespmem:s6+$0x7010] =	vst v2;
	v0 =	vmul.f32 v0, v4;
	v2 =	vld [tilespmem:s6+$0x4850];
	(pc) =	sbr.rel @p0 .LBB2_8-.Ltmp2, $4  }
0xdd: {  	v3 =	vld [tilespmem:s6+$0x2050]  }
0xde: {  	[tilespmem:s6+$0x7020] =	vst v0;
	v6 =	vmul.f32 v1, v6;
	v0 =	vld [tilespmem:s6+$0x4860]  }
0xdf: {  	s7 =	sshra.s32 s11, $0x2;
	v4 =	vld [tilespmem:s6+$0x2060]  }
0xe0: {  	s11 =	sadd.s32 $0x200, s11;
	v1 =	vld [tilespmem:s7+$0x4870];
	[tilespmem:s6+$0x7030] =	vst v6;
	v5 =	vmul.f32 v7, v5  }
0xe1: {  	v6 =	vld [tilespmem:s7+$0x2070]  }
0xe2: {  	v7 =	vld [tilespmem:s7+$0x4800];
	[tilespmem:s6+$0x7040] =	vst v5;
	v2 =	vmul.f32 v3, v2  }
0xe3: {  	v3 =	vld [tilespmem:s7+$0x2000]  }
0xe4: {  	v5 =	vld [tilespmem:s7+$0x4810];
	[tilespmem:s6+$0x7050] =	vst v2;
	v0 =	vmul.f32 v4, v0  }
0xe5: {  	v2 =	vld [tilespmem:s7+$0x2010]  }
0xe6: {  	v4 =	vld [tilespmem:s7+$0x4820];
	[tilespmem:s6+$0x7060] =	vst v0  }
0xe7: {  	v0 =	vmul.f32 v6, v1;
	v1 =	vld [tilespmem:s7+$0x2020]  }
0xe8: {  	v6 =	vld [tilespmem:s7+$0x4830]  }
0xe9: {  	v3 =	vmul.f32 v3, v7;
	[tilespmem:s7+$0x7070] =	vst v0;
	v0 =	vld [tilespmem:s7+$0x2030]  }
0xea: {  	v7 =	vld [tilespmem:s7+$0x2060]  }
0xeb: {  	[tilespmem:s7+$0x7000] =	vst v3;
	v2 =	vmul.f32 v2, v5;
	v3 =	vld [tilespmem:s7+$0x4840]  }
0xec: {  	v5 =	vld [tilespmem:s7+$0x2040]  }
0xed: {  	[tilespmem:s7+$0x7010] =	vst v2;
	v1 =	vmul.f32 v1, v4;
	v2 =	vld [tilespmem:s7+$0x4850]  }
0xee: {  	s6 =	sshll.u32 s16, $0x1;
	v4 =	vld [tilespmem:s7+$0x2050]  }
0xef: {  	s11 =	sadd.s32 $0x2, s6;
	[tilespmem:s7+$0x7020] =	vst v1;
	v1 =	vld [tilespmem:s7+$0x4860]  }
0xf0: {  	s12 =	sadd.s32 s9, s11  }
0xf1: {  	s12 =	smul.u32 $0x5, s12;
	v0 =	vmul.f32 v0, v6  }
0xf2: {  	v3 =	vmul.f32 v5, v3  }
0xf3: {  	s12 =	sadd.s32 s8, s12;
	[tilespmem:s7+$0x7030] =	vst v0;
	v0 =	vmul.f32 v4, v2  }
0xf4: {  	s12 =	sshll.u32 s12, $0x7;
	[tilespmem:s7+$0x7040] =	vst v3;
	v1 =	vmul.f32 v7, v1  }
0xf5: {  	s12 =	sand.u32 $0x1FFFFF80, s12;
	[tilespmem:s7+$0x7050] =	vst v0  }
0xf6: {  	s13 =	simm.s32 $0x0;
	s11 =	sshll.u32 s11, $0x7;
	s12 =	sadd.s32 s5, s12;
	[tilespmem:s7+$0x7060] =	vst v1  }
0xf7: {  	[tilespmem:s21], [sflag:$0x3] =	stream.linear.gather [hbm4b:s12+s13], $0x1400, $0x38;
	[tilespmem:$0x1D400] =	vst v63  }
0xf8: {  	s7 =	sand.u32 $0x3FFFFF00, s11;
	s12 =	sshll.u32 s16, $0x8  }
0xf9: {  	[tilespmem:s23], [sflag:$0x1] =	stream.indirect.gather [hbm4b:s0+s22], $0x80, s7, s22, $0xb8;
	[tilespmem:$0x1D400] =	vst v63  }
0xfa: {  	s7 =	sand.u32 $0x3FFFFF00, s12  }
0xfb: {  	s13 =	sadd.s32 $0x1000, s7  }
0xfc: {  	[spmem:s3] =	stream.indirect.scatter.add.f32 [tilespmem:s31], [sflag:$0x5], $0x80, s13, s22, $0xb8;
	[tilespmem:$0x1D400] =	vst v63  }
0xfd: {  	_ =	swait.ge [sflag:s1], $0x1400  }
0xfe: {  	[sflag:s1] =	ssyncset.done $0x0  }
0xff: {  	[sflag:s1] =	ssyncadd.s32 $0xFFFFEC00  }
0x100: {  	_ =	swait.ge [sflag:s2], $0x1400  }
0x101: {  	[sflag:s2] =	ssyncset.done $0x0  }
0x102: {  	[sflag:s2] =	ssyncadd.s32 $0xFFFFEC00  }
0x103: {  	_ =	swait.ge [sflag:s18], $0x1400  }
0x104: {  	[sflag:s18] =	ssyncset.done $0x0  }
0x105: {  	s11 =	simm.s32 $0x0;
	[sflag:s18] =	ssyncadd.s32 $0xFFFFEC00  }
0x106: {  	v0 =	vld [tilespmem:s11+$0x5C70]  }
0x107: {  	v1 =	vld [tilespmem:s11+$0x3470]  }
0x108: {  	v2 =	vld [tilespmem:s11+$0x5C00]  }
0x109: {  	v3 =	vld [tilespmem:s11+$0x3400]  }
0x10a: {  	v4 =	vld [tilespmem:s11+$0x5C10]  }
0x10b: {  	v5 =	vld [tilespmem:s11+$0x3410]  }
0x10c: {  	v6 =	vld [tilespmem:s11+$0x5C20]  }
0x10d: {  	v7 =	vld [tilespmem:s11+$0x5C30]  }
0x10e: {  	v0 =	vmul.f32 v1, v0;
	v1 =	vld [tilespmem:s11+$0x3420]  }
0x10f: {  	v8 =	vld [tilespmem:s11+$0x3430]  }
0x110: {  	v9 =	vld [tilespmem:s11+$0x3440];
	v2 =	vmul.f32 v3, v2  }
0x111: {  	[tilespmem:s11+$0x8470] =	vst v0;
	v0 =	vmul.f32 v5, v4;
	v5 =	vld [tilespmem:s11+$0x5C40]  }
0x112: {  	v3 =	vld [tilespmem:s11+$0x3450];
	[tilespmem:s11+$0x8400] =	vst v2  }
0x113: {  	v2 =	vld [tilespmem:s11+$0x5C50];
	[tilespmem:s11+$0x8410] =	vst v0;
	v0 =	vmul.f32 v1, v6  }
0x114: {  	v4 =	vld [tilespmem:s11+$0x3460];
	v6 =	vmul.f32 v8, v7  }
0x115: {  	s12 =	simm.s32 $0x80;
	[tilespmem:s11+$0x8420] =	vst v0;
	v0 =	vld [tilespmem:s11+$0x5C60]  }
0x116: {  	s13 =	simm.s32 $0x400;
	v5 =	vmul.f32 v9, v5;
	v1 =	vld [tilespmem:s12+$0x5C70];
	[tilespmem:s11+$0x8430] =	vst v6  }
.LBB2_10:
0x117: {  	p0 =	sne.s32 s13, $0x4E00;
	v6 =	vld [tilespmem:s12+$0x3470]  }
0x118: {  	v7 =	vld [tilespmem:s12+$0x5C00];
	[tilespmem:s11+$0x8440] =	vst v5;
	v2 =	vmul.f32 v3, v2  }
0x119: {  	v3 =	vld [tilespmem:s12+$0x3400]  }
0x11a: {  	v5 =	vld [tilespmem:s12+$0x5C10];
	[tilespmem:s11+$0x8450] =	vst v2;
	v0 =	vmul.f32 v4, v0  }
0x11b: {  	v2 =	vld [tilespmem:s12+$0x3410]  }
0x11c: {  	v4 =	vld [tilespmem:s12+$0x5C20];
	v1 =	vmul.f32 v6, v1;
	[tilespmem:s11+$0x8460] =	vst v0;
	s11 =	smov.u32 s12  }
0x11d: {  	v0 =	vld [tilespmem:s11+$0x3420]  }
0x11e: {  	v3 =	vmul.f32 v3, v7;
	v6 =	vld [tilespmem:s11+$0x5C30];
	[tilespmem:s11+$0x8470] =	vst v1  }
0x11f: {  	v1 =	vld [tilespmem:s11+$0x3430]  }
0x120: {  	[tilespmem:s11+$0x8400] =	vst v3;
	v2 =	vmul.f32 v2, v5;
	v5 =	vld [tilespmem:s11+$0x5C40]  }
0x121: {  	v7 =	vld [tilespmem:s11+$0x3440]  }
.Ltmp3:
0x122: {  	[tilespmem:s11+$0x8410] =	vst v2;
	v0 =	vmul.f32 v0, v4;
	v2 =	vld [tilespmem:s11+$0x5C50];
	(pc) =	sbr.rel @p0 .LBB2_10-.Ltmp3, $4  }
0x123: {  	v3 =	vld [tilespmem:s11+$0x3450]  }
0x124: {  	[tilespmem:s11+$0x8420] =	vst v0;
	v6 =	vmul.f32 v1, v6;
	v0 =	vld [tilespmem:s11+$0x5C60]  }
0x125: {  	s12 =	sshra.s32 s13, $0x2;
	v4 =	vld [tilespmem:s11+$0x3460]  }
0x126: {  	s13 =	sadd.s32 $0x200, s13;
	v1 =	vld [tilespmem:s12+$0x5C70];
	[tilespmem:s11+$0x8430] =	vst v6;
	v5 =	vmul.f32 v7, v5  }
0x127: {  	v6 =	vld [tilespmem:s12+$0x3470]  }
0x128: {  	v7 =	vld [tilespmem:s12+$0x5C00];
	[tilespmem:s11+$0x8440] =	vst v5;
	v2 =	vmul.f32 v3, v2  }
0x129: {  	v51 =	vld [tilespmem:s12+$0x3400]  }
0x12a: {  	v5 =	vld [tilespmem:s12+$0x5C10];
	[tilespmem:s11+$0x8450] =	vst v2;
	v0 =	vmul.f32 v4, v0  }
0x12b: {  	v2 =	vld [tilespmem:s12+$0x3410]  }
0x12c: {  	v52 =	vld [tilespmem:s12+$0x5C20];
	[tilespmem:s11+$0x8460] =	vst v0  }
0x12d: {  	v54 =	vld [tilespmem:s12+$0x3420]  }
0x12e: {  	v55 =	vld [tilespmem:s12+$0x5C30]  }
0x12f: {  	v56 =	vld [tilespmem:s12+$0x3430]  }
0x130: {  	v57 =	vld [tilespmem:s12+$0x5C40]  }
0x131: {  	v58 =	vld [tilespmem:s12+$0x3440]  }
0x132: {  	v59 =	vld [tilespmem:s12+$0x5C50]  }
0x133: {  	v53 =	vmul.f32 v6, v1;
	v60 =	vld [tilespmem:s12+$0x3450]  }
0x134: {  	v61 =	vld [tilespmem:s12+$0x5C60];
	v3 =	vmul.f32 v51, v7  }
0x135: {  	s6 =	sadd.s32 $0x3, s6;
	v62 =	vld [tilespmem:s12+$0x3460];
	[tilespmem:s12+$0x8470] =	vst v53;
	v2 =	vmul.f32 v2, v5  }
0x136: {  	s13 =	sadd.s32 s9, s6;
	[tilespmem:s12+$0x8400] =	vst v3;
	v1 =	vmul.f32 v54, v52  }
0x137: {  	s11 =	smul.u32 $0x5, s13;
	[tilespmem:s12+$0x8410] =	vst v2;
	v0 =	vmul.f32 v56, v55  }
0x138: {  	v3 =	vmul.f32 v58, v57;
	[tilespmem:s12+$0x8420] =	vst v1  }
0x139: {  	s11 =	sadd.s32 s8, s11;
	v63 =	vmul.f32 v60, v59;
	[tilespmem:s12+$0x8430] =	vst v0  }
0x13a: {  	s11 =	sshll.u32 s11, $0x7;
	[tilespmem:s12+$0x8440] =	vst v3;
	v1 =	vmul.f32 v62, v61  }
0x13b: {  	s16 =	sadd.s32 $0x1, s16;
	s11 =	sand.u32 $0x1FFFFF80, s11;
	[tilespmem:s12+$0x8450] =	vst v63  }
0x13c: {  	p0 =	sne.s32 s16, $0xB;
	s11 =	sadd.s32 s5, s11;
	[tilespmem:s12+$0x8460] =	vst v1  }
0x13d: {  	[tilespmem:s24], [sflag:$0x4] =	stream.linear.gather [hbm4b:s11+s4], $0x1400, $0x38;
	[tilespmem:$0x1D400] =	vst v63  }
.Ltmp4:
0x13e: {  	s6 =	sshll.u32 s6, $0x7;
	(pc) =	sbr.rel @p0 .LBB2_7-.Ltmp4, $4  }
0x13f: {  	s6 =	sand.u32 $0x3FFFFF80, s6  }
0x140: {  	[tilespmem:s26], [sflag:$0x2] =	stream.indirect.gather [hbm4b:s0+s22], $0x80, s6, s22, $0xb8;
	[tilespmem:$0x1D400] =	vst v63  }
0x141: {  	s13 =	sadd.s32 $0x1080, s7  }
0x142: {  	[spmem:s3] =	stream.indirect.scatter.add.f32 [tilespmem:s17], [sflag:$0x6], $0x80, s13, s22, $0xb8;
	[tilespmem:$0x1D400] =	vst v63  }
0x143: {  	_ =	swait.ge [sflag:s28], $0x1400  }
0x144: {  	[sflag:s28] =	ssyncset.done $0x0  }
0x145: {  	[sflag:s28] =	ssyncadd.s32 $0xFFFFEC00  }
0x146: {  	_ =	swait.ge [sflag:s29], $0x1400  }
0x147: {  	[sflag:s29] =	ssyncset.done $0x0  }
0x148: {  	[sflag:s29] =	ssyncadd.s32 $0xFFFFEC00  }
0x149: {  	_ =	swait.ge [sflag:s10], $0x1400  }
0x14a: {  	[sflag:s10] =	ssyncset.done $0x0  }
0x14b: {  	s6 =	simm.s32 $0x0;
	[sflag:s10] =	ssyncadd.s32 $0xFFFFEC00  }
0x14c: {  	v0 =	vld [tilespmem:s6+$0x4870]  }
0x14d: {  	v1 =	vld [tilespmem:s6+$0x2070]  }
0x14e: {  	v2 =	vld [tilespmem:s6+$0x4800]  }
0x14f: {  	v3 =	vld [tilespmem:s6+$0x2000]  }
0x150: {  	v4 =	vld [tilespmem:s6+$0x4810]  }
0x151: {  	v5 =	vld [tilespmem:s6+$0x2010]  }
0x152: {  	v6 =	vld [tilespmem:s6+$0x4820]  }
0x153: {  	v7 =	vld [tilespmem:s6+$0x4830]  }
0x154: {  	v0 =	vmul.f32 v1, v0;
	v1 =	vld [tilespmem:s6+$0x2020]  }
0x155: {  	v8 =	vld [tilespmem:s6+$0x2030]  }
0x156: {  	v9 =	vld [tilespmem:s6+$0x2040];
	v2 =	vmul.f32 v3, v2  }
0x157: {  	[tilespmem:s6+$0x7070] =	vst v0;
	v0 =	vmul.f32 v5, v4;
	v5 =	vld [tilespmem:s6+$0x4840]  }
0x158: {  	v3 =	vld [tilespmem:s6+$0x2050];
	[tilespmem:s6+$0x7000] =	vst v2  }
0x159: {  	v2 =	vld [tilespmem:s6+$0x4850];
	[tilespmem:s6+$0x7010] =	vst v0;
	v0 =	vmul.f32 v1, v6  }
0x15a: {  	v4 =	vld [tilespmem:s6+$0x2060];
	v6 =	vmul.f32 v8, v7  }
0x15b: {  	s7 =	simm.s32 $0x80;
	[tilespmem:s6+$0x7020] =	vst v0;
	v0 =	vld [tilespmem:s6+$0x4860]  }
0x15c: {  	s9 =	simm.s32 $0x400;
	v5 =	vmul.f32 v9, v5;
	v1 =	vld [tilespmem:s7+$0x4870];
	[tilespmem:s6+$0x7030] =	vst v6  }
.LBB2_13:
0x15d: {  	p0 =	sne.s32 s9, $0x4E00;
	v6 =	vld [tilespmem:s7+$0x2070]  }
0x15e: {  	v7 =	vld [tilespmem:s7+$0x4800];
	[tilespmem:s6+$0x7040] =	vst v5;
	v2 =	vmul.f32 v3, v2  }
0x15f: {  	v3 =	vld [tilespmem:s7+$0x2000]  }
0x160: {  	v5 =	vld [tilespmem:s7+$0x4810];
	[tilespmem:s6+$0x7050] =	vst v2;
	v0 =	vmul.f32 v4, v0  }
0x161: {  	v2 =	vld [tilespmem:s7+$0x2010]  }
0x162: {  	v4 =	vld [tilespmem:s7+$0x4820];
	v1 =	vmul.f32 v6, v1;
	[tilespmem:s6+$0x7060] =	vst v0;
	s6 =	smov.u32 s7  }
0x163: {  	v0 =	vld [tilespmem:s6+$0x2020]  }
0x164: {  	v3 =	vmul.f32 v3, v7;
	v6 =	vld [tilespmem:s6+$0x4830];
	[tilespmem:s6+$0x7070] =	vst v1  }
0x165: {  	v1 =	vld [tilespmem:s6+$0x2030]  }
0x166: {  	[tilespmem:s6+$0x7000] =	vst v3;
	v2 =	vmul.f32 v2, v5;
	v5 =	vld [tilespmem:s6+$0x4840]  }
0x167: {  	v7 =	vld [tilespmem:s6+$0x2040]  }
.Ltmp5:
0x168: {  	[tilespmem:s6+$0x7010] =	vst v2;
	v0 =	vmul.f32 v0, v4;
	v2 =	vld [tilespmem:s6+$0x4850];
	(pc) =	sbr.rel @p0 .LBB2_13-.Ltmp5, $4  }
0x169: {  	v3 =	vld [tilespmem:s6+$0x2050]  }
0x16a: {  	[tilespmem:s6+$0x7020] =	vst v0;
	v6 =	vmul.f32 v1, v6;
	v0 =	vld [tilespmem:s6+$0x4860]  }
0x16b: {  	s7 =	sshra.s32 s9, $0x2;
	v4 =	vld [tilespmem:s6+$0x2060]  }
0x16c: {  	s9 =	sadd.s32 $0x200, s9;
	v1 =	vld [tilespmem:s7+$0x4870];
	[tilespmem:s6+$0x7030] =	vst v6;
	v5 =	vmul.f32 v7, v5  }
0x16d: {  	v6 =	vld [tilespmem:s7+$0x2070]  }
0x16e: {  	v7 =	vld [tilespmem:s7+$0x4800];
	[tilespmem:s6+$0x7040] =	vst v5;
	v2 =	vmul.f32 v3, v2  }
0x16f: {  	v3 =	vld [tilespmem:s7+$0x2000]  }
0x170: {  	v5 =	vld [tilespmem:s7+$0x4810];
	[tilespmem:s6+$0x7050] =	vst v2;
	v0 =	vmul.f32 v4, v0  }
0x171: {  	v2 =	vld [tilespmem:s7+$0x2010]  }
0x172: {  	v4 =	vld [tilespmem:s7+$0x4820];
	[tilespmem:s6+$0x7060] =	vst v0  }
0x173: {  	v0 =	vmul.f32 v6, v1;
	v1 =	vld [tilespmem:s7+$0x2020]  }
0x174: {  	v6 =	vld [tilespmem:s7+$0x4830]  }
0x175: {  	v3 =	vmul.f32 v3, v7;
	[tilespmem:s7+$0x7070] =	vst v0;
	v0 =	vld [tilespmem:s7+$0x2030]  }
0x176: {  	v7 =	vld [tilespmem:s7+$0x2060]  }
0x177: {  	[tilespmem:s7+$0x7000] =	vst v3;
	v2 =	vmul.f32 v2, v5;
	v3 =	vld [tilespmem:s7+$0x4840]  }
0x178: {  	v5 =	vld [tilespmem:s7+$0x2040]  }
0x179: {  	[tilespmem:s7+$0x7010] =	vst v2;
	v1 =	vmul.f32 v1, v4;
	v2 =	vld [tilespmem:s7+$0x4850]  }
0x17a: {  	v4 =	vld [tilespmem:s7+$0x2050]  }
0x17b: {  	[tilespmem:s7+$0x7020] =	vst v1;
	v1 =	vld [tilespmem:s7+$0x4860];
	_ =	sdelay $0x1  }
0x17c: {  	v0 =	vmul.f32 v0, v6  }
0x17d: {  	v3 =	vmul.f32 v5, v3  }
0x17e: {  	s12 =	sadd.s32 s15, s30;
	[tilespmem:s7+$0x7030] =	vst v0;
	v0 =	vmul.f32 v4, v2  }
0x17f: {  	s6 =	sshll.u32 s12, $0x7;
	[tilespmem:s7+$0x7040] =	vst v3;
	v1 =	vmul.f32 v7, v1  }
0x180: {  	s6 =	sand.u32 $0x1FFFFF80, s6;
	[tilespmem:s7+$0x7050] =	vst v0  }
0x181: {  	s13 =	simm.s32 $0x0;
	s6 =	sadd.s32 s5, s6;
	[tilespmem:s7+$0x7060] =	vst v1  }
0x182: {  	[tilespmem:s21], [sflag:$0x3] =	stream.linear.gather [hbm4b:s6+s13], $0x1400, $0x38;
	[tilespmem:$0x1D400] =	vst v63  }
0x183: {  	s16 =	simm.s32 $0xC00  }
0x184: {  	[tilespmem:s23], [sflag:$0x1] =	stream.indirect.gather [hbm4b:s0+s22], $0x80, s16, s22, $0xb8;
	[tilespmem:$0x1D400] =	vst v63  }
0x185: {  	s30 =	simm.s32 $0x1B00  }
0x186: {  	[spmem:s3] =	stream.indirect.scatter.add.f32 [tilespmem:s31], [sflag:$0x5], $0x80, s30, s22, $0xb8;
	[tilespmem:$0x1D400] =	vst v63  }
0x187: {  	_ =	swait.ge [sflag:s1], $0x1400  }
0x188: {  	[sflag:s1] =	ssyncset.done $0x0  }
0x189: {  	[sflag:s1] =	ssyncadd.s32 $0xFFFFEC00  }
0x18a: {  	_ =	swait.ge [sflag:s2], $0x1400  }
0x18b: {  	[sflag:s2] =	ssyncset.done $0x0  }
0x18c: {  	[sflag:s2] =	ssyncadd.s32 $0xFFFFEC00  }
0x18d: {  	_ =	swait.ge [sflag:s18], $0x1400  }
0x18e: {  	[sflag:s18] =	ssyncset.done $0x0  }
0x18f: {  	s6 =	simm.s32 $0x0;
	[sflag:s18] =	ssyncadd.s32 $0xFFFFEC00  }
0x190: {  	v0 =	vld [tilespmem:s6+$0x5C70]  }
0x191: {  	v1 =	vld [tilespmem:s6+$0x3470]  }
0x192: {  	v2 =	vld [tilespmem:s6+$0x5C00]  }
0x193: {  	v3 =	vld [tilespmem:s6+$0x3400]  }
0x194: {  	v4 =	vld [tilespmem:s6+$0x5C10]  }
0x195: {  	v5 =	vld [tilespmem:s6+$0x3410]  }
0x196: {  	v6 =	vld [tilespmem:s6+$0x5C20]  }
0x197: {  	v7 =	vld [tilespmem:s6+$0x5C30]  }
0x198: {  	v0 =	vmul.f32 v1, v0;
	v1 =	vld [tilespmem:s6+$0x3420]  }
0x199: {  	v8 =	vld [tilespmem:s6+$0x3430]  }
0x19a: {  	v9 =	vld [tilespmem:s6+$0x3440];
	v2 =	vmul.f32 v3, v2  }
0x19b: {  	[tilespmem:s6+$0x8470] =	vst v0;
	v0 =	vmul.f32 v5, v4;
	v5 =	vld [tilespmem:s6+$0x5C40]  }
0x19c: {  	v3 =	vld [tilespmem:s6+$0x3450];
	[tilespmem:s6+$0x8400] =	vst v2  }
0x19d: {  	v2 =	vld [tilespmem:s6+$0x5C50];
	[tilespmem:s6+$0x8410] =	vst v0;
	v0 =	vmul.f32 v1, v6  }
0x19e: {  	v4 =	vld [tilespmem:s6+$0x3460];
	v6 =	vmul.f32 v8, v7  }
0x19f: {  	s7 =	simm.s32 $0x80;
	[tilespmem:s6+$0x8420] =	vst v0;
	v0 =	vld [tilespmem:s6+$0x5C60]  }
0x1a0: {  	s9 =	simm.s32 $0x400;
	v5 =	vmul.f32 v9, v5;
	v1 =	vld [tilespmem:s7+$0x5C70];
	[tilespmem:s6+$0x8430] =	vst v6  }
.LBB2_15:
0x1a1: {  	p0 =	sne.s32 s9, $0x4E00;
	v6 =	vld [tilespmem:s7+$0x3470]  }
0x1a2: {  	v7 =	vld [tilespmem:s7+$0x5C00];
	[tilespmem:s6+$0x8440] =	vst v5;
	v2 =	vmul.f32 v3, v2  }
0x1a3: {  	v3 =	vld [tilespmem:s7+$0x3400]  }
0x1a4: {  	v5 =	vld [tilespmem:s7+$0x5C10];
	[tilespmem:s6+$0x8450] =	vst v2;
	v0 =	vmul.f32 v4, v0  }
0x1a5: {  	v2 =	vld [tilespmem:s7+$0x3410]  }
0x1a6: {  	v4 =	vld [tilespmem:s7+$0x5C20];
	v1 =	vmul.f32 v6, v1;
	[tilespmem:s6+$0x8460] =	vst v0;
	s6 =	smov.u32 s7  }
0x1a7: {  	v0 =	vld [tilespmem:s6+$0x3420]  }
0x1a8: {  	v3 =	vmul.f32 v3, v7;
	v6 =	vld [tilespmem:s6+$0x5C30];
	[tilespmem:s6+$0x8470] =	vst v1  }
0x1a9: {  	v1 =	vld [tilespmem:s6+$0x3430]  }
0x1aa: {  	[tilespmem:s6+$0x8400] =	vst v3;
	v2 =	vmul.f32 v2, v5;
	v5 =	vld [tilespmem:s6+$0x5C40]  }
0x1ab: {  	v7 =	vld [tilespmem:s6+$0x3440]  }
.Ltmp6:
0x1ac: {  	[tilespmem:s6+$0x8410] =	vst v2;
	v0 =	vmul.f32 v0, v4;
	v2 =	vld [tilespmem:s6+$0x5C50];
	(pc) =	sbr.rel @p0 .LBB2_15-.Ltmp6, $4  }
0x1ad: {  	v3 =	vld [tilespmem:s6+$0x3450]  }
0x1ae: {  	[tilespmem:s6+$0x8420] =	vst v0;
	v6 =	vmul.f32 v1, v6;
	v0 =	vld [tilespmem:s6+$0x5C60]  }
0x1af: {  	s7 =	sshra.s32 s9, $0x2;
	v4 =	vld [tilespmem:s6+$0x3460]  }
0x1b0: {  	s9 =	sadd.s32 $0x200, s9;
	v1 =	vld [tilespmem:s7+$0x5C70];
	[tilespmem:s6+$0x8430] =	vst v6;
	v5 =	vmul.f32 v7, v5  }
0x1b1: {  	v6 =	vld [tilespmem:s7+$0x3470]  }
0x1b2: {  	v7 =	vld [tilespmem:s7+$0x5C00];
	[tilespmem:s6+$0x8440] =	vst v5;
	v2 =	vmul.f32 v3, v2  }
0x1b3: {  	v3 =	vld [tilespmem:s7+$0x3400]  }
0x1b4: {  	v5 =	vld [tilespmem:s7+$0x5C10];
	[tilespmem:s6+$0x8450] =	vst v2;
	v0 =	vmul.f32 v4, v0  }
0x1b5: {  	v2 =	vld [tilespmem:s7+$0x3410]  }
0x1b6: {  	v4 =	vld [tilespmem:s7+$0x5C20];
	[tilespmem:s6+$0x8460] =	vst v0  }
0x1b7: {  	v0 =	vmul.f32 v6, v1;
	v1 =	vld [tilespmem:s7+$0x3420]  }
0x1b8: {  	v6 =	vld [tilespmem:s7+$0x5C30]  }
0x1b9: {  	v3 =	vmul.f32 v3, v7;
	[tilespmem:s7+$0x8470] =	vst v0;
	v0 =	vld [tilespmem:s7+$0x3430]  }
0x1ba: {  	v7 =	vld [tilespmem:s7+$0x3460]  }
0x1bb: {  	[tilespmem:s7+$0x8400] =	vst v3;
	v2 =	vmul.f32 v2, v5;
	v3 =	vld [tilespmem:s7+$0x5C40]  }
0x1bc: {  	v5 =	vld [tilespmem:s7+$0x3440]  }
0x1bd: {  	[tilespmem:s7+$0x8410] =	vst v2;
	v1 =	vmul.f32 v1, v4;
	v2 =	vld [tilespmem:s7+$0x5C50]  }
0x1be: {  	v4 =	vld [tilespmem:s7+$0x3450]  }
0x1bf: {  	[tilespmem:s7+$0x8420] =	vst v1;
	v1 =	vld [tilespmem:s7+$0x5C60];
	_ =	sdelay $0x1  }
0x1c0: {  	v0 =	vmul.f32 v0, v6  }
0x1c1: {  	v3 =	vmul.f32 v5, v3  }
0x1c2: {  	[tilespmem:s7+$0x8430] =	vst v0;
	v0 =	vmul.f32 v4, v2  }
0x1c3: {  	[tilespmem:s7+$0x8440] =	vst v3;
	v1 =	vmul.f32 v7, v1  }
0x1c4: {  	[tilespmem:s7+$0x8450] =	vst v0  }
0x1c5: {  	s30 =	simm.s32 $0x1B80;
	[tilespmem:s7+$0x8460] =	vst v1  }
0x1c6: {  	[spmem:s3] =	stream.indirect.scatter.add.f32 [tilespmem:s17], [sflag:$0x6], $0x80, s30, s22, $0xb8;
	[tilespmem:$0x1D400] =	vst v63  }
0x1c7: {  	_ =	swait.ge [sflag:s28], $0x1400  }
0x1c8: {  	[sflag:s28] =	ssyncset.done $0x0  }
0x1c9: {  	[sflag:s28] =	ssyncadd.s32 $0xFFFFEC00  }
0x1ca: {  	_ =	swait.ge [sflag:s29], $0x1400  }
0x1cb: {  	[sflag:s29] =	ssyncset.done $0x0  }
0x1cc: {  	[sflag:s29] =	ssyncadd.s32 $0xFFFFEC00  }
0x1cd: {  	_ =	swait.ge [sflag:s10], $0x1400  }
0x1ce: {  	[sflag:s10] =	ssyncset.done $0x0  }
0x1cf: {  	s6 =	simm.s32 $0x0;
	[sflag:s10] =	ssyncadd.s32 $0xFFFFEC00  }
0x1d0: {  	v0 =	vld [tilespmem:s6+$0x4870]  }
0x1d1: {  	v1 =	vld [tilespmem:s6+$0x2070]  }
0x1d2: {  	v2 =	vld [tilespmem:s6+$0x4800]  }
0x1d3: {  	v3 =	vld [tilespmem:s6+$0x2000]  }
0x1d4: {  	v4 =	vld [tilespmem:s6+$0x4810]  }
0x1d5: {  	v5 =	vld [tilespmem:s6+$0x2010]  }
0x1d6: {  	v6 =	vld [tilespmem:s6+$0x4820]  }
0x1d7: {  	v7 =	vld [tilespmem:s6+$0x4830]  }
0x1d8: {  	v0 =	vmul.f32 v1, v0;
	v1 =	vld [tilespmem:s6+$0x2020]  }
0x1d9: {  	v8 =	vld [tilespmem:s6+$0x2030]  }
0x1da: {  	v9 =	vld [tilespmem:s6+$0x2040];
	v2 =	vmul.f32 v3, v2  }
0x1db: {  	[tilespmem:s6+$0x7070] =	vst v0;
	v0 =	vmul.f32 v5, v4;
	v5 =	vld [tilespmem:s6+$0x4840]  }
0x1dc: {  	v3 =	vld [tilespmem:s6+$0x2050];
	[tilespmem:s6+$0x7000] =	vst v2  }
0x1dd: {  	v2 =	vld [tilespmem:s6+$0x4850];
	[tilespmem:s6+$0x7010] =	vst v0;
	v0 =	vmul.f32 v1, v6  }
0x1de: {  	v4 =	vld [tilespmem:s6+$0x2060];
	v6 =	vmul.f32 v8, v7  }
0x1df: {  	s7 =	simm.s32 $0x80;
	[tilespmem:s6+$0x7020] =	vst v0;
	v0 =	vld [tilespmem:s6+$0x4860]  }
0x1e0: {  	s9 =	simm.s32 $0x400;
	v5 =	vmul.f32 v9, v5;
	v1 =	vld [tilespmem:s7+$0x4870];
	[tilespmem:s6+$0x7030] =	vst v6  }
.LBB2_17:
0x1e1: {  	p0 =	sne.s32 s9, $0x4E00;
	v6 =	vld [tilespmem:s7+$0x2070]  }
0x1e2: {  	v7 =	vld [tilespmem:s7+$0x4800];
	[tilespmem:s6+$0x7040] =	vst v5;
	v2 =	vmul.f32 v3, v2  }
0x1e3: {  	v3 =	vld [tilespmem:s7+$0x2000]  }
0x1e4: {  	v5 =	vld [tilespmem:s7+$0x4810];
	[tilespmem:s6+$0x7050] =	vst v2;
	v0 =	vmul.f32 v4, v0  }
0x1e5: {  	v2 =	vld [tilespmem:s7+$0x2010]  }
0x1e6: {  	v4 =	vld [tilespmem:s7+$0x4820];
	v1 =	vmul.f32 v6, v1;
	[tilespmem:s6+$0x7060] =	vst v0;
	s6 =	smov.u32 s7  }
0x1e7: {  	v0 =	vld [tilespmem:s6+$0x2020]  }
0x1e8: {  	v3 =	vmul.f32 v3, v7;
	v6 =	vld [tilespmem:s6+$0x4830];
	[tilespmem:s6+$0x7070] =	vst v1  }
0x1e9: {  	v1 =	vld [tilespmem:s6+$0x2030]  }
0x1ea: {  	[tilespmem:s6+$0x7000] =	vst v3;
	v2 =	vmul.f32 v2, v5;
	v5 =	vld [tilespmem:s6+$0x4840]  }
0x1eb: {  	v7 =	vld [tilespmem:s6+$0x2040]  }
.Ltmp7:
0x1ec: {  	[tilespmem:s6+$0x7010] =	vst v2;
	v0 =	vmul.f32 v0, v4;
	v2 =	vld [tilespmem:s6+$0x4850];
	(pc) =	sbr.rel @p0 .LBB2_17-.Ltmp7, $4  }
0x1ed: {  	v3 =	vld [tilespmem:s6+$0x2050]  }
0x1ee: {  	[tilespmem:s6+$0x7020] =	vst v0;
	v6 =	vmul.f32 v1, v6;
	v0 =	vld [tilespmem:s6+$0x4860]  }
0x1ef: {  	s7 =	sshra.s32 s9, $0x2;
	v4 =	vld [tilespmem:s6+$0x2060]  }
0x1f0: {  	s9 =	sadd.s32 $0x200, s9;
	v1 =	vld [tilespmem:s7+$0x4870];
	[tilespmem:s6+$0x7030] =	vst v6;
	v5 =	vmul.f32 v7, v5  }
0x1f1: {  	v6 =	vld [tilespmem:s7+$0x2070]  }
0x1f2: {  	v7 =	vld [tilespmem:s7+$0x4800];
	[tilespmem:s6+$0x7040] =	vst v5;
	v2 =	vmul.f32 v3, v2  }
0x1f3: {  	v51 =	vld [tilespmem:s7+$0x2000]  }
0x1f4: {  	v5 =	vld [tilespmem:s7+$0x4810];
	[tilespmem:s6+$0x7050] =	vst v2;
	v0 =	vmul.f32 v4, v0  }
0x1f5: {  	v2 =	vld [tilespmem:s7+$0x2010]  }
0x1f6: {  	v52 =	vld [tilespmem:s7+$0x4820];
	[tilespmem:s6+$0x7060] =	vst v0  }
0x1f7: {  	v54 =	vld [tilespmem:s7+$0x2020]  }
0x1f8: {  	v55 =	vld [tilespmem:s7+$0x4830]  }
0x1f9: {  	v56 =	vld [tilespmem:s7+$0x2030]  }
0x1fa: {  	v57 =	vld [tilespmem:s7+$0x4840]  }
0x1fb: {  	v58 =	vld [tilespmem:s7+$0x2040]  }
0x1fc: {  	v59 =	vld [tilespmem:s7+$0x4850]  }
0x1fd: {  	v53 =	vmul.f32 v6, v1;
	v60 =	vld [tilespmem:s7+$0x2050]  }
0x1fe: {  	v61 =	vld [tilespmem:s7+$0x4860];
	v3 =	vmul.f32 v51, v7  }
0x1ff: {  	v62 =	vld [tilespmem:s7+$0x2060];
	[tilespmem:s7+$0x7070] =	vst v53;
	v2 =	vmul.f32 v2, v5  }
0x200: {  	[tilespmem:s7+$0x7000] =	vst v3;
	v1 =	vmul.f32 v54, v52  }
0x201: {  	[tilespmem:s7+$0x7010] =	vst v2;
	v0 =	vmul.f32 v56, v55  }
0x202: {  	v3 =	vmul.f32 v58, v57;
	[tilespmem:s7+$0x7020] =	vst v1  }
0x203: {  	v63 =	vmul.f32 v60, v59;
	[tilespmem:s7+$0x7030] =	vst v0  }
0x204: {  	[tilespmem:s7+$0x7040] =	vst v3;
	v1 =	vmul.f32 v62, v61  }
0x205: {  	[tilespmem:s7+$0x7050] =	vst v63  }
0x206: {  	s30 =	simm.s32 $0x1C00;
	s25 =	sadd.s32 $0x1, s25;
	[tilespmem:s7+$0x7060] =	vst v1  }
0x207: {  	[spmem:s3] =	stream.indirect.scatter.add.f32 [tilespmem:s31], [sflag:$0x5], $0x80, s30, s22, $0xb8;
	[tilespmem:$0x1D400] =	vst v63  }
0x208: {  	p0 =	sne.s32 s25, $0x5;
	_ =	swait.ge [sflag:s10], $0x1400  }
.Ltmp8:
0x209: {  	[sflag:s10] =	ssyncset.done $0x0;
	(pc) =	sbr.rel @p0 .LBB2_2-.Ltmp8, $4  }
0x20a: {  	[sflag:s10] =	ssyncadd.s32 $0xFFFFEC00  }
0x20b: {  	_ =	swait.ge [sflag:s18], $0x1400  }
0x20c: {  	[sflag:s18] =	ssyncset.done $0x0  }
0x20d: {  	[sflag:s18] =	ssyncadd.s32 $0xFFFFEC00  }
0x20e: {  	[bflag:$0x0] =	sbarrier.arrive $0xFFFF  }
0x20f: {  	s9 =	rddreg [dreg:$0x7]  }
0x210: {  	s6 =	rddreg [dreg:$0xb]  }
0x211: {  	s7 =	rddreg [dreg:$0xd]  }
0x212: {  	[hbm:s6], [sflag:s9] =	dma.local [spmem:s7], $0x2780  }
0x213: {  	_ =	swait.ge [sflag:s19], $0x2780  }
0x214: {  	s11 =	rddreg [dreg:$0xe]  }
0x215: {  	s30 =	rddreg [dreg:$0xc];
	s11 =	sadd.s32 $0x1, s11  }
0x216: {  	p0 =	sne.s32 s11, s30  }
.Ltmp9:
0x217: {  	_ = 	snop;
	(pc) =	sbr.rel @p0 .LBB2_1-.Ltmp9, $3  }
0x218: {  	_ =	sdelay $0x1  }
0x219: {  	[sflag:s19] =	ssyncset.done $0x0  }
0x21a: {  	[sflag:s19] =	ssyncadd.s32 $0xFFFFD880  }
0x21b: {  	_ =	sfence.sel $0x180000  }
0x21c: {  	[bflag:$0x0] =	sbarrier.arrive $0xFFFF  }
0x21d: {  	_ =	strace $0x9000004A  }
0x21e: {  	s0 =	stileid.u32;
	[bflag:$0x2] =	sbarrier.arrive $0xFFFF  }
0x21f: {  	p0 =	sne.s32 s0, $0x0;
	s0 =	rddreg [dreg:$0x3]  }
0x220: {  	s0 =	sadd.s32 @!p0 $0x100000, s0  }
0x221: {  	[sflag:s0] =	ssyncadd.tile.s32 @!p0 $0x1;
	_ =	shalt  }
.Lfunc_end2:
_tile_overlayer_lowered:
.L_overlay_start_2:
0x222: {  	(tag) =	ssettag $0x2  }
0x223: {  	s0 =	rddreg [dreg:$0x0];
	s2 =	stileid.u32  }
0x224: {  	s1 =	rddreg [dreg:$0x1];
	p0 =	sne.s32 s2, $0x0  }
0x225: {  	s3 =	rddreg [dreg:$0x2];
	[bflag:$0x3] =	sbarrier.arrive $0xFFFF;
	s2 =	simm.s32 @!p0 $0x1C07  }
0x226: {  	[timem:s3], [sflag:s2] =	dma.local @!p0 [hbm:s0], s1  }
0x227: {  	s0 =	simm.s32 @!p0 $0x7  }
0x228: {  	_ =	swait.ge @!p0 [sflag:s0], s1  }
0x229: {  	s1 =	ssub.s32 @!p0 $0x0, s1;
	[sflag:s0] =	ssyncset.done @!p0 $0x0  }
0x22a: {  	[sflag:s0] =	ssyncadd.s32 @!p0 s1  }
0x22b: {  	[bflag:$0x3] =	sbarrier.arrive $0xFFFF  }
0x22c: {  	_ =	shalt  }

// kernel: kernel.8.cloned.1.call-start
scs
__scs_entry_jumppad:
0x0: {  	(pc) =	sbr.rel $0x88, $3  }
0x1: {  	(tag) =	ssettag $0x0;
	lr =	simm.s32 $0x1  }
0x2: {  	[smem:$0x3F97] =	sst lr;
	_ =	strace $0xD0000000  }
0x3: {  	_ = 	snop  }
0x4: {  	_ = 	snop  }
0x5: {  	_ = 	snop  }
0x6: {  	_ = 	snop  }
0x7: {  	_ = 	snop  }
__scs_overlays_trampoline_lowered:
0x8: {  	[smem:$0x3FA6] =	sst s0  }
0x9: {  	[smem:$0x3FA7] =	sst s1  }
0xa: {  	[smem:$0x3FA8] =	sst s2  }
0xb: {  	[smem:$0x3FA9] =	sst s3  }
0xc: {  	[smem:$0x3FAA] =	sst s4  }
0xd: {  	[smem:$0x3FAB] =	sst s5  }
0xe: {  	[smem:$0x3FAC] =	sst s6  }
0xf: {  	[smem:$0x3FAD] =	sst s7  }
0x10: {  	[smem:$0x3FAE] =	sst s8  }
0x11: {  	[smem:$0x3FAF] =	sst s9;
	s0 =	simm.s32 @!p0 $0x0  }
0x12: {  	s1 =	sld [smem:$0x3F95];
	s0 =	simm.s32 @p0 $0x1  }
0x13: {  	[smem:$0x3FB0] =	sst s0;
	s0 =	simm.s32 @!p1 $0x0  }
0x14: {  	s2 =	sld [smem:$0x3F94];
	s0 =	simm.s32 @p1 $0x1  }
0x15: {  	[smem:$0x3FB1] =	sst s0;
	s0 =	simm.s32 @!p2 $0x0  }
0x16: {  	s3 =	sld [smem:$0x3FDB];
	s0 =	simm.s32 @p2 $0x1  }
0x17: {  	s4 =	simm.s32 $0x1BF5;
	[smem:$0x3FB3] =	sst s0  }
0x18: {  	s0 =	sld [smem:$0x3F96];
	_ =	swait.ge [sflag:s4], $0x0  }
0x19: {  	s7 =	sld [smem:$0x3F97]  }
0x1a: {  	s8 =	sadd.s32 $0xFFFFE003, lr  }
0x1b: {  	s9 =	sadd.s32 $0xFFFFFEF7, lr;
	s5 =	simm.s32 $0xFFFFFFFF;
	p2 =	slt.u32 s8, $0xFFFFF086  }
0x1c: {  	p1 =	slt.u32 s9, $0xF7A;
	s5 =	simm.s32 @!p2 $0x0  }
0x1d: {  	s5 =	simm.s32 @p1 $0x1;
	p0 =	seq.s32 s7, s2  }
0x1e: {  	s7 =	smul.u32 @!p0 $0xF7A, s2;
	p2 =	seq.s32 @!p0 s5, $0x0  }
0x1f: {  	s9 =	smul.u32 $0xF7A, s1;
	s8 =	simm.s32 @!p0 $0x1BF5;
	p2 =	por !p2, p0  }
0x20: {  	[sflag:s8] =	ssyncset.s32 @!p0 $0xFFFFF086;
	s6 =	sadd.s32 @!p0 s3, s7;
	s7 =	simm.s32 @!p0 $0x108  }
0x21: {  	s3 =	sadd.s32 s3, s9;
	s6 =	sadd.s32 @!p0 $0x88, s6;
	s7 =	simm.s32 @p2 $0x1082  }
0x22: {  	[simem:s7], [sflag:s8] =	dma.local @!p0 [hbm:s6], $0xF7A  }
0x23: {  	s9 =	sor.u32 $0xD0000000, s2;
	s6 =	simm.s32 $0x108;
	_ =	swait.ge @!p0 [sflag:s8], $0x0  }
0x24: {  	s3 =	sadd.s32 $0x88, s3;
	s6 =	simm.s32 @!p1 $0x1082;
	[sflag:s4] =	ssyncset.s32 $0xFFFFF086  }
0x25: {  	[simem:s6], [sflag:s4] =	dma.local [hbm:s3], $0xF7A  }
0x26: {  	[smem:$0x3F97] =	sst s1;
	(tag) =	ssettag s2;
	_ =	strace s9  }
0x27: {  	s1 =	sld [smem:$0x3FA7]  }
0x28: {  	s2 =	sld [smem:$0x3FA8]  }
0x29: {  	s4 =	sld [smem:$0x3FAA]  }
0x2a: {  	p0 =	seq.s32 s5, $0x0;
	s5 =	sld [smem:$0x3FAB]  }
0x2b: {  	s6 =	sld [smem:$0x3FAC]  }
0x2c: {  	s7 =	sld [smem:$0x3FAD]  }
0x2d: {  	s3 =	simm.s32 $0x108;
	s8 =	sld [smem:$0x3FAE]  }
0x2e: {  	s3 =	simm.s32 @!p0 $0x1082;
	s9 =	sld [smem:$0x3FAF]  }
0x2f: {  	lr =	sadd.s32 s0, s3;
	s0 =	sld [smem:$0x3FA6]  }
0x30: {  	s3 =	sld [smem:$0x3FA9]  }
0x31: {  	[smem:$0x3FB2] =	sst s10  }
0x32: {  	s10 =	sld [smem:$0x3FB0];
	_ =	sdelay $0x3  }
0x33: {  	p0 =	seq.s32 s10, $0x1;
	s10 =	sld [smem:$0x3FB2];
	_ =	sdelay $0x3  }
0x34: {  	[smem:$0x3FB2] =	sst s10  }
0x35: {  	s10 =	sld [smem:$0x3FB1];
	_ =	sdelay $0x3  }
0x36: {  	p1 =	seq.s32 s10, $0x1;
	s10 =	sld [smem:$0x3FB2];
	_ =	sdelay $0x3  }
0x37: {  	[smem:$0x3FB2] =	sst s10  }
0x38: {  	s10 =	sld [smem:$0x3FB3]  }
0x39: {  	_ = 	snop;
	(pc) =	sbr.ind lr, $3  }
0x3a: {  	_ = 	snop  }
0x3b: {  	_ = 	snop  }
0x3c: {  	p2 =	seq.s32 s10, $0x1;
	s10 =	sld [smem:$0x3FB2]  }
0x3d: {  	_ =	shalt  }
0x3e: {  	_ =	shalt  }
0x3f: {  	_ =	shalt  }
0x40: {  	_ =	shalt  }
0x41: {  	_ =	shalt  }
0x42: {  	_ =	shalt  }
0x43: {  	_ =	shalt  }
0x44: {  	_ =	shalt  }
0x45: {  	_ =	shalt  }
0x46: {  	_ =	shalt  }
0x47: {  	_ =	shalt  }
0x48: {  	_ =	shalt  }
0x49: {  	_ =	shalt  }
0x4a: {  	_ =	shalt  }
0x4b: {  	_ =	shalt  }
0x4c: {  	_ =	shalt  }
0x4d: {  	_ =	shalt  }
0x4e: {  	_ =	shalt  }
0x4f: {  	_ =	shalt  }
0x50: {  	_ =	shalt  }
0x51: {  	_ =	shalt  }
0x52: {  	_ =	shalt  }
0x53: {  	_ =	shalt  }
0x54: {  	_ =	shalt  }
0x55: {  	_ =	shalt  }
0x56: {  	_ =	shalt  }
0x57: {  	_ =	shalt  }
0x58: {  	_ =	shalt  }
0x59: {  	_ =	shalt  }
0x5a: {  	_ =	shalt  }
0x5b: {  	_ =	shalt  }
0x5c: {  	_ =	shalt  }
0x5d: {  	_ =	shalt  }
0x5e: {  	_ =	shalt  }
0x5f: {  	_ =	shalt  }
0x60: {  	_ =	shalt  }
0x61: {  	_ =	shalt  }
0x62: {  	_ =	shalt  }
0x63: {  	_ =	shalt  }
0x64: {  	_ =	shalt  }
0x65: {  	_ =	shalt  }
0x66: {  	_ =	shalt  }
0x67: {  	_ =	shalt  }
0x68: {  	_ =	shalt  }
0x69: {  	_ =	shalt  }
0x6a: {  	_ =	shalt  }
0x6b: {  	_ =	shalt  }
0x6c: {  	_ =	shalt  }
0x6d: {  	_ =	shalt  }
0x6e: {  	_ =	shalt  }
0x6f: {  	_ =	shalt  }
0x70: {  	_ =	shalt  }
0x71: {  	_ =	shalt  }
0x72: {  	_ =	shalt  }
0x73: {  	_ =	shalt  }
0x74: {  	_ =	shalt  }
0x75: {  	_ =	shalt  }
0x76: {  	_ =	shalt  }
0x77: {  	_ =	shalt  }
0x78: {  	_ =	shalt  }
0x79: {  	_ =	shalt  }
0x7a: {  	_ =	shalt  }
0x7b: {  	_ =	shalt  }
0x7c: {  	_ =	shalt  }
0x7d: {  	_ =	shalt  }
0x7e: {  	_ =	shalt  }
0x7f: {  	_ =	shalt  }
0x80: {  	_ =	shalt  }
0x81: {  	_ =	shalt  }
0x82: {  	_ =	shalt  }
0x83: {  	_ =	shalt  }
0x84: {  	_ =	shalt  }
0x85: {  	_ =	shalt  }
0x86: {  	_ =	shalt  }
0x87: {  	_ =	shalt  }
.Lfunc_end0:
.L_simem_size_0:
called_computation_lowered:
.L_overlay_start_0:
0x88: {  	s2 =	sld [smem:$0x3FD9]  }
0x89: {  	s3 =	sld [smem:$0x3FFE];
	_ =	sdelay $0x1  }
0x8a: {  	s1 =	srdreg.scid  }
0x8b: {  	s0 =	sand.u32 $0x1, s1  }
0x8c: {  	s17 =	sshll.u32 s0, $0xA;
	s2 =	sadd.s32 s3, s2  }
0x8d: {  	s2 =	sadd.s32 s2, s17  }
0x8e: {  	[smem:$0x3FBE] =	sst s2  }
0x8f: {  	_ = 	snop  }
0x90: {  	s2 =	sld [smem:$0x3FD0];
	(tm) =	ssettm $0x1  }
0x91: {  	s18 =	sld [smem:$0x3FFB];
	_ =	sdelay $0x3  }
0x92: {  	_ =	strace s18  }
0x93: {  	s3 =	sld [smem:$0x3FFC];
	_ =	sdelay $0x3  }
0x94: {  	_ =	strace s3  }
0x95: {  	s3 =	sld [smem:$0x3FFD];
	_ =	sdelay $0x3  }
0x96: {  	_ =	strace s3  }
0x97: {  	_ =	strace $0x8FFFFFFF  }
0x98: {  	s19 =	sld [smem:$0x3FDB];
	_ =	sdelay $0x1  }
0x99: {  	s4 =	simm.s32 $_scs_section_size  }
0x9a: {  	s5 =	simm.s32 $_size__tile_overlayer_lowered;
	s6 =	simm.s32 $_tile_overlayer_lowered  }
0x9b: {  	s22 =	simm.s32 $0x1BFF;
	s21 =	sshll.u32 s6, $0x1;
	s3 =	sadd.s32 s4, s19  }
0x9c: {  	s7 =	simm.s32 $0x0;
	s20 =	sshll.u32 s5, $0x1;
	s5 =	sadd.s32 s21, s3  }
0x9d: {  	[timem:s7], [sflag:s22] =	dma.local [hbm:s5], s20  }
0x9e: {  	_ =	swait.ge [sflag:s22], s20  }
0x9f: {  	s4 =	ssub.s32 $0x0, s20;
	[sflag:s22] =	ssyncset.done $0x0  }
0xa0: {  	[sflag:s22] =	ssyncadd.s32 s4;
	_ =	sdelay $0x1  }
0xa1: {  	s23 =	simm.s32 $0x1B8B  }
0xa2: {  	_ =	swait.ge [sflag:s23], $0x1  }
0xa3: {  	[sflag:s23] =	ssyncset.done $0x0  }
0xa4: {  	s25 =	simm.s32 $0x1B8E;
	s24 =	sld [smem:$0x3FFE];
	[sflag:s23] =	ssyncadd.s32 $0xFFFFFFFF  }
0xa5: {  	s26 =	simm.s32 $execute0_lowered;
	[smem:$0x3FD2] =	sst s25  }
0xa6: {  	s5 =	sshll.u32 s26, $0x1;
	_ =	strace $0x80000046;
	[dreg:$0x1] =	wrdreg $0xFFFFFFFF  }
0xa7: {  	s28 =	simm.s32 $_size_execute0_lowered;
	s3 =	sadd.s32 s3, s5;
	[dreg:$0x0] =	wrdreg $0x0  }
0xa8: {  	s5 =	sshll.u32 s28, $0x1;
	[dreg:$0x2] =	wrdreg s3  }
0xa9: {  	[dreg:$0x3] =	wrdreg s5  }
0xaa: {  	[dreg:$0x4] =	wrdreg $0xC0  }
0xab: {  	_ =	task [dreg:s7], $0x5FFFF  }
0xac: {  	[dreg:$0x1] =	wrdreg $0xFFFFFFFF  }
0xad: {  	[dreg:$0x0] =	wrdreg $0x60  }
0xae: {  	[dreg:$0x2] =	wrdreg s2  }
0xaf: {  	[dreg:$0x3] =	wrdreg s24  }
0xb0: {  	[dreg:$0x4] =	wrdreg $0x98000  }
0xb1: {  	[dreg:$0x5] =	wrdreg $0x9  }
0xb2: {  	_ =	task.clear_ibuf [dreg:s7], $0x6FFFF;
	_ =	strace $0x90000046  }
0xb3: {  	s29 =	simm.s32 $0x9;
	_ =	strace $0x80000048  }
0xb4: {  	_ =	swait.ge [sflag:s29], $0x1  }
0xb5: {  	[sflag:s29] =	ssyncadd.s32 $0xFFFFFFFF  }
0xb6: {  	_ =	strace $0x90000048  }
0xb7: {  	_ =	sfence  }
0xb8: {  	s30 =	sld [smem:$0x0];
	_ =	sdelay $0x2  }
0xb9: {  	s31 =	sshll.u32 s1, $0xD;
	s1 =	sshrl.u32 s1, $0x2  }
0xba: {  	s3 =	sand.u32 $0x4000, s31;
	s1 =	sadd.s32 s1, s30  }
0xbb: {  	s0 =	sor.u32 s3, s0;
	s1 =	sshll.u32 s1, $0x11  }
0xbc: {  	s0 =	sor.u32 s1, s0  }
0xbd: {  	s0 =	sadd.s32 $0x8F2B, s0  }
0xbe: {  	[sflag:s0] =	ssyncadd.remote.s32 $0x1  }
0xbf: {  	_ =	sfence.sel $0xFFFF  }
0xc0: {  	[dreg:$0x0] =	wrdreg $0xFFFFFFFF;
	(pc) =	sbr.abs _section_cstart, $3  }
0xc1: {  	[dreg:$0x1] =	wrdreg $0xFFFFFFFF  }
0xc2: {  	_ =	task.clear_ibuf [dreg:s7], $0x2FFFF;
	_ =	strace $0x9FFFFFFF  }
0xc3: {  	(tm) =	ssettm $0x7FFFFFFF  }
tec
execute0_lowered:
.L_overlay_start_1:
0x0: {  	(tag) =	ssettag $0x1  }
0x1: {  	s0 =	rddreg [dreg:$0x0]  }
0x2: {  	s1 =	rddreg [dreg:$0x1];
	s2 =	srdreg.scid  }
0x3: {  	s3 =	rddreg [dreg:$0x2];
	s9 =	stileid.u32;
	s4 =	simm.s32 $0x0  }
0x4: {  	s19 =	simm.s32 $0x7;
	s28 =	simm.s32 $0x3;
	s29 =	simm.s32 $0x1  }
0x5: {  	s31 =	simm.s32 $0x7000;
	s17 =	simm.s32 $0x8400;
	s18 =	simm.s32 $0x6  }
0x6: {  	s11 =	simm.s32 $0x0;
	s2 =	sand.u32 $0x1, s2;
	s7 =	smul.u32 $0x13C00, s9  }
0x7: {  	[smem:$0x7FF] =	sst s4;
	s20 =	sadd.s32 $0x800, s1;
	s21 =	sadd.s32 $0x14800, s1  }
0x8: {  	s8 =	smul.u32 $0x4F000, s9;
	_ =	strace $0x80000047;
	[dreg:$0x4] =	wrdreg s20  }
0x9: {  	s5 =	sadd.s32 $0x28800, s1;
	s6 =	smul.u32 $0x13C000, s2;
	[dreg:$0x5] =	wrdreg s21  }
0xa: {  	s22 =	ssub.s32 $0x2, s2;
	s2 =	sshll.u32 s2, $0x4;
	s20 =	simm.s32 $0x1000  }
0xb: {  	s21 =	simm.s32 $0x2000;
	s23 =	sshrl.u32 s22, $0x1;
	s2 =	sor.u32 s9, s2  }
0xc: {  	s24 =	sshrl.u32 s8, $0x2;
	s9 =	sshll.u32 s9, $0x6;
	s6 =	sadd.s32 s7, s6  }
0xd: {  	s8 =	smul.u32 $0x271, s2;
	s7 =	sadd.s32 s24, s3;
	s9 =	sor.u32 $0x1C07, s9  }
0xe: {  	s2 =	smul.u32 $0x5000, s2;
	s24 =	simm.s32 $0x3400;
	s6 =	sshrl.u32 s6, $0x3  }
0xf: {  	s7 =	sshrl.u32 s7, $0x3;
	[dreg:$0x7] =	wrdreg s9;
	s1 =	sadd.s32 s6, s1  }
0x10: {  	s6 =	ssub.s32 s22, s23;
	[dreg:$0x8] =	wrdreg s2;
	s25 =	sadd.s32 $0x5, s8  }
0x11: {  	s26 =	sadd.s32 $0xA, s8;
	s14 =	sadd.s32 $0xF, s8;
	[dreg:$0xd] =	wrdreg s7  }
0x12: {  	s15 =	sadd.s32 $0x78, s8;
	s22 =	simm.s32 $0x28;
	[dreg:$0x9] =	wrdreg s25  }
0x13: {  	s23 =	simm.s32 $0x4800;
	s10 =	sadd.s32 $0x299800, s1;
	[dreg:$0xa] =	wrdreg s26  }
0x14: {  	s2 =	simm.s32 $0x2;
	s1 =	sadd.s32 $0x2E8800, s1;
	[dreg:$0x6] =	wrdreg s10  }
0x15: {  	s30 =	smax.u32 s6, $0x1;
	s26 =	simm.s32 $0x5C00;
	[dreg:$0xb] =	wrdreg s1  }
0x16: {  	[dreg:$0xc] =	wrdreg s30;
	s1 =	simm.s32 $0x4;
	s10 =	simm.s32 $0x5  }
.LBB2_1:
0x17: {  	[dreg:$0xe] =	wrdreg s11  }
0x18: {  	s6 =	rddreg [dreg:$0x6]  }
0x19: {  	[spmem:s7], [sflag:s9] =	dma.local [hbm:s6], $0x2780  }
0x1a: {  	_ =	swait.ge [sflag:s19], $0x2780  }
0x1b: {  	[sflag:s19] =	ssyncset.done $0x0  }
0x1c: {  	[sflag:s19] =	ssyncadd.s32 $0xFFFFD880  }
0x1d: {  	s25 =	simm.s32 $0x0;
	[bflag:$0x0] =	sbarrier.arrive $0xFFFF  }
.LBB2_2:
0x1e: {  	s6 =	sshll.u32 s25, $0xC;
	s7 =	rddreg [dreg:$0x8]  }
0x1f: {  	s6 =	sadd.s32 s7, s6  }
0x20: {  	s9 =	rddreg [dreg:$0x4];
	s6 =	sshrl.u32 s6, $0x3  }
0x21: {  	s7 =	sadd.s32 s9, s6;
	s9 =	simm.s32 $0x0  }
0x22: {  	[tilespmem:s9], [sflag:$0x7] =	stream.linear.gather [hbm4b:s7+s9], $0xC80, $0x38;
	[tilespmem:$0x1D400] =	vst v63  }
0x23: {  	_ =	swait.ge [sflag:s19], $0xC80  }
0x24: {  	[sflag:s19] =	ssyncset.done $0x0;
	s11 =	rddreg [dreg:$0x5]  }
0x25: {  	s30 =	smul.u32 $0x7D, s25;
	[sflag:s19] =	ssyncadd.s32 $0xFFFFF380;
	s6 =	sadd.s32 s11, s6  }
0x26: {  	[tilespmem:s20], [sflag:$0x7] =	stream.linear.gather [hbm4b:s6+s9], $0xC80, $0x38;
	[tilespmem:$0x1D400] =	vst v63  }
0x27: {  	s12 =	sadd.s32 s8, s30;
	_ =	swait.ge [sflag:s19], $0xC80  }
0x28: {  	s6 =	sshll.u32 s12, $0x7;
	[sflag:s19] =	ssyncset.done $0x0  }
0x29: {  	s6 =	sadd.s32 s5, s6;
	s13 =	rddreg [dreg:$0x9];
	[sflag:s19] =	ssyncadd.s32 $0xFFFFF380  }
0x2a: {  	[tilespmem:s21], [sflag:$0x3] =	stream.linear.gather [hbm4b:s6+s9], $0x1400, $0x38;
	[tilespmem:$0x1D400] =	vst v63  }
0x2b: {  	s6 =	sadd.s32 s13, s30  }
0x2c: {  	s6 =	sshll.u32 s6, $0x7  }
0x2d: {  	[tilespmem:s23], [sflag:$0x1] =	stream.indirect.gather [hbm4b:s0+s22], $0x80, s9, s22, $0xb8;
	[tilespmem:$0x1D400] =	vst v63  }
0x2e: {  	s6 =	sand.u32 $0x1FFFFF80, s6  }
0x2f: {  	s6 =	sadd.s32 s5, s6  }
0x30: {  	[tilespmem:s24], [sflag:$0x4] =	stream.linear.gather [hbm4b:s6+s9], $0x1400, $0x38;
	[tilespmem:$0x1D400] =	vst v63  }
0x31: {  	s16 =	simm.s32 $0x80  }
0x32: {  	[tilespmem:s26], [sflag:$0x2] =	stream.indirect.gather [hbm4b:s0+s22], $0x80, s16, s22, $0xb8;
	[tilespmem:$0x1D400] =	vst v63  }
0x33: {  	_ =	swait.ge [sflag:s28], $0x1400  }
0x34: {  	[sflag:s28] =	ssyncset.done $0x0  }
0x35: {  	[sflag:s28] =	ssyncadd.s32 $0xFFFFEC00  }
0x36: {  	_ =	swait.ge [sflag:s29], $0x1400  }
0x37: {  	[sflag:s29] =	ssyncset.done $0x0  }
0x38: {  	s6 =	simm.s32 $0x0;
	[sflag:s29] =	ssyncadd.s32 $0xFFFFEC00  }
0x39: {  	v0 =	vld [tilespmem:s6+$0x4870]  }
0x3a: {  	v1 =	vld [tilespmem:s6+$0x2070]  }
0x3b: {  	v2 =	vld [tilespmem:s6+$0x4800]  }
0x3c: {  	v3 =	vld [tilespmem:s6+$0x2000]  }
0x3d: {  	v4 =	vld [tilespmem:s6+$0x4810]  }
0x3e: {  	v5 =	vld [tilespmem:s6+$0x2010]  }
0x3f: {  	v6 =	vld [tilespmem:s6+$0x4820]  }
0x40: {  	v7 =	vld [tilespmem:s6+$0x4830]  }
0x41: {  	v0 =	vmul.f32 v1, v0;
	v1 =	vld [tilespmem:s6+$0x2020]  }
0x42: {  	v8 =	vld [tilespmem:s6+$0x2030]  }
0x43: {  	v9 =	vld [tilespmem:s6+$0x2040];
	v2 =	vmul.f32 v3, v2  }
0x44: {  	[tilespmem:s6+$0x7070] =	vst v0;
	v0 =	vmul.f32 v5, v4;
	v5 =	vld [tilespmem:s6+$0x4840]  }
0x45: {  	v3 =	vld [tilespmem:s6+$0x2050];
	[tilespmem:s6+$0x7000] =	vst v2  }
0x46: {  	v2 =	vld [tilespmem:s6+$0x4850];
	[tilespmem:s6+$0x7010] =	vst v0;
	v0 =	vmul.f32 v1, v6  }
0x47: {  	v4 =	vld [tilespmem:s6+$0x2060];
	v6 =	vmul.f32 v8, v7  }
0x48: {  	s7 =	simm.s32 $0x80;
	[tilespmem:s6+$0x7020] =	vst v0;
	v0 =	vld [tilespmem:s6+$0x4860]  }
0x49: {  	s9 =	simm.s32 $0x400;
	v5 =	vmul.f32 v9, v5;
	v1 =	vld [tilespmem:s7+$0x4870];
	[tilespmem:s6+$0x7030] =	vst v6  }
.LBB2_3:
0x4a: {  	p0 =	sne.s32 s9, $0x4E00;
	v6 =	vld [tilespmem:s7+$0x2070]  }
0x4b: {  	v7 =	vld [tilespmem:s7+$0x4800];
	[tilespmem:s6+$0x7040] =	vst v5;
	v2 =	vmul.f32 v3, v2  }
0x4c: {  	v3 =	vld [tilespmem:s7+$0x2000]  }
0x4d: {  	v5 =	vld [tilespmem:s7+$0x4810];
	[tilespmem:s6+$0x7050] =	vst v2;
	v0 =	vmul.f32 v4, v0  }
0x4e: {  	v2 =	vld [tilespmem:s7+$0x2010]  }
0x4f: {  	v4 =	vld [tilespmem:s7+$0x4820];
	v1 =	vmul.f32 v6, v1;
	[tilespmem:s6+$0x7060] =	vst v0;
	s6 =	smov.u32 s7  }
0x50: {  	v0 =	vld [tilespmem:s6+$0x2020]  }
0x51: {  	v3 =	vmul.f32 v3, v7;
	v6 =	vld [tilespmem:s6+$0x4830];
	[tilespmem:s6+$0x7070] =	vst v1  }
0x52: {  	v1 =	vld [tilespmem:s6+$0x2030]  }
0x53: {  	[tilespmem:s6+$0x7000] =	vst v3;
	v2 =	vmul.f32 v2, v5;
	v5 =	vld [tilespmem:s6+$0x4840]  }
0x54: {  	v7 =	vld [tilespmem:s6+$0x2040]  }
.Ltmp0:
0x55: {  	[tilespmem:s6+$0x7010] =	vst v2;
	v0 =	vmul.f32 v0, v4;
	v2 =	vld [tilespmem:s6+$0x4850];
	(pc) =	sbr.rel @p0 .LBB2_3-.Ltmp0, $4  }
0x56: {  	v3 =	vld [tilespmem:s6+$0x2050]  }
0x57: {  	[tilespmem:s6+$0x7020] =	vst v0;
	v6 =	vmul.f32 v1, v6;
	v0 =	vld [tilespmem:s6+$0x4860]  }
0x58: {  	s7 =	sshra.s32 s9, $0x2;
	v4 =	vld [tilespmem:s6+$0x2060]  }
0x59: {  	s9 =	sadd.s32 $0x200, s9;
	v1 =	vld [tilespmem:s7+$0x4870];
	[tilespmem:s6+$0x7030] =	vst v6;
	v5 =	vmul.f32 v7, v5  }
0x5a: {  	v6 =	vld [tilespmem:s7+$0x2070]  }
0x5b: {  	v7 =	vld [tilespmem:s7+$0x4800];
	[tilespmem:s6+$0x7040] =	vst v5;
	v2 =	vmul.f32 v3, v2  }
0x5c: {  	v3 =	vld [tilespmem:s7+$0x2000]  }
0x5d: {  	v5 =	vld [tilespmem:s7+$0x4810];
	[tilespmem:s6+$0x7050] =	vst v2;
	v0 =	vmul.f32 v4, v0  }
0x5e: {  	v2 =	vld [tilespmem:s7+$0x2010]  }
0x5f: {  	v4 =	vld [tilespmem:s7+$0x4820];
	[tilespmem:s6+$0x7060] =	vst v0  }
0x60: {  	v0 =	vmul.f32 v6, v1;
	v1 =	vld [tilespmem:s7+$0x2020]  }
0x61: {  	v6 =	vld [tilespmem:s7+$0x4830]  }
0x62: {  	v3 =	vmul.f32 v3, v7;
	[tilespmem:s7+$0x7070] =	vst v0;
	v0 =	vld [tilespmem:s7+$0x2030]  }
0x63: {  	v7 =	vld [tilespmem:s7+$0x2060]  }
0x64: {  	[tilespmem:s7+$0x7000] =	vst v3;
	v2 =	vmul.f32 v2, v5;
	v3 =	vld [tilespmem:s7+$0x4840]  }
0x65: {  	v5 =	vld [tilespmem:s7+$0x2040]  }
0x66: {  	[tilespmem:s7+$0x7010] =	vst v2;
	v1 =	vmul.f32 v1, v4;
	v2 =	vld [tilespmem:s7+$0x4850]  }
0x67: {  	v4 =	vld [tilespmem:s7+$0x2050]  }
0x68: {  	[tilespmem:s7+$0x7020] =	vst v1;
	v1 =	vld [tilespmem:s7+$0x4860];
	_ =	sdelay $0x1  }
0x69: {  	v0 =	vmul.f32 v0, v6  }
0x6a: {  	s12 =	rddreg [dreg:$0xa];
	v3 =	vmul.f32 v5, v3  }
0x6b: {  	s6 =	sadd.s32 s12, s30;
	[tilespmem:s7+$0x7030] =	vst v0;
	v0 =	vmul.f32 v4, v2  }
0x6c: {  	s6 =	sshll.u32 s6, $0x7;
	[tilespmem:s7+$0x7040] =	vst v3;
	v1 =	vmul.f32 v7, v1  }
0x6d: {  	s6 =	sand.u32 $0x1FFFFF80, s6;
	[tilespmem:s7+$0x7050] =	vst v0  }
0x6e: {  	s13 =	simm.s32 $0x0;
	s6 =	sadd.s32 s5, s6;
	[tilespmem:s7+$0x7060] =	vst v1  }
0x6f: {  	[tilespmem:s21], [sflag:$0x3] =	stream.linear.gather [hbm4b:s6+s13], $0x1400, $0x38;
	[tilespmem:$0x1D400] =	vst v63  }
0x70: {  	s16 =	simm.s32 $0x100  }
0x71: {  	[tilespmem:s23], [sflag:$0x1] =	stream.indirect.gather [hbm4b:s0+s22], $0x80, s16, s22, $0xb8;
	[tilespmem:$0x1D400] =	vst v63  }
0x72: {  	_ = 	snop  }
0x73: {  	[spmem:s3] =	stream.indirect.scatter.add.f32 [tilespmem:s31], [sflag:$0x5], $0x80, s20, s22, $0xb8;
	[tilespmem:$0x1D400] =	vst v63  }
0x74: {  	_ =	swait.ge [sflag:s1], $0x1400  }
0x75: {  	[sflag:s1] =	ssyncset.done $0x0  }
0x76: {  	[sflag:s1] =	ssyncadd.s32 $0xFFFFEC00  }
0x77: {  	_ =	swait.ge [sflag:s2], $0x1400  }
0x78: {  	[sflag:s2] =	ssyncset.done $0x0  }
0x79: {  	s6 =	simm.s32 $0x0;
	[sflag:s2] =	ssyncadd.s32 $0xFFFFEC00  }
0x7a: {  	v0 =	vld [tilespmem:s6+$0x5C70]  }
0x7b: {  	v1 =	vld [tilespmem:s6+$0x3470]  }
0x7c: {  	v2 =	vld [tilespmem:s6+$0x5C00]  }
0x7d: {  	v3 =	vld [tilespmem:s6+$0x3400]  }
0x7e: {  	v4 =	vld [tilespmem:s6+$0x5C10]  }
0x7f: {  	v5 =	vld [tilespmem:s6+$0x3410]  }
0x80: {  	v6 =	vld [tilespmem:s6+$0x5C20]  }
0x81: {  	v7 =	vld [tilespmem:s6+$0x5C30]  }
0x82: {  	v0 =	vmul.f32 v1, v0;
	v1 =	vld [tilespmem:s6+$0x3420]  }
0x83: {  	v8 =	vld [tilespmem:s6+$0x3430]  }
0x84: {  	v9 =	vld [tilespmem:s6+$0x3440];
	v2 =	vmul.f32 v3, v2  }
0x85: {  	[tilespmem:s6+$0x8470] =	vst v0;
	v0 =	vmul.f32 v5, v4;
	v5 =	vld [tilespmem:s6+$0x5C40]  }
0x86: {  	v3 =	vld [tilespmem:s6+$0x3450];
	[tilespmem:s6+$0x8400] =	vst v2  }
0x87: {  	v2 =	vld [tilespmem:s6+$0x5C50];
	[tilespmem:s6+$0x8410] =	vst v0;
	v0 =	vmul.f32 v1, v6  }
0x88: {  	v4 =	vld [tilespmem:s6+$0x3460];
	v6 =	vmul.f32 v8, v7  }
0x89: {  	s7 =	simm.s32 $0x80;
	[tilespmem:s6+$0x8420] =	vst v0;
	v0 =	vld [tilespmem:s6+$0x5C60]  }
0x8a: {  	s9 =	simm.s32 $0x400;
	v5 =	vmul.f32 v9, v5;
	v1 =	vld [tilespmem:s7+$0x5C70];
	[tilespmem:s6+$0x8430] =	vst v6  }
.LBB2_5:
0x8b: {  	p0 =	sne.s32 s9, $0x4E00;
	v6 =	vld [tilespmem:s7+$0x3470]  }
0x8c: {  	v7 =	vld [tilespmem:s7+$0x5C00];
	[tilespmem:s6+$0x8440] =	vst v5;
	v2 =	vmul.f32 v3, v2  }
0x8d: {  	v3 =	vld [tilespmem:s7+$0x3400]  }
0x8e: {  	v5 =	vld [tilespmem:s7+$0x5C10];
	[tilespmem:s6+$0x8450] =	vst v2;
	v0 =	vmul.f32 v4, v0  }
0x8f: {  	v2 =	vld [tilespmem:s7+$0x3410]  }
0x90: {  	v4 =	vld [tilespmem:s7+$0x5C20];
	v1 =	vmul.f32 v6, v1;
	[tilespmem:s6+$0x8460] =	vst v0;
	s6 =	smov.u32 s7  }
0x91: {  	v0 =	vld [tilespmem:s6+$0x3420]  }
0x92: {  	v3 =	vmul.f32 v3, v7;
	v6 =	vld [tilespmem:s6+$0x5C30];
	[tilespmem:s6+$0x8470] =	vst v1  }
0x93: {  	v1 =	vld [tilespmem:s6+$0x3430]  }
0x94: {  	[tilespmem:s6+$0x8400] =	vst v3;
	v2 =	vmul.f32 v2, v5;
	v5 =	vld [tilespmem:s6+$0x5C40]  }
0x95: {  	v7 =	vld [tilespmem:s6+$0x3440]  }
.Ltmp1:
0x96: {  	[tilespmem:s6+$0x8410] =	vst v2;
	v0 =	vmul.f32 v0, v4;
	v2 =	vld [tilespmem:s6+$0x5C50];
	(pc) =	sbr.rel @p0 .LBB2_5-.Ltmp1, $4  }
0x97: {  	v3 =	vld [tilespmem:s6+$0x3450]  }
0x98: {  	[tilespmem:s6+$0x8420] =	vst v0;
	v6 =	vmul.f32 v1, v6;
	v0 =	vld [tilespmem:s6+$0x5C60]  }
0x99: {  	s7 =	sshra.s32 s9, $0x2;
	v4 =	vld [tilespmem:s6+$0x3460]  }
0x9a: {  	s9 =	sadd.s32 $0x200, s9;
	v1 =	vld [tilespmem:s7+$0x5C70];
	[tilespmem:s6+$0x8430] =	vst v6;
	v5 =	vmul.f32 v7, v5  }
0x9b: {  	v6 =	vld [tilespmem:s7+$0x3470]  }
0x9c: {  	v7 =	vld [tilespmem:s7+$0x5C00];
	[tilespmem:s6+$0x8440] =	vst v5;
	v2 =	vmul.f32 v3, v2  }
0x9d: {  	v51 =	vld [tilespmem:s7+$0x3400]  }
0x9e: {  	v5 =	vld [tilespmem:s7+$0x5C10];
	[tilespmem:s6+$0x8450] =	vst v2;
	v0 =	vmul.f32 v4, v0  }
0x9f: {  	v2 =	vld [tilespmem:s7+$0x3410]  }
0xa0: {  	v52 =	vld [tilespmem:s7+$0x5C20];
	[tilespmem:s6+$0x8460] =	vst v0  }
0xa1: {  	v54 =	vld [tilespmem:s7+$0x3420]  }
0xa2: {  	v55 =	vld [tilespmem:s7+$0x5C30]  }
0xa3: {  	v56 =	vld [tilespmem:s7+$0x3430]  }
0xa4: {  	v57 =	vld [tilespmem:s7+$0x5C40]  }
0xa5: {  	v58 =	vld [tilespmem:s7+$0x3440]  }
0xa6: {  	v59 =	vld [tilespmem:s7+$0x5C50]  }
0xa7: {  	v53 =	vmul.f32 v6, v1;
	v60 =	vld [tilespmem:s7+$0x3450]  }
0xa8: {  	v61 =	vld [tilespmem:s7+$0x5C60];
	v3 =	vmul.f32 v51, v7  }
0xa9: {  	v62 =	vld [tilespmem:s7+$0x3460];
	[tilespmem:s7+$0x8470] =	vst v53;
	v2 =	vmul.f32 v2, v5  }
0xaa: {  	[tilespmem:s7+$0x8400] =	vst v3;
	v1 =	vmul.f32 v54, v52  }
0xab: {  	[tilespmem:s7+$0x8410] =	vst v2;
	v0 =	vmul.f32 v56, v55  }
0xac: {  	v3 =	vmul.f32 v58, v57;
	[tilespmem:s7+$0x8420] =	vst v1  }
0xad: {  	s12 =	sadd.s32 s14, s30;
	v63 =	vmul.f32 v60, v59;
	[tilespmem:s7+$0x8430] =	vst v0  }
0xae: {  	s6 =	sshll.u32 s12, $0x7;
	[tilespmem:s7+$0x8440] =	vst v3;
	v1 =	vmul.f32 v62, v61  }
0xaf: {  	s6 =	sand.u32 $0x1FFFFF80, s6;
	[tilespmem:s7+$0x8450] =	vst v63  }
0xb0: {  	s6 =	sadd.s32 s5, s6;
	[tilespmem:s7+$0x8460] =	vst v1  }
0xb1: {  	[tilespmem:s24], [sflag:$0x4] =	stream.linear.gather [hbm4b:s6+s4], $0x1400, $0x38;
	[tilespmem:$0x1D400] =	vst v63  }
0xb2: {  	s13 =	simm.s32 $0x180  }
0xb3: {  	[tilespmem:s26], [sflag:$0x2] =	stream.indirect.gather [hbm4b:s0+s22], $0x80, s13, s22, $0xb8;
	[tilespmem:$0x1D400] =	vst v63  }
0xb4: {  	s16 =	simm.s32 $0x1080  }
0xb5: {  	[spmem:s3] =	stream.indirect.scatter.add.f32 [tilespmem:s17], [sflag:$0x6], $0x80, s16, s22, $0xb8;
	[tilespmem:$0x1D400] =	vst v63  }
0xb6: {  	s9 =	smul.u32 $0x19, s25;
	s16 =	simm.s32 $0x1  }
.LBB2_7:
0xb7: {  	_ =	swait.ge [sflag:s28], $0x1400  }
0xb8: {  	[sflag:s28] =	ssyncset.done $0x0  }
0xb9: {  	[sflag:s28] =	ssyncadd.s32 $0xFFFFEC00  }
0xba: {  	_ =	swait.ge [sflag:s29], $0x1400  }
0xbb: {  	[sflag:s29] =	ssyncset.done $0x0  }
0xbc: {  	[sflag:s29] =	ssyncadd.s32 $0xFFFFEC00  }
0xbd: {  	_ =	swait.ge [sflag:s10], $0x1400  }
0xbe: {  	[sflag:s10] =	ssyncset.done $0x0  }
0xbf: {  	s6 =	simm.s32 $0x0;
	[sflag:s10] =	ssyncadd.s32 $0xFFFFEC00  }
0xc0: {  	v0 =	vld [tilespmem:s6+$0x4870]  }
0xc1: {  	v1 =	vld [tilespmem:s6+$0x2070]  }
0xc2: {  	v2 =	vld [tilespmem:s6+$0x4800]  }
0xc3: {  	v3 =	vld [tilespmem:s6+$0x2000]  }
0xc4: {  	v4 =	vld [tilespmem:s6+$0x4810]  }
0xc5: {  	v5 =	vld [tilespmem:s6+$0x2010]  }
0xc6: {  	v6 =	vld [tilespmem:s6+$0x4820]  }
0xc7: {  	v7 =	vld [tilespmem:s6+$0x4830]  }
0xc8: {  	v0 =	vmul.f32 v1, v0;
	v1 =	vld [tilespmem:s6+$0x2020]  }
0xc9: {  	v8 =	vld [tilespmem:s6+$0x2030]  }
0xca: {  	v9 =	vld [tilespmem:s6+$0x2040];
	v2 =	vmul.f32 v3, v2  }
0xcb: {  	[tilespmem:s6+$0x7070] =	vst v0;
	v0 =	vmul.f32 v5, v4;
	v5 =	vld [tilespmem:s6+$0x4840]  }
0xcc: {  	v3 =	vld [tilespmem:s6+$0x2050];
	[tilespmem:s6+$0x7000] =	vst v2  }
0xcd: {  	v2 =	vld [tilespmem:s6+$0x4850];
	[tilespmem:s6+$0x7010] =	vst v0;
	v0 =	vmul.f32 v1, v6  }
0xce: {  	v4 =	vld [tilespmem:s6+$0x2060];
	v6 =	vmul.f32 v8, v7  }
0xcf: {  	s7 =	simm.s32 $0x80;
	[tilespmem:s6+$0x7020] =	vst v0;
	v0 =	vld [tilespmem:s6+$0x4860]  }
0xd0: {  	s11 =	simm.s32 $0x400;
	v5 =	vmul.f32 v9, v5;
	v1 =	vld [tilespmem:s7+$0x4870];
	[tilespmem:s6+$0x7030] =	vst v6  }
.LBB2_8:
0xd1: {  	p0 =	sne.s32 s11, $0x4E00;
	v6 =	vld [tilespmem:s7+$0x2070]  }
0xd2: {  	v7 =	vld [tilespmem:s7+$0x4800];
	[tilespmem:s6+$0x7040] =	vst v5;
	v2 =	vmul.f32 v3, v2  }
0xd3: {  	v3 =	vld [tilespmem:s7+$0x2000]  }
0xd4: {  	v5 =	vld [tilespmem:s7+$0x4810];
	[tilespmem:s6+$0x7050] =	vst v2;
	v0 =	vmul.f32 v4, v0  }
0xd5: {  	v2 =	vld [tilespmem:s7+$0x2010]  }
0xd6: {  	v4 =	vld [tilespmem:s7+$0x4820];
	v1 =	vmul.f32 v6, v1;
	[tilespmem:s6+$0x7060] =	vst v0;
	s6 =	smov.u32 s7  }
0xd7: {  	v0 =	vld [tilespmem:s6+$0x2020]  }
0xd8: {  	v3 =	vmul.f32 v3, v7;
	v6 =	vld [tilespmem:s6+$0x4830];
	[tilespmem:s6+$0x7070] =	vst v1  }
0xd9: {  	v1 =	vld [tilespmem:s6+$0x2030]  }
0xda: {  	[tilespmem:s6+$0x7000] =	vst v3;
	v2 =	vmul.f32 v2, v5;
	v5 =	vld [tilespmem:s6+$0x4840]  }
0xdb: {  	v7 =	vld [tilespmem:s6+$0x2040]  }
.Ltmp2:
0xdc: {  	[tilespmem:s6+$0x7010] =	vst v2;
	v0 =	vmul.f32 v0, v4;
	v2 =	vld [tilespmem:s6+$0x4850];
	(pc) =	sbr.rel @p0 .LBB2_8-.Ltmp2, $4  }
0xdd: {  	v3 =	vld [tilespmem:s6+$0x2050]  }
0xde: {  	[tilespmem:s6+$0x7020] =	vst v0;
	v6 =	vmul.f32 v1, v6;
	v0 =	vld [tilespmem:s6+$0x4860]  }
0xdf: {  	s7 =	sshra.s32 s11, $0x2;
	v4 =	vld [tilespmem:s6+$0x2060]  }
0xe0: {  	s11 =	sadd.s32 $0x200, s11;
	v1 =	vld [tilespmem:s7+$0x4870];
	[tilespmem:s6+$0x7030] =	vst v6;
	v5 =	vmul.f32 v7, v5  }
0xe1: {  	v6 =	vld [tilespmem:s7+$0x2070]  }
0xe2: {  	v7 =	vld [tilespmem:s7+$0x4800];
	[tilespmem:s6+$0x7040] =	vst v5;
	v2 =	vmul.f32 v3, v2  }
0xe3: {  	v3 =	vld [tilespmem:s7+$0x2000]  }
0xe4: {  	v5 =	vld [tilespmem:s7+$0x4810];
	[tilespmem:s6+$0x7050] =	vst v2;
	v0 =	vmul.f32 v4, v0  }
0xe5: {  	v2 =	vld [tilespmem:s7+$0x2010]  }
0xe6: {  	v4 =	vld [tilespmem:s7+$0x4820];
	[tilespmem:s6+$0x7060] =	vst v0  }
0xe7: {  	v0 =	vmul.f32 v6, v1;
	v1 =	vld [tilespmem:s7+$0x2020]  }
0xe8: {  	v6 =	vld [tilespmem:s7+$0x4830]  }
0xe9: {  	v3 =	vmul.f32 v3, v7;
	[tilespmem:s7+$0x7070] =	vst v0;
	v0 =	vld [tilespmem:s7+$0x2030]  }
0xea: {  	v7 =	vld [tilespmem:s7+$0x2060]  }
0xeb: {  	[tilespmem:s7+$0x7000] =	vst v3;
	v2 =	vmul.f32 v2, v5;
	v3 =	vld [tilespmem:s7+$0x4840]  }
0xec: {  	v5 =	vld [tilespmem:s7+$0x2040]  }
0xed: {  	[tilespmem:s7+$0x7010] =	vst v2;
	v1 =	vmul.f32 v1, v4;
	v2 =	vld [tilespmem:s7+$0x4850]  }
0xee: {  	s6 =	sshll.u32 s16, $0x1;
	v4 =	vld [tilespmem:s7+$0x2050]  }
0xef: {  	s11 =	sadd.s32 $0x2, s6;
	[tilespmem:s7+$0x7020] =	vst v1;
	v1 =	vld [tilespmem:s7+$0x4860]  }
0xf0: {  	s12 =	sadd.s32 s9, s11  }
0xf1: {  	s12 =	smul.u32 $0x5, s12;
	v0 =	vmul.f32 v0, v6  }
0xf2: {  	v3 =	vmul.f32 v5, v3  }
0xf3: {  	s12 =	sadd.s32 s8, s12;
	[tilespmem:s7+$0x7030] =	vst v0;
	v0 =	vmul.f32 v4, v2  }
0xf4: {  	s12 =	sshll.u32 s12, $0x7;
	[tilespmem:s7+$0x7040] =	vst v3;
	v1 =	vmul.f32 v7, v1  }
0xf5: {  	s12 =	sand.u32 $0x1FFFFF80, s12;
	[tilespmem:s7+$0x7050] =	vst v0  }
0xf6: {  	s13 =	simm.s32 $0x0;
	s11 =	sshll.u32 s11, $0x7;
	s12 =	sadd.s32 s5, s12;
	[tilespmem:s7+$0x7060] =	vst v1  }
0xf7: {  	[tilespmem:s21], [sflag:$0x3] =	stream.linear.gather [hbm4b:s12+s13], $0x1400, $0x38;
	[tilespmem:$0x1D400] =	vst v63  }
0xf8: {  	s7 =	sand.u32 $0x3FFFFF00, s11;
	s12 =	sshll.u32 s16, $0x8  }
0xf9: {  	[tilespmem:s23], [sflag:$0x1] =	stream.indirect.gather [hbm4b:s0+s22], $0x80, s7, s22, $0xb8;
	[tilespmem:$0x1D400] =	vst v63  }
0xfa: {  	s7 =	sand.u32 $0x3FFFFF00, s12  }
0xfb: {  	s13 =	sadd.s32 $0x1000, s7  }
0xfc: {  	[spmem:s3] =	stream.indirect.scatter.add.f32 [tilespmem:s31], [sflag:$0x5], $0x80, s13, s22, $0xb8;
	[tilespmem:$0x1D400] =	vst v63  }
0xfd: {  	_ =	swait.ge [sflag:s1], $0x1400  }
0xfe: {  	[sflag:s1] =	ssyncset.done $0x0  }
0xff: {  	[sflag:s1] =	ssyncadd.s32 $0xFFFFEC00  }
0x100: {  	_ =	swait.ge [sflag:s2], $0x1400  }
0x101: {  	[sflag:s2] =	ssyncset.done $0x0  }
0x102: {  	[sflag:s2] =	ssyncadd.s32 $0xFFFFEC00  }
0x103: {  	_ =	swait.ge [sflag:s18], $0x1400  }
0x104: {  	[sflag:s18] =	ssyncset.done $0x0  }
0x105: {  	s11 =	simm.s32 $0x0;
	[sflag:s18] =	ssyncadd.s32 $0xFFFFEC00  }
0x106: {  	v0 =	vld [tilespmem:s11+$0x5C70]  }
0x107: {  	v1 =	vld [tilespmem:s11+$0x3470]  }
0x108: {  	v2 =	vld [tilespmem:s11+$0x5C00]  }
0x109: {  	v3 =	vld [tilespmem:s11+$0x3400]  }
0x10a: {  	v4 =	vld [tilespmem:s11+$0x5C10]  }
0x10b: {  	v5 =	vld [tilespmem:s11+$0x3410]  }
0x10c: {  	v6 =	vld [tilespmem:s11+$0x5C20]  }
0x10d: {  	v7 =	vld [tilespmem:s11+$0x5C30]  }
0x10e: {  	v0 =	vmul.f32 v1, v0;
	v1 =	vld [tilespmem:s11+$0x3420]  }
0x10f: {  	v8 =	vld [tilespmem:s11+$0x3430]  }
0x110: {  	v9 =	vld [tilespmem:s11+$0x3440];
	v2 =	vmul.f32 v3, v2  }
0x111: {  	[tilespmem:s11+$0x8470] =	vst v0;
	v0 =	vmul.f32 v5, v4;
	v5 =	vld [tilespmem:s11+$0x5C40]  }
0x112: {  	v3 =	vld [tilespmem:s11+$0x3450];
	[tilespmem:s11+$0x8400] =	vst v2  }
0x113: {  	v2 =	vld [tilespmem:s11+$0x5C50];
	[tilespmem:s11+$0x8410] =	vst v0;
	v0 =	vmul.f32 v1, v6  }
0x114: {  	v4 =	vld [tilespmem:s11+$0x3460];
	v6 =	vmul.f32 v8, v7  }
0x115: {  	s12 =	simm.s32 $0x80;
	[tilespmem:s11+$0x8420] =	vst v0;
	v0 =	vld [tilespmem:s11+$0x5C60]  }
0x116: {  	s13 =	simm.s32 $0x400;
	v5 =	vmul.f32 v9, v5;
	v1 =	vld [tilespmem:s12+$0x5C70];
	[tilespmem:s11+$0x8430] =	vst v6  }
.LBB2_10:
0x117: {  	p0 =	sne.s32 s13, $0x4E00;
	v6 =	vld [tilespmem:s12+$0x3470]  }
0x118: {  	v7 =	vld [tilespmem:s12+$0x5C00];
	[tilespmem:s11+$0x8440] =	vst v5;
	v2 =	vmul.f32 v3, v2  }
0x119: {  	v3 =	vld [tilespmem:s12+$0x3400]  }
0x11a: {  	v5 =	vld [tilespmem:s12+$0x5C10];
	[tilespmem:s11+$0x8450] =	vst v2;
	v0 =	vmul.f32 v4, v0  }
0x11b: {  	v2 =	vld [tilespmem:s12+$0x3410]  }
0x11c: {  	v4 =	vld [tilespmem:s12+$0x5C20];
	v1 =	vmul.f32 v6, v1;
	[tilespmem:s11+$0x8460] =	vst v0;
	s11 =	smov.u32 s12  }
0x11d: {  	v0 =	vld [tilespmem:s11+$0x3420]  }
0x11e: {  	v3 =	vmul.f32 v3, v7;
	v6 =	vld [tilespmem:s11+$0x5C30];
	[tilespmem:s11+$0x8470] =	vst v1  }
0x11f: {  	v1 =	vld [tilespmem:s11+$0x3430]  }
0x120: {  	[tilespmem:s11+$0x8400] =	vst v3;
	v2 =	vmul.f32 v2, v5;
	v5 =	vld [tilespmem:s11+$0x5C40]  }
0x121: {  	v7 =	vld [tilespmem:s11+$0x3440]  }
.Ltmp3:
0x122: {  	[tilespmem:s11+$0x8410] =	vst v2;
	v0 =	vmul.f32 v0, v4;
	v2 =	vld [tilespmem:s11+$0x5C50];
	(pc) =	sbr.rel @p0 .LBB2_10-.Ltmp3, $4  }
0x123: {  	v3 =	vld [tilespmem:s11+$0x3450]  }
0x124: {  	[tilespmem:s11+$0x8420] =	vst v0;
	v6 =	vmul.f32 v1, v6;
	v0 =	vld [tilespmem:s11+$0x5C60]  }
0x125: {  	s12 =	sshra.s32 s13, $0x2;
	v4 =	vld [tilespmem:s11+$0x3460]  }
0x126: {  	s13 =	sadd.s32 $0x200, s13;
	v1 =	vld [tilespmem:s12+$0x5C70];
	[tilespmem:s11+$0x8430] =	vst v6;
	v5 =	vmul.f32 v7, v5  }
0x127: {  	v6 =	vld [tilespmem:s12+$0x3470]  }
0x128: {  	v7 =	vld [tilespmem:s12+$0x5C00];
	[tilespmem:s11+$0x8440] =	vst v5;
	v2 =	vmul.f32 v3, v2  }
0x129: {  	v51 =	vld [tilespmem:s12+$0x3400]  }
0x12a: {  	v5 =	vld [tilespmem:s12+$0x5C10];
	[tilespmem:s11+$0x8450] =	vst v2;
	v0 =	vmul.f32 v4, v0  }
0x12b: {  	v2 =	vld [tilespmem:s12+$0x3410]  }
0x12c: {  	v52 =	vld [tilespmem:s12+$0x5C20];
	[tilespmem:s11+$0x8460] =	vst v0  }
0x12d: {  	v54 =	vld [tilespmem:s12+$0x3420]  }
0x12e: {  	v55 =	vld [tilespmem:s12+$0x5C30]  }
0x12f: {  	v56 =	vld [tilespmem:s12+$0x3430]  }
0x130: {  	v57 =	vld [tilespmem:s12+$0x5C40]  }
0x131: {  	v58 =	vld [tilespmem:s12+$0x3440]  }
0x132: {  	v59 =	vld [tilespmem:s12+$0x5C50]  }
0x133: {  	v53 =	vmul.f32 v6, v1;
	v60 =	vld [tilespmem:s12+$0x3450]  }
0x134: {  	v61 =	vld [tilespmem:s12+$0x5C60];
	v3 =	vmul.f32 v51, v7  }
0x135: {  	s6 =	sadd.s32 $0x3, s6;
	v62 =	vld [tilespmem:s12+$0x3460];
	[tilespmem:s12+$0x8470] =	vst v53;
	v2 =	vmul.f32 v2, v5  }
0x136: {  	s13 =	sadd.s32 s9, s6;
	[tilespmem:s12+$0x8400] =	vst v3;
	v1 =	vmul.f32 v54, v52  }
0x137: {  	s11 =	smul.u32 $0x5, s13;
	[tilespmem:s12+$0x8410] =	vst v2;
	v0 =	vmul.f32 v56, v55  }
0x138: {  	v3 =	vmul.f32 v58, v57;
	[tilespmem:s12+$0x8420] =	vst v1  }
0x139: {  	s11 =	sadd.s32 s8, s11;
	v63 =	vmul.f32 v60, v59;
	[tilespmem:s12+$0x8430] =	vst v0  }
0x13a: {  	s11 =	sshll.u32 s11, $0x7;
	[tilespmem:s12+$0x8440] =	vst v3;
	v1 =	vmul.f32 v62, v61  }
0x13b: {  	s16 =	sadd.s32 $0x1, s16;
	s11 =	sand.u32 $0x1FFFFF80, s11;
	[tilespmem:s12+$0x8450] =	vst v63  }
0x13c: {  	p0 =	sne.s32 s16, $0xB;
	s11 =	sadd.s32 s5, s11;
	[tilespmem:s12+$0x8460] =	vst v1  }
0x13d: {  	[tilespmem:s24], [sflag:$0x4] =	stream.linear.gather [hbm4b:s11+s4], $0x1400, $0x38;
	[tilespmem:$0x1D400] =	vst v63  }
.Ltmp4:
0x13e: {  	s6 =	sshll.u32 s6, $0x7;
	(pc) =	sbr.rel @p0 .LBB2_7-.Ltmp4, $4  }
0x13f: {  	s6 =	sand.u32 $0x3FFFFF80, s6  }
0x140: {  	[tilespmem:s26], [sflag:$0x2] =	stream.indirect.gather [hbm4b:s0+s22], $0x80, s6, s22, $0xb8;
	[tilespmem:$0x1D400] =	vst v63  }
0x141: {  	s13 =	sadd.s32 $0x1080, s7  }
0x142: {  	[spmem:s3] =	stream.indirect.scatter.add.f32 [tilespmem:s17], [sflag:$0x6], $0x80, s13, s22, $0xb8;
	[tilespmem:$0x1D400] =	vst v63  }
0x143: {  	_ =	swait.ge [sflag:s28], $0x1400  }
0x144: {  	[sflag:s28] =	ssyncset.done $0x0  }
0x145: {  	[sflag:s28] =	ssyncadd.s32 $0xFFFFEC00  }
0x146: {  	_ =	swait.ge [sflag:s29], $0x1400  }
0x147: {  	[sflag:s29] =	ssyncset.done $0x0  }
0x148: {  	[sflag:s29] =	ssyncadd.s32 $0xFFFFEC00  }
0x149: {  	_ =	swait.ge [sflag:s10], $0x1400  }
0x14a: {  	[sflag:s10] =	ssyncset.done $0x0  }
0x14b: {  	s6 =	simm.s32 $0x0;
	[sflag:s10] =	ssyncadd.s32 $0xFFFFEC00  }
0x14c: {  	v0 =	vld [tilespmem:s6+$0x4870]  }
0x14d: {  	v1 =	vld [tilespmem:s6+$0x2070]  }
0x14e: {  	v2 =	vld [tilespmem:s6+$0x4800]  }
0x14f: {  	v3 =	vld [tilespmem:s6+$0x2000]  }
0x150: {  	v4 =	vld [tilespmem:s6+$0x4810]  }
0x151: {  	v5 =	vld [tilespmem:s6+$0x2010]  }
0x152: {  	v6 =	vld [tilespmem:s6+$0x4820]  }
0x153: {  	v7 =	vld [tilespmem:s6+$0x4830]  }
0x154: {  	v0 =	vmul.f32 v1, v0;
	v1 =	vld [tilespmem:s6+$0x2020]  }
0x155: {  	v8 =	vld [tilespmem:s6+$0x2030]  }
0x156: {  	v9 =	vld [tilespmem:s6+$0x2040];
	v2 =	vmul.f32 v3, v2  }
0x157: {  	[tilespmem:s6+$0x7070] =	vst v0;
	v0 =	vmul.f32 v5, v4;
	v5 =	vld [tilespmem:s6+$0x4840]  }
0x158: {  	v3 =	vld [tilespmem:s6+$0x2050];
	[tilespmem:s6+$0x7000] =	vst v2  }
0x159: {  	v2 =	vld [tilespmem:s6+$0x4850];
	[tilespmem:s6+$0x7010] =	vst v0;
	v0 =	vmul.f32 v1, v6  }
0x15a: {  	v4 =	vld [tilespmem:s6+$0x2060];
	v6 =	vmul.f32 v8, v7  }
0x15b: {  	s7 =	simm.s32 $0x80;
	[tilespmem:s6+$0x7020] =	vst v0;
	v0 =	vld [tilespmem:s6+$0x4860]  }
0x15c: {  	s9 =	simm.s32 $0x400;
	v5 =	vmul.f32 v9, v5;
	v1 =	vld [tilespmem:s7+$0x4870];
	[tilespmem:s6+$0x7030] =	vst v6  }
.LBB2_13:
0x15d: {  	p0 =	sne.s32 s9, $0x4E00;
	v6 =	vld [tilespmem:s7+$0x2070]  }
0x15e: {  	v7 =	vld [tilespmem:s7+$0x4800];
	[tilespmem:s6+$0x7040] =	vst v5;
	v2 =	vmul.f32 v3, v2  }
0x15f: {  	v3 =	vld [tilespmem:s7+$0x2000]  }
0x160: {  	v5 =	vld [tilespmem:s7+$0x4810];
	[tilespmem:s6+$0x7050] =	vst v2;
	v0 =	vmul.f32 v4, v0  }
0x161: {  	v2 =	vld [tilespmem:s7+$0x2010]  }
0x162: {  	v4 =	vld [tilespmem:s7+$0x4820];
	v1 =	vmul.f32 v6, v1;
	[tilespmem:s6+$0x7060] =	vst v0;
	s6 =	smov.u32 s7  }
0x163: {  	v0 =	vld [tilespmem:s6+$0x2020]  }
0x164: {  	v3 =	vmul.f32 v3, v7;
	v6 =	vld [tilespmem:s6+$0x4830];
	[tilespmem:s6+$0x7070] =	vst v1  }
0x165: {  	v1 =	vld [tilespmem:s6+$0x2030]  }
0x166: {  	[tilespmem:s6+$0x7000] =	vst v3;
	v2 =	vmul.f32 v2, v5;
	v5 =	vld [tilespmem:s6+$0x4840]  }
0x167: {  	v7 =	vld [tilespmem:s6+$0x2040]  }
.Ltmp5:
0x168: {  	[tilespmem:s6+$0x7010] =	vst v2;
	v0 =	vmul.f32 v0, v4;
	v2 =	vld [tilespmem:s6+$0x4850];
	(pc) =	sbr.rel @p0 .LBB2_13-.Ltmp5, $4  }
0x169: {  	v3 =	vld [tilespmem:s6+$0x2050]  }
0x16a: {  	[tilespmem:s6+$0x7020] =	vst v0;
	v6 =	vmul.f32 v1, v6;
	v0 =	vld [tilespmem:s6+$0x4860]  }
0x16b: {  	s7 =	sshra.s32 s9, $0x2;
	v4 =	vld [tilespmem:s6+$0x2060]  }
0x16c: {  	s9 =	sadd.s32 $0x200, s9;
	v1 =	vld [tilespmem:s7+$0x4870];
	[tilespmem:s6+$0x7030] =	vst v6;
	v5 =	vmul.f32 v7, v5  }
0x16d: {  	v6 =	vld [tilespmem:s7+$0x2070]  }
0x16e: {  	v7 =	vld [tilespmem:s7+$0x4800];
	[tilespmem:s6+$0x7040] =	vst v5;
	v2 =	vmul.f32 v3, v2  }
0x16f: {  	v3 =	vld [tilespmem:s7+$0x2000]  }
0x170: {  	v5 =	vld [tilespmem:s7+$0x4810];
	[tilespmem:s6+$0x7050] =	vst v2;
	v0 =	vmul.f32 v4, v0  }
0x171: {  	v2 =	vld [tilespmem:s7+$0x2010]  }
0x172: {  	v4 =	vld [tilespmem:s7+$0x4820];
	[tilespmem:s6+$0x7060] =	vst v0  }
0x173: {  	v0 =	vmul.f32 v6, v1;
	v1 =	vld [tilespmem:s7+$0x2020]  }
0x174: {  	v6 =	vld [tilespmem:s7+$0x4830]  }
0x175: {  	v3 =	vmul.f32 v3, v7;
	[tilespmem:s7+$0x7070] =	vst v0;
	v0 =	vld [tilespmem:s7+$0x2030]  }
0x176: {  	v7 =	vld [tilespmem:s7+$0x2060]  }
0x177: {  	[tilespmem:s7+$0x7000] =	vst v3;
	v2 =	vmul.f32 v2, v5;
	v3 =	vld [tilespmem:s7+$0x4840]  }
0x178: {  	v5 =	vld [tilespmem:s7+$0x2040]  }
0x179: {  	[tilespmem:s7+$0x7010] =	vst v2;
	v1 =	vmul.f32 v1, v4;
	v2 =	vld [tilespmem:s7+$0x4850]  }
0x17a: {  	v4 =	vld [tilespmem:s7+$0x2050]  }
0x17b: {  	[tilespmem:s7+$0x7020] =	vst v1;
	v1 =	vld [tilespmem:s7+$0x4860];
	_ =	sdelay $0x1  }
0x17c: {  	v0 =	vmul.f32 v0, v6  }
0x17d: {  	v3 =	vmul.f32 v5, v3  }
0x17e: {  	s12 =	sadd.s32 s15, s30;
	[tilespmem:s7+$0x7030] =	vst v0;
	v0 =	vmul.f32 v4, v2  }
0x17f: {  	s6 =	sshll.u32 s12, $0x7;
	[tilespmem:s7+$0x7040] =	vst v3;
	v1 =	vmul.f32 v7, v1  }
0x180: {  	s6 =	sand.u32 $0x1FFFFF80, s6;
	[tilespmem:s7+$0x7050] =	vst v0  }
0x181: {  	s13 =	simm.s32 $0x0;
	s6 =	sadd.s32 s5, s6;
	[tilespmem:s7+$0x7060] =	vst v1  }
0x182: {  	[tilespmem:s21], [sflag:$0x3] =	stream.linear.gather [hbm4b:s6+s13], $0x1400, $0x38;
	[tilespmem:$0x1D400] =	vst v63  }
0x183: {  	s16 =	simm.s32 $0xC00  }
0x184: {  	[tilespmem:s23], [sflag:$0x1] =	stream.indirect.gather [hbm4b:s0+s22], $0x80, s16, s22, $0xb8;
	[tilespmem:$0x1D400] =	vst v63  }
0x185: {  	s30 =	simm.s32 $0x1B00  }
0x186: {  	[spmem:s3] =	stream.indirect.scatter.add.f32 [tilespmem:s31], [sflag:$0x5], $0x80, s30, s22, $0xb8;
	[tilespmem:$0x1D400] =	vst v63  }
0x187: {  	_ =	swait.ge [sflag:s1], $0x1400  }
0x188: {  	[sflag:s1] =	ssyncset.done $0x0  }
0x189: {  	[sflag:s1] =	ssyncadd.s32 $0xFFFFEC00  }
0x18a: {  	_ =	swait.ge [sflag:s2], $0x1400  }
0x18b: {  	[sflag:s2] =	ssyncset.done $0x0  }
0x18c: {  	[sflag:s2] =	ssyncadd.s32 $0xFFFFEC00  }
0x18d: {  	_ =	swait.ge [sflag:s18], $0x1400  }
0x18e: {  	[sflag:s18] =	ssyncset.done $0x0  }
0x18f: {  	s6 =	simm.s32 $0x0;
	[sflag:s18] =	ssyncadd.s32 $0xFFFFEC00  }
0x190: {  	v0 =	vld [tilespmem:s6+$0x5C70]  }
0x191: {  	v1 =	vld [tilespmem:s6+$0x3470]  }
0x192: {  	v2 =	vld [tilespmem:s6+$0x5C00]  }
0x193: {  	v3 =	vld [tilespmem:s6+$0x3400]  }
0x194: {  	v4 =	vld [tilespmem:s6+$0x5C10]  }
0x195: {  	v5 =	vld [tilespmem:s6+$0x3410]  }
0x196: {  	v6 =	vld [tilespmem:s6+$0x5C20]  }
0x197: {  	v7 =	vld [tilespmem:s6+$0x5C30]  }
0x198: {  	v0 =	vmul.f32 v1, v0;
	v1 =	vld [tilespmem:s6+$0x3420]  }
0x199: {  	v8 =	vld [tilespmem:s6+$0x3430]  }
0x19a: {  	v9 =	vld [tilespmem:s6+$0x3440];
	v2 =	vmul.f32 v3, v2  }
0x19b: {  	[tilespmem:s6+$0x8470] =	vst v0;
	v0 =	vmul.f32 v5, v4;
	v5 =	vld [tilespmem:s6+$0x5C40]  }
0x19c: {  	v3 =	vld [tilespmem:s6+$0x3450];
	[tilespmem:s6+$0x8400] =	vst v2  }
0x19d: {  	v2 =	vld [tilespmem:s6+$0x5C50];
	[tilespmem:s6+$0x8410] =	vst v0;
	v0 =	vmul.f32 v1, v6  }
0x19e: {  	v4 =	vld [tilespmem:s6+$0x3460];
	v6 =	vmul.f32 v8, v7  }
0x19f: {  	s7 =	simm.s32 $0x80;
	[tilespmem:s6+$0x8420] =	vst v0;
	v0 =	vld [tilespmem:s6+$0x5C60]  }
0x1a0: {  	s9 =	simm.s32 $0x400;
	v5 =	vmul.f32 v9, v5;
	v1 =	vld [tilespmem:s7+$0x5C70];
	[tilespmem:s6+$0x8430] =	vst v6  }
.LBB2_15:
0x1a1: {  	p0 =	sne.s32 s9, $0x4E00;
	v6 =	vld [tilespmem:s7+$0x3470]  }
0x1a2: {  	v7 =	vld [tilespmem:s7+$0x5C00];
	[tilespmem:s6+$0x8440] =	vst v5;
	v2 =	vmul.f32 v3, v2  }
0x1a3: {  	v3 =	vld [tilespmem:s7+$0x3400]  }
0x1a4: {  	v5 =	vld [tilespmem:s7+$0x5C10];
	[tilespmem:s6+$0x8450] =	vst v2;
	v0 =	vmul.f32 v4, v0  }
0x1a5: {  	v2 =	vld [tilespmem:s7+$0x3410]  }
0x1a6: {  	v4 =	vld [tilespmem:s7+$0x5C20];
	v1 =	vmul.f32 v6, v1;
	[tilespmem:s6+$0x8460] =	vst v0;
	s6 =	smov.u32 s7  }
0x1a7: {  	v0 =	vld [tilespmem:s6+$0x3420]  }
0x1a8: {  	v3 =	vmul.f32 v3, v7;
	v6 =	vld [tilespmem:s6+$0x5C30];
	[tilespmem:s6+$0x8470] =	vst v1  }
0x1a9: {  	v1 =	vld [tilespmem:s6+$0x3430]  }
0x1aa: {  	[tilespmem:s6+$0x8400] =	vst v3;
	v2 =	vmul.f32 v2, v5;
	v5 =	vld [tilespmem:s6+$0x5C40]  }
0x1ab: {  	v7 =	vld [tilespmem:s6+$0x3440]  }
.Ltmp6:
0x1ac: {  	[tilespmem:s6+$0x8410] =	vst v2;
	v0 =	vmul.f32 v0, v4;
	v2 =	vld [tilespmem:s6+$0x5C50];
	(pc) =	sbr.rel @p0 .LBB2_15-.Ltmp6, $4  }
0x1ad: {  	v3 =	vld [tilespmem:s6+$0x3450]  }
0x1ae: {  	[tilespmem:s6+$0x8420] =	vst v0;
	v6 =	vmul.f32 v1, v6;
	v0 =	vld [tilespmem:s6+$0x5C60]  }
0x1af: {  	s7 =	sshra.s32 s9, $0x2;
	v4 =	vld [tilespmem:s6+$0x3460]  }
0x1b0: {  	s9 =	sadd.s32 $0x200, s9;
	v1 =	vld [tilespmem:s7+$0x5C70];
	[tilespmem:s6+$0x8430] =	vst v6;
	v5 =	vmul.f32 v7, v5  }
0x1b1: {  	v6 =	vld [tilespmem:s7+$0x3470]  }
0x1b2: {  	v7 =	vld [tilespmem:s7+$0x5C00];
	[tilespmem:s6+$0x8440] =	vst v5;
	v2 =	vmul.f32 v3, v2  }
0x1b3: {  	v3 =	vld [tilespmem:s7+$0x3400]  }
0x1b4: {  	v5 =	vld [tilespmem:s7+$0x5C10];
	[tilespmem:s6+$0x8450] =	vst v2;
	v0 =	vmul.f32 v4, v0  }
0x1b5: {  	v2 =	vld [tilespmem:s7+$0x3410]  }
0x1b6: {  	v4 =	vld [tilespmem:s7+$0x5C20];
	[tilespmem:s6+$0x8460] =	vst v0  }
0x1b7: {  	v0 =	vmul.f32 v6, v1;
	v1 =	vld [tilespmem:s7+$0x3420]  }
0x1b8: {  	v6 =	vld [tilespmem:s7+$0x5C30]  }
0x1b9: {  	v3 =	vmul.f32 v3, v7;
	[tilespmem:s7+$0x8470] =	vst v0;
	v0 =	vld [tilespmem:s7+$0x3430]  }
0x1ba: {  	v7 =	vld [tilespmem:s7+$0x3460]  }
0x1bb: {  	[tilespmem:s7+$0x8400] =	vst v3;
	v2 =	vmul.f32 v2, v5;
	v3 =	vld [tilespmem:s7+$0x5C40]  }
0x1bc: {  	v5 =	vld [tilespmem:s7+$0x3440]  }
0x1bd: {  	[tilespmem:s7+$0x8410] =	vst v2;
	v1 =	vmul.f32 v1, v4;
	v2 =	vld [tilespmem:s7+$0x5C50]  }
0x1be: {  	v4 =	vld [tilespmem:s7+$0x3450]  }
0x1bf: {  	[tilespmem:s7+$0x8420] =	vst v1;
	v1 =	vld [tilespmem:s7+$0x5C60];
	_ =	sdelay $0x1  }
0x1c0: {  	v0 =	vmul.f32 v0, v6  }
0x1c1: {  	v3 =	vmul.f32 v5, v3  }
0x1c2: {  	[tilespmem:s7+$0x8430] =	vst v0;
	v0 =	vmul.f32 v4, v2  }
0x1c3: {  	[tilespmem:s7+$0x8440] =	vst v3;
	v1 =	vmul.f32 v7, v1  }
0x1c4: {  	[tilespmem:s7+$0x8450] =	vst v0  }
0x1c5: {  	s30 =	simm.s32 $0x1B80;
	[tilespmem:s7+$0x8460] =	vst v1  }
0x1c6: {  	[spmem:s3] =	stream.indirect.scatter.add.f32 [tilespmem:s17], [sflag:$0x6], $0x80, s30, s22, $0xb8;
	[tilespmem:$0x1D400] =	vst v63  }
0x1c7: {  	_ =	swait.ge [sflag:s28], $0x1400  }
0x1c8: {  	[sflag:s28] =	ssyncset.done $0x0  }
0x1c9: {  	[sflag:s28] =	ssyncadd.s32 $0xFFFFEC00  }
0x1ca: {  	_ =	swait.ge [sflag:s29], $0x1400  }
0x1cb: {  	[sflag:s29] =	ssyncset.done $0x0  }
0x1cc: {  	[sflag:s29] =	ssyncadd.s32 $0xFFFFEC00  }
0x1cd: {  	_ =	swait.ge [sflag:s10], $0x1400  }
0x1ce: {  	[sflag:s10] =	ssyncset.done $0x0  }
0x1cf: {  	s6 =	simm.s32 $0x0;
	[sflag:s10] =	ssyncadd.s32 $0xFFFFEC00  }
0x1d0: {  	v0 =	vld [tilespmem:s6+$0x4870]  }
0x1d1: {  	v1 =	vld [tilespmem:s6+$0x2070]  }
0x1d2: {  	v2 =	vld [tilespmem:s6+$0x4800]  }
0x1d3: {  	v3 =	vld [tilespmem:s6+$0x2000]  }
0x1d4: {  	v4 =	vld [tilespmem:s6+$0x4810]  }
0x1d5: {  	v5 =	vld [tilespmem:s6+$0x2010]  }
0x1d6: {  	v6 =	vld [tilespmem:s6+$0x4820]  }
0x1d7: {  	v7 =	vld [tilespmem:s6+$0x4830]  }
0x1d8: {  	v0 =	vmul.f32 v1, v0;
	v1 =	vld [tilespmem:s6+$0x2020]  }
0x1d9: {  	v8 =	vld [tilespmem:s6+$0x2030]  }
0x1da: {  	v9 =	vld [tilespmem:s6+$0x2040];
	v2 =	vmul.f32 v3, v2  }
0x1db: {  	[tilespmem:s6+$0x7070] =	vst v0;
	v0 =	vmul.f32 v5, v4;
	v5 =	vld [tilespmem:s6+$0x4840]  }
0x1dc: {  	v3 =	vld [tilespmem:s6+$0x2050];
	[tilespmem:s6+$0x7000] =	vst v2  }
0x1dd: {  	v2 =	vld [tilespmem:s6+$0x4850];
	[tilespmem:s6+$0x7010] =	vst v0;
	v0 =	vmul.f32 v1, v6  }
0x1de: {  	v4 =	vld [tilespmem:s6+$0x2060];
	v6 =	vmul.f32 v8, v7  }
0x1df: {  	s7 =	simm.s32 $0x80;
	[tilespmem:s6+$0x7020] =	vst v0;
	v0 =	vld [tilespmem:s6+$0x4860]  }
0x1e0: {  	s9 =	simm.s32 $0x400;
	v5 =	vmul.f32 v9, v5;
	v1 =	vld [tilespmem:s7+$0x4870];
	[tilespmem:s6+$0x7030] =	vst v6  }
.LBB2_17:
0x1e1: {  	p0 =	sne.s32 s9, $0x4E00;
	v6 =	vld [tilespmem:s7+$0x2070]  }
0x1e2: {  	v7 =	vld [tilespmem:s7+$0x4800];
	[tilespmem:s6+$0x7040] =	vst v5;
	v2 =	vmul.f32 v3, v2  }
0x1e3: {  	v3 =	vld [tilespmem:s7+$0x2000]  }
0x1e4: {  	v5 =	vld [tilespmem:s7+$0x4810];
	[tilespmem:s6+$0x7050] =	vst v2;
	v0 =	vmul.f32 v4, v0  }
0x1e5: {  	v2 =	vld [tilespmem:s7+$0x2010]  }
0x1e6: {  	v4 =	vld [tilespmem:s7+$0x4820];
	v1 =	vmul.f32 v6, v1;
	[tilespmem:s6+$0x7060] =	vst v0;
	s6 =	smov.u32 s7  }
0x1e7: {  	v0 =	vld [tilespmem:s6+$0x2020]  }
0x1e8: {  	v3 =	vmul.f32 v3, v7;
	v6 =	vld [tilespmem:s6+$0x4830];
	[tilespmem:s6+$0x7070] =	vst v1  }
0x1e9: {  	v1 =	vld [tilespmem:s6+$0x2030]  }
0x1ea: {  	[tilespmem:s6+$0x7000] =	vst v3;
	v2 =	vmul.f32 v2, v5;
	v5 =	vld [tilespmem:s6+$0x4840]  }
0x1eb: {  	v7 =	vld [tilespmem:s6+$0x2040]  }
.Ltmp7:
0x1ec: {  	[tilespmem:s6+$0x7010] =	vst v2;
	v0 =	vmul.f32 v0, v4;
	v2 =	vld [tilespmem:s6+$0x4850];
	(pc) =	sbr.rel @p0 .LBB2_17-.Ltmp7, $4  }
0x1ed: {  	v3 =	vld [tilespmem:s6+$0x2050]  }
0x1ee: {  	[tilespmem:s6+$0x7020] =	vst v0;
	v6 =	vmul.f32 v1, v6;
	v0 =	vld [tilespmem:s6+$0x4860]  }
0x1ef: {  	s7 =	sshra.s32 s9, $0x2;
	v4 =	vld [tilespmem:s6+$0x2060]  }
0x1f0: {  	s9 =	sadd.s32 $0x200, s9;
	v1 =	vld [tilespmem:s7+$0x4870];
	[tilespmem:s6+$0x7030] =	vst v6;
	v5 =	vmul.f32 v7, v5  }
0x1f1: {  	v6 =	vld [tilespmem:s7+$0x2070]  }
0x1f2: {  	v7 =	vld [tilespmem:s7+$0x4800];
	[tilespmem:s6+$0x7040] =	vst v5;
	v2 =	vmul.f32 v3, v2  }
0x1f3: {  	v51 =	vld [tilespmem:s7+$0x2000]  }
0x1f4: {  	v5 =	vld [tilespmem:s7+$0x4810];
	[tilespmem:s6+$0x7050] =	vst v2;
	v0 =	vmul.f32 v4, v0  }
0x1f5: {  	v2 =	vld [tilespmem:s7+$0x2010]  }
0x1f6: {  	v52 =	vld [tilespmem:s7+$0x4820];
	[tilespmem:s6+$0x7060] =	vst v0  }
0x1f7: {  	v54 =	vld [tilespmem:s7+$0x2020]  }
0x1f8: {  	v55 =	vld [tilespmem:s7+$0x4830]  }
0x1f9: {  	v56 =	vld [tilespmem:s7+$0x2030]  }
0x1fa: {  	v57 =	vld [tilespmem:s7+$0x4840]  }
0x1fb: {  	v58 =	vld [tilespmem:s7+$0x2040]  }
0x1fc: {  	v59 =	vld [tilespmem:s7+$0x4850]  }
0x1fd: {  	v53 =	vmul.f32 v6, v1;
	v60 =	vld [tilespmem:s7+$0x2050]  }
0x1fe: {  	v61 =	vld [tilespmem:s7+$0x4860];
	v3 =	vmul.f32 v51, v7  }
0x1ff: {  	v62 =	vld [tilespmem:s7+$0x2060];
	[tilespmem:s7+$0x7070] =	vst v53;
	v2 =	vmul.f32 v2, v5  }
0x200: {  	[tilespmem:s7+$0x7000] =	vst v3;
	v1 =	vmul.f32 v54, v52  }
0x201: {  	[tilespmem:s7+$0x7010] =	vst v2;
	v0 =	vmul.f32 v56, v55  }
0x202: {  	v3 =	vmul.f32 v58, v57;
	[tilespmem:s7+$0x7020] =	vst v1  }
0x203: {  	v63 =	vmul.f32 v60, v59;
	[tilespmem:s7+$0x7030] =	vst v0  }
0x204: {  	[tilespmem:s7+$0x7040] =	vst v3;
	v1 =	vmul.f32 v62, v61  }
0x205: {  	[tilespmem:s7+$0x7050] =	vst v63  }
0x206: {  	s30 =	simm.s32 $0x1C00;
	s25 =	sadd.s32 $0x1, s25;
	[tilespmem:s7+$0x7060] =	vst v1  }
0x207: {  	[spmem:s3] =	stream.indirect.scatter.add.f32 [tilespmem:s31], [sflag:$0x5], $0x80, s30, s22, $0xb8;
	[tilespmem:$0x1D400] =	vst v63  }
0x208: {  	p0 =	sne.s32 s25, $0x5;
	_ =	swait.ge [sflag:s10], $0x1400  }
.Ltmp8:
0x209: {  	[sflag:s10] =	ssyncset.done $0x0;
	(pc) =	sbr.rel @p0 .LBB2_2-.Ltmp8, $4  }
0x20a: {  	[sflag:s10] =	ssyncadd.s32 $0xFFFFEC00  }
0x20b: {  	_ =	swait.ge [sflag:s18], $0x1400  }
0x20c: {  	[sflag:s18] =	ssyncset.done $0x0  }
0x20d: {  	[sflag:s18] =	ssyncadd.s32 $0xFFFFEC00  }
0x20e: {  	[bflag:$0x0] =	sbarrier.arrive $0xFFFF  }
0x20f: {  	s9 =	rddreg [dreg:$0x7]  }
0x210: {  	s6 =	rddreg [dreg:$0xb]  }
0x211: {  	s7 =	rddreg [dreg:$0xd]  }
0x212: {  	[hbm:s6], [sflag:s9] =	dma.local [spmem:s7], $0x2780  }
0x213: {  	_ =	swait.ge [sflag:s19], $0x2780  }
0x214: {  	s11 =	rddreg [dreg:$0xe]  }
0x215: {  	s30 =	rddreg [dreg:$0xc];
	s11 =	sadd.s32 $0x1, s11  }
0x216: {  	p0 =	sne.s32 s11, s30  }
.Ltmp9:
0x217: {  	_ = 	snop;
	(pc) =	sbr.rel @p0 .LBB2_1-.Ltmp9, $3  }
0x218: {  	_ =	sdelay $0x1  }
0x219: {  	[sflag:s19] =	ssyncset.done $0x0  }
0x21a: {  	[sflag:s19] =	ssyncadd.s32 $0xFFFFD880  }
0x21b: {  	_ =	sfence.sel $0x180000  }
0x21c: {  	[bflag:$0x0] =	sbarrier.arrive $0xFFFF  }
0x21d: {  	_ =	strace $0x90000047  }
0x21e: {  	s0 =	stileid.u32;
	[bflag:$0x2] =	sbarrier.arrive $0xFFFF  }
0x21f: {  	p0 =	sne.s32 s0, $0x0;
	s0 =	rddreg [dreg:$0x3]  }
0x220: {  	s0 =	sadd.s32 @!p0 $0x100000, s0  }
0x221: {  	[sflag:s0] =	ssyncadd.tile.s32 @!p0 $0x1;
	_ =	shalt  }
.Lfunc_end2:
_tile_overlayer_lowered:
.L_overlay_start_2:
0x222: {  	(tag) =	ssettag $0x2  }
0x223: {  	s0 =	rddreg [dreg:$0x0];
	s2 =	stileid.u32  }
0x224: {  	s1 =	rddreg [dreg:$0x1];
	p0 =	sne.s32 s2, $0x0  }
0x225: {  	s3 =	rddreg [dreg:$0x2];
	[bflag:$0x3] =	sbarrier.arrive $0xFFFF;
	s2 =	simm.s32 @!p0 $0x1C07  }
0x226: {  	[timem:s3], [sflag:s2] =	dma.local @!p0 [hbm:s0], s1  }
0x227: {  	s0 =	simm.s32 @!p0 $0x7  }
0x228: {  	_ =	swait.ge @!p0 [sflag:s0], s1  }
0x229: {  	s1 =	ssub.s32 @!p0 $0x0, s1;
	[sflag:s0] =	ssyncset.done @!p0 $0x0  }
0x22a: {  	[sflag:s0] =	ssyncadd.s32 @!p0 s1  }
0x22b: {  	[bflag:$0x3] =	sbarrier.arrive $0xFFFF  }
0x22c: {  	_ =	shalt  }

</sc_bundles>
